<compile_context>
chip_gen: v7x
topology: tpu7x:2x2x1
jax: 0.10.2.dev20260603
libtpu: 0.0.44.dev20260713+nightly
codegen_flags: <defaults>
</compile_context>

<pallas_src>
import functools

import jax
import jax.numpy as jnp
from jax import lax
from jax.experimental import pallas as pl
from jax.experimental.pallas import tpu as pltpu
from jax.experimental.pallas import tpu_sc as plsc

N_NODES_K = 10000
N_EDGES_K = 320000
HID = 32
PK = 128
NPK = 4

NW = 32
CH = 128
NCT = N_EDGES_K // CH
NCHW = 80
NCTP = 2560
NPAD = 10240
NPAD4 = NPAD // NPK
RPS = NPAD // 16
RPS4 = NPAD4 // 16
NBUF = 8


def _sc_aggregate_build():
  mesh = plsc.VectorSubcoreMesh(core_axis_name="c", subcore_axis_name="s")

  @functools.partial(
      pl.kernel,
      mesh=mesh,
      out_type=jax.ShapeDtypeStruct((2, NPAD, HID), jnp.float32),
      compiler_params=pltpu.CompilerParams(use_tc_tiling_on_sc=False),
      scratch_types=[
          pltpu.VMEM((NCHW, CH), jnp.int32),
          pltpu.VMEM((NCHW, CH), jnp.int32),
          pltpu.VMEM((NBUF, CH, HID), jnp.float32),
          pltpu.VMEM_SHARED((NPAD, HID), jnp.float32),
          pltpu.VMEM_SHARED((NPAD, HID), jnp.float32),
          pltpu.SemaphoreType.DMA,
          pltpu.SemaphoreType.DMA,
          pltpu.SemaphoreType.DMA,
          pltpu.SemaphoreType.DMA,
          pltpu.SemaphoreType.DMA,
          pltpu.SemaphoreType.DMA,
          pltpu.SemaphoreType.DMA,
          pltpu.SemaphoreType.DMA,
      ],
  )
  def agg(y_hbm, edge_hbm, zeros_hbm, out_hbm,
          src_v, dst_v, rows_v, ytab, acc,
          sem0, sem1, sem2, sem3, sem4, sem5, sem6, sem7):
    sems = (sem0, sem1, sem2, sem3, sem4, sem5, sem6, sem7)
    c = lax.axis_index("c")
    s = lax.axis_index("s")
    wid = s * 2 + c

    ncw = jnp.where(wid < NW - 1, NCHW, NCT - (NW - 1) * NCHW)
    base = wid * NCHW

    c0 = pltpu.async_copy(edge_hbm.at[0, pl.ds(base, NCHW)], src_v, sem0)
    c1 = pltpu.async_copy(edge_hbm.at[1, pl.ds(base, NCHW)], dst_v, sem1)
    c2 = pltpu.async_copy(y_hbm.at[pl.ds(s * RPS, RPS)],
                          ytab.at[pl.ds(s * RPS, RPS)], sem2)
    c3 = pltpu.async_copy(zeros_hbm.at[pl.ds(s * RPS, RPS)],
                          acc.at[pl.ds(s * RPS, RPS)], sem3)
    c0.wait(); c1.wait(); c2.wait(); c3.wait()
    plsc.subcore_barrier()

    for b in range(NBUF):
      pltpu.async_copy(ytab.at[src_v.at[b]], rows_v.at[b], sems[b])

    def body(i, carry):
      for b in range(NBUF):
        j = i * NBUF + b

        @pl.when(j < ncw)
        def _():
          pltpu.make_async_copy(ytab.at[src_v.at[j]], rows_v.at[b],
                                sems[b]).wait()
          pltpu.sync_copy(rows_v.at[b], acc.at[dst_v.at[j]], add=True)

          @pl.when(j + NBUF < ncw)
          def _():
            pltpu.async_copy(ytab.at[src_v.at[j + NBUF]], rows_v.at[b],
                             sems[b])
      return carry

    lax.fori_loop(0, (NCHW + NBUF - 1) // NBUF, body, 0)
    plsc.subcore_barrier()

    pltpu.sync_copy(acc.at[pl.ds(s * RPS, RPS)],
                    out_hbm.at[c, pl.ds(s * RPS, RPS)])

  return agg


_sc_aggregate = _sc_aggregate_build()

BM4 = 512
GRID = NPAD4 // BM4


def _dot3(a, b_hi, b_lo):
  a_hi = a.astype(jnp.bfloat16)
  a_lo = (a - a_hi.astype(jnp.float32)).astype(jnp.bfloat16)
  def d(u, v):
    return jnp.dot(u, v, preferred_element_type=jnp.float32)
  return d(a_hi, b_hi) + d(a_hi, b_lo) + d(a_lo, b_hi)


def _split(w):
  w_hi = w.astype(jnp.bfloat16)
  w_lo = (w - w_hi.astype(jnp.float32)).astype(jnp.bfloat16)
  return w_hi, w_lo


def _proj_body(x_ref, whi_ref, wlo_ref, o_ref):
  o_ref[...] = _dot3(x_ref[...], whi_ref[...], wlo_ref[...])


def _tc_project(x4, w_hi, w_lo):
  return pl.pallas_call(
      _proj_body,
      grid=(GRID,),
      in_specs=[
          pl.BlockSpec((BM4, 4 * 128), lambda i: (i, 0)),
          pl.BlockSpec((4 * 128, PK), lambda i: (0, 0)),
          pl.BlockSpec((4 * 128, PK), lambda i: (0, 0)),
      ],
      out_specs=pl.BlockSpec((BM4, PK), lambda i: (i, 0)),
      out_shape=jax.ShapeDtypeStruct((NPAD4, PK), jnp.float32),
  )(x4, w_hi, w_lo)


def _mlp_body(p_ref, y_ref, b1_ref, w2h_ref, w2l_ref, b2_ref,
              wnh_ref, wnl_ref, bn_ref, o_ref):
  agg = p_ref[0] + p_ref[1] + y_ref[...] + b1_ref[...]
  h = jnp.maximum(agg, 0.0)
  h = _dot3(h, w2h_ref[...], w2l_ref[...]) + b2_ref[...]
  h = jnp.maximum(h, 0.0)
  o_ref[...] = _dot3(h, wnh_ref[...], wnl_ref[...]) + bn_ref[...]


def _tc_mlp(parts, y, b1t, w2s, b2t, wns, bnt, n_out):
  return pl.pallas_call(
      _mlp_body,
      grid=(GRID,),
      in_specs=[
          pl.BlockSpec((2, BM4, PK), lambda i: (0, i, 0)),
          pl.BlockSpec((BM4, PK), lambda i: (i, 0)),
          pl.BlockSpec((1, PK), lambda i: (0, 0)),
          pl.BlockSpec((PK, PK), lambda i: (0, 0)),
          pl.BlockSpec((PK, PK), lambda i: (0, 0)),
          pl.BlockSpec((1, PK), lambda i: (0, 0)),
          pl.BlockSpec((PK, n_out), lambda i: (0, 0)),
          pl.BlockSpec((PK, n_out), lambda i: (0, 0)),
          pl.BlockSpec((1, n_out), lambda i: (0, 0)),
      ],
      out_specs=pl.BlockSpec((BM4, n_out), lambda i: (i, 0)),
      out_shape=jax.ShapeDtypeStruct((NPAD4, n_out), jnp.float32),
  )(parts, y, b1t, w2s[0], w2s[1], b2t, wns[0], wns[1], bnt)


def _bd(w):
  return jnp.kron(jnp.eye(NPK, dtype=jnp.float32), w)


def _tile4(b):
  return jnp.tile(b, NPK).reshape(1, NPK * b.shape[0])


def kernel(x, edge_index, W1_0, b1_0, W2_0, b2_0, W1_1, b1_1, W2_1, b2_1,
           W1_2, b1_2, W2_2, b2_2, Wf, bf):
  edge3 = jnp.pad(edge_index.reshape(2, NCT, CH), ((0, 0), (0, NCTP - NCT),
                                                   (0, 0)))
  zeros = jnp.zeros((NPAD, HID), jnp.float32)

  x4 = x.reshape(N_NODES_K // NPK, NPK * 128)
  w1bd_0 = _split(_bd(W1_0))
  w2bd_0, w1bd_1 = _split(_bd(W2_0)), _split(_bd(W1_1))
  w2bd_1, w1bd_2 = _split(_bd(W2_1)), _split(_bd(W1_2))
  w2bd_2 = _split(_bd(W2_2))
  wfbd = _split(jnp.kron(jnp.eye(NPK, dtype=jnp.float32), Wf))
  b1t_0, b2t_0 = _tile4(b1_0), _tile4(b2_0)
  b1t_1, b2t_1 = _tile4(b1_1), _tile4(b2_1)
  b1t_2, b2t_2 = _tile4(b1_2), _tile4(b2_2)
  bft = _tile4(bf)
  zeros_b = jnp.zeros((1, PK), jnp.float32)

  def agg_packed(y_packed):
    p = _sc_aggregate(y_packed.reshape(NPAD, HID), edge3, zeros)
    return p.reshape(2, NPAD4, PK)

  y0 = _tc_project(x4, w1bd_0[0], w1bd_0[1])
  p0 = agg_packed(y0)
  y1 = _tc_mlp(p0, y0, b1t_0, w2bd_0, b2t_0, w1bd_1, zeros_b, PK)
  p1 = agg_packed(y1)
  y2 = _tc_mlp(p1, y1, b1t_1, w2bd_1, b2t_1, w1bd_2, zeros_b, PK)
  p2 = agg_packed(y2)
  out_p = _tc_mlp(p2, y2, b1t_2, w2bd_2, b2t_2, wfbd, bft, NPK)
  return out_p[:N_NODES_K // NPK].reshape(N_NODES_K, 1)

# --- scband reference (transcript-rebuilt; emitter-appended) ---
"""Pipeline reference for scband-net-28424093565757 (READ-ONLY COPY).

The authoritative reference and input builder live on the scoring server;
editing this copy changes nothing except your own understanding.
"""

import jax, jax.numpy as jnp
import numpy as np

N_NODES = 10000
N_EDGES = 320000
D_FEAT = 128
HIDDEN = 32
N_OUT = 1


def setup_inputs(seed: int = 0) -> dict:
    key = jax.random.key(seed)
    ks = jax.random.split(key, 20)
    x = jax.random.normal(ks[0], (N_NODES, D_FEAT), dtype=jnp.float32)
    edge_index = jax.random.randint(ks[1], (2, N_EDGES), 0, N_NODES, dtype=jnp.int32)
    def lin(k, fan_in, fan_out):
        k1, k2 = jax.random.split(k)
        bound = 1.0 / np.sqrt(fan_in)
        W = jax.random.uniform(k1, (fan_in, fan_out), jnp.float32, -bound, bound)
        b = jax.random.uniform(k2, (fan_out,), jnp.float32, -bound, bound)
        return W, b
    W1_0, b1_0 = lin(ks[2], D_FEAT, HIDDEN)
    W2_0, b2_0 = lin(ks[3], HIDDEN, HIDDEN)
    W1_1, b1_1 = lin(ks[4], HIDDEN, HIDDEN)
    W2_1, b2_1 = lin(ks[5], HIDDEN, HIDDEN)
    W1_2, b1_2 = lin(ks[6], HIDDEN, HIDDEN)
    W2_2, b2_2 = lin(ks[7], HIDDEN, HIDDEN)
    Wf, bf = lin(ks[8], HIDDEN, N_OUT)
    return {"x": x, "edge_index": edge_index,
            "W1_0": W1_0, "b1_0": b1_0, "W2_0": W2_0, "b2_0": b2_0,
            "W1_1": W1_1, "b1_1": b1_1, "W2_1": W2_1, "b2_1": b2_1,
            "W1_2": W1_2, "b1_2": b1_2, "W2_2": W2_2, "b2_2": b2_2,
            "Wf": Wf, "bf": bf}


def reference(x, edge_index,
              W1_0, b1_0, W2_0, b2_0,
              W1_1, b1_1, W2_1, b2_1,
              W1_2, b1_2, W2_2, b2_2,
              Wf, bf):
    # GINConv with eps=0 (PyG default): h' = MLP((1+eps)*h + sum_{j->i} h_j)
    src = edge_index[0]
    dst = edge_index[1]

    def gin_block(h, W1, b1, W2, b2):
        msgs = jnp.take(h, src, axis=0)                      # gather messages from source nodes
        agg = jax.ops.segment_sum(msgs, dst, num_segments=N_NODES)  # scatter-add to dst nodes
        h2 = agg + h                                          # (1 + eps) * x with eps = 0
        h2 = jnp.dot(h2, W1) + b1
        h2 = jax.nn.relu(h2)
        h2 = jnp.dot(h2, W2) + b2
        return jax.nn.relu(h2)                                # outer F.relu in Net.forward

    h = gin_block(x, W1_0, b1_0, W2_0, b2_0)
    h = gin_block(h, W1_1, b1_1, W2_1, b2_1)
    h = gin_block(h, W1_2, b1_2, W2_2, b2_2)
    out = jnp.dot(h, Wf) + bf                                 # final projection (mlp=1)
    return out

if __name__ == "__main__":
    import jax
    _d = setup_inputs()
    print(jax.jit(kernel)(*tuple(_d.values())))

</pallas_src>

<mosaic_0001>
#map = affine_map<(d0, d1) -> (0, 0)>
#map1 = affine_map<(d0, d1) -> (0, 0, 0)>
module attributes {stable_mosaic.version = 14 : i64} {
  func.func @agg(%arg0: i32, %arg1: i32, %arg2: memref<10240x32xf32, #tpu.memory_space<hbm>>, %arg3: memref<2x2560x128xi32, #tpu.memory_space<hbm>>, %arg4: memref<10240x32xf32, #tpu.memory_space<hbm>>, %arg5: memref<2x10240x32xf32, #tpu.memory_space<hbm>>, %arg6: memref<80x128xi32, #tpu.memory_space<vmem>>, %arg7: memref<80x128xi32, #tpu.memory_space<vmem>>, %arg8: memref<8x128x32xf32, #tpu.memory_space<vmem>>, %arg9: memref<10240x32xf32, #tpu.memory_space<vmem_shared>>, %arg10: memref<10240x32xf32, #tpu.memory_space<vmem_shared>>, %arg11: memref<!tpu.dma_semaphore, #tpu.memory_space<semaphore_mem>>, %arg12: memref<!tpu.dma_semaphore, #tpu.memory_space<semaphore_mem>>, %arg13: memref<!tpu.dma_semaphore, #tpu.memory_space<semaphore_mem>>, %arg14: memref<!tpu.dma_semaphore, #tpu.memory_space<semaphore_mem>>, %arg15: memref<!tpu.dma_semaphore, #tpu.memory_space<semaphore_mem>>, %arg16: memref<!tpu.dma_semaphore, #tpu.memory_space<semaphore_mem>>, %arg17: memref<!tpu.dma_semaphore, #tpu.memory_space<semaphore_mem>>, %arg18: memref<!tpu.dma_semaphore, #tpu.memory_space<semaphore_mem>>) attributes {dimension_semantics = [#tpu.dimension_semantics<core_parallel>, #tpu.dimension_semantics<subcore_parallel>], iteration_bounds = array<i64: 2, 16>, scalar_prefetch = 0 : i64, scratch_operands = 13 : i64, tpu.core_type = #tpu.core_type<sc_vector_subcore>, window_params = [{transform_indices = #map}, {transform_indices = #map1}, {transform_indices = #map}, {transform_indices = #map1}]} {
    %mul3A = arith.constant 2 : i32
    %mul3A_0 = arith.muli %arg1, %mul3A : i32
    %add3A = arith.addi %mul3A_0, %arg0 : i32
    %lt3A = arith.constant 31 : i32
    %lt3A_1 = arith.cmpi slt, %add3A, %lt3A : i32
    %jit3A = arith.constant 80 : i32
    %jit3A_2 = arith.constant 20 : i32
    %select_n3A = arith.select %lt3A_1, %jit3A, %jit3A_2 : i32
    %mul3A_3 = arith.constant 80 : i32
    %mul3A_4 = arith.muli %add3A, %mul3A_3 : i32
    %dma_start3A = arith.constant 0 : i32
    %dma_start3A_5 = arith.constant 0 : i32
    %dma_start3A_6 = tpu.memref_slice %arg3[%dma_start3A, %mul3A_4, %dma_start3A_5] : memref<2x2560x128xi32, #tpu.memory_space<hbm>> -> memref<1x80x128xi32, #tpu.memory_space<hbm>>
    %dma_start3A_7 = tpu.memref_squeeze %dma_start3A_6 : memref<1x80x128xi32, #tpu.memory_space<hbm>> -> memref<80x128xi32, #tpu.memory_space<hbm>>
    %dma_start3A_8 = arith.constant 0 : i32
    %dma_start3A_9 = tpu.memref_slice %arg3[%dma_start3A, %mul3A_4, %dma_start3A_8] : memref<2x2560x128xi32, #tpu.memory_space<hbm>> -> memref<1x80x128xi32, #tpu.memory_space<hbm>>
    %dma_start3A_10 = tpu.memref_squeeze %dma_start3A_9 : memref<1x80x128xi32, #tpu.memory_space<hbm>> -> memref<80x128xi32, #tpu.memory_space<hbm>>
    tpu.enqueue_dma source(%dma_start3A_10 : memref<80x128xi32, #tpu.memory_space<hbm>>) target(%arg6 : memref<80x128xi32, #tpu.memory_space<vmem>>) target_semaphore(%arg11 : memref<!tpu.dma_semaphore, #tpu.memory_space<semaphore_mem>>)
    %dma_start3A_11 = arith.constant 1 : i32
    %dma_start3A_12 = arith.constant 0 : i32
    %dma_start3A_13 = tpu.memref_slice %arg3[%dma_start3A_11, %mul3A_4, %dma_start3A_12] : memref<2x2560x128xi32, #tpu.memory_space<hbm>> -> memref<1x80x128xi32, #tpu.memory_space<hbm>>
    %dma_start3A_14 = tpu.memref_squeeze %dma_start3A_13 : memref<1x80x128xi32, #tpu.memory_space<hbm>> -> memref<80x128xi32, #tpu.memory_space<hbm>>
    %dma_start3A_15 = arith.constant 0 : i32
    %dma_start3A_16 = tpu.memref_slice %arg3[%dma_start3A_11, %mul3A_4, %dma_start3A_15] : memref<2x2560x128xi32, #tpu.memory_space<hbm>> -> memref<1x80x128xi32, #tpu.memory_space<hbm>>
    %dma_start3A_17 = tpu.memref_squeeze %dma_start3A_16 : memref<1x80x128xi32, #tpu.memory_space<hbm>> -> memref<80x128xi32, #tpu.memory_space<hbm>>
    tpu.enqueue_dma source(%dma_start3A_17 : memref<80x128xi32, #tpu.memory_space<hbm>>) target(%arg7 : memref<80x128xi32, #tpu.memory_space<vmem>>) target_semaphore(%arg12 : memref<!tpu.dma_semaphore, #tpu.memory_space<semaphore_mem>>)
    %mul3A_18 = arith.constant 640 : i32
    %mul3A_19 = arith.muli %arg1, %mul3A_18 : i32
    %mul3A_20 = arith.constant 640 : i32
    %mul3A_21 = arith.muli %arg1, %mul3A_20 : i32
    %dma_start3A_22 = arith.constant 0 : i32
    %dma_start3A_23 = tpu.memref_slice %arg9[%mul3A_21, %dma_start3A_22] : memref<10240x32xf32, #tpu.memory_space<vmem_shared>> -> memref<640x32xf32, #tpu.memory_space<vmem_shared>>
    %dma_start3A_24 = arith.constant 0 : i32
    %dma_start3A_25 = tpu.memref_slice %arg2[%mul3A_19, %dma_start3A_24] : memref<10240x32xf32, #tpu.memory_space<hbm>> -> memref<640x32xf32, #tpu.memory_space<hbm>>
    tpu.enqueue_dma source(%dma_start3A_25 : memref<640x32xf32, #tpu.memory_space<hbm>>) target(%dma_start3A_23 : memref<640x32xf32, #tpu.memory_space<vmem_shared>>) target_semaphore(%arg13 : memref<!tpu.dma_semaphore, #tpu.memory_space<semaphore_mem>>)
    %mul3A_26 = arith.constant 640 : i32
    %mul3A_27 = arith.muli %arg1, %mul3A_26 : i32
    %mul3A_28 = arith.constant 640 : i32
    %mul3A_29 = arith.muli %arg1, %mul3A_28 : i32
    %dma_start3A_30 = arith.constant 0 : i32
    %dma_start3A_31 = tpu.memref_slice %arg10[%mul3A_29, %dma_start3A_30] : memref<10240x32xf32, #tpu.memory_space<vmem_shared>> -> memref<640x32xf32, #tpu.memory_space<vmem_shared>>
    %dma_start3A_32 = arith.constant 0 : i32
    %dma_start3A_33 = tpu.memref_slice %arg4[%mul3A_27, %dma_start3A_32] : memref<10240x32xf32, #tpu.memory_space<hbm>> -> memref<640x32xf32, #tpu.memory_space<hbm>>
    tpu.enqueue_dma source(%dma_start3A_33 : memref<640x32xf32, #tpu.memory_space<hbm>>) target(%dma_start3A_31 : memref<640x32xf32, #tpu.memory_space<vmem_shared>>) target_semaphore(%arg14 : memref<!tpu.dma_semaphore, #tpu.memory_space<semaphore_mem>>)
    %dma_wait3A = arith.constant 0 : i32
    %dma_wait3A_34 = arith.constant 0 : i32
    %dma_wait3A_35 = tpu.memref_slice %arg3[%dma_wait3A, %mul3A_4, %dma_wait3A_34] : memref<2x2560x128xi32, #tpu.memory_space<hbm>> -> memref<1x80x128xi32, #tpu.memory_space<hbm>>
    %dma_wait3A_36 = tpu.memref_squeeze %dma_wait3A_35 : memref<1x80x128xi32, #tpu.memory_space<hbm>> -> memref<80x128xi32, #tpu.memory_space<hbm>>
    %dma_wait3A_37 = arith.constant 0 : i32
    %dma_wait3A_38 = tpu.memref_slice %arg3[%dma_wait3A, %mul3A_4, %dma_wait3A_37] : memref<2x2560x128xi32, #tpu.memory_space<hbm>> -> memref<1x80x128xi32, #tpu.memory_space<hbm>>
    %dma_wait3A_39 = tpu.memref_squeeze %dma_wait3A_38 : memref<1x80x128xi32, #tpu.memory_space<hbm>> -> memref<80x128xi32, #tpu.memory_space<hbm>>
    tpu.wait_dma2 semaphore(%arg11 : memref<!tpu.dma_semaphore, #tpu.memory_space<semaphore_mem>>) src(%dma_wait3A_39 : memref<80x128xi32, #tpu.memory_space<hbm>>) dst(%arg6 : memref<80x128xi32, #tpu.memory_space<vmem>>)
    %dma_wait3A_40 = arith.constant 1 : i32
    %dma_wait3A_41 = arith.constant 0 : i32
    %dma_wait3A_42 = tpu.memref_slice %arg3[%dma_wait3A_40, %mul3A_4, %dma_wait3A_41] : memref<2x2560x128xi32, #tpu.memory_space<hbm>> -> memref<1x80x128xi32, #tpu.memory_space<hbm>>
    %dma_wait3A_43 = tpu.memref_squeeze %dma_wait3A_42 : memref<1x80x128xi32, #tpu.memory_space<hbm>> -> memref<80x128xi32, #tpu.memory_space<hbm>>
    %dma_wait3A_44 = arith.constant 0 : i32
    %dma_wait3A_45 = tpu.memref_slice %arg3[%dma_wait3A_40, %mul3A_4, %dma_wait3A_44] : memref<2x2560x128xi32, #tpu.memory_space<hbm>> -> memref<1x80x128xi32, #tpu.memory_space<hbm>>
    %dma_wait3A_46 = tpu.memref_squeeze %dma_wait3A_45 : memref<1x80x128xi32, #tpu.memory_space<hbm>> -> memref<80x128xi32, #tpu.memory_space<hbm>>
    tpu.wait_dma2 semaphore(%arg12 : memref<!tpu.dma_semaphore, #tpu.memory_space<semaphore_mem>>) src(%dma_wait3A_46 : memref<80x128xi32, #tpu.memory_space<hbm>>) dst(%arg7 : memref<80x128xi32, #tpu.memory_space<vmem>>)
    %dma_wait3A_47 = arith.constant 0 : i32
    %dma_wait3A_48 = tpu.memref_slice %arg9[%mul3A_21, %dma_wait3A_47] : memref<10240x32xf32, #tpu.memory_space<vmem_shared>> -> memref<640x32xf32, #tpu.memory_space<vmem_shared>>
    %dma_wait3A_49 = arith.constant 0 : i32
    %dma_wait3A_50 = tpu.memref_slice %arg2[%mul3A_19, %dma_wait3A_49] : memref<10240x32xf32, #tpu.memory_space<hbm>> -> memref<640x32xf32, #tpu.memory_space<hbm>>
    tpu.wait_dma2 semaphore(%arg13 : memref<!tpu.dma_semaphore, #tpu.memory_space<semaphore_mem>>) src(%dma_wait3A_50 : memref<640x32xf32, #tpu.memory_space<hbm>>) dst(%dma_wait3A_48 : memref<640x32xf32, #tpu.memory_space<vmem_shared>>)
    %dma_wait3A_51 = arith.constant 0 : i32
    %dma_wait3A_52 = tpu.memref_slice %arg10[%mul3A_29, %dma_wait3A_51] : memref<10240x32xf32, #tpu.memory_space<vmem_shared>> -> memref<640x32xf32, #tpu.memory_space<vmem_shared>>
    %dma_wait3A_53 = arith.constant 0 : i32
    %dma_wait3A_54 = tpu.memref_slice %arg4[%mul3A_27, %dma_wait3A_53] : memref<10240x32xf32, #tpu.memory_space<hbm>> -> memref<640x32xf32, #tpu.memory_space<hbm>>
    tpu.wait_dma2 semaphore(%arg14 : memref<!tpu.dma_semaphore, #tpu.memory_space<semaphore_mem>>) src(%dma_wait3A_54 : memref<640x32xf32, #tpu.memory_space<hbm>>) dst(%dma_wait3A_52 : memref<640x32xf32, #tpu.memory_space<vmem_shared>>)
    %barrier3A = arith.constant 0 : index
    tpu.barrier barrier_id(%barrier3A)
    %dma_start3A_55 = arith.constant 0 : i32
    %dma_start3A_56 = arith.constant 0 : i32
    %dma_start3A_57 = arith.constant 0 : i32
    %dma_start3A_58 = arith.constant 0 : i32
    %dma_start3A_59 = tpu.memref_slice %arg8[%dma_start3A_56, %dma_start3A_57, %dma_start3A_58] : memref<8x128x32xf32, #tpu.memory_space<vmem>> -> memref<1x128x32xf32, #tpu.memory_space<vmem>>
    %dma_start3A_60 = tpu.memref_squeeze %dma_start3A_59 : memref<1x128x32xf32, #tpu.memory_space<vmem>> -> memref<128x32xf32, #tpu.memory_space<vmem>>
    %dma_start3A_61 = arith.constant 0 : i32
    %dma_start3A_62 = tpu.memref_slice %arg6[%dma_start3A_55, %dma_start3A_61] : memref<80x128xi32, #tpu.memory_space<vmem>> -> memref<1x128xi32, #tpu.memory_space<vmem>>
    %dma_start3A_63 = tpu.memref_squeeze %dma_start3A_62 : memref<1x128xi32, #tpu.memory_space<vmem>> -> memref<128xi32, #tpu.memory_space<vmem>>
    %dma_start3A_64 = arith.constant 0 : i32
    %dma_start3A_65 = arith.constant 0 : i32
    %dma_start3A_66 = tpu.memref_slice %arg9[%dma_start3A_64, %dma_start3A_65] : memref<10240x32xf32, #tpu.memory_space<vmem_shared>> -> memref<10240x32xf32, #tpu.memory_space<vmem_shared>>
    tpu.enqueue_indirect_dma source(%dma_start3A_66 : memref<10240x32xf32, #tpu.memory_space<vmem_shared>>) target(%dma_start3A_60 : memref<128x32xf32, #tpu.memory_space<vmem>>) offsets(%dma_start3A_63 : memref<128xi32, #tpu.memory_space<vmem>>) semaphore(%arg11 : memref<!tpu.dma_semaphore, #tpu.memory_space<semaphore_mem>>)
    %dma_start3A_67 = arith.constant 1 : i32
    %dma_start3A_68 = arith.constant 1 : i32
    %dma_start3A_69 = arith.constant 0 : i32
    %dma_start3A_70 = arith.constant 0 : i32
    %dma_start3A_71 = tpu.memref_slice %arg8[%dma_start3A_68, %dma_start3A_69, %dma_start3A_70] : memref<8x128x32xf32, #tpu.memory_space<vmem>> -> memref<1x128x32xf32, #tpu.memory_space<vmem>>
    %dma_start3A_72 = tpu.memref_squeeze %dma_start3A_71 : memref<1x128x32xf32, #tpu.memory_space<vmem>> -> memref<128x32xf32, #tpu.memory_space<vmem>>
    %dma_start3A_73 = arith.constant 0 : i32
    %dma_start3A_74 = tpu.memref_slice %arg6[%dma_start3A_67, %dma_start3A_73] : memref<80x128xi32, #tpu.memory_space<vmem>> -> memref<1x128xi32, #tpu.memory_space<vmem>>
    %dma_start3A_75 = tpu.memref_squeeze %dma_start3A_74 : memref<1x128xi32, #tpu.memory_space<vmem>> -> memref<128xi32, #tpu.memory_space<vmem>>
    %dma_start3A_76 = arith.constant 0 : i32
    %dma_start3A_77 = arith.constant 0 : i32
    %dma_start3A_78 = tpu.memref_slice %arg9[%dma_start3A_76, %dma_start3A_77] : memref<10240x32xf32, #tpu.memory_space<vmem_shared>> -> memref<10240x32xf32, #tpu.memory_space<vmem_shared>>
    tpu.enqueue_indirect_dma source(%dma_start3A_78 : memref<10240x32xf32, #tpu.memory_space<vmem_shared>>) target(%dma_start3A_72 : memref<128x32xf32, #tpu.memory_space<vmem>>) offsets(%dma_start3A_75 : memref<128xi32, #tpu.memory_space<vmem>>) semaphore(%arg12 : memref<!tpu.dma_semaphore, #tpu.memory_space<semaphore_mem>>)
    %dma_start3A_79 = arith.constant 2 : i32
    %dma_start3A_80 = arith.constant 2 : i32
    %dma_start3A_81 = arith.constant 0 : i32
    %dma_start3A_82 = arith.constant 0 : i32
    %dma_start3A_83 = tpu.memref_slice %arg8[%dma_start3A_80, %dma_start3A_81, %dma_start3A_82] : memref<8x128x32xf32, #tpu.memory_space<vmem>> -> memref<1x128x32xf32, #tpu.memory_space<vmem>>
    %dma_start3A_84 = tpu.memref_squeeze %dma_start3A_83 : memref<1x128x32xf32, #tpu.memory_space<vmem>> -> memref<128x32xf32, #tpu.memory_space<vmem>>
    %dma_start3A_85 = arith.constant 0 : i32
    %dma_start3A_86 = tpu.memref_slice %arg6[%dma_start3A_79, %dma_start3A_85] : memref<80x128xi32, #tpu.memory_space<vmem>> -> memref<1x128xi32, #tpu.memory_space<vmem>>
    %dma_start3A_87 = tpu.memref_squeeze %dma_start3A_86 : memref<1x128xi32, #tpu.memory_space<vmem>> -> memref<128xi32, #tpu.memory_space<vmem>>
    %dma_start3A_88 = arith.constant 0 : i32
    %dma_start3A_89 = arith.constant 0 : i32
    %dma_start3A_90 = tpu.memref_slice %arg9[%dma_start3A_88, %dma_start3A_89] : memref<10240x32xf32, #tpu.memory_space<vmem_shared>> -> memref<10240x32xf32, #tpu.memory_space<vmem_shared>>
    tpu.enqueue_indirect_dma source(%dma_start3A_90 : memref<10240x32xf32, #tpu.memory_space<vmem_shared>>) target(%dma_start3A_84 : memref<128x32xf32, #tpu.memory_space<vmem>>) offsets(%dma_start3A_87 : memref<128xi32, #tpu.memory_space<vmem>>) semaphore(%arg13 : memref<!tpu.dma_semaphore, #tpu.memory_space<semaphore_mem>>)
    %dma_start3A_91 = arith.constant 3 : i32
    %dma_start3A_92 = arith.constant 3 : i32
    %dma_start3A_93 = arith.constant 0 : i32
    %dma_start3A_94 = arith.constant 0 : i32
    %dma_start3A_95 = tpu.memref_slice %arg8[%dma_start3A_92, %dma_start3A_93, %dma_start3A_94] : memref<8x128x32xf32, #tpu.memory_space<vmem>> -> memref<1x128x32xf32, #tpu.memory_space<vmem>>
    %dma_start3A_96 = tpu.memref_squeeze %dma_start3A_95 : memref<1x128x32xf32, #tpu.memory_space<vmem>> -> memref<128x32xf32, #tpu.memory_space<vmem>>
    %dma_start3A_97 = arith.constant 0 : i32
    %dma_start3A_98 = tpu.memref_slice %arg6[%dma_start3A_91, %dma_start3A_97] : memref<80x128xi32, #tpu.memory_space<vmem>> -> memref<1x128xi32, #tpu.memory_space<vmem>>
    %dma_start3A_99 = tpu.memref_squeeze %dma_start3A_98 : memref<1x128xi32, #tpu.memory_space<vmem>> -> memref<128xi32, #tpu.memory_space<vmem>>
    %dma_start3A_100 = arith.constant 0 : i32
    %dma_start3A_101 = arith.constant 0 : i32
    %dma_start3A_102 = tpu.memref_slice %arg9[%dma_start3A_100, %dma_start3A_101] : memref<10240x32xf32, #tpu.memory_space<vmem_shared>> -> memref<10240x32xf32, #tpu.memory_space<vmem_shared>>
    tpu.enqueue_indirect_dma source(%dma_start3A_102 : memref<10240x32xf32, #tpu.memory_space<vmem_shared>>) target(%dma_start3A_96 : memref<128x32xf32, #tpu.memory_space<vmem>>) offsets(%dma_start3A_99 : memref<128xi32, #tpu.memory_space<vmem>>) semaphore(%arg14 : memref<!tpu.dma_semaphore, #tpu.memory_space<semaphore_mem>>)
    %dma_start3A_103 = arith.constant 4 : i32
    %dma_start3A_104 = arith.constant 4 : i32
    %dma_start3A_105 = arith.constant 0 : i32
    %dma_start3A_106 = arith.constant 0 : i32
    %dma_start3A_107 = tpu.memref_slice %arg8[%dma_start3A_104, %dma_start3A_105, %dma_start3A_106] : memref<8x128x32xf32, #tpu.memory_space<vmem>> -> memref<1x128x32xf32, #tpu.memory_space<vmem>>
    %dma_start3A_108 = tpu.memref_squeeze %dma_start3A_107 : memref<1x128x32xf32, #tpu.memory_space<vmem>> -> memref<128x32xf32, #tpu.memory_space<vmem>>
    %dma_start3A_109 = arith.constant 0 : i32
    %dma_start3A_110 = tpu.memref_slice %arg6[%dma_start3A_103, %dma_start3A_109] : memref<80x128xi32, #tpu.memory_space<vmem>> -> memref<1x128xi32, #tpu.memory_space<vmem>>
    %dma_start3A_111 = tpu.memref_squeeze %dma_start3A_110 : memref<1x128xi32, #tpu.memory_space<vmem>> -> memref<128xi32, #tpu.memory_space<vmem>>
    %dma_start3A_112 = arith.constant 0 : i32
    %dma_start3A_113 = arith.constant 0 : i32
    %dma_start3A_114 = tpu.memref_slice %arg9[%dma_start3A_112, %dma_start3A_113] : memref<10240x32xf32, #tpu.memory_space<vmem_shared>> -> memref<10240x32xf32, #tpu.memory_space<vmem_shared>>
    tpu.enqueue_indirect_dma source(%dma_start3A_114 : memref<10240x32xf32, #tpu.memory_space<vmem_shared>>) target(%dma_start3A_108 : memref<128x32xf32, #tpu.memory_space<vmem>>) offsets(%dma_start3A_111 : memref<128xi32, #tpu.memory_space<vmem>>) semaphore(%arg15 : memref<!tpu.dma_semaphore, #tpu.memory_space<semaphore_mem>>)
    %dma_start3A_115 = arith.constant 5 : i32
    %dma_start3A_116 = arith.constant 5 : i32
    %dma_start3A_117 = arith.constant 0 : i32
    %dma_start3A_118 = arith.constant 0 : i32
    %dma_start3A_119 = tpu.memref_slice %arg8[%dma_start3A_116, %dma_start3A_117, %dma_start3A_118] : memref<8x128x32xf32, #tpu.memory_space<vmem>> -> memref<1x128x32xf32, #tpu.memory_space<vmem>>
    %dma_start3A_120 = tpu.memref_squeeze %dma_start3A_119 : memref<1x128x32xf32, #tpu.memory_space<vmem>> -> memref<128x32xf32, #tpu.memory_space<vmem>>
    %dma_start3A_121 = arith.constant 0 : i32
    %dma_start3A_122 = tpu.memref_slice %arg6[%dma_start3A_115, %dma_start3A_121] : memref<80x128xi32, #tpu.memory_space<vmem>> -> memref<1x128xi32, #tpu.memory_space<vmem>>
    %dma_start3A_123 = tpu.memref_squeeze %dma_start3A_122 : memref<1x128xi32, #tpu.memory_space<vmem>> -> memref<128xi32, #tpu.memory_space<vmem>>
    %dma_start3A_124 = arith.constant 0 : i32
    %dma_start3A_125 = arith.constant 0 : i32
    %dma_start3A_126 = tpu.memref_slice %arg9[%dma_start3A_124, %dma_start3A_125] : memref<10240x32xf32, #tpu.memory_space<vmem_shared>> -> memref<10240x32xf32, #tpu.memory_space<vmem_shared>>
    tpu.enqueue_indirect_dma source(%dma_start3A_126 : memref<10240x32xf32, #tpu.memory_space<vmem_shared>>) target(%dma_start3A_120 : memref<128x32xf32, #tpu.memory_space<vmem>>) offsets(%dma_start3A_123 : memref<128xi32, #tpu.memory_space<vmem>>) semaphore(%arg16 : memref<!tpu.dma_semaphore, #tpu.memory_space<semaphore_mem>>)
    %dma_start3A_127 = arith.constant 6 : i32
    %dma_start3A_128 = arith.constant 6 : i32
    %dma_start3A_129 = arith.constant 0 : i32
    %dma_start3A_130 = arith.constant 0 : i32
    %dma_start3A_131 = tpu.memref_slice %arg8[%dma_start3A_128, %dma_start3A_129, %dma_start3A_130] : memref<8x128x32xf32, #tpu.memory_space<vmem>> -> memref<1x128x32xf32, #tpu.memory_space<vmem>>
    %dma_start3A_132 = tpu.memref_squeeze %dma_start3A_131 : memref<1x128x32xf32, #tpu.memory_space<vmem>> -> memref<128x32xf32, #tpu.memory_space<vmem>>
    %dma_start3A_133 = arith.constant 0 : i32
    %dma_start3A_134 = tpu.memref_slice %arg6[%dma_start3A_127, %dma_start3A_133] : memref<80x128xi32, #tpu.memory_space<vmem>> -> memref<1x128xi32, #tpu.memory_space<vmem>>
    %dma_start3A_135 = tpu.memref_squeeze %dma_start3A_134 : memref<1x128xi32, #tpu.memory_space<vmem>> -> memref<128xi32, #tpu.memory_space<vmem>>
    %dma_start3A_136 = arith.constant 0 : i32
    %dma_start3A_137 = arith.constant 0 : i32
    %dma_start3A_138 = tpu.memref_slice %arg9[%dma_start3A_136, %dma_start3A_137] : memref<10240x32xf32, #tpu.memory_space<vmem_shared>> -> memref<10240x32xf32, #tpu.memory_space<vmem_shared>>
    tpu.enqueue_indirect_dma source(%dma_start3A_138 : memref<10240x32xf32, #tpu.memory_space<vmem_shared>>) target(%dma_start3A_132 : memref<128x32xf32, #tpu.memory_space<vmem>>) offsets(%dma_start3A_135 : memref<128xi32, #tpu.memory_space<vmem>>) semaphore(%arg17 : memref<!tpu.dma_semaphore, #tpu.memory_space<semaphore_mem>>)
    %dma_start3A_139 = arith.constant 7 : i32
    %dma_start3A_140 = arith.constant 7 : i32
    %dma_start3A_141 = arith.constant 0 : i32
    %dma_start3A_142 = arith.constant 0 : i32
    %dma_start3A_143 = tpu.memref_slice %arg8[%dma_start3A_140, %dma_start3A_141, %dma_start3A_142] : memref<8x128x32xf32, #tpu.memory_space<vmem>> -> memref<1x128x32xf32, #tpu.memory_space<vmem>>
    %dma_start3A_144 = tpu.memref_squeeze %dma_start3A_143 : memref<1x128x32xf32, #tpu.memory_space<vmem>> -> memref<128x32xf32, #tpu.memory_space<vmem>>
    %dma_start3A_145 = arith.constant 0 : i32
    %dma_start3A_146 = tpu.memref_slice %arg6[%dma_start3A_139, %dma_start3A_145] : memref<80x128xi32, #tpu.memory_space<vmem>> -> memref<1x128xi32, #tpu.memory_space<vmem>>
    %dma_start3A_147 = tpu.memref_squeeze %dma_start3A_146 : memref<1x128xi32, #tpu.memory_space<vmem>> -> memref<128xi32, #tpu.memory_space<vmem>>
    %dma_start3A_148 = arith.constant 0 : i32
    %dma_start3A_149 = arith.constant 0 : i32
    %dma_start3A_150 = tpu.memref_slice %arg9[%dma_start3A_148, %dma_start3A_149] : memref<10240x32xf32, #tpu.memory_space<vmem_shared>> -> memref<10240x32xf32, #tpu.memory_space<vmem_shared>>
    tpu.enqueue_indirect_dma source(%dma_start3A_150 : memref<10240x32xf32, #tpu.memory_space<vmem_shared>>) target(%dma_start3A_144 : memref<128x32xf32, #tpu.memory_space<vmem>>) offsets(%dma_start3A_147 : memref<128xi32, #tpu.memory_space<vmem>>) semaphore(%arg18 : memref<!tpu.dma_semaphore, #tpu.memory_space<semaphore_mem>>)
    %scan3A = arith.constant 0 : i32
    %scan3A_151 = arith.constant 0 : i32
    %scan3A_152 = arith.constant 10 : i32
    %scan3A_153 = arith.addi %scan3A_151, %scan3A_152 : i32
    %scan3A_154 = arith.constant 1 : i32
    scf.for %scan3A_161 = %scan3A_151 to %scan3A_153 step %scan3A_154  : i32 {
      %mul3A_162 = arith.constant 8 : i32
      %mul3A_163 = arith.muli %scan3A_161, %mul3A_162 : i32
      %add3A_164 = arith.constant 0 : i32
      %add3A_165 = arith.addi %mul3A_163, %add3A_164 : i32
      %lt3A_166 = arith.cmpi slt, %add3A_165, %select_n3A : i32
      %convert_element_type3A = arith.extui %lt3A_166 : i1 to i32
      %cond3A = arith.constant 0 : i32
      %cond3A_167 = arith.cmpi ne, %convert_element_type3A, %cond3A : i32
      scf.if %cond3A_167 {
        %dma_wait3A_224 = arith.constant 0 : i32
        %dma_wait3A_225 = arith.constant 0 : i32
        %dma_wait3A_226 = arith.constant 0 : i32
        %dma_wait3A_227 = tpu.memref_slice %arg8[%dma_wait3A_224, %dma_wait3A_225, %dma_wait3A_226] : memref<8x128x32xf32, #tpu.memory_space<vmem>> -> memref<1x128x32xf32, #tpu.memory_space<vmem>>
        %dma_wait3A_228 = tpu.memref_squeeze %dma_wait3A_227 : memref<1x128x32xf32, #tpu.memory_space<vmem>> -> memref<128x32xf32, #tpu.memory_space<vmem>>
        %dma_wait3A_229 = arith.constant 0 : i32
        %dma_wait3A_230 = tpu.memref_slice %arg6[%add3A_165, %dma_wait3A_229] : memref<80x128xi32, #tpu.memory_space<vmem>> -> memref<1x128xi32, #tpu.memory_space<vmem>>
        %dma_wait3A_231 = tpu.memref_squeeze %dma_wait3A_230 : memref<1x128xi32, #tpu.memory_space<vmem>> -> memref<128xi32, #tpu.memory_space<vmem>>
        %dma_wait3A_232 = arith.constant 0 : i32
        %dma_wait3A_233 = arith.constant 0 : i32
        %dma_wait3A_234 = tpu.memref_slice %arg9[%dma_wait3A_232, %dma_wait3A_233] : memref<10240x32xf32, #tpu.memory_space<vmem_shared>> -> memref<10240x32xf32, #tpu.memory_space<vmem_shared>>
        tpu.wait_indirect_dma semaphore(%arg11 : memref<!tpu.dma_semaphore, #tpu.memory_space<semaphore_mem>>) src(%dma_wait3A_234 : memref<10240x32xf32, #tpu.memory_space<vmem_shared>>) dst(%dma_wait3A_228 : memref<128x32xf32, #tpu.memory_space<vmem>>)
        %run_scoped3A = arith.constant 0 : i32
        "tpu.region"() ({
          %run_scoped3A_241 = tpu.sem_alloc : memref<!tpu.dma_semaphore, #tpu.memory_space<semaphore_mem>>
          %dma_start3A_242 = arith.constant 0 : i32
          %dma_start3A_243 = arith.constant 0 : i32
          %dma_start3A_244 = tpu.memref_slice %arg8[%run_scoped3A, %dma_start3A_242, %dma_start3A_243] : memref<8x128x32xf32, #tpu.memory_space<vmem>> -> memref<1x128x32xf32, #tpu.memory_space<vmem>>
          %dma_start3A_245 = tpu.memref_squeeze %dma_start3A_244 : memref<1x128x32xf32, #tpu.memory_space<vmem>> -> memref<128x32xf32, #tpu.memory_space<vmem>>
          %dma_start3A_246 = arith.constant 0 : i32
          %dma_start3A_247 = tpu.memref_slice %arg7[%add3A_165, %dma_start3A_246] : memref<80x128xi32, #tpu.memory_space<vmem>> -> memref<1x128xi32, #tpu.memory_space<vmem>>
          %dma_start3A_248 = tpu.memref_squeeze %dma_start3A_247 : memref<1x128xi32, #tpu.memory_space<vmem>> -> memref<128xi32, #tpu.memory_space<vmem>>
          %dma_start3A_249 = arith.constant 0 : i32
          %dma_start3A_250 = arith.constant 0 : i32
          %dma_start3A_251 = tpu.memref_slice %arg10[%dma_start3A_249, %dma_start3A_250] : memref<10240x32xf32, #tpu.memory_space<vmem_shared>> -> memref<10240x32xf32, #tpu.memory_space<vmem_shared>>
          tpu.enqueue_indirect_dma source(%dma_start3A_245 : memref<128x32xf32, #tpu.memory_space<vmem>>) target(%dma_start3A_251 : memref<10240x32xf32, #tpu.memory_space<vmem_shared>>) offsets(%dma_start3A_248 : memref<128xi32, #tpu.memory_space<vmem>>) semaphore(%run_scoped3A_241 : memref<!tpu.dma_semaphore, #tpu.memory_space<semaphore_mem>>) {add = true}
          %dma_wait3A_252 = arith.constant 0 : i32
          %dma_wait3A_253 = arith.constant 0 : i32
          %dma_wait3A_254 = tpu.memref_slice %arg8[%run_scoped3A, %dma_wait3A_252, %dma_wait3A_253] : memref<8x128x32xf32, #tpu.memory_space<vmem>> -> memref<1x128x32xf32, #tpu.memory_space<vmem>>
          %dma_wait3A_255 = tpu.memref_squeeze %dma_wait3A_254 : memref<1x128x32xf32, #tpu.memory_space<vmem>> -> memref<128x32xf32, #tpu.memory_space<vmem>>
          %dma_wait3A_256 = arith.constant 0 : i32
          %dma_wait3A_257 = tpu.memref_slice %arg7[%add3A_165, %dma_wait3A_256] : memref<80x128xi32, #tpu.memory_space<vmem>> -> memref<1x128xi32, #tpu.memory_space<vmem>>
          %dma_wait3A_258 = tpu.memref_squeeze %dma_wait3A_257 : memref<1x128xi32, #tpu.memory_space<vmem>> -> memref<128xi32, #tpu.memory_space<vmem>>
          %dma_wait3A_259 = arith.constant 0 : i32
          %dma_wait3A_260 = arith.constant 0 : i32
          %dma_wait3A_261 = tpu.memref_slice %arg10[%dma_wait3A_259, %dma_wait3A_260] : memref<10240x32xf32, #tpu.memory_space<vmem_shared>> -> memref<10240x32xf32, #tpu.memory_space<vmem_shared>>
          tpu.wait_indirect_dma semaphore(%run_scoped3A_241 : memref<!tpu.dma_semaphore, #tpu.memory_space<semaphore_mem>>) src(%dma_wait3A_255 : memref<128x32xf32, #tpu.memory_space<vmem>>) dst(%dma_wait3A_261 : memref<10240x32xf32, #tpu.memory_space<vmem_shared>>)
          tpu.yield
        }) : () -> ()
        %add3A_235 = arith.constant 8 : i32
        %add3A_236 = arith.addi %add3A_165, %add3A_235 : i32
        %lt3A_237 = arith.cmpi slt, %add3A_236, %select_n3A : i32
        %convert_element_type3A_238 = arith.extui %lt3A_237 : i1 to i32
        %cond3A_239 = arith.constant 0 : i32
        %cond3A_240 = arith.cmpi ne, %convert_element_type3A_238, %cond3A_239 : i32
        scf.if %cond3A_240 {
          %add3A_241 = arith.constant 8 : i32
          %add3A_242 = arith.addi %add3A_165, %add3A_241 : i32
          %dma_start3A_243 = arith.constant 0 : i32
          %dma_start3A_244 = arith.constant 0 : i32
          %dma_start3A_245 = arith.constant 0 : i32
          %dma_start3A_246 = tpu.memref_slice %arg8[%dma_start3A_243, %dma_start3A_244, %dma_start3A_245] : memref<8x128x32xf32, #tpu.memory_space<vmem>> -> memref<1x128x32xf32, #tpu.memory_space<vmem>>
          %dma_start3A_247 = tpu.memref_squeeze %dma_start3A_246 : memref<1x128x32xf32, #tpu.memory_space<vmem>> -> memref<128x32xf32, #tpu.memory_space<vmem>>
          %dma_start3A_248 = arith.constant 0 : i32
          %dma_start3A_249 = tpu.memref_slice %arg6[%add3A_242, %dma_start3A_248] : memref<80x128xi32, #tpu.memory_space<vmem>> -> memref<1x128xi32, #tpu.memory_space<vmem>>
          %dma_start3A_250 = tpu.memref_squeeze %dma_start3A_249 : memref<1x128xi32, #tpu.memory_space<vmem>> -> memref<128xi32, #tpu.memory_space<vmem>>
          %dma_start3A_251 = arith.constant 0 : i32
          %dma_start3A_252 = arith.constant 0 : i32
          %dma_start3A_253 = tpu.memref_slice %arg9[%dma_start3A_251, %dma_start3A_252] : memref<10240x32xf32, #tpu.memory_space<vmem_shared>> -> memref<10240x32xf32, #tpu.memory_space<vmem_shared>>
          tpu.enqueue_indirect_dma source(%dma_start3A_253 : memref<10240x32xf32, #tpu.memory_space<vmem_shared>>) target(%dma_start3A_247 : memref<128x32xf32, #tpu.memory_space<vmem>>) offsets(%dma_start3A_250 : memref<128xi32, #tpu.memory_space<vmem>>) semaphore(%arg11 : memref<!tpu.dma_semaphore, #tpu.memory_space<semaphore_mem>>)
        } else {
        }
      } else {
      }
      %mul3A_168 = arith.constant 8 : i32
      %mul3A_169 = arith.muli %scan3A_161, %mul3A_168 : i32
      %add3A_170 = arith.constant 1 : i32
      %add3A_171 = arith.addi %mul3A_169, %add3A_170 : i32
      %lt3A_172 = arith.cmpi slt, %add3A_171, %select_n3A : i32
      %convert_element_type3A_173 = arith.extui %lt3A_172 : i1 to i32
      %cond3A_174 = arith.constant 0 : i32
      %cond3A_175 = arith.cmpi ne, %convert_element_type3A_173, %cond3A_174 : i32
      scf.if %cond3A_175 {
        %dma_wait3A_224 = arith.constant 1 : i32
        %dma_wait3A_225 = arith.constant 0 : i32
        %dma_wait3A_226 = arith.constant 0 : i32
        %dma_wait3A_227 = tpu.memref_slice %arg8[%dma_wait3A_224, %dma_wait3A_225, %dma_wait3A_226] : memref<8x128x32xf32, #tpu.memory_space<vmem>> -> memref<1x128x32xf32, #tpu.memory_space<vmem>>
        %dma_wait3A_228 = tpu.memref_squeeze %dma_wait3A_227 : memref<1x128x32xf32, #tpu.memory_space<vmem>> -> memref<128x32xf32, #tpu.memory_space<vmem>>
        %dma_wait3A_229 = arith.constant 0 : i32
        %dma_wait3A_230 = tpu.memref_slice %arg6[%add3A_171, %dma_wait3A_229] : memref<80x128xi32, #tpu.memory_space<vmem>> -> memref<1x128xi32, #tpu.memory_space<vmem>>
        %dma_wait3A_231 = tpu.memref_squeeze %dma_wait3A_230 : memref<1x128xi32, #tpu.memory_space<vmem>> -> memref<128xi32, #tpu.memory_space<vmem>>
        %dma_wait3A_232 = arith.constant 0 : i32
        %dma_wait3A_233 = arith.constant 0 : i32
        %dma_wait3A_234 = tpu.memref_slice %arg9[%dma_wait3A_232, %dma_wait3A_233] : memref<10240x32xf32, #tpu.memory_space<vmem_shared>> -> memref<10240x32xf32, #tpu.memory_space<vmem_shared>>
        tpu.wait_indirect_dma semaphore(%arg12 : memref<!tpu.dma_semaphore, #tpu.memory_space<semaphore_mem>>) src(%dma_wait3A_234 : memref<10240x32xf32, #tpu.memory_space<vmem_shared>>) dst(%dma_wait3A_228 : memref<128x32xf32, #tpu.memory_space<vmem>>)
        %run_scoped3A = arith.constant 1 : i32
        "tpu.region"() ({
          %run_scoped3A_241 = tpu.sem_alloc : memref<!tpu.dma_semaphore, #tpu.memory_space<semaphore_mem>>
          %dma_start3A_242 = arith.constant 0 : i32
          %dma_start3A_243 = arith.constant 0 : i32
          %dma_start3A_244 = tpu.memref_slice %arg8[%run_scoped3A, %dma_start3A_242, %dma_start3A_243] : memref<8x128x32xf32, #tpu.memory_space<vmem>> -> memref<1x128x32xf32, #tpu.memory_space<vmem>>
          %dma_start3A_245 = tpu.memref_squeeze %dma_start3A_244 : memref<1x128x32xf32, #tpu.memory_space<vmem>> -> memref<128x32xf32, #tpu.memory_space<vmem>>
          %dma_start3A_246 = arith.constant 0 : i32
          %dma_start3A_247 = tpu.memref_slice %arg7[%add3A_171, %dma_start3A_246] : memref<80x128xi32, #tpu.memory_space<vmem>> -> memref<1x128xi32, #tpu.memory_space<vmem>>
          %dma_start3A_248 = tpu.memref_squeeze %dma_start3A_247 : memref<1x128xi32, #tpu.memory_space<vmem>> -> memref<128xi32, #tpu.memory_space<vmem>>
          %dma_start3A_249 = arith.constant 0 : i32
          %dma_start3A_250 = arith.constant 0 : i32
          %dma_start3A_251 = tpu.memref_slice %arg10[%dma_start3A_249, %dma_start3A_250] : memref<10240x32xf32, #tpu.memory_space<vmem_shared>> -> memref<10240x32xf32, #tpu.memory_space<vmem_shared>>
          tpu.enqueue_indirect_dma source(%dma_start3A_245 : memref<128x32xf32, #tpu.memory_space<vmem>>) target(%dma_start3A_251 : memref<10240x32xf32, #tpu.memory_space<vmem_shared>>) offsets(%dma_start3A_248 : memref<128xi32, #tpu.memory_space<vmem>>) semaphore(%run_scoped3A_241 : memref<!tpu.dma_semaphore, #tpu.memory_space<semaphore_mem>>) {add = true}
          %dma_wait3A_252 = arith.constant 0 : i32
          %dma_wait3A_253 = arith.constant 0 : i32
          %dma_wait3A_254 = tpu.memref_slice %arg8[%run_scoped3A, %dma_wait3A_252, %dma_wait3A_253] : memref<8x128x32xf32, #tpu.memory_space<vmem>> -> memref<1x128x32xf32, #tpu.memory_space<vmem>>
          %dma_wait3A_255 = tpu.memref_squeeze %dma_wait3A_254 : memref<1x128x32xf32, #tpu.memory_space<vmem>> -> memref<128x32xf32, #tpu.memory_space<vmem>>
          %dma_wait3A_256 = arith.constant 0 : i32
          %dma_wait3A_257 = tpu.memref_slice %arg7[%add3A_171, %dma_wait3A_256] : memref<80x128xi32, #tpu.memory_space<vmem>> -> memref<1x128xi32, #tpu.memory_space<vmem>>
          %dma_wait3A_258 = tpu.memref_squeeze %dma_wait3A_257 : memref<1x128xi32, #tpu.memory_space<vmem>> -> memref<128xi32, #tpu.memory_space<vmem>>
          %dma_wait3A_259 = arith.constant 0 : i32
          %dma_wait3A_260 = arith.constant 0 : i32
          %dma_wait3A_261 = tpu.memref_slice %arg10[%dma_wait3A_259, %dma_wait3A_260] : memref<10240x32xf32, #tpu.memory_space<vmem_shared>> -> memref<10240x32xf32, #tpu.memory_space<vmem_shared>>
          tpu.wait_indirect_dma semaphore(%run_scoped3A_241 : memref<!tpu.dma_semaphore, #tpu.memory_space<semaphore_mem>>) src(%dma_wait3A_255 : memref<128x32xf32, #tpu.memory_space<vmem>>) dst(%dma_wait3A_261 : memref<10240x32xf32, #tpu.memory_space<vmem_shared>>)
          tpu.yield
        }) : () -> ()
        %add3A_235 = arith.constant 8 : i32
        %add3A_236 = arith.addi %add3A_171, %add3A_235 : i32
        %lt3A_237 = arith.cmpi slt, %add3A_236, %select_n3A : i32
        %convert_element_type3A_238 = arith.extui %lt3A_237 : i1 to i32
        %cond3A_239 = arith.constant 0 : i32
        %cond3A_240 = arith.cmpi ne, %convert_element_type3A_238, %cond3A_239 : i32
        scf.if %cond3A_240 {
          %add3A_241 = arith.constant 8 : i32
          %add3A_242 = arith.addi %add3A_171, %add3A_241 : i32
          %dma_start3A_243 = arith.constant 1 : i32
          %dma_start3A_244 = arith.constant 0 : i32
          %dma_start3A_245 = arith.constant 0 : i32
          %dma_start3A_246 = tpu.memref_slice %arg8[%dma_start3A_243, %dma_start3A_244, %dma_start3A_245] : memref<8x128x32xf32, #tpu.memory_space<vmem>> -> memref<1x128x32xf32, #tpu.memory_space<vmem>>
          %dma_start3A_247 = tpu.memref_squeeze %dma_start3A_246 : memref<1x128x32xf32, #tpu.memory_space<vmem>> -> memref<128x32xf32, #tpu.memory_space<vmem>>
          %dma_start3A_248 = arith.constant 0 : i32
          %dma_start3A_249 = tpu.memref_slice %arg6[%add3A_242, %dma_start3A_248] : memref<80x128xi32, #tpu.memory_space<vmem>> -> memref<1x128xi32, #tpu.memory_space<vmem>>
          %dma_start3A_250 = tpu.memref_squeeze %dma_start3A_249 : memref<1x128xi32, #tpu.memory_space<vmem>> -> memref<128xi32, #tpu.memory_space<vmem>>
          %dma_start3A_251 = arith.constant 0 : i32
          %dma_start3A_252 = arith.constant 0 : i32
          %dma_start3A_253 = tpu.memref_slice %arg9[%dma_start3A_251, %dma_start3A_252] : memref<10240x32xf32, #tpu.memory_space<vmem_shared>> -> memref<10240x32xf32, #tpu.memory_space<vmem_shared>>
          tpu.enqueue_indirect_dma source(%dma_start3A_253 : memref<10240x32xf32, #tpu.memory_space<vmem_shared>>) target(%dma_start3A_247 : memref<128x32xf32, #tpu.memory_space<vmem>>) offsets(%dma_start3A_250 : memref<128xi32, #tpu.memory_space<vmem>>) semaphore(%arg12 : memref<!tpu.dma_semaphore, #tpu.memory_space<semaphore_mem>>)
        } else {
        }
      } else {
      }
      %mul3A_176 = arith.constant 8 : i32
      %mul3A_177 = arith.muli %scan3A_161, %mul3A_176 : i32
      %add3A_178 = arith.constant 2 : i32
      %add3A_179 = arith.addi %mul3A_177, %add3A_178 : i32
      %lt3A_180 = arith.cmpi slt, %add3A_179, %select_n3A : i32
      %convert_element_type3A_181 = arith.extui %lt3A_180 : i1 to i32
      %cond3A_182 = arith.constant 0 : i32
      %cond3A_183 = arith.cmpi ne, %convert_element_type3A_181, %cond3A_182 : i32
      scf.if %cond3A_183 {
        %dma_wait3A_224 = arith.constant 2 : i32
        %dma_wait3A_225 = arith.constant 0 : i32
        %dma_wait3A_226 = arith.constant 0 : i32
        %dma_wait3A_227 = tpu.memref_slice %arg8[%dma_wait3A_224, %dma_wait3A_225, %dma_wait3A_226] : memref<8x128x32xf32, #tpu.memory_space<vmem>> -> memref<1x128x32xf32, #tpu.memory_space<vmem>>
        %dma_wait3A_228 = tpu.memref_squeeze %dma_wait3A_227 : memref<1x128x32xf32, #tpu.memory_space<vmem>> -> memref<128x32xf32, #tpu.memory_space<vmem>>
        %dma_wait3A_229 = arith.constant 0 : i32
        %dma_wait3A_230 = tpu.memref_slice %arg6[%add3A_179, %dma_wait3A_229] : memref<80x128xi32, #tpu.memory_space<vmem>> -> memref<1x128xi32, #tpu.memory_space<vmem>>
        %dma_wait3A_231 = tpu.memref_squeeze %dma_wait3A_230 : memref<1x128xi32, #tpu.memory_space<vmem>> -> memref<128xi32, #tpu.memory_space<vmem>>
        %dma_wait3A_232 = arith.constant 0 : i32
        %dma_wait3A_233 = arith.constant 0 : i32
        %dma_wait3A_234 = tpu.memref_slice %arg9[%dma_wait3A_232, %dma_wait3A_233] : memref<10240x32xf32, #tpu.memory_space<vmem_shared>> -> memref<10240x32xf32, #tpu.memory_space<vmem_shared>>
        tpu.wait_indirect_dma semaphore(%arg13 : memref<!tpu.dma_semaphore, #tpu.memory_space<semaphore_mem>>) src(%dma_wait3A_234 : memref<10240x32xf32, #tpu.memory_space<vmem_shared>>) dst(%dma_wait3A_228 : memref<128x32xf32, #tpu.memory_space<vmem>>)
        %run_scoped3A = arith.constant 2 : i32
        "tpu.region"() ({
          %run_scoped3A_241 = tpu.sem_alloc : memref<!tpu.dma_semaphore, #tpu.memory_space<semaphore_mem>>
          %dma_start3A_242 = arith.constant 0 : i32
          %dma_start3A_243 = arith.constant 0 : i32
          %dma_start3A_244 = tpu.memref_slice %arg8[%run_scoped3A, %dma_start3A_242, %dma_start3A_243] : memref<8x128x32xf32, #tpu.memory_space<vmem>> -> memref<1x128x32xf32, #tpu.memory_space<vmem>>
          %dma_start3A_245 = tpu.memref_squeeze %dma_start3A_244 : memref<1x128x32xf32, #tpu.memory_space<vmem>> -> memref<128x32xf32, #tpu.memory_space<vmem>>
          %dma_start3A_246 = arith.constant 0 : i32
          %dma_start3A_247 = tpu.memref_slice %arg7[%add3A_179, %dma_start3A_246] : memref<80x128xi32, #tpu.memory_space<vmem>> -> memref<1x128xi32, #tpu.memory_space<vmem>>
          %dma_start3A_248 = tpu.memref_squeeze %dma_start3A_247 : memref<1x128xi32, #tpu.memory_space<vmem>> -> memref<128xi32, #tpu.memory_space<vmem>>
          %dma_start3A_249 = arith.constant 0 : i32
          %dma_start3A_250 = arith.constant 0 : i32
          %dma_start3A_251 = tpu.memref_slice %arg10[%dma_start3A_249, %dma_start3A_250] : memref<10240x32xf32, #tpu.memory_space<vmem_shared>> -> memref<10240x32xf32, #tpu.memory_space<vmem_shared>>
          tpu.enqueue_indirect_dma source(%dma_start3A_245 : memref<128x32xf32, #tpu.memory_space<vmem>>) target(%dma_start3A_251 : memref<10240x32xf32, #tpu.memory_space<vmem_shared>>) offsets(%dma_start3A_248 : memref<128xi32, #tpu.memory_space<vmem>>) semaphore(%run_scoped3A_241 : memref<!tpu.dma_semaphore, #tpu.memory_space<semaphore_mem>>) {add = true}
          %dma_wait3A_252 = arith.constant 0 : i32
          %dma_wait3A_253 = arith.constant 0 : i32
          %dma_wait3A_254 = tpu.memref_slice %arg8[%run_scoped3A, %dma_wait3A_252, %dma_wait3A_253] : memref<8x128x32xf32, #tpu.memory_space<vmem>> -> memref<1x128x32xf32, #tpu.memory_space<vmem>>
          %dma_wait3A_255 = tpu.memref_squeeze %dma_wait3A_254 : memref<1x128x32xf32, #tpu.memory_space<vmem>> -> memref<128x32xf32, #tpu.memory_space<vmem>>
          %dma_wait3A_256 = arith.constant 0 : i32
          %dma_wait3A_257 = tpu.memref_slice %arg7[%add3A_179, %dma_wait3A_256] : memref<80x128xi32, #tpu.memory_space<vmem>> -> memref<1x128xi32, #tpu.memory_space<vmem>>
          %dma_wait3A_258 = tpu.memref_squeeze %dma_wait3A_257 : memref<1x128xi32, #tpu.memory_space<vmem>> -> memref<128xi32, #tpu.memory_space<vmem>>
          %dma_wait3A_259 = arith.constant 0 : i32
          %dma_wait3A_260 = arith.constant 0 : i32
          %dma_wait3A_261 = tpu.memref_slice %arg10[%dma_wait3A_259, %dma_wait3A_260] : memref<10240x32xf32, #tpu.memory_space<vmem_shared>> -> memref<10240x32xf32, #tpu.memory_space<vmem_shared>>
          tpu.wait_indirect_dma semaphore(%run_scoped3A_241 : memref<!tpu.dma_semaphore, #tpu.memory_space<semaphore_mem>>) src(%dma_wait3A_255 : memref<128x32xf32, #tpu.memory_space<vmem>>) dst(%dma_wait3A_261 : memref<10240x32xf32, #tpu.memory_space<vmem_shared>>)
          tpu.yield
        }) : () -> ()
        %add3A_235 = arith.constant 8 : i32
        %add3A_236 = arith.addi %add3A_179, %add3A_235 : i32
        %lt3A_237 = arith.cmpi slt, %add3A_236, %select_n3A : i32
        %convert_element_type3A_238 = arith.extui %lt3A_237 : i1 to i32
        %cond3A_239 = arith.constant 0 : i32
        %cond3A_240 = arith.cmpi ne, %convert_element_type3A_238, %cond3A_239 : i32
        scf.if %cond3A_240 {
          %add3A_241 = arith.constant 8 : i32
          %add3A_242 = arith.addi %add3A_179, %add3A_241 : i32
          %dma_start3A_243 = arith.constant 2 : i32
          %dma_start3A_244 = arith.constant 0 : i32
          %dma_start3A_245 = arith.constant 0 : i32
          %dma_start3A_246 = tpu.memref_slice %arg8[%dma_start3A_243, %dma_start3A_244, %dma_start3A_245] : memref<8x128x32xf32, #tpu.memory_space<vmem>> -> memref<1x128x32xf32, #tpu.memory_space<vmem>>
          %dma_start3A_247 = tpu.memref_squeeze %dma_start3A_246 : memref<1x128x32xf32, #tpu.memory_space<vmem>> -> memref<128x32xf32, #tpu.memory_space<vmem>>
          %dma_start3A_248 = arith.constant 0 : i32
          %dma_start3A_249 = tpu.memref_slice %arg6[%add3A_242, %dma_start3A_248] : memref<80x128xi32, #tpu.memory_space<vmem>> -> memref<1x128xi32, #tpu.memory_space<vmem>>
          %dma_start3A_250 = tpu.memref_squeeze %dma_start3A_249 : memref<1x128xi32, #tpu.memory_space<vmem>> -> memref<128xi32, #tpu.memory_space<vmem>>
          %dma_start3A_251 = arith.constant 0 : i32
          %dma_start3A_252 = arith.constant 0 : i32
          %dma_start3A_253 = tpu.memref_slice %arg9[%dma_start3A_251, %dma_start3A_252] : memref<10240x32xf32, #tpu.memory_space<vmem_shared>> -> memref<10240x32xf32, #tpu.memory_space<vmem_shared>>
          tpu.enqueue_indirect_dma source(%dma_start3A_253 : memref<10240x32xf32, #tpu.memory_space<vmem_shared>>) target(%dma_start3A_247 : memref<128x32xf32, #tpu.memory_space<vmem>>) offsets(%dma_start3A_250 : memref<128xi32, #tpu.memory_space<vmem>>) semaphore(%arg13 : memref<!tpu.dma_semaphore, #tpu.memory_space<semaphore_mem>>)
        } else {
        }
      } else {
      }
      %mul3A_184 = arith.constant 8 : i32
      %mul3A_185 = arith.muli %scan3A_161, %mul3A_184 : i32
      %add3A_186 = arith.constant 3 : i32
      %add3A_187 = arith.addi %mul3A_185, %add3A_186 : i32
      %lt3A_188 = arith.cmpi slt, %add3A_187, %select_n3A : i32
      %convert_element_type3A_189 = arith.extui %lt3A_188 : i1 to i32
      %cond3A_190 = arith.constant 0 : i32
      %cond3A_191 = arith.cmpi ne, %convert_element_type3A_189, %cond3A_190 : i32
      scf.if %cond3A_191 {
        %dma_wait3A_224 = arith.constant 3 : i32
        %dma_wait3A_225 = arith.constant 0 : i32
        %dma_wait3A_226 = arith.constant 0 : i32
        %dma_wait3A_227 = tpu.memref_slice %arg8[%dma_wait3A_224, %dma_wait3A_225, %dma_wait3A_226] : memref<8x128x32xf32, #tpu.memory_space<vmem>> -> memref<1x128x32xf32, #tpu.memory_space<vmem>>
        %dma_wait3A_228 = tpu.memref_squeeze %dma_wait3A_227 : memref<1x128x32xf32, #tpu.memory_space<vmem>> -> memref<128x32xf32, #tpu.memory_space<vmem>>
        %dma_wait3A_229 = arith.constant 0 : i32
        %dma_wait3A_230 = tpu.memref_slice %arg6[%add3A_187, %dma_wait3A_229] : memref<80x128xi32, #tpu.memory_space<vmem>> -> memref<1x128xi32, #tpu.memory_space<vmem>>
        %dma_wait3A_231 = tpu.memref_squeeze %dma_wait3A_230 : memref<1x128xi32, #tpu.memory_space<vmem>> -> memref<128xi32, #tpu.memory_space<vmem>>
        %dma_wait3A_232 = arith.constant 0 : i32
        %dma_wait3A_233 = arith.constant 0 : i32
        %dma_wait3A_234 = tpu.memref_slice %arg9[%dma_wait3A_232, %dma_wait3A_233] : memref<10240x32xf32, #tpu.memory_space<vmem_shared>> -> memref<10240x32xf32, #tpu.memory_space<vmem_shared>>
        tpu.wait_indirect_dma semaphore(%arg14 : memref<!tpu.dma_semaphore, #tpu.memory_space<semaphore_mem>>) src(%dma_wait3A_234 : memref<10240x32xf32, #tpu.memory_space<vmem_shared>>) dst(%dma_wait3A_228 : memref<128x32xf32, #tpu.memory_space<vmem>>)
        %run_scoped3A = arith.constant 3 : i32
        "tpu.region"() ({
          %run_scoped3A_241 = tpu.sem_alloc : memref<!tpu.dma_semaphore, #tpu.memory_space<semaphore_mem>>
          %dma_start3A_242 = arith.constant 0 : i32
          %dma_start3A_243 = arith.constant 0 : i32
          %dma_start3A_244 = tpu.memref_slice %arg8[%run_scoped3A, %dma_start3A_242, %dma_start3A_243] : memref<8x128x32xf32, #tpu.memory_space<vmem>> -> memref<1x128x32xf32, #tpu.memory_space<vmem>>
          %dma_start3A_245 = tpu.memref_squeeze %dma_start3A_244 : memref<1x128x32xf32, #tpu.memory_space<vmem>> -> memref<128x32xf32, #tpu.memory_space<vmem>>
          %dma_start3A_246 = arith.constant 0 : i32
          %dma_start3A_247 = tpu.memref_slice %arg7[%add3A_187, %dma_start3A_246] : memref<80x128xi32, #tpu.memory_space<vmem>> -> memref<1x128xi32, #tpu.memory_space<vmem>>
          %dma_start3A_248 = tpu.memref_squeeze %dma_start3A_247 : memref<1x128xi32, #tpu.memory_space<vmem>> -> memref<128xi32, #tpu.memory_space<vmem>>
          %dma_start3A_249 = arith.constant 0 : i32
          %dma_start3A_250 = arith.constant 0 : i32
          %dma_start3A_251 = tpu.memref_slice %arg10[%dma_start3A_249, %dma_start3A_250] : memref<10240x32xf32, #tpu.memory_space<vmem_shared>> -> memref<10240x32xf32, #tpu.memory_space<vmem_shared>>
          tpu.enqueue_indirect_dma source(%dma_start3A_245 : memref<128x32xf32, #tpu.memory_space<vmem>>) target(%dma_start3A_251 : memref<10240x32xf32, #tpu.memory_space<vmem_shared>>) offsets(%dma_start3A_248 : memref<128xi32, #tpu.memory_space<vmem>>) semaphore(%run_scoped3A_241 : memref<!tpu.dma_semaphore, #tpu.memory_space<semaphore_mem>>) {add = true}
          %dma_wait3A_252 = arith.constant 0 : i32
          %dma_wait3A_253 = arith.constant 0 : i32
          %dma_wait3A_254 = tpu.memref_slice %arg8[%run_scoped3A, %dma_wait3A_252, %dma_wait3A_253] : memref<8x128x32xf32, #tpu.memory_space<vmem>> -> memref<1x128x32xf32, #tpu.memory_space<vmem>>
          %dma_wait3A_255 = tpu.memref_squeeze %dma_wait3A_254 : memref<1x128x32xf32, #tpu.memory_space<vmem>> -> memref<128x32xf32, #tpu.memory_space<vmem>>
          %dma_wait3A_256 = arith.constant 0 : i32
          %dma_wait3A_257 = tpu.memref_slice %arg7[%add3A_187, %dma_wait3A_256] : memref<80x128xi32, #tpu.memory_space<vmem>> -> memref<1x128xi32, #tpu.memory_space<vmem>>
          %dma_wait3A_258 = tpu.memref_squeeze %dma_wait3A_257 : memref<1x128xi32, #tpu.memory_space<vmem>> -> memref<128xi32, #tpu.memory_space<vmem>>
          %dma_wait3A_259 = arith.constant 0 : i32
          %dma_wait3A_260 = arith.constant 0 : i32
          %dma_wait3A_261 = tpu.memref_slice %arg10[%dma_wait3A_259, %dma_wait3A_260] : memref<10240x32xf32, #tpu.memory_space<vmem_shared>> -> memref<10240x32xf32, #tpu.memory_space<vmem_shared>>
          tpu.wait_indirect_dma semaphore(%run_scoped3A_241 : memref<!tpu.dma_semaphore, #tpu.memory_space<semaphore_mem>>) src(%dma_wait3A_255 : memref<128x32xf32, #tpu.memory_space<vmem>>) dst(%dma_wait3A_261 : memref<10240x32xf32, #tpu.memory_space<vmem_shared>>)
          tpu.yield
        }) : () -> ()
        %add3A_235 = arith.constant 8 : i32
        %add3A_236 = arith.addi %add3A_187, %add3A_235 : i32
        %lt3A_237 = arith.cmpi slt, %add3A_236, %select_n3A : i32
        %convert_element_type3A_238 = arith.extui %lt3A_237 : i1 to i32
        %cond3A_239 = arith.constant 0 : i32
        %cond3A_240 = arith.cmpi ne, %convert_element_type3A_238, %cond3A_239 : i32
        scf.if %cond3A_240 {
          %add3A_241 = arith.constant 8 : i32
          %add3A_242 = arith.addi %add3A_187, %add3A_241 : i32
          %dma_start3A_243 = arith.constant 3 : i32
          %dma_start3A_244 = arith.constant 0 : i32
          %dma_start3A_245 = arith.constant 0 : i32
          %dma_start3A_246 = tpu.memref_slice %arg8[%dma_start3A_243, %dma_start3A_244, %dma_start3A_245] : memref<8x128x32xf32, #tpu.memory_space<vmem>> -> memref<1x128x32xf32, #tpu.memory_space<vmem>>
          %dma_start3A_247 = tpu.memref_squeeze %dma_start3A_246 : memref<1x128x32xf32, #tpu.memory_space<vmem>> -> memref<128x32xf32, #tpu.memory_space<vmem>>
          %dma_start3A_248 = arith.constant 0 : i32
          %dma_start3A_249 = tpu.memref_slice %arg6[%add3A_242, %dma_start3A_248] : memref<80x128xi32, #tpu.memory_space<vmem>> -> memref<1x128xi32, #tpu.memory_space<vmem>>
          %dma_start3A_250 = tpu.memref_squeeze %dma_start3A_249 : memref<1x128xi32, #tpu.memory_space<vmem>> -> memref<128xi32, #tpu.memory_space<vmem>>
          %dma_start3A_251 = arith.constant 0 : i32
          %dma_start3A_252 = arith.constant 0 : i32
          %dma_start3A_253 = tpu.memref_slice %arg9[%dma_start3A_251, %dma_start3A_252] : memref<10240x32xf32, #tpu.memory_space<vmem_shared>> -> memref<10240x32xf32, #tpu.memory_space<vmem_shared>>
          tpu.enqueue_indirect_dma source(%dma_start3A_253 : memref<10240x32xf32, #tpu.memory_space<vmem_shared>>) target(%dma_start3A_247 : memref<128x32xf32, #tpu.memory_space<vmem>>) offsets(%dma_start3A_250 : memref<128xi32, #tpu.memory_space<vmem>>) semaphore(%arg14 : memref<!tpu.dma_semaphore, #tpu.memory_space<semaphore_mem>>)
        } else {
        }
      } else {
      }
      %mul3A_192 = arith.constant 8 : i32
      %mul3A_193 = arith.muli %scan3A_161, %mul3A_192 : i32
      %add3A_194 = arith.constant 4 : i32
      %add3A_195 = arith.addi %mul3A_193, %add3A_194 : i32
      %lt3A_196 = arith.cmpi slt, %add3A_195, %select_n3A : i32
      %convert_element_type3A_197 = arith.extui %lt3A_196 : i1 to i32
      %cond3A_198 = arith.constant 0 : i32
      %cond3A_199 = arith.cmpi ne, %convert_element_type3A_197, %cond3A_198 : i32
      scf.if %cond3A_199 {
        %dma_wait3A_224 = arith.constant 4 : i32
        %dma_wait3A_225 = arith.constant 0 : i32
        %dma_wait3A_226 = arith.constant 0 : i32
        %dma_wait3A_227 = tpu.memref_slice %arg8[%dma_wait3A_224, %dma_wait3A_225, %dma_wait3A_226] : memref<8x128x32xf32, #tpu.memory_space<vmem>> -> memref<1x128x32xf32, #tpu.memory_space<vmem>>
        %dma_wait3A_228 = tpu.memref_squeeze %dma_wait3A_227 : memref<1x128x32xf32, #tpu.memory_space<vmem>> -> memref<128x32xf32, #tpu.memory_space<vmem>>
        %dma_wait3A_229 = arith.constant 0 : i32
        %dma_wait3A_230 = tpu.memref_slice %arg6[%add3A_195, %dma_wait3A_229] : memref<80x128xi32, #tpu.memory_space<vmem>> -> memref<1x128xi32, #tpu.memory_space<vmem>>
        %dma_wait3A_231 = tpu.memref_squeeze %dma_wait3A_230 : memref<1x128xi32, #tpu.memory_space<vmem>> -> memref<128xi32, #tpu.memory_space<vmem>>
        %dma_wait3A_232 = arith.constant 0 : i32
        %dma_wait3A_233 = arith.constant 0 : i32
        %dma_wait3A_234 = tpu.memref_slice %arg9[%dma_wait3A_232, %dma_wait3A_233] : memref<10240x32xf32, #tpu.memory_space<vmem_shared>> -> memref<10240x32xf32, #tpu.memory_space<vmem_shared>>
        tpu.wait_indirect_dma semaphore(%arg15 : memref<!tpu.dma_semaphore, #tpu.memory_space<semaphore_mem>>) src(%dma_wait3A_234 : memref<10240x32xf32, #tpu.memory_space<vmem_shared>>) dst(%dma_wait3A_228 : memref<128x32xf32, #tpu.memory_space<vmem>>)
        %run_scoped3A = arith.constant 4 : i32
        "tpu.region"() ({
          %run_scoped3A_241 = tpu.sem_alloc : memref<!tpu.dma_semaphore, #tpu.memory_space<semaphore_mem>>
          %dma_start3A_242 = arith.constant 0 : i32
          %dma_start3A_243 = arith.constant 0 : i32
          %dma_start3A_244 = tpu.memref_slice %arg8[%run_scoped3A, %dma_start3A_242, %dma_start3A_243] : memref<8x128x32xf32, #tpu.memory_space<vmem>> -> memref<1x128x32xf32, #tpu.memory_space<vmem>>
          %dma_start3A_245 = tpu.memref_squeeze %dma_start3A_244 : memref<1x128x32xf32, #tpu.memory_space<vmem>> -> memref<128x32xf32, #tpu.memory_space<vmem>>
          %dma_start3A_246 = arith.constant 0 : i32
          %dma_start3A_247 = tpu.memref_slice %arg7[%add3A_195, %dma_start3A_246] : memref<80x128xi32, #tpu.memory_space<vmem>> -> memref<1x128xi32, #tpu.memory_space<vmem>>
          %dma_start3A_248 = tpu.memref_squeeze %dma_start3A_247 : memref<1x128xi32, #tpu.memory_space<vmem>> -> memref<128xi32, #tpu.memory_space<vmem>>
          %dma_start3A_249 = arith.constant 0 : i32
          %dma_start3A_250 = arith.constant 0 : i32
          %dma_start3A_251 = tpu.memref_slice %arg10[%dma_start3A_249, %dma_start3A_250] : memref<10240x32xf32, #tpu.memory_space<vmem_shared>> -> memref<10240x32xf32, #tpu.memory_space<vmem_shared>>
          tpu.enqueue_indirect_dma source(%dma_start3A_245 : memref<128x32xf32, #tpu.memory_space<vmem>>) target(%dma_start3A_251 : memref<10240x32xf32, #tpu.memory_space<vmem_shared>>) offsets(%dma_start3A_248 : memref<128xi32, #tpu.memory_space<vmem>>) semaphore(%run_scoped3A_241 : memref<!tpu.dma_semaphore, #tpu.memory_space<semaphore_mem>>) {add = true}
          %dma_wait3A_252 = arith.constant 0 : i32
          %dma_wait3A_253 = arith.constant 0 : i32
          %dma_wait3A_254 = tpu.memref_slice %arg8[%run_scoped3A, %dma_wait3A_252, %dma_wait3A_253] : memref<8x128x32xf32, #tpu.memory_space<vmem>> -> memref<1x128x32xf32, #tpu.memory_space<vmem>>
          %dma_wait3A_255 = tpu.memref_squeeze %dma_wait3A_254 : memref<1x128x32xf32, #tpu.memory_space<vmem>> -> memref<128x32xf32, #tpu.memory_space<vmem>>
          %dma_wait3A_256 = arith.constant 0 : i32
          %dma_wait3A_257 = tpu.memref_slice %arg7[%add3A_195, %dma_wait3A_256] : memref<80x128xi32, #tpu.memory_space<vmem>> -> memref<1x128xi32, #tpu.memory_space<vmem>>
          %dma_wait3A_258 = tpu.memref_squeeze %dma_wait3A_257 : memref<1x128xi32, #tpu.memory_space<vmem>> -> memref<128xi32, #tpu.memory_space<vmem>>
          %dma_wait3A_259 = arith.constant 0 : i32
          %dma_wait3A_260 = arith.constant 0 : i32
          %dma_wait3A_261 = tpu.memref_slice %arg10[%dma_wait3A_259, %dma_wait3A_260] : memref<10240x32xf32, #tpu.memory_space<vmem_shared>> -> memref<10240x32xf32, #tpu.memory_space<vmem_shared>>
          tpu.wait_indirect_dma semaphore(%run_scoped3A_241 : memref<!tpu.dma_semaphore, #tpu.memory_space<semaphore_mem>>) src(%dma_wait3A_255 : memref<128x32xf32, #tpu.memory_space<vmem>>) dst(%dma_wait3A_261 : memref<10240x32xf32, #tpu.memory_space<vmem_shared>>)
          tpu.yield
        }) : () -> ()
        %add3A_235 = arith.constant 8 : i32
        %add3A_236 = arith.addi %add3A_195, %add3A_235 : i32
        %lt3A_237 = arith.cmpi slt, %add3A_236, %select_n3A : i32
        %convert_element_type3A_238 = arith.extui %lt3A_237 : i1 to i32
        %cond3A_239 = arith.constant 0 : i32
        %cond3A_240 = arith.cmpi ne, %convert_element_type3A_238, %cond3A_239 : i32
        scf.if %cond3A_240 {
          %add3A_241 = arith.constant 8 : i32
          %add3A_242 = arith.addi %add3A_195, %add3A_241 : i32
          %dma_start3A_243 = arith.constant 4 : i32
          %dma_start3A_244 = arith.constant 0 : i32
          %dma_start3A_245 = arith.constant 0 : i32
          %dma_start3A_246 = tpu.memref_slice %arg8[%dma_start3A_243, %dma_start3A_244, %dma_start3A_245] : memref<8x128x32xf32, #tpu.memory_space<vmem>> -> memref<1x128x32xf32, #tpu.memory_space<vmem>>
          %dma_start3A_247 = tpu.memref_squeeze %dma_start3A_246 : memref<1x128x32xf32, #tpu.memory_space<vmem>> -> memref<128x32xf32, #tpu.memory_space<vmem>>
          %dma_start3A_248 = arith.constant 0 : i32
          %dma_start3A_249 = tpu.memref_slice %arg6[%add3A_242, %dma_start3A_248] : memref<80x128xi32, #tpu.memory_space<vmem>> -> memref<1x128xi32, #tpu.memory_space<vmem>>
          %dma_start3A_250 = tpu.memref_squeeze %dma_start3A_249 : memref<1x128xi32, #tpu.memory_space<vmem>> -> memref<128xi32, #tpu.memory_space<vmem>>
          %dma_start3A_251 = arith.constant 0 : i32
          %dma_start3A_252 = arith.constant 0 : i32
          %dma_start3A_253 = tpu.memref_slice %arg9[%dma_start3A_251, %dma_start3A_252] : memref<10240x32xf32, #tpu.memory_space<vmem_shared>> -> memref<10240x32xf32, #tpu.memory_space<vmem_shared>>
          tpu.enqueue_indirect_dma source(%dma_start3A_253 : memref<10240x32xf32, #tpu.memory_space<vmem_shared>>) target(%dma_start3A_247 : memref<128x32xf32, #tpu.memory_space<vmem>>) offsets(%dma_start3A_250 : memref<128xi32, #tpu.memory_space<vmem>>) semaphore(%arg15 : memref<!tpu.dma_semaphore, #tpu.memory_space<semaphore_mem>>)
        } else {
        }
      } else {
      }
      %mul3A_200 = arith.constant 8 : i32
      %mul3A_201 = arith.muli %scan3A_161, %mul3A_200 : i32
      %add3A_202 = arith.constant 5 : i32
      %add3A_203 = arith.addi %mul3A_201, %add3A_202 : i32
      %lt3A_204 = arith.cmpi slt, %add3A_203, %select_n3A : i32
      %convert_element_type3A_205 = arith.extui %lt3A_204 : i1 to i32
      %cond3A_206 = arith.constant 0 : i32
      %cond3A_207 = arith.cmpi ne, %convert_element_type3A_205, %cond3A_206 : i32
      scf.if %cond3A_207 {
        %dma_wait3A_224 = arith.constant 5 : i32
        %dma_wait3A_225 = arith.constant 0 : i32
        %dma_wait3A_226 = arith.constant 0 : i32
        %dma_wait3A_227 = tpu.memref_slice %arg8[%dma_wait3A_224, %dma_wait3A_225, %dma_wait3A_226] : memref<8x128x32xf32, #tpu.memory_space<vmem>> -> memref<1x128x32xf32, #tpu.memory_space<vmem>>
        %dma_wait3A_228 = tpu.memref_squeeze %dma_wait3A_227 : memref<1x128x32xf32, #tpu.memory_space<vmem>> -> memref<128x32xf32, #tpu.memory_space<vmem>>
        %dma_wait3A_229 = arith.constant 0 : i32
        %dma_wait3A_230 = tpu.memref_slice %arg6[%add3A_203, %dma_wait3A_229] : memref<80x128xi32, #tpu.memory_space<vmem>> -> memref<1x128xi32, #tpu.memory_space<vmem>>
        %dma_wait3A_231 = tpu.memref_squeeze %dma_wait3A_230 : memref<1x128xi32, #tpu.memory_space<vmem>> -> memref<128xi32, #tpu.memory_space<vmem>>
        %dma_wait3A_232 = arith.constant 0 : i32
        %dma_wait3A_233 = arith.constant 0 : i32
        %dma_wait3A_234 = tpu.memref_slice %arg9[%dma_wait3A_232, %dma_wait3A_233] : memref<10240x32xf32, #tpu.memory_space<vmem_shared>> -> memref<10240x32xf32, #tpu.memory_space<vmem_shared>>
        tpu.wait_indirect_dma semaphore(%arg16 : memref<!tpu.dma_semaphore, #tpu.memory_space<semaphore_mem>>) src(%dma_wait3A_234 : memref<10240x32xf32, #tpu.memory_space<vmem_shared>>) dst(%dma_wait3A_228 : memref<128x32xf32, #tpu.memory_space<vmem>>)
        %run_scoped3A = arith.constant 5 : i32
        "tpu.region"() ({
          %run_scoped3A_241 = tpu.sem_alloc : memref<!tpu.dma_semaphore, #tpu.memory_space<semaphore_mem>>
          %dma_start3A_242 = arith.constant 0 : i32
          %dma_start3A_243 = arith.constant 0 : i32
          %dma_start3A_244 = tpu.memref_slice %arg8[%run_scoped3A, %dma_start3A_242, %dma_start3A_243] : memref<8x128x32xf32, #tpu.memory_space<vmem>> -> memref<1x128x32xf32, #tpu.memory_space<vmem>>
          %dma_start3A_245 = tpu.memref_squeeze %dma_start3A_244 : memref<1x128x32xf32, #tpu.memory_space<vmem>> -> memref<128x32xf32, #tpu.memory_space<vmem>>
          %dma_start3A_246 = arith.constant 0 : i32
          %dma_start3A_247 = tpu.memref_slice %arg7[%add3A_203, %dma_start3A_246] : memref<80x128xi32, #tpu.memory_space<vmem>> -> memref<1x128xi32, #tpu.memory_space<vmem>>
          %dma_start3A_248 = tpu.memref_squeeze %dma_start3A_247 : memref<1x128xi32, #tpu.memory_space<vmem>> -> memref<128xi32, #tpu.memory_space<vmem>>
          %dma_start3A_249 = arith.constant 0 : i32
          %dma_start3A_250 = arith.constant 0 : i32
          %dma_start3A_251 = tpu.memref_slice %arg10[%dma_start3A_249, %dma_start3A_250] : memref<10240x32xf32, #tpu.memory_space<vmem_shared>> -> memref<10240x32xf32, #tpu.memory_space<vmem_shared>>
          tpu.enqueue_indirect_dma source(%dma_start3A_245 : memref<128x32xf32, #tpu.memory_space<vmem>>) target(%dma_start3A_251 : memref<10240x32xf32, #tpu.memory_space<vmem_shared>>) offsets(%dma_start3A_248 : memref<128xi32, #tpu.memory_space<vmem>>) semaphore(%run_scoped3A_241 : memref<!tpu.dma_semaphore, #tpu.memory_space<semaphore_mem>>) {add = true}
          %dma_wait3A_252 = arith.constant 0 : i32
          %dma_wait3A_253 = arith.constant 0 : i32
          %dma_wait3A_254 = tpu.memref_slice %arg8[%run_scoped3A, %dma_wait3A_252, %dma_wait3A_253] : memref<8x128x32xf32, #tpu.memory_space<vmem>> -> memref<1x128x32xf32, #tpu.memory_space<vmem>>
          %dma_wait3A_255 = tpu.memref_squeeze %dma_wait3A_254 : memref<1x128x32xf32, #tpu.memory_space<vmem>> -> memref<128x32xf32, #tpu.memory_space<vmem>>
          %dma_wait3A_256 = arith.constant 0 : i32
          %dma_wait3A_257 = tpu.memref_slice %arg7[%add3A_203, %dma_wait3A_256] : memref<80x128xi32, #tpu.memory_space<vmem>> -> memref<1x128xi32, #tpu.memory_space<vmem>>
          %dma_wait3A_258 = tpu.memref_squeeze %dma_wait3A_257 : memref<1x128xi32, #tpu.memory_space<vmem>> -> memref<128xi32, #tpu.memory_space<vmem>>
          %dma_wait3A_259 = arith.constant 0 : i32
          %dma_wait3A_260 = arith.constant 0 : i32
          %dma_wait3A_261 = tpu.memref_slice %arg10[%dma_wait3A_259, %dma_wait3A_260] : memref<10240x32xf32, #tpu.memory_space<vmem_shared>> -> memref<10240x32xf32, #tpu.memory_space<vmem_shared>>
          tpu.wait_indirect_dma semaphore(%run_scoped3A_241 : memref<!tpu.dma_semaphore, #tpu.memory_space<semaphore_mem>>) src(%dma_wait3A_255 : memref<128x32xf32, #tpu.memory_space<vmem>>) dst(%dma_wait3A_261 : memref<10240x32xf32, #tpu.memory_space<vmem_shared>>)
          tpu.yield
        }) : () -> ()
        %add3A_235 = arith.constant 8 : i32
        %add3A_236 = arith.addi %add3A_203, %add3A_235 : i32
        %lt3A_237 = arith.cmpi slt, %add3A_236, %select_n3A : i32
        %convert_element_type3A_238 = arith.extui %lt3A_237 : i1 to i32
        %cond3A_239 = arith.constant 0 : i32
        %cond3A_240 = arith.cmpi ne, %convert_element_type3A_238, %cond3A_239 : i32
        scf.if %cond3A_240 {
          %add3A_241 = arith.constant 8 : i32
          %add3A_242 = arith.addi %add3A_203, %add3A_241 : i32
          %dma_start3A_243 = arith.constant 5 : i32
          %dma_start3A_244 = arith.constant 0 : i32
          %dma_start3A_245 = arith.constant 0 : i32
          %dma_start3A_246 = tpu.memref_slice %arg8[%dma_start3A_243, %dma_start3A_244, %dma_start3A_245] : memref<8x128x32xf32, #tpu.memory_space<vmem>> -> memref<1x128x32xf32, #tpu.memory_space<vmem>>
          %dma_start3A_247 = tpu.memref_squeeze %dma_start3A_246 : memref<1x128x32xf32, #tpu.memory_space<vmem>> -> memref<128x32xf32, #tpu.memory_space<vmem>>
          %dma_start3A_248 = arith.constant 0 : i32
          %dma_start3A_249 = tpu.memref_slice %arg6[%add3A_242, %dma_start3A_248] : memref<80x128xi32, #tpu.memory_space<vmem>> -> memref<1x128xi32, #tpu.memory_space<vmem>>
          %dma_start3A_250 = tpu.memref_squeeze %dma_start3A_249 : memref<1x128xi32, #tpu.memory_space<vmem>> -> memref<128xi32, #tpu.memory_space<vmem>>
          %dma_start3A_251 = arith.constant 0 : i32
          %dma_start3A_252 = arith.constant 0 : i32
          %dma_start3A_253 = tpu.memref_slice %arg9[%dma_start3A_251, %dma_start3A_252] : memref<10240x32xf32, #tpu.memory_space<vmem_shared>> -> memref<10240x32xf32, #tpu.memory_space<vmem_shared>>
          tpu.enqueue_indirect_dma source(%dma_start3A_253 : memref<10240x32xf32, #tpu.memory_space<vmem_shared>>) target(%dma_start3A_247 : memref<128x32xf32, #tpu.memory_space<vmem>>) offsets(%dma_start3A_250 : memref<128xi32, #tpu.memory_space<vmem>>) semaphore(%arg16 : memref<!tpu.dma_semaphore, #tpu.memory_space<semaphore_mem>>)
        } else {
        }
      } else {
      }
      %mul3A_208 = arith.constant 8 : i32
      %mul3A_209 = arith.muli %scan3A_161, %mul3A_208 : i32
      %add3A_210 = arith.constant 6 : i32
      %add3A_211 = arith.addi %mul3A_209, %add3A_210 : i32
      %lt3A_212 = arith.cmpi slt, %add3A_211, %select_n3A : i32
      %convert_element_type3A_213 = arith.extui %lt3A_212 : i1 to i32
      %cond3A_214 = arith.constant 0 : i32
      %cond3A_215 = arith.cmpi ne, %convert_element_type3A_213, %cond3A_214 : i32
      scf.if %cond3A_215 {
        %dma_wait3A_224 = arith.constant 6 : i32
        %dma_wait3A_225 = arith.constant 0 : i32
        %dma_wait3A_226 = arith.constant 0 : i32
        %dma_wait3A_227 = tpu.memref_slice %arg8[%dma_wait3A_224, %dma_wait3A_225, %dma_wait3A_226] : memref<8x128x32xf32, #tpu.memory_space<vmem>> -> memref<1x128x32xf32, #tpu.memory_space<vmem>>
        %dma_wait3A_228 = tpu.memref_squeeze %dma_wait3A_227 : memref<1x128x32xf32, #tpu.memory_space<vmem>> -> memref<128x32xf32, #tpu.memory_space<vmem>>
        %dma_wait3A_229 = arith.constant 0 : i32
        %dma_wait3A_230 = tpu.memref_slice %arg6[%add3A_211, %dma_wait3A_229] : memref<80x128xi32, #tpu.memory_space<vmem>> -> memref<1x128xi32, #tpu.memory_space<vmem>>
        %dma_wait3A_231 = tpu.memref_squeeze %dma_wait3A_230 : memref<1x128xi32, #tpu.memory_space<vmem>> -> memref<128xi32, #tpu.memory_space<vmem>>
        %dma_wait3A_232 = arith.constant 0 : i32
        %dma_wait3A_233 = arith.constant 0 : i32
        %dma_wait3A_234 = tpu.memref_slice %arg9[%dma_wait3A_232, %dma_wait3A_233] : memref<10240x32xf32, #tpu.memory_space<vmem_shared>> -> memref<10240x32xf32, #tpu.memory_space<vmem_shared>>
        tpu.wait_indirect_dma semaphore(%arg17 : memref<!tpu.dma_semaphore, #tpu.memory_space<semaphore_mem>>) src(%dma_wait3A_234 : memref<10240x32xf32, #tpu.memory_space<vmem_shared>>) dst(%dma_wait3A_228 : memref<128x32xf32, #tpu.memory_space<vmem>>)
        %run_scoped3A = arith.constant 6 : i32
        "tpu.region"() ({
          %run_scoped3A_241 = tpu.sem_alloc : memref<!tpu.dma_semaphore, #tpu.memory_space<semaphore_mem>>
          %dma_start3A_242 = arith.constant 0 : i32
          %dma_start3A_243 = arith.constant 0 : i32
          %dma_start3A_244 = tpu.memref_slice %arg8[%run_scoped3A, %dma_start3A_242, %dma_start3A_243] : memref<8x128x32xf32, #tpu.memory_space<vmem>> -> memref<1x128x32xf32, #tpu.memory_space<vmem>>
          %dma_start3A_245 = tpu.memref_squeeze %dma_start3A_244 : memref<1x128x32xf32, #tpu.memory_space<vmem>> -> memref<128x32xf32, #tpu.memory_space<vmem>>
          %dma_start3A_246 = arith.constant 0 : i32
          %dma_start3A_247 = tpu.memref_slice %arg7[%add3A_211, %dma_start3A_246] : memref<80x128xi32, #tpu.memory_space<vmem>> -> memref<1x128xi32, #tpu.memory_space<vmem>>
          %dma_start3A_248 = tpu.memref_squeeze %dma_start3A_247 : memref<1x128xi32, #tpu.memory_space<vmem>> -> memref<128xi32, #tpu.memory_space<vmem>>
          %dma_start3A_249 = arith.constant 0 : i32
          %dma_start3A_250 = arith.constant 0 : i32
          %dma_start3A_251 = tpu.memref_slice %arg10[%dma_start3A_249, %dma_start3A_250] : memref<10240x32xf32, #tpu.memory_space<vmem_shared>> -> memref<10240x32xf32, #tpu.memory_space<vmem_shared>>
          tpu.enqueue_indirect_dma source(%dma_start3A_245 : memref<128x32xf32, #tpu.memory_space<vmem>>) target(%dma_start3A_251 : memref<10240x32xf32, #tpu.memory_space<vmem_shared>>) offsets(%dma_start3A_248 : memref<128xi32, #tpu.memory_space<vmem>>) semaphore(%run_scoped3A_241 : memref<!tpu.dma_semaphore, #tpu.memory_space<semaphore_mem>>) {add = true}
          %dma_wait3A_252 = arith.constant 0 : i32
          %dma_wait3A_253 = arith.constant 0 : i32
          %dma_wait3A_254 = tpu.memref_slice %arg8[%run_scoped3A, %dma_wait3A_252, %dma_wait3A_253] : memref<8x128x32xf32, #tpu.memory_space<vmem>> -> memref<1x128x32xf32, #tpu.memory_space<vmem>>
          %dma_wait3A_255 = tpu.memref_squeeze %dma_wait3A_254 : memref<1x128x32xf32, #tpu.memory_space<vmem>> -> memref<128x32xf32, #tpu.memory_space<vmem>>
          %dma_wait3A_256 = arith.constant 0 : i32
          %dma_wait3A_257 = tpu.memref_slice %arg7[%add3A_211, %dma_wait3A_256] : memref<80x128xi32, #tpu.memory_space<vmem>> -> memref<1x128xi32, #tpu.memory_space<vmem>>
          %dma_wait3A_258 = tpu.memref_squeeze %dma_wait3A_257 : memref<1x128xi32, #tpu.memory_space<vmem>> -> memref<128xi32, #tpu.memory_space<vmem>>
          %dma_wait3A_259 = arith.constant 0 : i32
          %dma_wait3A_260 = arith.constant 0 : i32
          %dma_wait3A_261 = tpu.memref_slice %arg10[%dma_wait3A_259, %dma_wait3A_260] : memref<10240x32xf32, #tpu.memory_space<vmem_shared>> -> memref<10240x32xf32, #tpu.memory_space<vmem_shared>>
          tpu.wait_indirect_dma semaphore(%run_scoped3A_241 : memref<!tpu.dma_semaphore, #tpu.memory_space<semaphore_mem>>) src(%dma_wait3A_255 : memref<128x32xf32, #tpu.memory_space<vmem>>) dst(%dma_wait3A_261 : memref<10240x32xf32, #tpu.memory_space<vmem_shared>>)
          tpu.yield
        }) : () -> ()
        %add3A_235 = arith.constant 8 : i32
        %add3A_236 = arith.addi %add3A_211, %add3A_235 : i32
        %lt3A_237 = arith.cmpi slt, %add3A_236, %select_n3A : i32
        %convert_element_type3A_238 = arith.extui %lt3A_237 : i1 to i32
        %cond3A_239 = arith.constant 0 : i32
        %cond3A_240 = arith.cmpi ne, %convert_element_type3A_238, %cond3A_239 : i32
        scf.if %cond3A_240 {
          %add3A_241 = arith.constant 8 : i32
          %add3A_242 = arith.addi %add3A_211, %add3A_241 : i32
          %dma_start3A_243 = arith.constant 6 : i32
          %dma_start3A_244 = arith.constant 0 : i32
          %dma_start3A_245 = arith.constant 0 : i32
          %dma_start3A_246 = tpu.memref_slice %arg8[%dma_start3A_243, %dma_start3A_244, %dma_start3A_245] : memref<8x128x32xf32, #tpu.memory_space<vmem>> -> memref<1x128x32xf32, #tpu.memory_space<vmem>>
          %dma_start3A_247 = tpu.memref_squeeze %dma_start3A_246 : memref<1x128x32xf32, #tpu.memory_space<vmem>> -> memref<128x32xf32, #tpu.memory_space<vmem>>
          %dma_start3A_248 = arith.constant 0 : i32
          %dma_start3A_249 = tpu.memref_slice %arg6[%add3A_242, %dma_start3A_248] : memref<80x128xi32, #tpu.memory_space<vmem>> -> memref<1x128xi32, #tpu.memory_space<vmem>>
          %dma_start3A_250 = tpu.memref_squeeze %dma_start3A_249 : memref<1x128xi32, #tpu.memory_space<vmem>> -> memref<128xi32, #tpu.memory_space<vmem>>
          %dma_start3A_251 = arith.constant 0 : i32
          %dma_start3A_252 = arith.constant 0 : i32
          %dma_start3A_253 = tpu.memref_slice %arg9[%dma_start3A_251, %dma_start3A_252] : memref<10240x32xf32, #tpu.memory_space<vmem_shared>> -> memref<10240x32xf32, #tpu.memory_space<vmem_shared>>
          tpu.enqueue_indirect_dma source(%dma_start3A_253 : memref<10240x32xf32, #tpu.memory_space<vmem_shared>>) target(%dma_start3A_247 : memref<128x32xf32, #tpu.memory_space<vmem>>) offsets(%dma_start3A_250 : memref<128xi32, #tpu.memory_space<vmem>>) semaphore(%arg17 : memref<!tpu.dma_semaphore, #tpu.memory_space<semaphore_mem>>)
        } else {
        }
      } else {
      }
      %mul3A_216 = arith.constant 8 : i32
      %mul3A_217 = arith.muli %scan3A_161, %mul3A_216 : i32
      %add3A_218 = arith.constant 7 : i32
      %add3A_219 = arith.addi %mul3A_217, %add3A_218 : i32
      %lt3A_220 = arith.cmpi slt, %add3A_219, %select_n3A : i32
      %convert_element_type3A_221 = arith.extui %lt3A_220 : i1 to i32
      %cond3A_222 = arith.constant 0 : i32
      %cond3A_223 = arith.cmpi ne, %convert_element_type3A_221, %cond3A_222 : i32
      scf.if %cond3A_223 {
        %dma_wait3A_224 = arith.constant 7 : i32
        %dma_wait3A_225 = arith.constant 0 : i32
        %dma_wait3A_226 = arith.constant 0 : i32
        %dma_wait3A_227 = tpu.memref_slice %arg8[%dma_wait3A_224, %dma_wait3A_225, %dma_wait3A_226] : memref<8x128x32xf32, #tpu.memory_space<vmem>> -> memref<1x128x32xf32, #tpu.memory_space<vmem>>
        %dma_wait3A_228 = tpu.memref_squeeze %dma_wait3A_227 : memref<1x128x32xf32, #tpu.memory_space<vmem>> -> memref<128x32xf32, #tpu.memory_space<vmem>>
        %dma_wait3A_229 = arith.constant 0 : i32
        %dma_wait3A_230 = tpu.memref_slice %arg6[%add3A_219, %dma_wait3A_229] : memref<80x128xi32, #tpu.memory_space<vmem>> -> memref<1x128xi32, #tpu.memory_space<vmem>>
        %dma_wait3A_231 = tpu.memref_squeeze %dma_wait3A_230 : memref<1x128xi32, #tpu.memory_space<vmem>> -> memref<128xi32, #tpu.memory_space<vmem>>
        %dma_wait3A_232 = arith.constant 0 : i32
        %dma_wait3A_233 = arith.constant 0 : i32
        %dma_wait3A_234 = tpu.memref_slice %arg9[%dma_wait3A_232, %dma_wait3A_233] : memref<10240x32xf32, #tpu.memory_space<vmem_shared>> -> memref<10240x32xf32, #tpu.memory_space<vmem_shared>>
        tpu.wait_indirect_dma semaphore(%arg18 : memref<!tpu.dma_semaphore, #tpu.memory_space<semaphore_mem>>) src(%dma_wait3A_234 : memref<10240x32xf32, #tpu.memory_space<vmem_shared>>) dst(%dma_wait3A_228 : memref<128x32xf32, #tpu.memory_space<vmem>>)
        %run_scoped3A = arith.constant 7 : i32
        "tpu.region"() ({
          %run_scoped3A_241 = tpu.sem_alloc : memref<!tpu.dma_semaphore, #tpu.memory_space<semaphore_mem>>
          %dma_start3A_242 = arith.constant 0 : i32
          %dma_start3A_243 = arith.constant 0 : i32
          %dma_start3A_244 = tpu.memref_slice %arg8[%run_scoped3A, %dma_start3A_242, %dma_start3A_243] : memref<8x128x32xf32, #tpu.memory_space<vmem>> -> memref<1x128x32xf32, #tpu.memory_space<vmem>>
          %dma_start3A_245 = tpu.memref_squeeze %dma_start3A_244 : memref<1x128x32xf32, #tpu.memory_space<vmem>> -> memref<128x32xf32, #tpu.memory_space<vmem>>
          %dma_start3A_246 = arith.constant 0 : i32
          %dma_start3A_247 = tpu.memref_slice %arg7[%add3A_219, %dma_start3A_246] : memref<80x128xi32, #tpu.memory_space<vmem>> -> memref<1x128xi32, #tpu.memory_space<vmem>>
          %dma_start3A_248 = tpu.memref_squeeze %dma_start3A_247 : memref<1x128xi32, #tpu.memory_space<vmem>> -> memref<128xi32, #tpu.memory_space<vmem>>
          %dma_start3A_249 = arith.constant 0 : i32
          %dma_start3A_250 = arith.constant 0 : i32
          %dma_start3A_251 = tpu.memref_slice %arg10[%dma_start3A_249, %dma_start3A_250] : memref<10240x32xf32, #tpu.memory_space<vmem_shared>> -> memref<10240x32xf32, #tpu.memory_space<vmem_shared>>
          tpu.enqueue_indirect_dma source(%dma_start3A_245 : memref<128x32xf32, #tpu.memory_space<vmem>>) target(%dma_start3A_251 : memref<10240x32xf32, #tpu.memory_space<vmem_shared>>) offsets(%dma_start3A_248 : memref<128xi32, #tpu.memory_space<vmem>>) semaphore(%run_scoped3A_241 : memref<!tpu.dma_semaphore, #tpu.memory_space<semaphore_mem>>) {add = true}
          %dma_wait3A_252 = arith.constant 0 : i32
          %dma_wait3A_253 = arith.constant 0 : i32
          %dma_wait3A_254 = tpu.memref_slice %arg8[%run_scoped3A, %dma_wait3A_252, %dma_wait3A_253] : memref<8x128x32xf32, #tpu.memory_space<vmem>> -> memref<1x128x32xf32, #tpu.memory_space<vmem>>
          %dma_wait3A_255 = tpu.memref_squeeze %dma_wait3A_254 : memref<1x128x32xf32, #tpu.memory_space<vmem>> -> memref<128x32xf32, #tpu.memory_space<vmem>>
          %dma_wait3A_256 = arith.constant 0 : i32
          %dma_wait3A_257 = tpu.memref_slice %arg7[%add3A_219, %dma_wait3A_256] : memref<80x128xi32, #tpu.memory_space<vmem>> -> memref<1x128xi32, #tpu.memory_space<vmem>>
          %dma_wait3A_258 = tpu.memref_squeeze %dma_wait3A_257 : memref<1x128xi32, #tpu.memory_space<vmem>> -> memref<128xi32, #tpu.memory_space<vmem>>
          %dma_wait3A_259 = arith.constant 0 : i32
          %dma_wait3A_260 = arith.constant 0 : i32
          %dma_wait3A_261 = tpu.memref_slice %arg10[%dma_wait3A_259, %dma_wait3A_260] : memref<10240x32xf32, #tpu.memory_space<vmem_shared>> -> memref<10240x32xf32, #tpu.memory_space<vmem_shared>>
          tpu.wait_indirect_dma semaphore(%run_scoped3A_241 : memref<!tpu.dma_semaphore, #tpu.memory_space<semaphore_mem>>) src(%dma_wait3A_255 : memref<128x32xf32, #tpu.memory_space<vmem>>) dst(%dma_wait3A_261 : memref<10240x32xf32, #tpu.memory_space<vmem_shared>>)
          tpu.yield
        }) : () -> ()
        %add3A_235 = arith.constant 8 : i32
        %add3A_236 = arith.addi %add3A_219, %add3A_235 : i32
        %lt3A_237 = arith.cmpi slt, %add3A_236, %select_n3A : i32
        %convert_element_type3A_238 = arith.extui %lt3A_237 : i1 to i32
        %cond3A_239 = arith.constant 0 : i32
        %cond3A_240 = arith.cmpi ne, %convert_element_type3A_238, %cond3A_239 : i32
        scf.if %cond3A_240 {
          %add3A_241 = arith.constant 8 : i32
          %add3A_242 = arith.addi %add3A_219, %add3A_241 : i32
          %dma_start3A_243 = arith.constant 7 : i32
          %dma_start3A_244 = arith.constant 0 : i32
          %dma_start3A_245 = arith.constant 0 : i32
          %dma_start3A_246 = tpu.memref_slice %arg8[%dma_start3A_243, %dma_start3A_244, %dma_start3A_245] : memref<8x128x32xf32, #tpu.memory_space<vmem>> -> memref<1x128x32xf32, #tpu.memory_space<vmem>>
          %dma_start3A_247 = tpu.memref_squeeze %dma_start3A_246 : memref<1x128x32xf32, #tpu.memory_space<vmem>> -> memref<128x32xf32, #tpu.memory_space<vmem>>
          %dma_start3A_248 = arith.constant 0 : i32
          %dma_start3A_249 = tpu.memref_slice %arg6[%add3A_242, %dma_start3A_248] : memref<80x128xi32, #tpu.memory_space<vmem>> -> memref<1x128xi32, #tpu.memory_space<vmem>>
          %dma_start3A_250 = tpu.memref_squeeze %dma_start3A_249 : memref<1x128xi32, #tpu.memory_space<vmem>> -> memref<128xi32, #tpu.memory_space<vmem>>
          %dma_start3A_251 = arith.constant 0 : i32
          %dma_start3A_252 = arith.constant 0 : i32
          %dma_start3A_253 = tpu.memref_slice %arg9[%dma_start3A_251, %dma_start3A_252] : memref<10240x32xf32, #tpu.memory_space<vmem_shared>> -> memref<10240x32xf32, #tpu.memory_space<vmem_shared>>
          tpu.enqueue_indirect_dma source(%dma_start3A_253 : memref<10240x32xf32, #tpu.memory_space<vmem_shared>>) target(%dma_start3A_247 : memref<128x32xf32, #tpu.memory_space<vmem>>) offsets(%dma_start3A_250 : memref<128xi32, #tpu.memory_space<vmem>>) semaphore(%arg18 : memref<!tpu.dma_semaphore, #tpu.memory_space<semaphore_mem>>)
        } else {
        }
      } else {
      }
    }
    %scan3A_155 = arith.constant 10 : i32
    %barrier3A_156 = arith.constant 0 : index
    tpu.barrier barrier_id(%barrier3A_156)
    %mul3A_157 = arith.constant 640 : i32
    %mul3A_158 = arith.muli %arg1, %mul3A_157 : i32
    %mul3A_159 = arith.constant 640 : i32
    %mul3A_160 = arith.muli %arg1, %mul3A_159 : i32
    "tpu.region"() ({
      %run_scoped3A = tpu.sem_alloc : memref<!tpu.dma_semaphore, #tpu.memory_space<semaphore_mem>>
      %dma_start3A_161 = arith.constant 0 : i32
      %dma_start3A_162 = tpu.memref_slice %arg5[%arg0, %mul3A_160, %dma_start3A_161] : memref<2x10240x32xf32, #tpu.memory_space<hbm>> -> memref<1x640x32xf32, #tpu.memory_space<hbm>>
      %dma_start3A_163 = tpu.memref_squeeze %dma_start3A_162 : memref<1x640x32xf32, #tpu.memory_space<hbm>> -> memref<640x32xf32, #tpu.memory_space<hbm>>
      %dma_start3A_164 = arith.constant 0 : i32
      %dma_start3A_165 = tpu.memref_slice %arg10[%mul3A_158, %dma_start3A_164] : memref<10240x32xf32, #tpu.memory_space<vmem_shared>> -> memref<640x32xf32, #tpu.memory_space<vmem_shared>>
      tpu.enqueue_dma source(%dma_start3A_165 : memref<640x32xf32, #tpu.memory_space<vmem_shared>>) target(%dma_start3A_163 : memref<640x32xf32, #tpu.memory_space<hbm>>) target_semaphore(%run_scoped3A : memref<!tpu.dma_semaphore, #tpu.memory_space<semaphore_mem>>)
      %dma_wait3A_166 = arith.constant 0 : i32
      %dma_wait3A_167 = tpu.memref_slice %arg5[%arg0, %mul3A_160, %dma_wait3A_166] : memref<2x10240x32xf32, #tpu.memory_space<hbm>> -> memref<1x640x32xf32, #tpu.memory_space<hbm>>
      %dma_wait3A_168 = tpu.memref_squeeze %dma_wait3A_167 : memref<1x640x32xf32, #tpu.memory_space<hbm>> -> memref<640x32xf32, #tpu.memory_space<hbm>>
      %dma_wait3A_169 = arith.constant 0 : i32
      %dma_wait3A_170 = tpu.memref_slice %arg10[%mul3A_158, %dma_wait3A_169] : memref<10240x32xf32, #tpu.memory_space<vmem_shared>> -> memref<640x32xf32, #tpu.memory_space<vmem_shared>>
      tpu.wait_dma2 semaphore(%run_scoped3A : memref<!tpu.dma_semaphore, #tpu.memory_space<semaphore_mem>>) src(%dma_wait3A_170 : memref<640x32xf32, #tpu.memory_space<vmem_shared>>) dst(%dma_wait3A_168 : memref<640x32xf32, #tpu.memory_space<hbm>>)
      tpu.yield
    }) : () -> ()
    return
  }
}

#map = affine_map<(d0, d1) -> (0, 0)>
#map1 = affine_map<(d0, d1) -> (0, 0, 0)>
module attributes {stable_mosaic.version = 14 : i64} {
  func.func @agg(%arg0: i32, %arg1: i32, %arg2: memref<10240x32xf32, #tpu.memory_space<hbm>>, %arg3: memref<2x2560x128xi32, #tpu.memory_space<hbm>>, %arg4: memref<10240x32xf32, #tpu.memory_space<hbm>>, %arg5: memref<2x10240x32xf32, #tpu.memory_space<hbm>>, %arg6: memref<80x128xi32, #tpu.memory_space<vmem>>, %arg7: memref<80x128xi32, #tpu.memory_space<vmem>>, %arg8: memref<8x128x32xf32, #tpu.memory_space<vmem>>, %arg9: memref<10240x32xf32, #tpu.memory_space<vmem_shared>>, %arg10: memref<10240x32xf32, #tpu.memory_space<vmem_shared>>, %arg11: memref<!tpu.dma_semaphore, #tpu.memory_space<semaphore_mem>>, %arg12: memref<!tpu.dma_semaphore, #tpu.memory_space<semaphore_mem>>, %arg13: memref<!tpu.dma_semaphore, #tpu.memory_space<semaphore_mem>>, %arg14: memref<!tpu.dma_semaphore, #tpu.memory_space<semaphore_mem>>, %arg15: memref<!tpu.dma_semaphore, #tpu.memory_space<semaphore_mem>>, %arg16: memref<!tpu.dma_semaphore, #tpu.memory_space<semaphore_mem>>, %arg17: memref<!tpu.dma_semaphore, #tpu.memory_space<semaphore_mem>>, %arg18: memref<!tpu.dma_semaphore, #tpu.memory_space<semaphore_mem>>) attributes {dimension_semantics = [#tpu.dimension_semantics<core_parallel>, #tpu.dimension_semantics<subcore_parallel>], iteration_bounds = array<i64: 2, 16>, scalar_prefetch = 0 : i64, scratch_operands = 13 : i64, tpu.core_type = #tpu.core_type<sc_vector_subcore>, window_params = [{transform_indices = #map}, {transform_indices = #map1}, {transform_indices = #map}, {transform_indices = #map1}]} {
    %mul3A = arith.constant 2 : i32
    %mul3A_0 = arith.muli %arg1, %mul3A : i32
    %add3A = arith.addi %mul3A_0, %arg0 : i32
    %lt3A = arith.constant 31 : i32
    %lt3A_1 = arith.cmpi slt, %add3A, %lt3A : i32
    %jit3A = arith.constant 80 : i32
    %jit3A_2 = arith.constant 20 : i32
    %select_n3A = arith.select %lt3A_1, %jit3A, %jit3A_2 : i32
    %mul3A_3 = arith.constant 80 : i32
    %mul3A_4 = arith.muli %add3A, %mul3A_3 : i32
    %dma_start3A = arith.constant 0 : i32
    %dma_start3A_5 = arith.constant 0 : i32
    %dma_start3A_6 = tpu.memref_slice %arg3[%dma_start3A, %mul3A_4, %dma_start3A_5] : memref<2x2560x128xi32, #tpu.memory_space<hbm>> -> memref<1x80x128xi32, #tpu.memory_space<hbm>>
    %dma_start3A_7 = tpu.memref_squeeze %dma_start3A_6 : memref<1x80x128xi32, #tpu.memory_space<hbm>> -> memref<80x128xi32, #tpu.memory_space<hbm>>
    %dma_start3A_8 = arith.constant 0 : i32
    %dma_start3A_9 = tpu.memref_slice %arg3[%dma_start3A, %mul3A_4, %dma_start3A_8] : memref<2x2560x128xi32, #tpu.memory_space<hbm>> -> memref<1x80x128xi32, #tpu.memory_space<hbm>>
    %dma_start3A_10 = tpu.memref_squeeze %dma_start3A_9 : memref<1x80x128xi32, #tpu.memory_space<hbm>> -> memref<80x128xi32, #tpu.memory_space<hbm>>
    tpu.enqueue_dma source(%dma_start3A_10 : memref<80x128xi32, #tpu.memory_space<hbm>>) target(%arg6 : memref<80x128xi32, #tpu.memory_space<vmem>>) target_semaphore(%arg11 : memref<!tpu.dma_semaphore, #tpu.memory_space<semaphore_mem>>)
    %dma_start3A_11 = arith.constant 1 : i32
    %dma_start3A_12 = arith.constant 0 : i32
    %dma_start3A_13 = tpu.memref_slice %arg3[%dma_start3A_11, %mul3A_4, %dma_start3A_12] : memref<2x2560x128xi32, #tpu.memory_space<hbm>> -> memref<1x80x128xi32, #tpu.memory_space<hbm>>
    %dma_start3A_14 = tpu.memref_squeeze %dma_start3A_13 : memref<1x80x128xi32, #tpu.memory_space<hbm>> -> memref<80x128xi32, #tpu.memory_space<hbm>>
    %dma_start3A_15 = arith.constant 0 : i32
    %dma_start3A_16 = tpu.memref_slice %arg3[%dma_start3A_11, %mul3A_4, %dma_start3A_15] : memref<2x2560x128xi32, #tpu.memory_space<hbm>> -> memref<1x80x128xi32, #tpu.memory_space<hbm>>
    %dma_start3A_17 = tpu.memref_squeeze %dma_start3A_16 : memref<1x80x128xi32, #tpu.memory_space<hbm>> -> memref<80x128xi32, #tpu.memory_space<hbm>>
    tpu.enqueue_dma source(%dma_start3A_17 : memref<80x128xi32, #tpu.memory_space<hbm>>) target(%arg7 : memref<80x128xi32, #tpu.memory_space<vmem>>) target_semaphore(%arg12 : memref<!tpu.dma_semaphore, #tpu.memory_space<semaphore_mem>>)
    %mul3A_18 = arith.constant 640 : i32
    %mul3A_19 = arith.muli %arg1, %mul3A_18 : i32
    %mul3A_20 = arith.constant 640 : i32
    %mul3A_21 = arith.muli %arg1, %mul3A_20 : i32
    %dma_start3A_22 = arith.constant 0 : i32
    %dma_start3A_23 = tpu.memref_slice %arg9[%mul3A_21, %dma_start3A_22] : memref<10240x32xf32, #tpu.memory_space<vmem_shared>> -> memref<640x32xf32, #tpu.memory_space<vmem_shared>>
    %dma_start3A_24 = arith.constant 0 : i32
    %dma_start3A_25 = tpu.memref_slice %arg2[%mul3A_19, %dma_start3A_24] : memref<10240x32xf32, #tpu.memory_space<hbm>> -> memref<640x32xf32, #tpu.memory_space<hbm>>
    tpu.enqueue_dma source(%dma_start3A_25 : memref<640x32xf32, #tpu.memory_space<hbm>>) target(%dma_start3A_23 : memref<640x32xf32, #tpu.memory_space<vmem_shared>>) target_semaphore(%arg13 : memref<!tpu.dma_semaphore, #tpu.memory_space<semaphore_mem>>)
    %mul3A_26 = arith.constant 640 : i32
    %mul3A_27 = arith.muli %arg1, %mul3A_26 : i32
    %mul3A_28 = arith.constant 640 : i32
    %mul3A_29 = arith.muli %arg1, %mul3A_28 : i32
    %dma_start3A_30 = arith.constant 0 : i32
    %dma_start3A_31 = tpu.memref_slice %arg10[%mul3A_29, %dma_start3A_30] : memref<10240x32xf32, #tpu.memory_space<vmem_shared>> -> memref<640x32xf32, #tpu.memory_space<vmem_shared>>
    %dma_start3A_32 = arith.constant 0 : i32
    %dma_start3A_33 = tpu.memref_slice %arg4[%mul3A_27, %dma_start3A_32] : memref<10240x32xf32, #tpu.memory_space<hbm>> -> memref<640x32xf32, #tpu.memory_space<hbm>>
    tpu.enqueue_dma source(%dma_start3A_33 : memref<640x32xf32, #tpu.memory_space<hbm>>) target(%dma_start3A_31 : memref<640x32xf32, #tpu.memory_space<vmem_shared>>) target_semaphore(%arg14 : memref<!tpu.dma_semaphore, #tpu.memory_space<semaphore_mem>>)
    %dma_wait3A = arith.constant 0 : i32
    %dma_wait3A_34 = arith.constant 0 : i32
    %dma_wait3A_35 = tpu.memref_slice %arg3[%dma_wait3A, %mul3A_4, %dma_wait3A_34] : memref<2x2560x128xi32, #tpu.memory_space<hbm>> -> memref<1x80x128xi32, #tpu.memory_space<hbm>>
    %dma_wait3A_36 = tpu.memref_squeeze %dma_wait3A_35 : memref<1x80x128xi32, #tpu.memory_space<hbm>> -> memref<80x128xi32, #tpu.memory_space<hbm>>
    %dma_wait3A_37 = arith.constant 0 : i32
    %dma_wait3A_38 = tpu.memref_slice %arg3[%dma_wait3A, %mul3A_4, %dma_wait3A_37] : memref<2x2560x128xi32, #tpu.memory_space<hbm>> -> memref<1x80x128xi32, #tpu.memory_space<hbm>>
    %dma_wait3A_39 = tpu.memref_squeeze %dma_wait3A_38 : memref<1x80x128xi32, #tpu.memory_space<hbm>> -> memref<80x128xi32, #tpu.memory_space<hbm>>
    tpu.wait_dma2 semaphore(%arg11 : memref<!tpu.dma_semaphore, #tpu.memory_space<semaphore_mem>>) src(%dma_wait3A_39 : memref<80x128xi32, #tpu.memory_space<hbm>>) dst(%arg6 : memref<80x128xi32, #tpu.memory_space<vmem>>)
    %dma_wait3A_40 = arith.constant 1 : i32
    %dma_wait3A_41 = arith.constant 0 : i32
    %dma_wait3A_42 = tpu.memref_slice %arg3[%dma_wait3A_40, %mul3A_4, %dma_wait3A_41] : memref<2x2560x128xi32, #tpu.memory_space<hbm>> -> memref<1x80x128xi32, #tpu.memory_space<hbm>>
    %dma_wait3A_43 = tpu.memref_squeeze %dma_wait3A_42 : memref<1x80x128xi32, #tpu.memory_space<hbm>> -> memref<80x128xi32, #tpu.memory_space<hbm>>
    %dma_wait3A_44 = arith.constant 0 : i32
    %dma_wait3A_45 = tpu.memref_slice %arg3[%dma_wait3A_40, %mul3A_4, %dma_wait3A_44] : memref<2x2560x128xi32, #tpu.memory_space<hbm>> -> memref<1x80x128xi32, #tpu.memory_space<hbm>>
    %dma_wait3A_46 = tpu.memref_squeeze %dma_wait3A_45 : memref<1x80x128xi32, #tpu.memory_space<hbm>> -> memref<80x128xi32, #tpu.memory_space<hbm>>
    tpu.wait_dma2 semaphore(%arg12 : memref<!tpu.dma_semaphore, #tpu.memory_space<semaphore_mem>>) src(%dma_wait3A_46 : memref<80x128xi32, #tpu.memory_space<hbm>>) dst(%arg7 : memref<80x128xi32, #tpu.memory_space<vmem>>)
    %dma_wait3A_47 = arith.constant 0 : i32
    %dma_wait3A_48 = tpu.memref_slice %arg9[%mul3A_21, %dma_wait3A_47] : memref<10240x32xf32, #tpu.memory_space<vmem_shared>> -> memref<640x32xf32, #tpu.memory_space<vmem_shared>>
    %dma_wait3A_49 = arith.constant 0 : i32
    %dma_wait3A_50 = tpu.memref_slice %arg2[%mul3A_19, %dma_wait3A_49] : memref<10240x32xf32, #tpu.memory_space<hbm>> -> memref<640x32xf32, #tpu.memory_space<hbm>>
    tpu.wait_dma2 semaphore(%arg13 : memref<!tpu.dma_semaphore, #tpu.memory_space<semaphore_mem>>) src(%dma_wait3A_50 : memref<640x32xf32, #tpu.memory_space<hbm>>) dst(%dma_wait3A_48 : memref<640x32xf32, #tpu.memory_space<vmem_shared>>)
    %dma_wait3A_51 = arith.constant 0 : i32
    %dma_wait3A_52 = tpu.memref_slice %arg10[%mul3A_29, %dma_wait3A_51] : memref<10240x32xf32, #tpu.memory_space<vmem_shared>> -> memref<640x32xf32, #tpu.memory_space<vmem_shared>>
    %dma_wait3A_53 = arith.constant 0 : i32
    %dma_wait3A_54 = tpu.memref_slice %arg4[%mul3A_27, %dma_wait3A_53] : memref<10240x32xf32, #tpu.memory_space<hbm>> -> memref<640x32xf32, #tpu.memory_space<hbm>>
    tpu.wait_dma2 semaphore(%arg14 : memref<!tpu.dma_semaphore, #tpu.memory_space<semaphore_mem>>) src(%dma_wait3A_54 : memref<640x32xf32, #tpu.memory_space<hbm>>) dst(%dma_wait3A_52 : memref<640x32xf32, #tpu.memory_space<vmem_shared>>)
    %barrier3A = arith.constant 0 : index
    tpu.barrier barrier_id(%barrier3A)
    %dma_start3A_55 = arith.constant 0 : i32
    %dma_start3A_56 = arith.constant 0 : i32
    %dma_start3A_57 = arith.constant 0 : i32
    %dma_start3A_58 = arith.constant 0 : i32
    %dma_start3A_59 = tpu.memref_slice %arg8[%dma_start3A_56, %dma_start3A_57, %dma_start3A_58] : memref<8x128x32xf32, #tpu.memory_space<vmem>> -> memref<1x128x32xf32, #tpu.memory_space<vmem>>
    %dma_start3A_60 = tpu.memref_squeeze %dma_start3A_59 : memref<1x128x32xf32, #tpu.memory_space<vmem>> -> memref<128x32xf32, #tpu.memory_space<vmem>>
    %dma_start3A_61 = arith.constant 0 : i32
    %dma_start3A_62 = tpu.memref_slice %arg6[%dma_start3A_55, %dma_start3A_61] : memref<80x128xi32, #tpu.memory_space<vmem>> -> memref<1x128xi32, #tpu.memory_space<vmem>>
    %dma_start3A_63 = tpu.memref_squeeze %dma_start3A_62 : memref<1x128xi32, #tpu.memory_space<vmem>> -> memref<128xi32, #tpu.memory_space<vmem>>
    %dma_start3A_64 = arith.constant 0 : i32
    %dma_start3A_65 = arith.constant 0 : i32
    %dma_start3A_66 = tpu.memref_slice %arg9[%dma_start3A_64, %dma_start3A_65] : memref<10240x32xf32, #tpu.memory_space<vmem_shared>> -> memref<10240x32xf32, #tpu.memory_space<vmem_shared>>
    tpu.enqueue_indirect_dma source(%dma_start3A_66 : memref<10240x32xf32, #tpu.memory_space<vmem_shared>>) target(%dma_start3A_60 : memref<128x32xf32, #tpu.memory_space<vmem>>) offsets(%dma_start3A_63 : memref<128xi32, #tpu.memory_space<vmem>>) semaphore(%arg11 : memref<!tpu.dma_semaphore, #tpu.memory_space<semaphore_mem>>)
    %dma_start3A_67 = arith.constant 1 : i32
    %dma_start3A_68 = arith.constant 1 : i32
    %dma_start3A_69 = arith.constant 0 : i32
    %dma_start3A_70 = arith.constant 0 : i32
    %dma_start3A_71 = tpu.memref_slice %arg8[%dma_start3A_68, %dma_start3A_69, %dma_start3A_70] : memref<8x128x32xf32, #tpu.memory_space<vmem>> -> memref<1x128x32xf32, #tpu.memory_space<vmem>>
    %dma_start3A_72 = tpu.memref_squeeze %dma_start3A_71 : memref<1x128x32xf32, #tpu.memory_space<vmem>> -> memref<128x32xf32, #tpu.memory_space<vmem>>
    %dma_start3A_73 = arith.constant 0 : i32
    %dma_start3A_74 = tpu.memref_slice %arg6[%dma_start3A_67, %dma_start3A_73] : memref<80x128xi32, #tpu.memory_space<vmem>> -> memref<1x128xi32, #tpu.memory_space<vmem>>
    %dma_start3A_75 = tpu.memref_squeeze %dma_start3A_74 : memref<1x128xi32, #tpu.memory_space<vmem>> -> memref<128xi32, #tpu.memory_space<vmem>>
    %dma_start3A_76 = arith.constant 0 : i32
    %dma_start3A_77 = arith.constant 0 : i32
    %dma_start3A_78 = tpu.memref_slice %arg9[%dma_start3A_76, %dma_start3A_77] : memref<10240x32xf32, #tpu.memory_space<vmem_shared>> -> memref<10240x32xf32, #tpu.memory_space<vmem_shared>>
    tpu.enqueue_indirect_dma source(%dma_start3A_78 : memref<10240x32xf32, #tpu.memory_space<vmem_shared>>) target(%dma_start3A_72 : memref<128x32xf32, #tpu.memory_space<vmem>>) offsets(%dma_start3A_75 : memref<128xi32, #tpu.memory_space<vmem>>) semaphore(%arg12 : memref<!tpu.dma_semaphore, #tpu.memory_space<semaphore_mem>>)
    %dma_start3A_79 = arith.constant 2 : i32
    %dma_start3A_80 = arith.constant 2 : i32
    %dma_start3A_81 = arith.constant 0 : i32
    %dma_start3A_82 = arith.constant 0 : i32
    %dma_start3A_83 = tpu.memref_slice %arg8[%dma_start3A_80, %dma_start3A_81, %dma_start3A_82] : memref<8x128x32xf32, #tpu.memory_space<vmem>> -> memref<1x128x32xf32, #tpu.memory_space<vmem>>
    %dma_start3A_84 = tpu.memref_squeeze %dma_start3A_83 : memref<1x128x32xf32, #tpu.memory_space<vmem>> -> memref<128x32xf32, #tpu.memory_space<vmem>>
    %dma_start3A_85 = arith.constant 0 : i32
    %dma_start3A_86 = tpu.memref_slice %arg6[%dma_start3A_79, %dma_start3A_85] : memref<80x128xi32, #tpu.memory_space<vmem>> -> memref<1x128xi32, #tpu.memory_space<vmem>>
    %dma_start3A_87 = tpu.memref_squeeze %dma_start3A_86 : memref<1x128xi32, #tpu.memory_space<vmem>> -> memref<128xi32, #tpu.memory_space<vmem>>
    %dma_start3A_88 = arith.constant 0 : i32
    %dma_start3A_89 = arith.constant 0 : i32
    %dma_start3A_90 = tpu.memref_slice %arg9[%dma_start3A_88, %dma_start3A_89] : memref<10240x32xf32, #tpu.memory_space<vmem_shared>> -> memref<10240x32xf32, #tpu.memory_space<vmem_shared>>
    tpu.enqueue_indirect_dma source(%dma_start3A_90 : memref<10240x32xf32, #tpu.memory_space<vmem_shared>>) target(%dma_start3A_84 : memref<128x32xf32, #tpu.memory_space<vmem>>) offsets(%dma_start3A_87 : memref<128xi32, #tpu.memory_space<vmem>>) semaphore(%arg13 : memref<!tpu.dma_semaphore, #tpu.memory_space<semaphore_mem>>)
    %dma_start3A_91 = arith.constant 3 : i32
    %dma_start3A_92 = arith.constant 3 : i32
    %dma_start3A_93 = arith.constant 0 : i32
    %dma_start3A_94 = arith.constant 0 : i32
    %dma_start3A_95 = tpu.memref_slice %arg8[%dma_start3A_92, %dma_start3A_93, %dma_start3A_94] : memref<8x128x32xf32, #tpu.memory_space<vmem>> -> memref<1x128x32xf32, #tpu.memory_space<vmem>>
    %dma_start3A_96 = tpu.memref_squeeze %dma_start3A_95 : memref<1x128x32xf32, #tpu.memory_space<vmem>> -> memref<128x32xf32, #tpu.memory_space<vmem>>
    %dma_start3A_97 = arith.constant 0 : i32
    %dma_start3A_98 = tpu.memref_slice %arg6[%dma_start3A_91, %dma_start3A_97] : memref<80x128xi32, #tpu.memory_space<vmem>> -> memref<1x128xi32, #tpu.memory_space<vmem>>
    %dma_start3A_99 = tpu.memref_squeeze %dma_start3A_98 : memref<1x128xi32, #tpu.memory_space<vmem>> -> memref<128xi32, #tpu.memory_space<vmem>>
    %dma_start3A_100 = arith.constant 0 : i32
    %dma_start3A_101 = arith.constant 0 : i32
    %dma_start3A_102 = tpu.memref_slice %arg9[%dma_start3A_100, %dma_start3A_101] : memref<10240x32xf32, #tpu.memory_space<vmem_shared>> -> memref<10240x32xf32, #tpu.memory_space<vmem_shared>>
    tpu.enqueue_indirect_dma source(%dma_start3A_102 : memref<10240x32xf32, #tpu.memory_space<vmem_shared>>) target(%dma_start3A_96 : memref<128x32xf32, #tpu.memory_space<vmem>>) offsets(%dma_start3A_99 : memref<128xi32, #tpu.memory_space<vmem>>) semaphore(%arg14 : memref<!tpu.dma_semaphore, #tpu.memory_space<semaphore_mem>>)
    %dma_start3A_103 = arith.constant 4 : i32
    %dma_start3A_104 = arith.constant 4 : i32
    %dma_start3A_105 = arith.constant 0 : i32
    %dma_start3A_106 = arith.constant 0 : i32
    %dma_start3A_107 = tpu.memref_slice %arg8[%dma_start3A_104, %dma_start3A_105, %dma_start3A_106] : memref<8x128x32xf32, #tpu.memory_space<vmem>> -> memref<1x128x32xf32, #tpu.memory_space<vmem>>
    %dma_start3A_108 = tpu.memref_squeeze %dma_start3A_107 : memref<1x128x32xf32, #tpu.memory_space<vmem>> -> memref<128x32xf32, #tpu.memory_space<vmem>>
    %dma_start3A_109 = arith.constant 0 : i32
    %dma_start3A_110 = tpu.memref_slice %arg6[%dma_start3A_103, %dma_start3A_109] : memref<80x128xi32, #tpu.memory_space<vmem>> -> memref<1x128xi32, #tpu.memory_space<vmem>>
    %dma_start3A_111 = tpu.memref_squeeze %dma_start3A_110 : memref<1x128xi32, #tpu.memory_space<vmem>> -> memref<128xi32, #tpu.memory_space<vmem>>
    %dma_start3A_112 = arith.constant 0 : i32
    %dma_start3A_113 = arith.constant 0 : i32
    %dma_start3A_114 = tpu.memref_slice %arg9[%dma_start3A_112, %dma_start3A_113] : memref<10240x32xf32, #tpu.memory_space<vmem_shared>> -> memref<10240x32xf32, #tpu.memory_space<vmem_shared>>
    tpu.enqueue_indirect_dma source(%dma_start3A_114 : memref<10240x32xf32, #tpu.memory_space<vmem_shared>>) target(%dma_start3A_108 : memref<128x32xf32, #tpu.memory_space<vmem>>) offsets(%dma_start3A_111 : memref<128xi32, #tpu.memory_space<vmem>>) semaphore(%arg15 : memref<!tpu.dma_semaphore, #tpu.memory_space<semaphore_mem>>)
    %dma_start3A_115 = arith.constant 5 : i32
    %dma_start3A_116 = arith.constant 5 : i32
    %dma_start3A_117 = arith.constant 0 : i32
    %dma_start3A_118 = arith.constant 0 : i32
    %dma_start3A_119 = tpu.memref_slice %arg8[%dma_start3A_116, %dma_start3A_117, %dma_start3A_118] : memref<8x128x32xf32, #tpu.memory_space<vmem>> -> memref<1x128x32xf32, #tpu.memory_space<vmem>>
    %dma_start3A_120 = tpu.memref_squeeze %dma_start3A_119 : memref<1x128x32xf32, #tpu.memory_space<vmem>> -> memref<128x32xf32, #tpu.memory_space<vmem>>
    %dma_start3A_121 = arith.constant 0 : i32
    %dma_start3A_122 = tpu.memref_slice %arg6[%dma_start3A_115, %dma_start3A_121] : memref<80x128xi32, #tpu.memory_space<vmem>> -> memref<1x128xi32, #tpu.memory_space<vmem>>
    %dma_start3A_123 = tpu.memref_squeeze %dma_start3A_122 : memref<1x128xi32, #tpu.memory_space<vmem>> -> memref<128xi32, #tpu.memory_space<vmem>>
    %dma_start3A_124 = arith.constant 0 : i32
    %dma_start3A_125 = arith.constant 0 : i32
    %dma_start3A_126 = tpu.memref_slice %arg9[%dma_start3A_124, %dma_start3A_125] : memref<10240x32xf32, #tpu.memory_space<vmem_shared>> -> memref<10240x32xf32, #tpu.memory_space<vmem_shared>>
    tpu.enqueue_indirect_dma source(%dma_start3A_126 : memref<10240x32xf32, #tpu.memory_space<vmem_shared>>) target(%dma_start3A_120 : memref<128x32xf32, #tpu.memory_space<vmem>>) offsets(%dma_start3A_123 : memref<128xi32, #tpu.memory_space<vmem>>) semaphore(%arg16 : memref<!tpu.dma_semaphore, #tpu.memory_space<semaphore_mem>>)
    %dma_start3A_127 = arith.constant 6 : i32
    %dma_start3A_128 = arith.constant 6 : i32
    %dma_start3A_129 = arith.constant 0 : i32
    %dma_start3A_130 = arith.constant 0 : i32
    %dma_start3A_131 = tpu.memref_slice %arg8[%dma_start3A_128, %dma_start3A_129, %dma_start3A_130] : memref<8x128x32xf32, #tpu.memory_space<vmem>> -> memref<1x128x32xf32, #tpu.memory_space<vmem>>
    %dma_start3A_132 = tpu.memref_squeeze %dma_start3A_131 : memref<1x128x32xf32, #tpu.memory_space<vmem>> -> memref<128x32xf32, #tpu.memory_space<vmem>>
    %dma_start3A_133 = arith.constant 0 : i32
    %dma_start3A_134 = tpu.memref_slice %arg6[%dma_start3A_127, %dma_start3A_133] : memref<80x128xi32, #tpu.memory_space<vmem>> -> memref<1x128xi32, #tpu.memory_space<vmem>>
    %dma_start3A_135 = tpu.memref_squeeze %dma_start3A_134 : memref<1x128xi32, #tpu.memory_space<vmem>> -> memref<128xi32, #tpu.memory_space<vmem>>
    %dma_start3A_136 = arith.constant 0 : i32
    %dma_start3A_137 = arith.constant 0 : i32
    %dma_start3A_138 = tpu.memref_slice %arg9[%dma_start3A_136, %dma_start3A_137] : memref<10240x32xf32, #tpu.memory_space<vmem_shared>> -> memref<10240x32xf32, #tpu.memory_space<vmem_shared>>
    tpu.enqueue_indirect_dma source(%dma_start3A_138 : memref<10240x32xf32, #tpu.memory_space<vmem_shared>>) target(%dma_start3A_132 : memref<128x32xf32, #tpu.memory_space<vmem>>) offsets(%dma_start3A_135 : memref<128xi32, #tpu.memory_space<vmem>>) semaphore(%arg17 : memref<!tpu.dma_semaphore, #tpu.memory_space<semaphore_mem>>)
    %dma_start3A_139 = arith.constant 7 : i32
    %dma_start3A_140 = arith.constant 7 : i32
    %dma_start3A_141 = arith.constant 0 : i32
    %dma_start3A_142 = arith.constant 0 : i32
    %dma_start3A_143 = tpu.memref_slice %arg8[%dma_start3A_140, %dma_start3A_141, %dma_start3A_142] : memref<8x128x32xf32, #tpu.memory_space<vmem>> -> memref<1x128x32xf32, #tpu.memory_space<vmem>>
    %dma_start3A_144 = tpu.memref_squeeze %dma_start3A_143 : memref<1x128x32xf32, #tpu.memory_space<vmem>> -> memref<128x32xf32, #tpu.memory_space<vmem>>
    %dma_start3A_145 = arith.constant 0 : i32
    %dma_start3A_146 = tpu.memref_slice %arg6[%dma_start3A_139, %dma_start3A_145] : memref<80x128xi32, #tpu.memory_space<vmem>> -> memref<1x128xi32, #tpu.memory_space<vmem>>
    %dma_start3A_147 = tpu.memref_squeeze %dma_start3A_146 : memref<1x128xi32, #tpu.memory_space<vmem>> -> memref<128xi32, #tpu.memory_space<vmem>>
    %dma_start3A_148 = arith.constant 0 : i32
    %dma_start3A_149 = arith.constant 0 : i32
    %dma_start3A_150 = tpu.memref_slice %arg9[%dma_start3A_148, %dma_start3A_149] : memref<10240x32xf32, #tpu.memory_space<vmem_shared>> -> memref<10240x32xf32, #tpu.memory_space<vmem_shared>>
    tpu.enqueue_indirect_dma source(%dma_start3A_150 : memref<10240x32xf32, #tpu.memory_space<vmem_shared>>) target(%dma_start3A_144 : memref<128x32xf32, #tpu.memory_space<vmem>>) offsets(%dma_start3A_147 : memref<128xi32, #tpu.memory_space<vmem>>) semaphore(%arg18 : memref<!tpu.dma_semaphore, #tpu.memory_space<semaphore_mem>>)
    %scan3A = arith.constant 0 : i32
    %scan3A_151 = arith.constant 0 : i32
    %scan3A_152 = arith.constant 10 : i32
    %scan3A_153 = arith.addi %scan3A_151, %scan3A_152 : i32
    %scan3A_154 = arith.constant 1 : i32
    scf.for %scan3A_161 = %scan3A_151 to %scan3A_153 step %scan3A_154  : i32 {
      %mul3A_162 = arith.constant 8 : i32
      %mul3A_163 = arith.muli %scan3A_161, %mul3A_162 : i32
      %add3A_164 = arith.constant 0 : i32
      %add3A_165 = arith.addi %mul3A_163, %add3A_164 : i32
      %lt3A_166 = arith.cmpi slt, %add3A_165, %select_n3A : i32
      %convert_element_type3A = arith.extui %lt3A_166 : i1 to i32
      %cond3A = arith.constant 0 : i32
      %cond3A_167 = arith.cmpi ne, %convert_element_type3A, %cond3A : i32
      scf.if %cond3A_167 {
        %dma_wait3A_224 = arith.constant 0 : i32
        %dma_wait3A_225 = arith.constant 0 : i32
        %dma_wait3A_226 = arith.constant 0 : i32
        %dma_wait3A_227 = tpu.memref_slice %arg8[%dma_wait3A_224, %dma_wait3A_225, %dma_wait3A_226] : memref<8x128x32xf32, #tpu.memory_space<vmem>> -> memref<1x128x32xf32, #tpu.memory_space<vmem>>
        %dma_wait3A_228 = tpu.memref_squeeze %dma_wait3A_227 : memref<1x128x32xf32, #tpu.memory_space<vmem>> -> memref<128x32xf32, #tpu.memory_space<vmem>>
        %dma_wait3A_229 = arith.constant 0 : i32
        %dma_wait3A_230 = tpu.memref_slice %arg6[%add3A_165, %dma_wait3A_229] : memref<80x128xi32, #tpu.memory_space<vmem>> -> memref<1x128xi32, #tpu.memory_space<vmem>>
        %dma_wait3A_231 = tpu.memref_squeeze %dma_wait3A_230 : memref<1x128xi32, #tpu.memory_space<vmem>> -> memref<128xi32, #tpu.memory_space<vmem>>
        %dma_wait3A_232 = arith.constant 0 : i32
        %dma_wait3A_233 = arith.constant 0 : i32
        %dma_wait3A_234 = tpu.memref_slice %arg9[%dma_wait3A_232, %dma_wait3A_233] : memref<10240x32xf32, #tpu.memory_space<vmem_shared>> -> memref<10240x32xf32, #tpu.memory_space<vmem_shared>>
        tpu.wait_indirect_dma semaphore(%arg11 : memref<!tpu.dma_semaphore, #tpu.memory_space<semaphore_mem>>) src(%dma_wait3A_234 : memref<10240x32xf32, #tpu.memory_space<vmem_shared>>) dst(%dma_wait3A_228 : memref<128x32xf32, #tpu.memory_space<vmem>>)
        %run_scoped3A = arith.constant 0 : i32
        "tpu.region"() ({
          %run_scoped3A_241 = tpu.sem_alloc : memref<!tpu.dma_semaphore, #tpu.memory_space<semaphore_mem>>
          %dma_start3A_242 = arith.constant 0 : i32
          %dma_start3A_243 = arith.constant 0 : i32
          %dma_start3A_244 = tpu.memref_slice %arg8[%run_scoped3A, %dma_start3A_242, %dma_start3A_243] : memref<8x128x32xf32, #tpu.memory_space<vmem>> -> memref<1x128x32xf32, #tpu.memory_space<vmem>>
          %dma_start3A_245 = tpu.memref_squeeze %dma_start3A_244 : memref<1x128x32xf32, #tpu.memory_space<vmem>> -> memref<128x32xf32, #tpu.memory_space<vmem>>
          %dma_start3A_246 = arith.constant 0 : i32
          %dma_start3A_247 = tpu.memref_slice %arg7[%add3A_165, %dma_start3A_246] : memref<80x128xi32, #tpu.memory_space<vmem>> -> memref<1x128xi32, #tpu.memory_space<vmem>>
          %dma_start3A_248 = tpu.memref_squeeze %dma_start3A_247 : memref<1x128xi32, #tpu.memory_space<vmem>> -> memref<128xi32, #tpu.memory_space<vmem>>
          %dma_start3A_249 = arith.constant 0 : i32
          %dma_start3A_250 = arith.constant 0 : i32
          %dma_start3A_251 = tpu.memref_slice %arg10[%dma_start3A_249, %dma_start3A_250] : memref<10240x32xf32, #tpu.memory_space<vmem_shared>> -> memref<10240x32xf32, #tpu.memory_space<vmem_shared>>
          tpu.enqueue_indirect_dma source(%dma_start3A_245 : memref<128x32xf32, #tpu.memory_space<vmem>>) target(%dma_start3A_251 : memref<10240x32xf32, #tpu.memory_space<vmem_shared>>) offsets(%dma_start3A_248 : memref<128xi32, #tpu.memory_space<vmem>>) semaphore(%run_scoped3A_241 : memref<!tpu.dma_semaphore, #tpu.memory_space<semaphore_mem>>) {add = true}
          %dma_wait3A_252 = arith.constant 0 : i32
          %dma_wait3A_253 = arith.constant 0 : i32
          %dma_wait3A_254 = tpu.memref_slice %arg8[%run_scoped3A, %dma_wait3A_252, %dma_wait3A_253] : memref<8x128x32xf32, #tpu.memory_space<vmem>> -> memref<1x128x32xf32, #tpu.memory_space<vmem>>
          %dma_wait3A_255 = tpu.memref_squeeze %dma_wait3A_254 : memref<1x128x32xf32, #tpu.memory_space<vmem>> -> memref<128x32xf32, #tpu.memory_space<vmem>>
          %dma_wait3A_256 = arith.constant 0 : i32
          %dma_wait3A_257 = tpu.memref_slice %arg7[%add3A_165, %dma_wait3A_256] : memref<80x128xi32, #tpu.memory_space<vmem>> -> memref<1x128xi32, #tpu.memory_space<vmem>>
          %dma_wait3A_258 = tpu.memref_squeeze %dma_wait3A_257 : memref<1x128xi32, #tpu.memory_space<vmem>> -> memref<128xi32, #tpu.memory_space<vmem>>
          %dma_wait3A_259 = arith.constant 0 : i32
          %dma_wait3A_260 = arith.constant 0 : i32
          %dma_wait3A_261 = tpu.memref_slice %arg10[%dma_wait3A_259, %dma_wait3A_260] : memref<10240x32xf32, #tpu.memory_space<vmem_shared>> -> memref<10240x32xf32, #tpu.memory_space<vmem_shared>>
          tpu.wait_indirect_dma semaphore(%run_scoped3A_241 : memref<!tpu.dma_semaphore, #tpu.memory_space<semaphore_mem>>) src(%dma_wait3A_255 : memref<128x32xf32, #tpu.memory_space<vmem>>) dst(%dma_wait3A_261 : memref<10240x32xf32, #tpu.memory_space<vmem_shared>>)
          tpu.yield
        }) : () -> ()
        %add3A_235 = arith.constant 8 : i32
        %add3A_236 = arith.addi %add3A_165, %add3A_235 : i32
        %lt3A_237 = arith.cmpi slt, %add3A_236, %select_n3A : i32
        %convert_element_type3A_238 = arith.extui %lt3A_237 : i1 to i32
        %cond3A_239 = arith.constant 0 : i32
        %cond3A_240 = arith.cmpi ne, %convert_element_type3A_238, %cond3A_239 : i32
        scf.if %cond3A_240 {
          %add3A_241 = arith.constant 8 : i32
          %add3A_242 = arith.addi %add3A_165, %add3A_241 : i32
          %dma_start3A_243 = arith.constant 0 : i32
          %dma_start3A_244 = arith.constant 0 : i32
          %dma_start3A_245 = arith.constant 0 : i32
          %dma_start3A_246 = tpu.memref_slice %arg8[%dma_start3A_243, %dma_start3A_244, %dma_start3A_245] : memref<8x128x32xf32, #tpu.memory_space<vmem>> -> memref<1x128x32xf32, #tpu.memory_space<vmem>>
          %dma_start3A_247 = tpu.memref_squeeze %dma_start3A_246 : memref<1x128x32xf32, #tpu.memory_space<vmem>> -> memref<128x32xf32, #tpu.memory_space<vmem>>
          %dma_start3A_248 = arith.constant 0 : i32
          %dma_start3A_249 = tpu.memref_slice %arg6[%add3A_242, %dma_start3A_248] : memref<80x128xi32, #tpu.memory_space<vmem>> -> memref<1x128xi32, #tpu.memory_space<vmem>>
          %dma_start3A_250 = tpu.memref_squeeze %dma_start3A_249 : memref<1x128xi32, #tpu.memory_space<vmem>> -> memref<128xi32, #tpu.memory_space<vmem>>
          %dma_start3A_251 = arith.constant 0 : i32
          %dma_start3A_252 = arith.constant 0 : i32
          %dma_start3A_253 = tpu.memref_slice %arg9[%dma_start3A_251, %dma_start3A_252] : memref<10240x32xf32, #tpu.memory_space<vmem_shared>> -> memref<10240x32xf32, #tpu.memory_space<vmem_shared>>
          tpu.enqueue_indirect_dma source(%dma_start3A_253 : memref<10240x32xf32, #tpu.memory_space<vmem_shared>>) target(%dma_start3A_247 : memref<128x32xf32, #tpu.memory_space<vmem>>) offsets(%dma_start3A_250 : memref<128xi32, #tpu.memory_space<vmem>>) semaphore(%arg11 : memref<!tpu.dma_semaphore, #tpu.memory_space<semaphore_mem>>)
        } else {
        }
      } else {
      }
      %mul3A_168 = arith.constant 8 : i32
      %mul3A_169 = arith.muli %scan3A_161, %mul3A_168 : i32
      %add3A_170 = arith.constant 1 : i32
      %add3A_171 = arith.addi %mul3A_169, %add3A_170 : i32
      %lt3A_172 = arith.cmpi slt, %add3A_171, %select_n3A : i32
      %convert_element_type3A_173 = arith.extui %lt3A_172 : i1 to i32
      %cond3A_174 = arith.constant 0 : i32
      %cond3A_175 = arith.cmpi ne, %convert_element_type3A_173, %cond3A_174 : i32
      scf.if %cond3A_175 {
        %dma_wait3A_224 = arith.constant 1 : i32
        %dma_wait3A_225 = arith.constant 0 : i32
        %dma_wait3A_226 = arith.constant 0 : i32
        %dma_wait3A_227 = tpu.memref_slice %arg8[%dma_wait3A_224, %dma_wait3A_225, %dma_wait3A_226] : memref<8x128x32xf32, #tpu.memory_space<vmem>> -> memref<1x128x32xf32, #tpu.memory_space<vmem>>
        %dma_wait3A_228 = tpu.memref_squeeze %dma_wait3A_227 : memref<1x128x32xf32, #tpu.memory_space<vmem>> -> memref<128x32xf32, #tpu.memory_space<vmem>>
        %dma_wait3A_229 = arith.constant 0 : i32
        %dma_wait3A_230 = tpu.memref_slice %arg6[%add3A_171, %dma_wait3A_229] : memref<80x128xi32, #tpu.memory_space<vmem>> -> memref<1x128xi32, #tpu.memory_space<vmem>>
        %dma_wait3A_231 = tpu.memref_squeeze %dma_wait3A_230 : memref<1x128xi32, #tpu.memory_space<vmem>> -> memref<128xi32, #tpu.memory_space<vmem>>
        %dma_wait3A_232 = arith.constant 0 : i32
        %dma_wait3A_233 = arith.constant 0 : i32
        %dma_wait3A_234 = tpu.memref_slice %arg9[%dma_wait3A_232, %dma_wait3A_233] : memref<10240x32xf32, #tpu.memory_space<vmem_shared>> -> memref<10240x32xf32, #tpu.memory_space<vmem_shared>>
        tpu.wait_indirect_dma semaphore(%arg12 : memref<!tpu.dma_semaphore, #tpu.memory_space<semaphore_mem>>) src(%dma_wait3A_234 : memref<10240x32xf32, #tpu.memory_space<vmem_shared>>) dst(%dma_wait3A_228 : memref<128x32xf32, #tpu.memory_space<vmem>>)
        %run_scoped3A = arith.constant 1 : i32
        "tpu.region"() ({
          %run_scoped3A_241 = tpu.sem_alloc : memref<!tpu.dma_semaphore, #tpu.memory_space<semaphore_mem>>
          %dma_start3A_242 = arith.constant 0 : i32
          %dma_start3A_243 = arith.constant 0 : i32
          %dma_start3A_244 = tpu.memref_slice %arg8[%run_scoped3A, %dma_start3A_242, %dma_start3A_243] : memref<8x128x32xf32, #tpu.memory_space<vmem>> -> memref<1x128x32xf32, #tpu.memory_space<vmem>>
          %dma_start3A_245 = tpu.memref_squeeze %dma_start3A_244 : memref<1x128x32xf32, #tpu.memory_space<vmem>> -> memref<128x32xf32, #tpu.memory_space<vmem>>
          %dma_start3A_246 = arith.constant 0 : i32
          %dma_start3A_247 = tpu.memref_slice %arg7[%add3A_171, %dma_start3A_246] : memref<80x128xi32, #tpu.memory_space<vmem>> -> memref<1x128xi32, #tpu.memory_space<vmem>>
          %dma_start3A_248 = tpu.memref_squeeze %dma_start3A_247 : memref<1x128xi32, #tpu.memory_space<vmem>> -> memref<128xi32, #tpu.memory_space<vmem>>
          %dma_start3A_249 = arith.constant 0 : i32
          %dma_start3A_250 = arith.constant 0 : i32
          %dma_start3A_251 = tpu.memref_slice %arg10[%dma_start3A_249, %dma_start3A_250] : memref<10240x32xf32, #tpu.memory_space<vmem_shared>> -> memref<10240x32xf32, #tpu.memory_space<vmem_shared>>
          tpu.enqueue_indirect_dma source(%dma_start3A_245 : memref<128x32xf32, #tpu.memory_space<vmem>>) target(%dma_start3A_251 : memref<10240x32xf32, #tpu.memory_space<vmem_shared>>) offsets(%dma_start3A_248 : memref<128xi32, #tpu.memory_space<vmem>>) semaphore(%run_scoped3A_241 : memref<!tpu.dma_semaphore, #tpu.memory_space<semaphore_mem>>) {add = true}
          %dma_wait3A_252 = arith.constant 0 : i32
          %dma_wait3A_253 = arith.constant 0 : i32
          %dma_wait3A_254 = tpu.memref_slice %arg8[%run_scoped3A, %dma_wait3A_252, %dma_wait3A_253] : memref<8x128x32xf32, #tpu.memory_space<vmem>> -> memref<1x128x32xf32, #tpu.memory_space<vmem>>
          %dma_wait3A_255 = tpu.memref_squeeze %dma_wait3A_254 : memref<1x128x32xf32, #tpu.memory_space<vmem>> -> memref<128x32xf32, #tpu.memory_space<vmem>>
          %dma_wait3A_256 = arith.constant 0 : i32
          %dma_wait3A_257 = tpu.memref_slice %arg7[%add3A_171, %dma_wait3A_256] : memref<80x128xi32, #tpu.memory_space<vmem>> -> memref<1x128xi32, #tpu.memory_space<vmem>>
          %dma_wait3A_258 = tpu.memref_squeeze %dma_wait3A_257 : memref<1x128xi32, #tpu.memory_space<vmem>> -> memref<128xi32, #tpu.memory_space<vmem>>
          %dma_wait3A_259 = arith.constant 0 : i32
          %dma_wait3A_260 = arith.constant 0 : i32
          %dma_wait3A_261 = tpu.memref_slice %arg10[%dma_wait3A_259, %dma_wait3A_260] : memref<10240x32xf32, #tpu.memory_space<vmem_shared>> -> memref<10240x32xf32, #tpu.memory_space<vmem_shared>>
          tpu.wait_indirect_dma semaphore(%run_scoped3A_241 : memref<!tpu.dma_semaphore, #tpu.memory_space<semaphore_mem>>) src(%dma_wait3A_255 : memref<128x32xf32, #tpu.memory_space<vmem>>) dst(%dma_wait3A_261 : memref<10240x32xf32, #tpu.memory_space<vmem_shared>>)
          tpu.yield
        }) : () -> ()
        %add3A_235 = arith.constant 8 : i32
        %add3A_236 = arith.addi %add3A_171, %add3A_235 : i32
        %lt3A_237 = arith.cmpi slt, %add3A_236, %select_n3A : i32
        %convert_element_type3A_238 = arith.extui %lt3A_237 : i1 to i32
        %cond3A_239 = arith.constant 0 : i32
        %cond3A_240 = arith.cmpi ne, %convert_element_type3A_238, %cond3A_239 : i32
        scf.if %cond3A_240 {
          %add3A_241 = arith.constant 8 : i32
          %add3A_242 = arith.addi %add3A_171, %add3A_241 : i32
          %dma_start3A_243 = arith.constant 1 : i32
          %dma_start3A_244 = arith.constant 0 : i32
          %dma_start3A_245 = arith.constant 0 : i32
          %dma_start3A_246 = tpu.memref_slice %arg8[%dma_start3A_243, %dma_start3A_244, %dma_start3A_245] : memref<8x128x32xf32, #tpu.memory_space<vmem>> -> memref<1x128x32xf32, #tpu.memory_space<vmem>>
          %dma_start3A_247 = tpu.memref_squeeze %dma_start3A_246 : memref<1x128x32xf32, #tpu.memory_space<vmem>> -> memref<128x32xf32, #tpu.memory_space<vmem>>
          %dma_start3A_248 = arith.constant 0 : i32
          %dma_start3A_249 = tpu.memref_slice %arg6[%add3A_242, %dma_start3A_248] : memref<80x128xi32, #tpu.memory_space<vmem>> -> memref<1x128xi32, #tpu.memory_space<vmem>>
          %dma_start3A_250 = tpu.memref_squeeze %dma_start3A_249 : memref<1x128xi32, #tpu.memory_space<vmem>> -> memref<128xi32, #tpu.memory_space<vmem>>
          %dma_start3A_251 = arith.constant 0 : i32
          %dma_start3A_252 = arith.constant 0 : i32
          %dma_start3A_253 = tpu.memref_slice %arg9[%dma_start3A_251, %dma_start3A_252] : memref<10240x32xf32, #tpu.memory_space<vmem_shared>> -> memref<10240x32xf32, #tpu.memory_space<vmem_shared>>
          tpu.enqueue_indirect_dma source(%dma_start3A_253 : memref<10240x32xf32, #tpu.memory_space<vmem_shared>>) target(%dma_start3A_247 : memref<128x32xf32, #tpu.memory_space<vmem>>) offsets(%dma_start3A_250 : memref<128xi32, #tpu.memory_space<vmem>>) semaphore(%arg12 : memref<!tpu.dma_semaphore, #tpu.memory_space<semaphore_mem>>)
        } else {
        }
      } else {
      }
      %mul3A_176 = arith.constant 8 : i32
      %mul3A_177 = arith.muli %scan3A_161, %mul3A_176 : i32
      %add3A_178 = arith.constant 2 : i32
      %add3A_179 = arith.addi %mul3A_177, %add3A_178 : i32
      %lt3A_180 = arith.cmpi slt, %add3A_179, %select_n3A : i32
      %convert_element_type3A_181 = arith.extui %lt3A_180 : i1 to i32
      %cond3A_182 = arith.constant 0 : i32
      %cond3A_183 = arith.cmpi ne, %convert_element_type3A_181, %cond3A_182 : i32
      scf.if %cond3A_183 {
        %dma_wait3A_224 = arith.constant 2 : i32
        %dma_wait3A_225 = arith.constant 0 : i32
        %dma_wait3A_226 = arith.constant 0 : i32
        %dma_wait3A_227 = tpu.memref_slice %arg8[%dma_wait3A_224, %dma_wait3A_225, %dma_wait3A_226] : memref<8x128x32xf32, #tpu.memory_space<vmem>> -> memref<1x128x32xf32, #tpu.memory_space<vmem>>
        %dma_wait3A_228 = tpu.memref_squeeze %dma_wait3A_227 : memref<1x128x32xf32, #tpu.memory_space<vmem>> -> memref<128x32xf32, #tpu.memory_space<vmem>>
        %dma_wait3A_229 = arith.constant 0 : i32
        %dma_wait3A_230 = tpu.memref_slice %arg6[%add3A_179, %dma_wait3A_229] : memref<80x128xi32, #tpu.memory_space<vmem>> -> memref<1x128xi32, #tpu.memory_space<vmem>>
        %dma_wait3A_231 = tpu.memref_squeeze %dma_wait3A_230 : memref<1x128xi32, #tpu.memory_space<vmem>> -> memref<128xi32, #tpu.memory_space<vmem>>
        %dma_wait3A_232 = arith.constant 0 : i32
        %dma_wait3A_233 = arith.constant 0 : i32
        %dma_wait3A_234 = tpu.memref_slice %arg9[%dma_wait3A_232, %dma_wait3A_233] : memref<10240x32xf32, #tpu.memory_space<vmem_shared>> -> memref<10240x32xf32, #tpu.memory_space<vmem_shared>>
        tpu.wait_indirect_dma semaphore(%arg13 : memref<!tpu.dma_semaphore, #tpu.memory_space<semaphore_mem>>) src(%dma_wait3A_234 : memref<10240x32xf32, #tpu.memory_space<vmem_shared>>) dst(%dma_wait3A_228 : memref<128x32xf32, #tpu.memory_space<vmem>>)
        %run_scoped3A = arith.constant 2 : i32
        "tpu.region"() ({
          %run_scoped3A_241 = tpu.sem_alloc : memref<!tpu.dma_semaphore, #tpu.memory_space<semaphore_mem>>
          %dma_start3A_242 = arith.constant 0 : i32
          %dma_start3A_243 = arith.constant 0 : i32
          %dma_start3A_244 = tpu.memref_slice %arg8[%run_scoped3A, %dma_start3A_242, %dma_start3A_243] : memref<8x128x32xf32, #tpu.memory_space<vmem>> -> memref<1x128x32xf32, #tpu.memory_space<vmem>>
          %dma_start3A_245 = tpu.memref_squeeze %dma_start3A_244 : memref<1x128x32xf32, #tpu.memory_space<vmem>> -> memref<128x32xf32, #tpu.memory_space<vmem>>
          %dma_start3A_246 = arith.constant 0 : i32
          %dma_start3A_247 = tpu.memref_slice %arg7[%add3A_179, %dma_start3A_246] : memref<80x128xi32, #tpu.memory_space<vmem>> -> memref<1x128xi32, #tpu.memory_space<vmem>>
          %dma_start3A_248 = tpu.memref_squeeze %dma_start3A_247 : memref<1x128xi32, #tpu.memory_space<vmem>> -> memref<128xi32, #tpu.memory_space<vmem>>
          %dma_start3A_249 = arith.constant 0 : i32
          %dma_start3A_250 = arith.constant 0 : i32
          %dma_start3A_251 = tpu.memref_slice %arg10[%dma_start3A_249, %dma_start3A_250] : memref<10240x32xf32, #tpu.memory_space<vmem_shared>> -> memref<10240x32xf32, #tpu.memory_space<vmem_shared>>
          tpu.enqueue_indirect_dma source(%dma_start3A_245 : memref<128x32xf32, #tpu.memory_space<vmem>>) target(%dma_start3A_251 : memref<10240x32xf32, #tpu.memory_space<vmem_shared>>) offsets(%dma_start3A_248 : memref<128xi32, #tpu.memory_space<vmem>>) semaphore(%run_scoped3A_241 : memref<!tpu.dma_semaphore, #tpu.memory_space<semaphore_mem>>) {add = true}
          %dma_wait3A_252 = arith.constant 0 : i32
          %dma_wait3A_253 = arith.constant 0 : i32
          %dma_wait3A_254 = tpu.memref_slice %arg8[%run_scoped3A, %dma_wait3A_252, %dma_wait3A_253] : memref<8x128x32xf32, #tpu.memory_space<vmem>> -> memref<1x128x32xf32, #tpu.memory_space<vmem>>
          %dma_wait3A_255 = tpu.memref_squeeze %dma_wait3A_254 : memref<1x128x32xf32, #tpu.memory_space<vmem>> -> memref<128x32xf32, #tpu.memory_space<vmem>>
          %dma_wait3A_256 = arith.constant 0 : i32
          %dma_wait3A_257 = tpu.memref_slice %arg7[%add3A_179, %dma_wait3A_256] : memref<80x128xi32, #tpu.memory_space<vmem>> -> memref<1x128xi32, #tpu.memory_space<vmem>>
          %dma_wait3A_258 = tpu.memref_squeeze %dma_wait3A_257 : memref<1x128xi32, #tpu.memory_space<vmem>> -> memref<128xi32, #tpu.memory_space<vmem>>
          %dma_wait3A_259 = arith.constant 0 : i32
          %dma_wait3A_260 = arith.constant 0 : i32
          %dma_wait3A_261 = tpu.memref_slice %arg10[%dma_wait3A_259, %dma_wait3A_260] : memref<10240x32xf32, #tpu.memory_space<vmem_shared>> -> memref<10240x32xf32, #tpu.memory_space<vmem_shared>>
          tpu.wait_indirect_dma semaphore(%run_scoped3A_241 : memref<!tpu.dma_semaphore, #tpu.memory_space<semaphore_mem>>) src(%dma_wait3A_255 : memref<128x32xf32, #tpu.memory_space<vmem>>) dst(%dma_wait3A_261 : memref<10240x32xf32, #tpu.memory_space<vmem_shared>>)
          tpu.yield
        }) : () -> ()
        %add3A_235 = arith.constant 8 : i32
        %add3A_236 = arith.addi %add3A_179, %add3A_235 : i32
        %lt3A_237 = arith.cmpi slt, %add3A_236, %select_n3A : i32
        %convert_element_type3A_238 = arith.extui %lt3A_237 : i1 to i32
        %cond3A_239 = arith.constant 0 : i32
        %cond3A_240 = arith.cmpi ne, %convert_element_type3A_238, %cond3A_239 : i32
        scf.if %cond3A_240 {
          %add3A_241 = arith.constant 8 : i32
          %add3A_242 = arith.addi %add3A_179, %add3A_241 : i32
          %dma_start3A_243 = arith.constant 2 : i32
          %dma_start3A_244 = arith.constant 0 : i32
          %dma_start3A_245 = arith.constant 0 : i32
          %dma_start3A_246 = tpu.memref_slice %arg8[%dma_start3A_243, %dma_start3A_244, %dma_start3A_245] : memref<8x128x32xf32, #tpu.memory_space<vmem>> -> memref<1x128x32xf32, #tpu.memory_space<vmem>>
          %dma_start3A_247 = tpu.memref_squeeze %dma_start3A_246 : memref<1x128x32xf32, #tpu.memory_space<vmem>> -> memref<128x32xf32, #tpu.memory_space<vmem>>
          %dma_start3A_248 = arith.constant 0 : i32
          %dma_start3A_249 = tpu.memref_slice %arg6[%add3A_242, %dma_start3A_248] : memref<80x128xi32, #tpu.memory_space<vmem>> -> memref<1x128xi32, #tpu.memory_space<vmem>>
          %dma_start3A_250 = tpu.memref_squeeze %dma_start3A_249 : memref<1x128xi32, #tpu.memory_space<vmem>> -> memref<128xi32, #tpu.memory_space<vmem>>
          %dma_start3A_251 = arith.constant 0 : i32
          %dma_start3A_252 = arith.constant 0 : i32
          %dma_start3A_253 = tpu.memref_slice %arg9[%dma_start3A_251, %dma_start3A_252] : memref<10240x32xf32, #tpu.memory_space<vmem_shared>> -> memref<10240x32xf32, #tpu.memory_space<vmem_shared>>
          tpu.enqueue_indirect_dma source(%dma_start3A_253 : memref<10240x32xf32, #tpu.memory_space<vmem_shared>>) target(%dma_start3A_247 : memref<128x32xf32, #tpu.memory_space<vmem>>) offsets(%dma_start3A_250 : memref<128xi32, #tpu.memory_space<vmem>>) semaphore(%arg13 : memref<!tpu.dma_semaphore, #tpu.memory_space<semaphore_mem>>)
        } else {
        }
      } else {
      }
      %mul3A_184 = arith.constant 8 : i32
      %mul3A_185 = arith.muli %scan3A_161, %mul3A_184 : i32
      %add3A_186 = arith.constant 3 : i32
      %add3A_187 = arith.addi %mul3A_185, %add3A_186 : i32
      %lt3A_188 = arith.cmpi slt, %add3A_187, %select_n3A : i32
      %convert_element_type3A_189 = arith.extui %lt3A_188 : i1 to i32
      %cond3A_190 = arith.constant 0 : i32
      %cond3A_191 = arith.cmpi ne, %convert_element_type3A_189, %cond3A_190 : i32
      scf.if %cond3A_191 {
        %dma_wait3A_224 = arith.constant 3 : i32
        %dma_wait3A_225 = arith.constant 0 : i32
        %dma_wait3A_226 = arith.constant 0 : i32
        %dma_wait3A_227 = tpu.memref_slice %arg8[%dma_wait3A_224, %dma_wait3A_225, %dma_wait3A_226] : memref<8x128x32xf32, #tpu.memory_space<vmem>> -> memref<1x128x32xf32, #tpu.memory_space<vmem>>
        %dma_wait3A_228 = tpu.memref_squeeze %dma_wait3A_227 : memref<1x128x32xf32, #tpu.memory_space<vmem>> -> memref<128x32xf32, #tpu.memory_space<vmem>>
        %dma_wait3A_229 = arith.constant 0 : i32
        %dma_wait3A_230 = tpu.memref_slice %arg6[%add3A_187, %dma_wait3A_229] : memref<80x128xi32, #tpu.memory_space<vmem>> -> memref<1x128xi32, #tpu.memory_space<vmem>>
        %dma_wait3A_231 = tpu.memref_squeeze %dma_wait3A_230 : memref<1x128xi32, #tpu.memory_space<vmem>> -> memref<128xi32, #tpu.memory_space<vmem>>
        %dma_wait3A_232 = arith.constant 0 : i32
        %dma_wait3A_233 = arith.constant 0 : i32
        %dma_wait3A_234 = tpu.memref_slice %arg9[%dma_wait3A_232, %dma_wait3A_233] : memref<10240x32xf32, #tpu.memory_space<vmem_shared>> -> memref<10240x32xf32, #tpu.memory_space<vmem_shared>>
        tpu.wait_indirect_dma semaphore(%arg14 : memref<!tpu.dma_semaphore, #tpu.memory_space<semaphore_mem>>) src(%dma_wait3A_234 : memref<10240x32xf32, #tpu.memory_space<vmem_shared>>) dst(%dma_wait3A_228 : memref<128x32xf32, #tpu.memory_space<vmem>>)
        %run_scoped3A = arith.constant 3 : i32
        "tpu.region"() ({
          %run_scoped3A_241 = tpu.sem_alloc : memref<!tpu.dma_semaphore, #tpu.memory_space<semaphore_mem>>
          %dma_start3A_242 = arith.constant 0 : i32
          %dma_start3A_243 = arith.constant 0 : i32
          %dma_start3A_244 = tpu.memref_slice %arg8[%run_scoped3A, %dma_start3A_242, %dma_start3A_243] : memref<8x128x32xf32, #tpu.memory_space<vmem>> -> memref<1x128x32xf32, #tpu.memory_space<vmem>>
          %dma_start3A_245 = tpu.memref_squeeze %dma_start3A_244 : memref<1x128x32xf32, #tpu.memory_space<vmem>> -> memref<128x32xf32, #tpu.memory_space<vmem>>
          %dma_start3A_246 = arith.constant 0 : i32
          %dma_start3A_247 = tpu.memref_slice %arg7[%add3A_187, %dma_start3A_246] : memref<80x128xi32, #tpu.memory_space<vmem>> -> memref<1x128xi32, #tpu.memory_space<vmem>>
          %dma_start3A_248 = tpu.memref_squeeze %dma_start3A_247 : memref<1x128xi32, #tpu.memory_space<vmem>> -> memref<128xi32, #tpu.memory_space<vmem>>
          %dma_start3A_249 = arith.constant 0 : i32
          %dma_start3A_250 = arith.constant 0 : i32
          %dma_start3A_251 = tpu.memref_slice %arg10[%dma_start3A_249, %dma_start3A_250] : memref<10240x32xf32, #tpu.memory_space<vmem_shared>> -> memref<10240x32xf32, #tpu.memory_space<vmem_shared>>
          tpu.enqueue_indirect_dma source(%dma_start3A_245 : memref<128x32xf32, #tpu.memory_space<vmem>>) target(%dma_start3A_251 : memref<10240x32xf32, #tpu.memory_space<vmem_shared>>) offsets(%dma_start3A_248 : memref<128xi32, #tpu.memory_space<vmem>>) semaphore(%run_scoped3A_241 : memref<!tpu.dma_semaphore, #tpu.memory_space<semaphore_mem>>) {add = true}
          %dma_wait3A_252 = arith.constant 0 : i32
          %dma_wait3A_253 = arith.constant 0 : i32
          %dma_wait3A_254 = tpu.memref_slice %arg8[%run_scoped3A, %dma_wait3A_252, %dma_wait3A_253] : memref<8x128x32xf32, #tpu.memory_space<vmem>> -> memref<1x128x32xf32, #tpu.memory_space<vmem>>
          %dma_wait3A_255 = tpu.memref_squeeze %dma_wait3A_254 : memref<1x128x32xf32, #tpu.memory_space<vmem>> -> memref<128x32xf32, #tpu.memory_space<vmem>>
          %dma_wait3A_256 = arith.constant 0 : i32
          %dma_wait3A_257 = tpu.memref_slice %arg7[%add3A_187, %dma_wait3A_256] : memref<80x128xi32, #tpu.memory_space<vmem>> -> memref<1x128xi32, #tpu.memory_space<vmem>>
          %dma_wait3A_258 = tpu.memref_squeeze %dma_wait3A_257 : memref<1x128xi32, #tpu.memory_space<vmem>> -> memref<128xi32, #tpu.memory_space<vmem>>
          %dma_wait3A_259 = arith.constant 0 : i32
          %dma_wait3A_260 = arith.constant 0 : i32
          %dma_wait3A_261 = tpu.memref_slice %arg10[%dma_wait3A_259, %dma_wait3A_260] : memref<10240x32xf32, #tpu.memory_space<vmem_shared>> -> memref<10240x32xf32, #tpu.memory_space<vmem_shared>>
          tpu.wait_indirect_dma semaphore(%run_scoped3A_241 : memref<!tpu.dma_semaphore, #tpu.memory_space<semaphore_mem>>) src(%dma_wait3A_255 : memref<128x32xf32, #tpu.memory_space<vmem>>) dst(%dma_wait3A_261 : memref<10240x32xf32, #tpu.memory_space<vmem_shared>>)
          tpu.yield
        }) : () -> ()
        %add3A_235 = arith.constant 8 : i32
        %add3A_236 = arith.addi %add3A_187, %add3A_235 : i32
        %lt3A_237 = arith.cmpi slt, %add3A_236, %select_n3A : i32
        %convert_element_type3A_238 = arith.extui %lt3A_237 : i1 to i32
        %cond3A_239 = arith.constant 0 : i32
        %cond3A_240 = arith.cmpi ne, %convert_element_type3A_238, %cond3A_239 : i32
        scf.if %cond3A_240 {
          %add3A_241 = arith.constant 8 : i32
          %add3A_242 = arith.addi %add3A_187, %add3A_241 : i32
          %dma_start3A_243 = arith.constant 3 : i32
          %dma_start3A_244 = arith.constant 0 : i32
          %dma_start3A_245 = arith.constant 0 : i32
          %dma_start3A_246 = tpu.memref_slice %arg8[%dma_start3A_243, %dma_start3A_244, %dma_start3A_245] : memref<8x128x32xf32, #tpu.memory_space<vmem>> -> memref<1x128x32xf32, #tpu.memory_space<vmem>>
          %dma_start3A_247 = tpu.memref_squeeze %dma_start3A_246 : memref<1x128x32xf32, #tpu.memory_space<vmem>> -> memref<128x32xf32, #tpu.memory_space<vmem>>
          %dma_start3A_248 = arith.constant 0 : i32
          %dma_start3A_249 = tpu.memref_slice %arg6[%add3A_242, %dma_start3A_248] : memref<80x128xi32, #tpu.memory_space<vmem>> -> memref<1x128xi32, #tpu.memory_space<vmem>>
          %dma_start3A_250 = tpu.memref_squeeze %dma_start3A_249 : memref<1x128xi32, #tpu.memory_space<vmem>> -> memref<128xi32, #tpu.memory_space<vmem>>
          %dma_start3A_251 = arith.constant 0 : i32
          %dma_start3A_252 = arith.constant 0 : i32
          %dma_start3A_253 = tpu.memref_slice %arg9[%dma_start3A_251, %dma_start3A_252] : memref<10240x32xf32, #tpu.memory_space<vmem_shared>> -> memref<10240x32xf32, #tpu.memory_space<vmem_shared>>
          tpu.enqueue_indirect_dma source(%dma_start3A_253 : memref<10240x32xf32, #tpu.memory_space<vmem_shared>>) target(%dma_start3A_247 : memref<128x32xf32, #tpu.memory_space<vmem>>) offsets(%dma_start3A_250 : memref<128xi32, #tpu.memory_space<vmem>>) semaphore(%arg14 : memref<!tpu.dma_semaphore, #tpu.memory_space<semaphore_mem>>)
        } else {
        }
      } else {
      }
      %mul3A_192 = arith.constant 8 : i32
      %mul3A_193 = arith.muli %scan3A_161, %mul3A_192 : i32
      %add3A_194 = arith.constant 4 : i32
      %add3A_195 = arith.addi %mul3A_193, %add3A_194 : i32
      %lt3A_196 = arith.cmpi slt, %add3A_195, %select_n3A : i32
      %convert_element_type3A_197 = arith.extui %lt3A_196 : i1 to i32
      %cond3A_198 = arith.constant 0 : i32
      %cond3A_199 = arith.cmpi ne, %convert_element_type3A_197, %cond3A_198 : i32
      scf.if %cond3A_199 {
        %dma_wait3A_224 = arith.constant 4 : i32
        %dma_wait3A_225 = arith.constant 0 : i32
        %dma_wait3A_226 = arith.constant 0 : i32
        %dma_wait3A_227 = tpu.memref_slice %arg8[%dma_wait3A_224, %dma_wait3A_225, %dma_wait3A_226] : memref<8x128x32xf32, #tpu.memory_space<vmem>> -> memref<1x128x32xf32, #tpu.memory_space<vmem>>
        %dma_wait3A_228 = tpu.memref_squeeze %dma_wait3A_227 : memref<1x128x32xf32, #tpu.memory_space<vmem>> -> memref<128x32xf32, #tpu.memory_space<vmem>>
        %dma_wait3A_229 = arith.constant 0 : i32
        %dma_wait3A_230 = tpu.memref_slice %arg6[%add3A_195, %dma_wait3A_229] : memref<80x128xi32, #tpu.memory_space<vmem>> -> memref<1x128xi32, #tpu.memory_space<vmem>>
        %dma_wait3A_231 = tpu.memref_squeeze %dma_wait3A_230 : memref<1x128xi32, #tpu.memory_space<vmem>> -> memref<128xi32, #tpu.memory_space<vmem>>
        %dma_wait3A_232 = arith.constant 0 : i32
        %dma_wait3A_233 = arith.constant 0 : i32
        %dma_wait3A_234 = tpu.memref_slice %arg9[%dma_wait3A_232, %dma_wait3A_233] : memref<10240x32xf32, #tpu.memory_space<vmem_shared>> -> memref<10240x32xf32, #tpu.memory_space<vmem_shared>>
        tpu.wait_indirect_dma semaphore(%arg15 : memref<!tpu.dma_semaphore, #tpu.memory_space<semaphore_mem>>) src(%dma_wait3A_234 : memref<10240x32xf32, #tpu.memory_space<vmem_shared>>) dst(%dma_wait3A_228 : memref<128x32xf32, #tpu.memory_space<vmem>>)
        %run_scoped3A = arith.constant 4 : i32
        "tpu.region"() ({
          %run_scoped3A_241 = tpu.sem_alloc : memref<!tpu.dma_semaphore, #tpu.memory_space<semaphore_mem>>
          %dma_start3A_242 = arith.constant 0 : i32
          %dma_start3A_243 = arith.constant 0 : i32
          %dma_start3A_244 = tpu.memref_slice %arg8[%run_scoped3A, %dma_start3A_242, %dma_start3A_243] : memref<8x128x32xf32, #tpu.memory_space<vmem>> -> memref<1x128x32xf32, #tpu.memory_space<vmem>>
          %dma_start3A_245 = tpu.memref_squeeze %dma_start3A_244 : memref<1x128x32xf32, #tpu.memory_space<vmem>> -> memref<128x32xf32, #tpu.memory_space<vmem>>
          %dma_start3A_246 = arith.constant 0 : i32
          %dma_start3A_247 = tpu.memref_slice %arg7[%add3A_195, %dma_start3A_246] : memref<80x128xi32, #tpu.memory_space<vmem>> -> memref<1x128xi32, #tpu.memory_space<vmem>>
          %dma_start3A_248 = tpu.memref_squeeze %dma_start3A_247 : memref<1x128xi32, #tpu.memory_space<vmem>> -> memref<128xi32, #tpu.memory_space<vmem>>
          %dma_start3A_249 = arith.constant 0 : i32
          %dma_start3A_250 = arith.constant 0 : i32
          %dma_start3A_251 = tpu.memref_slice %arg10[%dma_start3A_249, %dma_start3A_250] : memref<10240x32xf32, #tpu.memory_space<vmem_shared>> -> memref<10240x32xf32, #tpu.memory_space<vmem_shared>>
          tpu.enqueue_indirect_dma source(%dma_start3A_245 : memref<128x32xf32, #tpu.memory_space<vmem>>) target(%dma_start3A_251 : memref<10240x32xf32, #tpu.memory_space<vmem_shared>>) offsets(%dma_start3A_248 : memref<128xi32, #tpu.memory_space<vmem>>) semaphore(%run_scoped3A_241 : memref<!tpu.dma_semaphore, #tpu.memory_space<semaphore_mem>>) {add = true}
          %dma_wait3A_252 = arith.constant 0 : i32
          %dma_wait3A_253 = arith.constant 0 : i32
          %dma_wait3A_254 = tpu.memref_slice %arg8[%run_scoped3A, %dma_wait3A_252, %dma_wait3A_253] : memref<8x128x32xf32, #tpu.memory_space<vmem>> -> memref<1x128x32xf32, #tpu.memory_space<vmem>>
          %dma_wait3A_255 = tpu.memref_squeeze %dma_wait3A_254 : memref<1x128x32xf32, #tpu.memory_space<vmem>> -> memref<128x32xf32, #tpu.memory_space<vmem>>
          %dma_wait3A_256 = arith.constant 0 : i32
          %dma_wait3A_257 = tpu.memref_slice %arg7[%add3A_195, %dma_wait3A_256] : memref<80x128xi32, #tpu.memory_space<vmem>> -> memref<1x128xi32, #tpu.memory_space<vmem>>
          %dma_wait3A_258 = tpu.memref_squeeze %dma_wait3A_257 : memref<1x128xi32, #tpu.memory_space<vmem>> -> memref<128xi32, #tpu.memory_space<vmem>>
          %dma_wait3A_259 = arith.constant 0 : i32
          %dma_wait3A_260 = arith.constant 0 : i32
          %dma_wait3A_261 = tpu.memref_slice %arg10[%dma_wait3A_259, %dma_wait3A_260] : memref<10240x32xf32, #tpu.memory_space<vmem_shared>> -> memref<10240x32xf32, #tpu.memory_space<vmem_shared>>
          tpu.wait_indirect_dma semaphore(%run_scoped3A_241 : memref<!tpu.dma_semaphore, #tpu.memory_space<semaphore_mem>>) src(%dma_wait3A_255 : memref<128x32xf32, #tpu.memory_space<vmem>>) dst(%dma_wait3A_261 : memref<10240x32xf32, #tpu.memory_space<vmem_shared>>)
          tpu.yield
        }) : () -> ()
        %add3A_235 = arith.constant 8 : i32
        %add3A_236 = arith.addi %add3A_195, %add3A_235 : i32
        %lt3A_237 = arith.cmpi slt, %add3A_236, %select_n3A : i32
        %convert_element_type3A_238 = arith.extui %lt3A_237 : i1 to i32
        %cond3A_239 = arith.constant 0 : i32
        %cond3A_240 = arith.cmpi ne, %convert_element_type3A_238, %cond3A_239 : i32
        scf.if %cond3A_240 {
          %add3A_241 = arith.constant 8 : i32
          %add3A_242 = arith.addi %add3A_195, %add3A_241 : i32
          %dma_start3A_243 = arith.constant 4 : i32
          %dma_start3A_244 = arith.constant 0 : i32
          %dma_start3A_245 = arith.constant 0 : i32
          %dma_start3A_246 = tpu.memref_slice %arg8[%dma_start3A_243, %dma_start3A_244, %dma_start3A_245] : memref<8x128x32xf32, #tpu.memory_space<vmem>> -> memref<1x128x32xf32, #tpu.memory_space<vmem>>
          %dma_start3A_247 = tpu.memref_squeeze %dma_start3A_246 : memref<1x128x32xf32, #tpu.memory_space<vmem>> -> memref<128x32xf32, #tpu.memory_space<vmem>>
          %dma_start3A_248 = arith.constant 0 : i32
          %dma_start3A_249 = tpu.memref_slice %arg6[%add3A_242, %dma_start3A_248] : memref<80x128xi32, #tpu.memory_space<vmem>> -> memref<1x128xi32, #tpu.memory_space<vmem>>
          %dma_start3A_250 = tpu.memref_squeeze %dma_start3A_249 : memref<1x128xi32, #tpu.memory_space<vmem>> -> memref<128xi32, #tpu.memory_space<vmem>>
          %dma_start3A_251 = arith.constant 0 : i32
          %dma_start3A_252 = arith.constant 0 : i32
          %dma_start3A_253 = tpu.memref_slice %arg9[%dma_start3A_251, %dma_start3A_252] : memref<10240x32xf32, #tpu.memory_space<vmem_shared>> -> memref<10240x32xf32, #tpu.memory_space<vmem_shared>>
          tpu.enqueue_indirect_dma source(%dma_start3A_253 : memref<10240x32xf32, #tpu.memory_space<vmem_shared>>) target(%dma_start3A_247 : memref<128x32xf32, #tpu.memory_space<vmem>>) offsets(%dma_start3A_250 : memref<128xi32, #tpu.memory_space<vmem>>) semaphore(%arg15 : memref<!tpu.dma_semaphore, #tpu.memory_space<semaphore_mem>>)
        } else {
        }
      } else {
      }
      %mul3A_200 = arith.constant 8 : i32
      %mul3A_201 = arith.muli %scan3A_161, %mul3A_200 : i32
      %add3A_202 = arith.constant 5 : i32
      %add3A_203 = arith.addi %mul3A_201, %add3A_202 : i32
      %lt3A_204 = arith.cmpi slt, %add3A_203, %select_n3A : i32
      %convert_element_type3A_205 = arith.extui %lt3A_204 : i1 to i32
      %cond3A_206 = arith.constant 0 : i32
      %cond3A_207 = arith.cmpi ne, %convert_element_type3A_205, %cond3A_206 : i32
      scf.if %cond3A_207 {
        %dma_wait3A_224 = arith.constant 5 : i32
        %dma_wait3A_225 = arith.constant 0 : i32
        %dma_wait3A_226 = arith.constant 0 : i32
        %dma_wait3A_227 = tpu.memref_slice %arg8[%dma_wait3A_224, %dma_wait3A_225, %dma_wait3A_226] : memref<8x128x32xf32, #tpu.memory_space<vmem>> -> memref<1x128x32xf32, #tpu.memory_space<vmem>>
        %dma_wait3A_228 = tpu.memref_squeeze %dma_wait3A_227 : memref<1x128x32xf32, #tpu.memory_space<vmem>> -> memref<128x32xf32, #tpu.memory_space<vmem>>
        %dma_wait3A_229 = arith.constant 0 : i32
        %dma_wait3A_230 = tpu.memref_slice %arg6[%add3A_203, %dma_wait3A_229] : memref<80x128xi32, #tpu.memory_space<vmem>> -> memref<1x128xi32, #tpu.memory_space<vmem>>
        %dma_wait3A_231 = tpu.memref_squeeze %dma_wait3A_230 : memref<1x128xi32, #tpu.memory_space<vmem>> -> memref<128xi32, #tpu.memory_space<vmem>>
        %dma_wait3A_232 = arith.constant 0 : i32
        %dma_wait3A_233 = arith.constant 0 : i32
        %dma_wait3A_234 = tpu.memref_slice %arg9[%dma_wait3A_232, %dma_wait3A_233] : memref<10240x32xf32, #tpu.memory_space<vmem_shared>> -> memref<10240x32xf32, #tpu.memory_space<vmem_shared>>
        tpu.wait_indirect_dma semaphore(%arg16 : memref<!tpu.dma_semaphore, #tpu.memory_space<semaphore_mem>>) src(%dma_wait3A_234 : memref<10240x32xf32, #tpu.memory_space<vmem_shared>>) dst(%dma_wait3A_228 : memref<128x32xf32, #tpu.memory_space<vmem>>)
        %run_scoped3A = arith.constant 5 : i32
        "tpu.region"() ({
          %run_scoped3A_241 = tpu.sem_alloc : memref<!tpu.dma_semaphore, #tpu.memory_space<semaphore_mem>>
          %dma_start3A_242 = arith.constant 0 : i32
          %dma_start3A_243 = arith.constant 0 : i32
          %dma_start3A_244 = tpu.memref_slice %arg8[%run_scoped3A, %dma_start3A_242, %dma_start3A_243] : memref<8x128x32xf32, #tpu.memory_space<vmem>> -> memref<1x128x32xf32, #tpu.memory_space<vmem>>
          %dma_start3A_245 = tpu.memref_squeeze %dma_start3A_244 : memref<1x128x32xf32, #tpu.memory_space<vmem>> -> memref<128x32xf32, #tpu.memory_space<vmem>>
          %dma_start3A_246 = arith.constant 0 : i32
          %dma_start3A_247 = tpu.memref_slice %arg7[%add3A_203, %dma_start3A_246] : memref<80x128xi32, #tpu.memory_space<vmem>> -> memref<1x128xi32, #tpu.memory_space<vmem>>
          %dma_start3A_248 = tpu.memref_squeeze %dma_start3A_247 : memref<1x128xi32, #tpu.memory_space<vmem>> -> memref<128xi32, #tpu.memory_space<vmem>>
          %dma_start3A_249 = arith.constant 0 : i32
          %dma_start3A_250 = arith.constant 0 : i32
          %dma_start3A_251 = tpu.memref_slice %arg10[%dma_start3A_249, %dma_start3A_250] : memref<10240x32xf32, #tpu.memory_space<vmem_shared>> -> memref<10240x32xf32, #tpu.memory_space<vmem_shared>>
          tpu.enqueue_indirect_dma source(%dma_start3A_245 : memref<128x32xf32, #tpu.memory_space<vmem>>) target(%dma_start3A_251 : memref<10240x32xf32, #tpu.memory_space<vmem_shared>>) offsets(%dma_start3A_248 : memref<128xi32, #tpu.memory_space<vmem>>) semaphore(%run_scoped3A_241 : memref<!tpu.dma_semaphore, #tpu.memory_space<semaphore_mem>>) {add = true}
          %dma_wait3A_252 = arith.constant 0 : i32
          %dma_wait3A_253 = arith.constant 0 : i32
          %dma_wait3A_254 = tpu.memref_slice %arg8[%run_scoped3A, %dma_wait3A_252, %dma_wait3A_253] : memref<8x128x32xf32, #tpu.memory_space<vmem>> -> memref<1x128x32xf32, #tpu.memory_space<vmem>>
          %dma_wait3A_255 = tpu.memref_squeeze %dma_wait3A_254 : memref<1x128x32xf32, #tpu.memory_space<vmem>> -> memref<128x32xf32, #tpu.memory_space<vmem>>
          %dma_wait3A_256 = arith.constant 0 : i32
          %dma_wait3A_257 = tpu.memref_slice %arg7[%add3A_203, %dma_wait3A_256] : memref<80x128xi32, #tpu.memory_space<vmem>> -> memref<1x128xi32, #tpu.memory_space<vmem>>
          %dma_wait3A_258 = tpu.memref_squeeze %dma_wait3A_257 : memref<1x128xi32, #tpu.memory_space<vmem>> -> memref<128xi32, #tpu.memory_space<vmem>>
          %dma_wait3A_259 = arith.constant 0 : i32
          %dma_wait3A_260 = arith.constant 0 : i32
          %dma_wait3A_261 = tpu.memref_slice %arg10[%dma_wait3A_259, %dma_wait3A_260] : memref<10240x32xf32, #tpu.memory_space<vmem_shared>> -> memref<10240x32xf32, #tpu.memory_space<vmem_shared>>
          tpu.wait_indirect_dma semaphore(%run_scoped3A_241 : memref<!tpu.dma_semaphore, #tpu.memory_space<semaphore_mem>>) src(%dma_wait3A_255 : memref<128x32xf32, #tpu.memory_space<vmem>>) dst(%dma_wait3A_261 : memref<10240x32xf32, #tpu.memory_space<vmem_shared>>)
          tpu.yield
        }) : () -> ()
        %add3A_235 = arith.constant 8 : i32
        %add3A_236 = arith.addi %add3A_203, %add3A_235 : i32
        %lt3A_237 = arith.cmpi slt, %add3A_236, %select_n3A : i32
        %convert_element_type3A_238 = arith.extui %lt3A_237 : i1 to i32
        %cond3A_239 = arith.constant 0 : i32
        %cond3A_240 = arith.cmpi ne, %convert_element_type3A_238, %cond3A_239 : i32
        scf.if %cond3A_240 {
          %add3A_241 = arith.constant 8 : i32
          %add3A_242 = arith.addi %add3A_203, %add3A_241 : i32
          %dma_start3A_243 = arith.constant 5 : i32
          %dma_start3A_244 = arith.constant 0 : i32
          %dma_start3A_245 = arith.constant 0 : i32
          %dma_start3A_246 = tpu.memref_slice %arg8[%dma_start3A_243, %dma_start3A_244, %dma_start3A_245] : memref<8x128x32xf32, #tpu.memory_space<vmem>> -> memref<1x128x32xf32, #tpu.memory_space<vmem>>
          %dma_start3A_247 = tpu.memref_squeeze %dma_start3A_246 : memref<1x128x32xf32, #tpu.memory_space<vmem>> -> memref<128x32xf32, #tpu.memory_space<vmem>>
          %dma_start3A_248 = arith.constant 0 : i32
          %dma_start3A_249 = tpu.memref_slice %arg6[%add3A_242, %dma_start3A_248] : memref<80x128xi32, #tpu.memory_space<vmem>> -> memref<1x128xi32, #tpu.memory_space<vmem>>
          %dma_start3A_250 = tpu.memref_squeeze %dma_start3A_249 : memref<1x128xi32, #tpu.memory_space<vmem>> -> memref<128xi32, #tpu.memory_space<vmem>>
          %dma_start3A_251 = arith.constant 0 : i32
          %dma_start3A_252 = arith.constant 0 : i32
          %dma_start3A_253 = tpu.memref_slice %arg9[%dma_start3A_251, %dma_start3A_252] : memref<10240x32xf32, #tpu.memory_space<vmem_shared>> -> memref<10240x32xf32, #tpu.memory_space<vmem_shared>>
          tpu.enqueue_indirect_dma source(%dma_start3A_253 : memref<10240x32xf32, #tpu.memory_space<vmem_shared>>) target(%dma_start3A_247 : memref<128x32xf32, #tpu.memory_space<vmem>>) offsets(%dma_start3A_250 : memref<128xi32, #tpu.memory_space<vmem>>) semaphore(%arg16 : memref<!tpu.dma_semaphore, #tpu.memory_space<semaphore_mem>>)
        } else {
        }
      } else {
      }
      %mul3A_208 = arith.constant 8 : i32
      %mul3A_209 = arith.muli %scan3A_161, %mul3A_208 : i32
      %add3A_210 = arith.constant 6 : i32
      %add3A_211 = arith.addi %mul3A_209, %add3A_210 : i32
      %lt3A_212 = arith.cmpi slt, %add3A_211, %select_n3A : i32
      %convert_element_type3A_213 = arith.extui %lt3A_212 : i1 to i32
      %cond3A_214 = arith.constant 0 : i32
      %cond3A_215 = arith.cmpi ne, %convert_element_type3A_213, %cond3A_214 : i32
      scf.if %cond3A_215 {
        %dma_wait3A_224 = arith.constant 6 : i32
        %dma_wait3A_225 = arith.constant 0 : i32
        %dma_wait3A_226 = arith.constant 0 : i32
        %dma_wait3A_227 = tpu.memref_slice %arg8[%dma_wait3A_224, %dma_wait3A_225, %dma_wait3A_226] : memref<8x128x32xf32, #tpu.memory_space<vmem>> -> memref<1x128x32xf32, #tpu.memory_space<vmem>>
        %dma_wait3A_228 = tpu.memref_squeeze %dma_wait3A_227 : memref<1x128x32xf32, #tpu.memory_space<vmem>> -> memref<128x32xf32, #tpu.memory_space<vmem>>
        %dma_wait3A_229 = arith.constant 0 : i32
        %dma_wait3A_230 = tpu.memref_slice %arg6[%add3A_211, %dma_wait3A_229] : memref<80x128xi32, #tpu.memory_space<vmem>> -> memref<1x128xi32, #tpu.memory_space<vmem>>
        %dma_wait3A_231 = tpu.memref_squeeze %dma_wait3A_230 : memref<1x128xi32, #tpu.memory_space<vmem>> -> memref<128xi32, #tpu.memory_space<vmem>>
        %dma_wait3A_232 = arith.constant 0 : i32
        %dma_wait3A_233 = arith.constant 0 : i32
        %dma_wait3A_234 = tpu.memref_slice %arg9[%dma_wait3A_232, %dma_wait3A_233] : memref<10240x32xf32, #tpu.memory_space<vmem_shared>> -> memref<10240x32xf32, #tpu.memory_space<vmem_shared>>
        tpu.wait_indirect_dma semaphore(%arg17 : memref<!tpu.dma_semaphore, #tpu.memory_space<semaphore_mem>>) src(%dma_wait3A_234 : memref<10240x32xf32, #tpu.memory_space<vmem_shared>>) dst(%dma_wait3A_228 : memref<128x32xf32, #tpu.memory_space<vmem>>)
        %run_scoped3A = arith.constant 6 : i32
        "tpu.region"() ({
          %run_scoped3A_241 = tpu.sem_alloc : memref<!tpu.dma_semaphore, #tpu.memory_space<semaphore_mem>>
          %dma_start3A_242 = arith.constant 0 : i32
          %dma_start3A_243 = arith.constant 0 : i32
          %dma_start3A_244 = tpu.memref_slice %arg8[%run_scoped3A, %dma_start3A_242, %dma_start3A_243] : memref<8x128x32xf32, #tpu.memory_space<vmem>> -> memref<1x128x32xf32, #tpu.memory_space<vmem>>
          %dma_start3A_245 = tpu.memref_squeeze %dma_start3A_244 : memref<1x128x32xf32, #tpu.memory_space<vmem>> -> memref<128x32xf32, #tpu.memory_space<vmem>>
          %dma_start3A_246 = arith.constant 0 : i32
          %dma_start3A_247 = tpu.memref_slice %arg7[%add3A_211, %dma_start3A_246] : memref<80x128xi32, #tpu.memory_space<vmem>> -> memref<1x128xi32, #tpu.memory_space<vmem>>
          %dma_start3A_248 = tpu.memref_squeeze %dma_start3A_247 : memref<1x128xi32, #tpu.memory_space<vmem>> -> memref<128xi32, #tpu.memory_space<vmem>>
          %dma_start3A_249 = arith.constant 0 : i32
          %dma_start3A_250 = arith.constant 0 : i32
          %dma_start3A_251 = tpu.memref_slice %arg10[%dma_start3A_249, %dma_start3A_250] : memref<10240x32xf32, #tpu.memory_space<vmem_shared>> -> memref<10240x32xf32, #tpu.memory_space<vmem_shared>>
          tpu.enqueue_indirect_dma source(%dma_start3A_245 : memref<128x32xf32, #tpu.memory_space<vmem>>) target(%dma_start3A_251 : memref<10240x32xf32, #tpu.memory_space<vmem_shared>>) offsets(%dma_start3A_248 : memref<128xi32, #tpu.memory_space<vmem>>) semaphore(%run_scoped3A_241 : memref<!tpu.dma_semaphore, #tpu.memory_space<semaphore_mem>>) {add = true}
          %dma_wait3A_252 = arith.constant 0 : i32
          %dma_wait3A_253 = arith.constant 0 : i32
          %dma_wait3A_254 = tpu.memref_slice %arg8[%run_scoped3A, %dma_wait3A_252, %dma_wait3A_253] : memref<8x128x32xf32, #tpu.memory_space<vmem>> -> memref<1x128x32xf32, #tpu.memory_space<vmem>>
          %dma_wait3A_255 = tpu.memref_squeeze %dma_wait3A_254 : memref<1x128x32xf32, #tpu.memory_space<vmem>> -> memref<128x32xf32, #tpu.memory_space<vmem>>
          %dma_wait3A_256 = arith.constant 0 : i32
          %dma_wait3A_257 = tpu.memref_slice %arg7[%add3A_211, %dma_wait3A_256] : memref<80x128xi32, #tpu.memory_space<vmem>> -> memref<1x128xi32, #tpu.memory_space<vmem>>
          %dma_wait3A_258 = tpu.memref_squeeze %dma_wait3A_257 : memref<1x128xi32, #tpu.memory_space<vmem>> -> memref<128xi32, #tpu.memory_space<vmem>>
          %dma_wait3A_259 = arith.constant 0 : i32
          %dma_wait3A_260 = arith.constant 0 : i32
          %dma_wait3A_261 = tpu.memref_slice %arg10[%dma_wait3A_259, %dma_wait3A_260] : memref<10240x32xf32, #tpu.memory_space<vmem_shared>> -> memref<10240x32xf32, #tpu.memory_space<vmem_shared>>
          tpu.wait_indirect_dma semaphore(%run_scoped3A_241 : memref<!tpu.dma_semaphore, #tpu.memory_space<semaphore_mem>>) src(%dma_wait3A_255 : memref<128x32xf32, #tpu.memory_space<vmem>>) dst(%dma_wait3A_261 : memref<10240x32xf32, #tpu.memory_space<vmem_shared>>)
          tpu.yield
        }) : () -> ()
        %add3A_235 = arith.constant 8 : i32
        %add3A_236 = arith.addi %add3A_211, %add3A_235 : i32
        %lt3A_237 = arith.cmpi slt, %add3A_236, %select_n3A : i32
        %convert_element_type3A_238 = arith.extui %lt3A_237 : i1 to i32
        %cond3A_239 = arith.constant 0 : i32
        %cond3A_240 = arith.cmpi ne, %convert_element_type3A_238, %cond3A_239 : i32
        scf.if %cond3A_240 {
          %add3A_241 = arith.constant 8 : i32
          %add3A_242 = arith.addi %add3A_211, %add3A_241 : i32
          %dma_start3A_243 = arith.constant 6 : i32
          %dma_start3A_244 = arith.constant 0 : i32
          %dma_start3A_245 = arith.constant 0 : i32
          %dma_start3A_246 = tpu.memref_slice %arg8[%dma_start3A_243, %dma_start3A_244, %dma_start3A_245] : memref<8x128x32xf32, #tpu.memory_space<vmem>> -> memref<1x128x32xf32, #tpu.memory_space<vmem>>
          %dma_start3A_247 = tpu.memref_squeeze %dma_start3A_246 : memref<1x128x32xf32, #tpu.memory_space<vmem>> -> memref<128x32xf32, #tpu.memory_space<vmem>>
          %dma_start3A_248 = arith.constant 0 : i32
          %dma_start3A_249 = tpu.memref_slice %arg6[%add3A_242, %dma_start3A_248] : memref<80x128xi32, #tpu.memory_space<vmem>> -> memref<1x128xi32, #tpu.memory_space<vmem>>
          %dma_start3A_250 = tpu.memref_squeeze %dma_start3A_249 : memref<1x128xi32, #tpu.memory_space<vmem>> -> memref<128xi32, #tpu.memory_space<vmem>>
          %dma_start3A_251 = arith.constant 0 : i32
          %dma_start3A_252 = arith.constant 0 : i32
          %dma_start3A_253 = tpu.memref_slice %arg9[%dma_start3A_251, %dma_start3A_252] : memref<10240x32xf32, #tpu.memory_space<vmem_shared>> -> memref<10240x32xf32, #tpu.memory_space<vmem_shared>>
          tpu.enqueue_indirect_dma source(%dma_start3A_253 : memref<10240x32xf32, #tpu.memory_space<vmem_shared>>) target(%dma_start3A_247 : memref<128x32xf32, #tpu.memory_space<vmem>>) offsets(%dma_start3A_250 : memref<128xi32, #tpu.memory_space<vmem>>) semaphore(%arg17 : memref<!tpu.dma_semaphore, #tpu.memory_space<semaphore_mem>>)
        } else {
        }
      } else {
      }
      %mul3A_216 = arith.constant 8 : i32
      %mul3A_217 = arith.muli %scan3A_161, %mul3A_216 : i32
      %add3A_218 = arith.constant 7 : i32
      %add3A_219 = arith.addi %mul3A_217, %add3A_218 : i32
      %lt3A_220 = arith.cmpi slt, %add3A_219, %select_n3A : i32
      %convert_element_type3A_221 = arith.extui %lt3A_220 : i1 to i32
      %cond3A_222 = arith.constant 0 : i32
      %cond3A_223 = arith.cmpi ne, %convert_element_type3A_221, %cond3A_222 : i32
      scf.if %cond3A_223 {
        %dma_wait3A_224 = arith.constant 7 : i32
        %dma_wait3A_225 = arith.constant 0 : i32
        %dma_wait3A_226 = arith.constant 0 : i32
        %dma_wait3A_227 = tpu.memref_slice %arg8[%dma_wait3A_224, %dma_wait3A_225, %dma_wait3A_226] : memref<8x128x32xf32, #tpu.memory_space<vmem>> -> memref<1x128x32xf32, #tpu.memory_space<vmem>>
        %dma_wait3A_228 = tpu.memref_squeeze %dma_wait3A_227 : memref<1x128x32xf32, #tpu.memory_space<vmem>> -> memref<128x32xf32, #tpu.memory_space<vmem>>
        %dma_wait3A_229 = arith.constant 0 : i32
        %dma_wait3A_230 = tpu.memref_slice %arg6[%add3A_219, %dma_wait3A_229] : memref<80x128xi32, #tpu.memory_space<vmem>> -> memref<1x128xi32, #tpu.memory_space<vmem>>
        %dma_wait3A_231 = tpu.memref_squeeze %dma_wait3A_230 : memref<1x128xi32, #tpu.memory_space<vmem>> -> memref<128xi32, #tpu.memory_space<vmem>>
        %dma_wait3A_232 = arith.constant 0 : i32
        %dma_wait3A_233 = arith.constant 0 : i32
        %dma_wait3A_234 = tpu.memref_slice %arg9[%dma_wait3A_232, %dma_wait3A_233] : memref<10240x32xf32, #tpu.memory_space<vmem_shared>> -> memref<10240x32xf32, #tpu.memory_space<vmem_shared>>
        tpu.wait_indirect_dma semaphore(%arg18 : memref<!tpu.dma_semaphore, #tpu.memory_space<semaphore_mem>>) src(%dma_wait3A_234 : memref<10240x32xf32, #tpu.memory_space<vmem_shared>>) dst(%dma_wait3A_228 : memref<128x32xf32, #tpu.memory_space<vmem>>)
        %run_scoped3A = arith.constant 7 : i32
        "tpu.region"() ({
          %run_scoped3A_241 = tpu.sem_alloc : memref<!tpu.dma_semaphore, #tpu.memory_space<semaphore_mem>>
          %dma_start3A_242 = arith.constant 0 : i32
          %dma_start3A_243 = arith.constant 0 : i32
          %dma_start3A_244 = tpu.memref_slice %arg8[%run_scoped3A, %dma_start3A_242, %dma_start3A_243] : memref<8x128x32xf32, #tpu.memory_space<vmem>> -> memref<1x128x32xf32, #tpu.memory_space<vmem>>
          %dma_start3A_245 = tpu.memref_squeeze %dma_start3A_244 : memref<1x128x32xf32, #tpu.memory_space<vmem>> -> memref<128x32xf32, #tpu.memory_space<vmem>>
          %dma_start3A_246 = arith.constant 0 : i32
          %dma_start3A_247 = tpu.memref_slice %arg7[%add3A_219, %dma_start3A_246] : memref<80x128xi32, #tpu.memory_space<vmem>> -> memref<1x128xi32, #tpu.memory_space<vmem>>
          %dma_start3A_248 = tpu.memref_squeeze %dma_start3A_247 : memref<1x128xi32, #tpu.memory_space<vmem>> -> memref<128xi32, #tpu.memory_space<vmem>>
          %dma_start3A_249 = arith.constant 0 : i32
          %dma_start3A_250 = arith.constant 0 : i32
          %dma_start3A_251 = tpu.memref_slice %arg10[%dma_start3A_249, %dma_start3A_250] : memref<10240x32xf32, #tpu.memory_space<vmem_shared>> -> memref<10240x32xf32, #tpu.memory_space<vmem_shared>>
          tpu.enqueue_indirect_dma source(%dma_start3A_245 : memref<128x32xf32, #tpu.memory_space<vmem>>) target(%dma_start3A_251 : memref<10240x32xf32, #tpu.memory_space<vmem_shared>>) offsets(%dma_start3A_248 : memref<128xi32, #tpu.memory_space<vmem>>) semaphore(%run_scoped3A_241 : memref<!tpu.dma_semaphore, #tpu.memory_space<semaphore_mem>>) {add = true}
          %dma_wait3A_252 = arith.constant 0 : i32
          %dma_wait3A_253 = arith.constant 0 : i32
          %dma_wait3A_254 = tpu.memref_slice %arg8[%run_scoped3A, %dma_wait3A_252, %dma_wait3A_253] : memref<8x128x32xf32, #tpu.memory_space<vmem>> -> memref<1x128x32xf32, #tpu.memory_space<vmem>>
          %dma_wait3A_255 = tpu.memref_squeeze %dma_wait3A_254 : memref<1x128x32xf32, #tpu.memory_space<vmem>> -> memref<128x32xf32, #tpu.memory_space<vmem>>
          %dma_wait3A_256 = arith.constant 0 : i32
          %dma_wait3A_257 = tpu.memref_slice %arg7[%add3A_219, %dma_wait3A_256] : memref<80x128xi32, #tpu.memory_space<vmem>> -> memref<1x128xi32, #tpu.memory_space<vmem>>
          %dma_wait3A_258 = tpu.memref_squeeze %dma_wait3A_257 : memref<1x128xi32, #tpu.memory_space<vmem>> -> memref<128xi32, #tpu.memory_space<vmem>>
          %dma_wait3A_259 = arith.constant 0 : i32
          %dma_wait3A_260 = arith.constant 0 : i32
          %dma_wait3A_261 = tpu.memref_slice %arg10[%dma_wait3A_259, %dma_wait3A_260] : memref<10240x32xf32, #tpu.memory_space<vmem_shared>> -> memref<10240x32xf32, #tpu.memory_space<vmem_shared>>
          tpu.wait_indirect_dma semaphore(%run_scoped3A_241 : memref<!tpu.dma_semaphore, #tpu.memory_space<semaphore_mem>>) src(%dma_wait3A_255 : memref<128x32xf32, #tpu.memory_space<vmem>>) dst(%dma_wait3A_261 : memref<10240x32xf32, #tpu.memory_space<vmem_shared>>)
          tpu.yield
        }) : () -> ()
        %add3A_235 = arith.constant 8 : i32
        %add3A_236 = arith.addi %add3A_219, %add3A_235 : i32
        %lt3A_237 = arith.cmpi slt, %add3A_236, %select_n3A : i32
        %convert_element_type3A_238 = arith.extui %lt3A_237 : i1 to i32
        %cond3A_239 = arith.constant 0 : i32
        %cond3A_240 = arith.cmpi ne, %convert_element_type3A_238, %cond3A_239 : i32
        scf.if %cond3A_240 {
          %add3A_241 = arith.constant 8 : i32
          %add3A_242 = arith.addi %add3A_219, %add3A_241 : i32
          %dma_start3A_243 = arith.constant 7 : i32
          %dma_start3A_244 = arith.constant 0 : i32
          %dma_start3A_245 = arith.constant 0 : i32
          %dma_start3A_246 = tpu.memref_slice %arg8[%dma_start3A_243, %dma_start3A_244, %dma_start3A_245] : memref<8x128x32xf32, #tpu.memory_space<vmem>> -> memref<1x128x32xf32, #tpu.memory_space<vmem>>
          %dma_start3A_247 = tpu.memref_squeeze %dma_start3A_246 : memref<1x128x32xf32, #tpu.memory_space<vmem>> -> memref<128x32xf32, #tpu.memory_space<vmem>>
          %dma_start3A_248 = arith.constant 0 : i32
          %dma_start3A_249 = tpu.memref_slice %arg6[%add3A_242, %dma_start3A_248] : memref<80x128xi32, #tpu.memory_space<vmem>> -> memref<1x128xi32, #tpu.memory_space<vmem>>
          %dma_start3A_250 = tpu.memref_squeeze %dma_start3A_249 : memref<1x128xi32, #tpu.memory_space<vmem>> -> memref<128xi32, #tpu.memory_space<vmem>>
          %dma_start3A_251 = arith.constant 0 : i32
          %dma_start3A_252 = arith.constant 0 : i32
          %dma_start3A_253 = tpu.memref_slice %arg9[%dma_start3A_251, %dma_start3A_252] : memref<10240x32xf32, #tpu.memory_space<vmem_shared>> -> memref<10240x32xf32, #tpu.memory_space<vmem_shared>>
          tpu.enqueue_indirect_dma source(%dma_start3A_253 : memref<10240x32xf32, #tpu.memory_space<vmem_shared>>) target(%dma_start3A_247 : memref<128x32xf32, #tpu.memory_space<vmem>>) offsets(%dma_start3A_250 : memref<128xi32, #tpu.memory_space<vmem>>) semaphore(%arg18 : memref<!tpu.dma_semaphore, #tpu.memory_space<semaphore_mem>>)
        } else {
        }
      } else {
      }
    }
    %scan3A_155 = arith.constant 10 : i32
    %barrier3A_156 = arith.constant 0 : index
    tpu.barrier barrier_id(%barrier3A_156)
    %mul3A_157 = arith.constant 640 : i32
    %mul3A_158 = arith.muli %arg1, %mul3A_157 : i32
    %mul3A_159 = arith.constant 640 : i32
    %mul3A_160 = arith.muli %arg1, %mul3A_159 : i32
    "tpu.region"() ({
      %run_scoped3A = tpu.sem_alloc : memref<!tpu.dma_semaphore, #tpu.memory_space<semaphore_mem>>
      %dma_start3A_161 = arith.constant 0 : i32
      %dma_start3A_162 = tpu.memref_slice %arg5[%arg0, %mul3A_160, %dma_start3A_161] : memref<2x10240x32xf32, #tpu.memory_space<hbm>> -> memref<1x640x32xf32, #tpu.memory_space<hbm>>
      %dma_start3A_163 = tpu.memref_squeeze %dma_start3A_162 : memref<1x640x32xf32, #tpu.memory_space<hbm>> -> memref<640x32xf32, #tpu.memory_space<hbm>>
      %dma_start3A_164 = arith.constant 0 : i32
      %dma_start3A_165 = tpu.memref_slice %arg10[%mul3A_158, %dma_start3A_164] : memref<10240x32xf32, #tpu.memory_space<vmem_shared>> -> memref<640x32xf32, #tpu.memory_space<vmem_shared>>
      tpu.enqueue_dma source(%dma_start3A_165 : memref<640x32xf32, #tpu.memory_space<vmem_shared>>) target(%dma_start3A_163 : memref<640x32xf32, #tpu.memory_space<hbm>>) target_semaphore(%run_scoped3A : memref<!tpu.dma_semaphore, #tpu.memory_space<semaphore_mem>>)
      %dma_wait3A_166 = arith.constant 0 : i32
      %dma_wait3A_167 = tpu.memref_slice %arg5[%arg0, %mul3A_160, %dma_wait3A_166] : memref<2x10240x32xf32, #tpu.memory_space<hbm>> -> memref<1x640x32xf32, #tpu.memory_space<hbm>>
      %dma_wait3A_168 = tpu.memref_squeeze %dma_wait3A_167 : memref<1x640x32xf32, #tpu.memory_space<hbm>> -> memref<640x32xf32, #tpu.memory_space<hbm>>
      %dma_wait3A_169 = arith.constant 0 : i32
      %dma_wait3A_170 = tpu.memref_slice %arg10[%mul3A_158, %dma_wait3A_169] : memref<10240x32xf32, #tpu.memory_space<vmem_shared>> -> memref<640x32xf32, #tpu.memory_space<vmem_shared>>
      tpu.wait_dma2 semaphore(%run_scoped3A : memref<!tpu.dma_semaphore, #tpu.memory_space<semaphore_mem>>) src(%dma_wait3A_170 : memref<640x32xf32, #tpu.memory_space<vmem_shared>>) dst(%dma_wait3A_168 : memref<640x32xf32, #tpu.memory_space<hbm>>)
      tpu.yield
    }) : () -> ()
    return
  }
}

#map = affine_map<(d0, d1) -> (0, 0)>
#map1 = affine_map<(d0, d1) -> (0, 0, 0)>
module attributes {stable_mosaic.version = 14 : i64} {
  func.func @agg(%arg0: i32, %arg1: i32, %arg2: memref<10240x32xf32, #tpu.memory_space<hbm>>, %arg3: memref<2x2560x128xi32, #tpu.memory_space<hbm>>, %arg4: memref<10240x32xf32, #tpu.memory_space<hbm>>, %arg5: memref<2x10240x32xf32, #tpu.memory_space<hbm>>, %arg6: memref<80x128xi32, #tpu.memory_space<vmem>>, %arg7: memref<80x128xi32, #tpu.memory_space<vmem>>, %arg8: memref<8x128x32xf32, #tpu.memory_space<vmem>>, %arg9: memref<10240x32xf32, #tpu.memory_space<vmem_shared>>, %arg10: memref<10240x32xf32, #tpu.memory_space<vmem_shared>>, %arg11: memref<!tpu.dma_semaphore, #tpu.memory_space<semaphore_mem>>, %arg12: memref<!tpu.dma_semaphore, #tpu.memory_space<semaphore_mem>>, %arg13: memref<!tpu.dma_semaphore, #tpu.memory_space<semaphore_mem>>, %arg14: memref<!tpu.dma_semaphore, #tpu.memory_space<semaphore_mem>>, %arg15: memref<!tpu.dma_semaphore, #tpu.memory_space<semaphore_mem>>, %arg16: memref<!tpu.dma_semaphore, #tpu.memory_space<semaphore_mem>>, %arg17: memref<!tpu.dma_semaphore, #tpu.memory_space<semaphore_mem>>, %arg18: memref<!tpu.dma_semaphore, #tpu.memory_space<semaphore_mem>>) attributes {dimension_semantics = [#tpu.dimension_semantics<core_parallel>, #tpu.dimension_semantics<subcore_parallel>], iteration_bounds = array<i64: 2, 16>, scalar_prefetch = 0 : i64, scratch_operands = 13 : i64, tpu.core_type = #tpu.core_type<sc_vector_subcore>, window_params = [{transform_indices = #map}, {transform_indices = #map1}, {transform_indices = #map}, {transform_indices = #map1}]} {
    %mul3A = arith.constant 2 : i32
    %mul3A_0 = arith.muli %arg1, %mul3A : i32
    %add3A = arith.addi %mul3A_0, %arg0 : i32
    %lt3A = arith.constant 31 : i32
    %lt3A_1 = arith.cmpi slt, %add3A, %lt3A : i32
    %jit3A = arith.constant 80 : i32
    %jit3A_2 = arith.constant 20 : i32
    %select_n3A = arith.select %lt3A_1, %jit3A, %jit3A_2 : i32
    %mul3A_3 = arith.constant 80 : i32
    %mul3A_4 = arith.muli %add3A, %mul3A_3 : i32
    %dma_start3A = arith.constant 0 : i32
    %dma_start3A_5 = arith.constant 0 : i32
    %dma_start3A_6 = tpu.memref_slice %arg3[%dma_start3A, %mul3A_4, %dma_start3A_5] : memref<2x2560x128xi32, #tpu.memory_space<hbm>> -> memref<1x80x128xi32, #tpu.memory_space<hbm>>
    %dma_start3A_7 = tpu.memref_squeeze %dma_start3A_6 : memref<1x80x128xi32, #tpu.memory_space<hbm>> -> memref<80x128xi32, #tpu.memory_space<hbm>>
    %dma_start3A_8 = arith.constant 0 : i32
    %dma_start3A_9 = tpu.memref_slice %arg3[%dma_start3A, %mul3A_4, %dma_start3A_8] : memref<2x2560x128xi32, #tpu.memory_space<hbm>> -> memref<1x80x128xi32, #tpu.memory_space<hbm>>
    %dma_start3A_10 = tpu.memref_squeeze %dma_start3A_9 : memref<1x80x128xi32, #tpu.memory_space<hbm>> -> memref<80x128xi32, #tpu.memory_space<hbm>>
    tpu.enqueue_dma source(%dma_start3A_10 : memref<80x128xi32, #tpu.memory_space<hbm>>) target(%arg6 : memref<80x128xi32, #tpu.memory_space<vmem>>) target_semaphore(%arg11 : memref<!tpu.dma_semaphore, #tpu.memory_space<semaphore_mem>>)
    %dma_start3A_11 = arith.constant 1 : i32
    %dma_start3A_12 = arith.constant 0 : i32
    %dma_start3A_13 = tpu.memref_slice %arg3[%dma_start3A_11, %mul3A_4, %dma_start3A_12] : memref<2x2560x128xi32, #tpu.memory_space<hbm>> -> memref<1x80x128xi32, #tpu.memory_space<hbm>>
    %dma_start3A_14 = tpu.memref_squeeze %dma_start3A_13 : memref<1x80x128xi32, #tpu.memory_space<hbm>> -> memref<80x128xi32, #tpu.memory_space<hbm>>
    %dma_start3A_15 = arith.constant 0 : i32
    %dma_start3A_16 = tpu.memref_slice %arg3[%dma_start3A_11, %mul3A_4, %dma_start3A_15] : memref<2x2560x128xi32, #tpu.memory_space<hbm>> -> memref<1x80x128xi32, #tpu.memory_space<hbm>>
    %dma_start3A_17 = tpu.memref_squeeze %dma_start3A_16 : memref<1x80x128xi32, #tpu.memory_space<hbm>> -> memref<80x128xi32, #tpu.memory_space<hbm>>
    tpu.enqueue_dma source(%dma_start3A_17 : memref<80x128xi32, #tpu.memory_space<hbm>>) target(%arg7 : memref<80x128xi32, #tpu.memory_space<vmem>>) target_semaphore(%arg12 : memref<!tpu.dma_semaphore, #tpu.memory_space<semaphore_mem>>)
    %mul3A_18 = arith.constant 640 : i32
    %mul3A_19 = arith.muli %arg1, %mul3A_18 : i32
    %mul3A_20 = arith.constant 640 : i32
    %mul3A_21 = arith.muli %arg1, %mul3A_20 : i32
    %dma_start3A_22 = arith.constant 0 : i32
    %dma_start3A_23 = tpu.memref_slice %arg9[%mul3A_21, %dma_start3A_22] : memref<10240x32xf32, #tpu.memory_space<vmem_shared>> -> memref<640x32xf32, #tpu.memory_space<vmem_shared>>
    %dma_start3A_24 = arith.constant 0 : i32
    %dma_start3A_25 = tpu.memref_slice %arg2[%mul3A_19, %dma_start3A_24] : memref<10240x32xf32, #tpu.memory_space<hbm>> -> memref<640x32xf32, #tpu.memory_space<hbm>>
    tpu.enqueue_dma source(%dma_start3A_25 : memref<640x32xf32, #tpu.memory_space<hbm>>) target(%dma_start3A_23 : memref<640x32xf32, #tpu.memory_space<vmem_shared>>) target_semaphore(%arg13 : memref<!tpu.dma_semaphore, #tpu.memory_space<semaphore_mem>>)
    %mul3A_26 = arith.constant 640 : i32
    %mul3A_27 = arith.muli %arg1, %mul3A_26 : i32
    %mul3A_28 = arith.constant 640 : i32
    %mul3A_29 = arith.muli %arg1, %mul3A_28 : i32
    %dma_start3A_30 = arith.constant 0 : i32
    %dma_start3A_31 = tpu.memref_slice %arg10[%mul3A_29, %dma_start3A_30] : memref<10240x32xf32, #tpu.memory_space<vmem_shared>> -> memref<640x32xf32, #tpu.memory_space<vmem_shared>>
    %dma_start3A_32 = arith.constant 0 : i32
    %dma_start3A_33 = tpu.memref_slice %arg4[%mul3A_27, %dma_start3A_32] : memref<10240x32xf32, #tpu.memory_space<hbm>> -> memref<640x32xf32, #tpu.memory_space<hbm>>
    tpu.enqueue_dma source(%dma_start3A_33 : memref<640x32xf32, #tpu.memory_space<hbm>>) target(%dma_start3A_31 : memref<640x32xf32, #tpu.memory_space<vmem_shared>>) target_semaphore(%arg14 : memref<!tpu.dma_semaphore, #tpu.memory_space<semaphore_mem>>)
    %dma_wait3A = arith.constant 0 : i32
    %dma_wait3A_34 = arith.constant 0 : i32
    %dma_wait3A_35 = tpu.memref_slice %arg3[%dma_wait3A, %mul3A_4, %dma_wait3A_34] : memref<2x2560x128xi32, #tpu.memory_space<hbm>> -> memref<1x80x128xi32, #tpu.memory_space<hbm>>
    %dma_wait3A_36 = tpu.memref_squeeze %dma_wait3A_35 : memref<1x80x128xi32, #tpu.memory_space<hbm>> -> memref<80x128xi32, #tpu.memory_space<hbm>>
    %dma_wait3A_37 = arith.constant 0 : i32
    %dma_wait3A_38 = tpu.memref_slice %arg3[%dma_wait3A, %mul3A_4, %dma_wait3A_37] : memref<2x2560x128xi32, #tpu.memory_space<hbm>> -> memref<1x80x128xi32, #tpu.memory_space<hbm>>
    %dma_wait3A_39 = tpu.memref_squeeze %dma_wait3A_38 : memref<1x80x128xi32, #tpu.memory_space<hbm>> -> memref<80x128xi32, #tpu.memory_space<hbm>>
    tpu.wait_dma2 semaphore(%arg11 : memref<!tpu.dma_semaphore, #tpu.memory_space<semaphore_mem>>) src(%dma_wait3A_39 : memref<80x128xi32, #tpu.memory_space<hbm>>) dst(%arg6 : memref<80x128xi32, #tpu.memory_space<vmem>>)
    %dma_wait3A_40 = arith.constant 1 : i32
    %dma_wait3A_41 = arith.constant 0 : i32
    %dma_wait3A_42 = tpu.memref_slice %arg3[%dma_wait3A_40, %mul3A_4, %dma_wait3A_41] : memref<2x2560x128xi32, #tpu.memory_space<hbm>> -> memref<1x80x128xi32, #tpu.memory_space<hbm>>
    %dma_wait3A_43 = tpu.memref_squeeze %dma_wait3A_42 : memref<1x80x128xi32, #tpu.memory_space<hbm>> -> memref<80x128xi32, #tpu.memory_space<hbm>>
    %dma_wait3A_44 = arith.constant 0 : i32
    %dma_wait3A_45 = tpu.memref_slice %arg3[%dma_wait3A_40, %mul3A_4, %dma_wait3A_44] : memref<2x2560x128xi32, #tpu.memory_space<hbm>> -> memref<1x80x128xi32, #tpu.memory_space<hbm>>
    %dma_wait3A_46 = tpu.memref_squeeze %dma_wait3A_45 : memref<1x80x128xi32, #tpu.memory_space<hbm>> -> memref<80x128xi32, #tpu.memory_space<hbm>>
    tpu.wait_dma2 semaphore(%arg12 : memref<!tpu.dma_semaphore, #tpu.memory_space<semaphore_mem>>) src(%dma_wait3A_46 : memref<80x128xi32, #tpu.memory_space<hbm>>) dst(%arg7 : memref<80x128xi32, #tpu.memory_space<vmem>>)
    %dma_wait3A_47 = arith.constant 0 : i32
    %dma_wait3A_48 = tpu.memref_slice %arg9[%mul3A_21, %dma_wait3A_47] : memref<10240x32xf32, #tpu.memory_space<vmem_shared>> -> memref<640x32xf32, #tpu.memory_space<vmem_shared>>
    %dma_wait3A_49 = arith.constant 0 : i32
    %dma_wait3A_50 = tpu.memref_slice %arg2[%mul3A_19, %dma_wait3A_49] : memref<10240x32xf32, #tpu.memory_space<hbm>> -> memref<640x32xf32, #tpu.memory_space<hbm>>
    tpu.wait_dma2 semaphore(%arg13 : memref<!tpu.dma_semaphore, #tpu.memory_space<semaphore_mem>>) src(%dma_wait3A_50 : memref<640x32xf32, #tpu.memory_space<hbm>>) dst(%dma_wait3A_48 : memref<640x32xf32, #tpu.memory_space<vmem_shared>>)
    %dma_wait3A_51 = arith.constant 0 : i32
    %dma_wait3A_52 = tpu.memref_slice %arg10[%mul3A_29, %dma_wait3A_51] : memref<10240x32xf32, #tpu.memory_space<vmem_shared>> -> memref<640x32xf32, #tpu.memory_space<vmem_shared>>
    %dma_wait3A_53 = arith.constant 0 : i32
    %dma_wait3A_54 = tpu.memref_slice %arg4[%mul3A_27, %dma_wait3A_53] : memref<10240x32xf32, #tpu.memory_space<hbm>> -> memref<640x32xf32, #tpu.memory_space<hbm>>
    tpu.wait_dma2 semaphore(%arg14 : memref<!tpu.dma_semaphore, #tpu.memory_space<semaphore_mem>>) src(%dma_wait3A_54 : memref<640x32xf32, #tpu.memory_space<hbm>>) dst(%dma_wait3A_52 : memref<640x32xf32, #tpu.memory_space<vmem_shared>>)
    %barrier3A = arith.constant 0 : index
    tpu.barrier barrier_id(%barrier3A)
    %dma_start3A_55 = arith.constant 0 : i32
    %dma_start3A_56 = arith.constant 0 : i32
    %dma_start3A_57 = arith.constant 0 : i32
    %dma_start3A_58 = arith.constant 0 : i32
    %dma_start3A_59 = tpu.memref_slice %arg8[%dma_start3A_56, %dma_start3A_57, %dma_start3A_58] : memref<8x128x32xf32, #tpu.memory_space<vmem>> -> memref<1x128x32xf32, #tpu.memory_space<vmem>>
    %dma_start3A_60 = tpu.memref_squeeze %dma_start3A_59 : memref<1x128x32xf32, #tpu.memory_space<vmem>> -> memref<128x32xf32, #tpu.memory_space<vmem>>
    %dma_start3A_61 = arith.constant 0 : i32
    %dma_start3A_62 = tpu.memref_slice %arg6[%dma_start3A_55, %dma_start3A_61] : memref<80x128xi32, #tpu.memory_space<vmem>> -> memref<1x128xi32, #tpu.memory_space<vmem>>
    %dma_start3A_63 = tpu.memref_squeeze %dma_start3A_62 : memref<1x128xi32, #tpu.memory_space<vmem>> -> memref<128xi32, #tpu.memory_space<vmem>>
    %dma_start3A_64 = arith.constant 0 : i32
    %dma_start3A_65 = arith.constant 0 : i32
    %dma_start3A_66 = tpu.memref_slice %arg9[%dma_start3A_64, %dma_start3A_65] : memref<10240x32xf32, #tpu.memory_space<vmem_shared>> -> memref<10240x32xf32, #tpu.memory_space<vmem_shared>>
    tpu.enqueue_indirect_dma source(%dma_start3A_66 : memref<10240x32xf32, #tpu.memory_space<vmem_shared>>) target(%dma_start3A_60 : memref<128x32xf32, #tpu.memory_space<vmem>>) offsets(%dma_start3A_63 : memref<128xi32, #tpu.memory_space<vmem>>) semaphore(%arg11 : memref<!tpu.dma_semaphore, #tpu.memory_space<semaphore_mem>>)
    %dma_start3A_67 = arith.constant 1 : i32
    %dma_start3A_68 = arith.constant 1 : i32
    %dma_start3A_69 = arith.constant 0 : i32
    %dma_start3A_70 = arith.constant 0 : i32
    %dma_start3A_71 = tpu.memref_slice %arg8[%dma_start3A_68, %dma_start3A_69, %dma_start3A_70] : memref<8x128x32xf32, #tpu.memory_space<vmem>> -> memref<1x128x32xf32, #tpu.memory_space<vmem>>
    %dma_start3A_72 = tpu.memref_squeeze %dma_start3A_71 : memref<1x128x32xf32, #tpu.memory_space<vmem>> -> memref<128x32xf32, #tpu.memory_space<vmem>>
    %dma_start3A_73 = arith.constant 0 : i32
    %dma_start3A_74 = tpu.memref_slice %arg6[%dma_start3A_67, %dma_start3A_73] : memref<80x128xi32, #tpu.memory_space<vmem>> -> memref<1x128xi32, #tpu.memory_space<vmem>>
    %dma_start3A_75 = tpu.memref_squeeze %dma_start3A_74 : memref<1x128xi32, #tpu.memory_space<vmem>> -> memref<128xi32, #tpu.memory_space<vmem>>
    %dma_start3A_76 = arith.constant 0 : i32
    %dma_start3A_77 = arith.constant 0 : i32
    %dma_start3A_78 = tpu.memref_slice %arg9[%dma_start3A_76, %dma_start3A_77] : memref<10240x32xf32, #tpu.memory_space<vmem_shared>> -> memref<10240x32xf32, #tpu.memory_space<vmem_shared>>
    tpu.enqueue_indirect_dma source(%dma_start3A_78 : memref<10240x32xf32, #tpu.memory_space<vmem_shared>>) target(%dma_start3A_72 : memref<128x32xf32, #tpu.memory_space<vmem>>) offsets(%dma_start3A_75 : memref<128xi32, #tpu.memory_space<vmem>>) semaphore(%arg12 : memref<!tpu.dma_semaphore, #tpu.memory_space<semaphore_mem>>)
    %dma_start3A_79 = arith.constant 2 : i32
    %dma_start3A_80 = arith.constant 2 : i32
    %dma_start3A_81 = arith.constant 0 : i32
    %dma_start3A_82 = arith.constant 0 : i32
    %dma_start3A_83 = tpu.memref_slice %arg8[%dma_start3A_80, %dma_start3A_81, %dma_start3A_82] : memref<8x128x32xf32, #tpu.memory_space<vmem>> -> memref<1x128x32xf32, #tpu.memory_space<vmem>>
    %dma_start3A_84 = tpu.memref_squeeze %dma_start3A_83 : memref<1x128x32xf32, #tpu.memory_space<vmem>> -> memref<128x32xf32, #tpu.memory_space<vmem>>
    %dma_start3A_85 = arith.constant 0 : i32
    %dma_start3A_86 = tpu.memref_slice %arg6[%dma_start3A_79, %dma_start3A_85] : memref<80x128xi32, #tpu.memory_space<vmem>> -> memref<1x128xi32, #tpu.memory_space<vmem>>
    %dma_start3A_87 = tpu.memref_squeeze %dma_start3A_86 : memref<1x128xi32, #tpu.memory_space<vmem>> -> memref<128xi32, #tpu.memory_space<vmem>>
    %dma_start3A_88 = arith.constant 0 : i32
    %dma_start3A_89 = arith.constant 0 : i32
    %dma_start3A_90 = tpu.memref_slice %arg9[%dma_start3A_88, %dma_start3A_89] : memref<10240x32xf32, #tpu.memory_space<vmem_shared>> -> memref<10240x32xf32, #tpu.memory_space<vmem_shared>>
    tpu.enqueue_indirect_dma source(%dma_start3A_90 : memref<10240x32xf32, #tpu.memory_space<vmem_shared>>) target(%dma_start3A_84 : memref<128x32xf32, #tpu.memory_space<vmem>>) offsets(%dma_start3A_87 : memref<128xi32, #tpu.memory_space<vmem>>) semaphore(%arg13 : memref<!tpu.dma_semaphore, #tpu.memory_space<semaphore_mem>>)
    %dma_start3A_91 = arith.constant 3 : i32
    %dma_start3A_92 = arith.constant 3 : i32
    %dma_start3A_93 = arith.constant 0 : i32
    %dma_start3A_94 = arith.constant 0 : i32
    %dma_start3A_95 = tpu.memref_slice %arg8[%dma_start3A_92, %dma_start3A_93, %dma_start3A_94] : memref<8x128x32xf32, #tpu.memory_space<vmem>> -> memref<1x128x32xf32, #tpu.memory_space<vmem>>
    %dma_start3A_96 = tpu.memref_squeeze %dma_start3A_95 : memref<1x128x32xf32, #tpu.memory_space<vmem>> -> memref<128x32xf32, #tpu.memory_space<vmem>>
    %dma_start3A_97 = arith.constant 0 : i32
    %dma_start3A_98 = tpu.memref_slice %arg6[%dma_start3A_91, %dma_start3A_97] : memref<80x128xi32, #tpu.memory_space<vmem>> -> memref<1x128xi32, #tpu.memory_space<vmem>>
    %dma_start3A_99 = tpu.memref_squeeze %dma_start3A_98 : memref<1x128xi32, #tpu.memory_space<vmem>> -> memref<128xi32, #tpu.memory_space<vmem>>
    %dma_start3A_100 = arith.constant 0 : i32
    %dma_start3A_101 = arith.constant 0 : i32
    %dma_start3A_102 = tpu.memref_slice %arg9[%dma_start3A_100, %dma_start3A_101] : memref<10240x32xf32, #tpu.memory_space<vmem_shared>> -> memref<10240x32xf32, #tpu.memory_space<vmem_shared>>
    tpu.enqueue_indirect_dma source(%dma_start3A_102 : memref<10240x32xf32, #tpu.memory_space<vmem_shared>>) target(%dma_start3A_96 : memref<128x32xf32, #tpu.memory_space<vmem>>) offsets(%dma_start3A_99 : memref<128xi32, #tpu.memory_space<vmem>>) semaphore(%arg14 : memref<!tpu.dma_semaphore, #tpu.memory_space<semaphore_mem>>)
    %dma_start3A_103 = arith.constant 4 : i32
    %dma_start3A_104 = arith.constant 4 : i32
    %dma_start3A_105 = arith.constant 0 : i32
    %dma_start3A_106 = arith.constant 0 : i32
    %dma_start3A_107 = tpu.memref_slice %arg8[%dma_start3A_104, %dma_start3A_105, %dma_start3A_106] : memref<8x128x32xf32, #tpu.memory_space<vmem>> -> memref<1x128x32xf32, #tpu.memory_space<vmem>>
    %dma_start3A_108 = tpu.memref_squeeze %dma_start3A_107 : memref<1x128x32xf32, #tpu.memory_space<vmem>> -> memref<128x32xf32, #tpu.memory_space<vmem>>
    %dma_start3A_109 = arith.constant 0 : i32
    %dma_start3A_110 = tpu.memref_slice %arg6[%dma_start3A_103, %dma_start3A_109] : memref<80x128xi32, #tpu.memory_space<vmem>> -> memref<1x128xi32, #tpu.memory_space<vmem>>
    %dma_start3A_111 = tpu.memref_squeeze %dma_start3A_110 : memref<1x128xi32, #tpu.memory_space<vmem>> -> memref<128xi32, #tpu.memory_space<vmem>>
    %dma_start3A_112 = arith.constant 0 : i32
    %dma_start3A_113 = arith.constant 0 : i32
    %dma_start3A_114 = tpu.memref_slice %arg9[%dma_start3A_112, %dma_start3A_113] : memref<10240x32xf32, #tpu.memory_space<vmem_shared>> -> memref<10240x32xf32, #tpu.memory_space<vmem_shared>>
    tpu.enqueue_indirect_dma source(%dma_start3A_114 : memref<10240x32xf32, #tpu.memory_space<vmem_shared>>) target(%dma_start3A_108 : memref<128x32xf32, #tpu.memory_space<vmem>>) offsets(%dma_start3A_111 : memref<128xi32, #tpu.memory_space<vmem>>) semaphore(%arg15 : memref<!tpu.dma_semaphore, #tpu.memory_space<semaphore_mem>>)
    %dma_start3A_115 = arith.constant 5 : i32
    %dma_start3A_116 = arith.constant 5 : i32
    %dma_start3A_117 = arith.constant 0 : i32
    %dma_start3A_118 = arith.constant 0 : i32
    %dma_start3A_119 = tpu.memref_slice %arg8[%dma_start3A_116, %dma_start3A_117, %dma_start3A_118] : memref<8x128x32xf32, #tpu.memory_space<vmem>> -> memref<1x128x32xf32, #tpu.memory_space<vmem>>
    %dma_start3A_120 = tpu.memref_squeeze %dma_start3A_119 : memref<1x128x32xf32, #tpu.memory_space<vmem>> -> memref<128x32xf32, #tpu.memory_space<vmem>>
    %dma_start3A_121 = arith.constant 0 : i32
    %dma_start3A_122 = tpu.memref_slice %arg6[%dma_start3A_115, %dma_start3A_121] : memref<80x128xi32, #tpu.memory_space<vmem>> -> memref<1x128xi32, #tpu.memory_space<vmem>>
    %dma_start3A_123 = tpu.memref_squeeze %dma_start3A_122 : memref<1x128xi32, #tpu.memory_space<vmem>> -> memref<128xi32, #tpu.memory_space<vmem>>
    %dma_start3A_124 = arith.constant 0 : i32
    %dma_start3A_125 = arith.constant 0 : i32
    %dma_start3A_126 = tpu.memref_slice %arg9[%dma_start3A_124, %dma_start3A_125] : memref<10240x32xf32, #tpu.memory_space<vmem_shared>> -> memref<10240x32xf32, #tpu.memory_space<vmem_shared>>
    tpu.enqueue_indirect_dma source(%dma_start3A_126 : memref<10240x32xf32, #tpu.memory_space<vmem_shared>>) target(%dma_start3A_120 : memref<128x32xf32, #tpu.memory_space<vmem>>) offsets(%dma_start3A_123 : memref<128xi32, #tpu.memory_space<vmem>>) semaphore(%arg16 : memref<!tpu.dma_semaphore, #tpu.memory_space<semaphore_mem>>)
    %dma_start3A_127 = arith.constant 6 : i32
    %dma_start3A_128 = arith.constant 6 : i32
    %dma_start3A_129 = arith.constant 0 : i32
    %dma_start3A_130 = arith.constant 0 : i32
    %dma_start3A_131 = tpu.memref_slice %arg8[%dma_start3A_128, %dma_start3A_129, %dma_start3A_130] : memref<8x128x32xf32, #tpu.memory_space<vmem>> -> memref<1x128x32xf32, #tpu.memory_space<vmem>>
    %dma_start3A_132 = tpu.memref_squeeze %dma_start3A_131 : memref<1x128x32xf32, #tpu.memory_space<vmem>> -> memref<128x32xf32, #tpu.memory_space<vmem>>
    %dma_start3A_133 = arith.constant 0 : i32
    %dma_start3A_134 = tpu.memref_slice %arg6[%dma_start3A_127, %dma_start3A_133] : memref<80x128xi32, #tpu.memory_space<vmem>> -> memref<1x128xi32, #tpu.memory_space<vmem>>
    %dma_start3A_135 = tpu.memref_squeeze %dma_start3A_134 : memref<1x128xi32, #tpu.memory_space<vmem>> -> memref<128xi32, #tpu.memory_space<vmem>>
    %dma_start3A_136 = arith.constant 0 : i32
    %dma_start3A_137 = arith.constant 0 : i32
    %dma_start3A_138 = tpu.memref_slice %arg9[%dma_start3A_136, %dma_start3A_137] : memref<10240x32xf32, #tpu.memory_space<vmem_shared>> -> memref<10240x32xf32, #tpu.memory_space<vmem_shared>>
    tpu.enqueue_indirect_dma source(%dma_start3A_138 : memref<10240x32xf32, #tpu.memory_space<vmem_shared>>) target(%dma_start3A_132 : memref<128x32xf32, #tpu.memory_space<vmem>>) offsets(%dma_start3A_135 : memref<128xi32, #tpu.memory_space<vmem>>) semaphore(%arg17 : memref<!tpu.dma_semaphore, #tpu.memory_space<semaphore_mem>>)
    %dma_start3A_139 = arith.constant 7 : i32
    %dma_start3A_140 = arith.constant 7 : i32
    %dma_start3A_141 = arith.constant 0 : i32
    %dma_start3A_142 = arith.constant 0 : i32
    %dma_start3A_143 = tpu.memref_slice %arg8[%dma_start3A_140, %dma_start3A_141, %dma_start3A_142] : memref<8x128x32xf32, #tpu.memory_space<vmem>> -> memref<1x128x32xf32, #tpu.memory_space<vmem>>
    %dma_start3A_144 = tpu.memref_squeeze %dma_start3A_143 : memref<1x128x32xf32, #tpu.memory_space<vmem>> -> memref<128x32xf32, #tpu.memory_space<vmem>>
    %dma_start3A_145 = arith.constant 0 : i32
    %dma_start3A_146 = tpu.memref_slice %arg6[%dma_start3A_139, %dma_start3A_145] : memref<80x128xi32, #tpu.memory_space<vmem>> -> memref<1x128xi32, #tpu.memory_space<vmem>>
    %dma_start3A_147 = tpu.memref_squeeze %dma_start3A_146 : memref<1x128xi32, #tpu.memory_space<vmem>> -> memref<128xi32, #tpu.memory_space<vmem>>
    %dma_start3A_148 = arith.constant 0 : i32
    %dma_start3A_149 = arith.constant 0 : i32
    %dma_start3A_150 = tpu.memref_slice %arg9[%dma_start3A_148, %dma_start3A_149] : memref<10240x32xf32, #tpu.memory_space<vmem_shared>> -> memref<10240x32xf32, #tpu.memory_space<vmem_shared>>
    tpu.enqueue_indirect_dma source(%dma_start3A_150 : memref<10240x32xf32, #tpu.memory_space<vmem_shared>>) target(%dma_start3A_144 : memref<128x32xf32, #tpu.memory_space<vmem>>) offsets(%dma_start3A_147 : memref<128xi32, #tpu.memory_space<vmem>>) semaphore(%arg18 : memref<!tpu.dma_semaphore, #tpu.memory_space<semaphore_mem>>)
    %scan3A = arith.constant 0 : i32
    %scan3A_151 = arith.constant 0 : i32
    %scan3A_152 = arith.constant 10 : i32
    %scan3A_153 = arith.addi %scan3A_151, %scan3A_152 : i32
    %scan3A_154 = arith.constant 1 : i32
    scf.for %scan3A_161 = %scan3A_151 to %scan3A_153 step %scan3A_154  : i32 {
      %mul3A_162 = arith.constant 8 : i32
      %mul3A_163 = arith.muli %scan3A_161, %mul3A_162 : i32
      %add3A_164 = arith.constant 0 : i32
      %add3A_165 = arith.addi %mul3A_163, %add3A_164 : i32
      %lt3A_166 = arith.cmpi slt, %add3A_165, %select_n3A : i32
      %convert_element_type3A = arith.extui %lt3A_166 : i1 to i32
      %cond3A = arith.constant 0 : i32
      %cond3A_167 = arith.cmpi ne, %convert_element_type3A, %cond3A : i32
      scf.if %cond3A_167 {
        %dma_wait3A_224 = arith.constant 0 : i32
        %dma_wait3A_225 = arith.constant 0 : i32
        %dma_wait3A_226 = arith.constant 0 : i32
        %dma_wait3A_227 = tpu.memref_slice %arg8[%dma_wait3A_224, %dma_wait3A_225, %dma_wait3A_226] : memref<8x128x32xf32, #tpu.memory_space<vmem>> -> memref<1x128x32xf32, #tpu.memory_space<vmem>>
        %dma_wait3A_228 = tpu.memref_squeeze %dma_wait3A_227 : memref<1x128x32xf32, #tpu.memory_space<vmem>> -> memref<128x32xf32, #tpu.memory_space<vmem>>
        %dma_wait3A_229 = arith.constant 0 : i32
        %dma_wait3A_230 = tpu.memref_slice %arg6[%add3A_165, %dma_wait3A_229] : memref<80x128xi32, #tpu.memory_space<vmem>> -> memref<1x128xi32, #tpu.memory_space<vmem>>
        %dma_wait3A_231 = tpu.memref_squeeze %dma_wait3A_230 : memref<1x128xi32, #tpu.memory_space<vmem>> -> memref<128xi32, #tpu.memory_space<vmem>>
        %dma_wait3A_232 = arith.constant 0 : i32
        %dma_wait3A_233 = arith.constant 0 : i32
        %dma_wait3A_234 = tpu.memref_slice %arg9[%dma_wait3A_232, %dma_wait3A_233] : memref<10240x32xf32, #tpu.memory_space<vmem_shared>> -> memref<10240x32xf32, #tpu.memory_space<vmem_shared>>
        tpu.wait_indirect_dma semaphore(%arg11 : memref<!tpu.dma_semaphore, #tpu.memory_space<semaphore_mem>>) src(%dma_wait3A_234 : memref<10240x32xf32, #tpu.memory_space<vmem_shared>>) dst(%dma_wait3A_228 : memref<128x32xf32, #tpu.memory_space<vmem>>)
        %run_scoped3A = arith.constant 0 : i32
        "tpu.region"() ({
          %run_scoped3A_241 = tpu.sem_alloc : memref<!tpu.dma_semaphore, #tpu.memory_space<semaphore_mem>>
          %dma_start3A_242 = arith.constant 0 : i32
          %dma_start3A_243 = arith.constant 0 : i32
          %dma_start3A_244 = tpu.memref_slice %arg8[%run_scoped3A, %dma_start3A_242, %dma_start3A_243] : memref<8x128x32xf32, #tpu.memory_space<vmem>> -> memref<1x128x32xf32, #tpu.memory_space<vmem>>
          %dma_start3A_245 = tpu.memref_squeeze %dma_start3A_244 : memref<1x128x32xf32, #tpu.memory_space<vmem>> -> memref<128x32xf32, #tpu.memory_space<vmem>>
          %dma_start3A_246 = arith.constant 0 : i32
          %dma_start3A_247 = tpu.memref_slice %arg7[%add3A_165, %dma_start3A_246] : memref<80x128xi32, #tpu.memory_space<vmem>> -> memref<1x128xi32, #tpu.memory_space<vmem>>
          %dma_start3A_248 = tpu.memref_squeeze %dma_start3A_247 : memref<1x128xi32, #tpu.memory_space<vmem>> -> memref<128xi32, #tpu.memory_space<vmem>>
          %dma_start3A_249 = arith.constant 0 : i32
          %dma_start3A_250 = arith.constant 0 : i32
          %dma_start3A_251 = tpu.memref_slice %arg10[%dma_start3A_249, %dma_start3A_250] : memref<10240x32xf32, #tpu.memory_space<vmem_shared>> -> memref<10240x32xf32, #tpu.memory_space<vmem_shared>>
          tpu.enqueue_indirect_dma source(%dma_start3A_245 : memref<128x32xf32, #tpu.memory_space<vmem>>) target(%dma_start3A_251 : memref<10240x32xf32, #tpu.memory_space<vmem_shared>>) offsets(%dma_start3A_248 : memref<128xi32, #tpu.memory_space<vmem>>) semaphore(%run_scoped3A_241 : memref<!tpu.dma_semaphore, #tpu.memory_space<semaphore_mem>>) {add = true}
          %dma_wait3A_252 = arith.constant 0 : i32
          %dma_wait3A_253 = arith.constant 0 : i32
          %dma_wait3A_254 = tpu.memref_slice %arg8[%run_scoped3A, %dma_wait3A_252, %dma_wait3A_253] : memref<8x128x32xf32, #tpu.memory_space<vmem>> -> memref<1x128x32xf32, #tpu.memory_space<vmem>>
          %dma_wait3A_255 = tpu.memref_squeeze %dma_wait3A_254 : memref<1x128x32xf32, #tpu.memory_space<vmem>> -> memref<128x32xf32, #tpu.memory_space<vmem>>
          %dma_wait3A_256 = arith.constant 0 : i32
          %dma_wait3A_257 = tpu.memref_slice %arg7[%add3A_165, %dma_wait3A_256] : memref<80x128xi32, #tpu.memory_space<vmem>> -> memref<1x128xi32, #tpu.memory_space<vmem>>
          %dma_wait3A_258 = tpu.memref_squeeze %dma_wait3A_257 : memref<1x128xi32, #tpu.memory_space<vmem>> -> memref<128xi32, #tpu.memory_space<vmem>>
          %dma_wait3A_259 = arith.constant 0 : i32
          %dma_wait3A_260 = arith.constant 0 : i32
          %dma_wait3A_261 = tpu.memref_slice %arg10[%dma_wait3A_259, %dma_wait3A_260] : memref<10240x32xf32, #tpu.memory_space<vmem_shared>> -> memref<10240x32xf32, #tpu.memory_space<vmem_shared>>
          tpu.wait_indirect_dma semaphore(%run_scoped3A_241 : memref<!tpu.dma_semaphore, #tpu.memory_space<semaphore_mem>>) src(%dma_wait3A_255 : memref<128x32xf32, #tpu.memory_space<vmem>>) dst(%dma_wait3A_261 : memref<10240x32xf32, #tpu.memory_space<vmem_shared>>)
          tpu.yield
        }) : () -> ()
        %add3A_235 = arith.constant 8 : i32
        %add3A_236 = arith.addi %add3A_165, %add3A_235 : i32
        %lt3A_237 = arith.cmpi slt, %add3A_236, %select_n3A : i32
        %convert_element_type3A_238 = arith.extui %lt3A_237 : i1 to i32
        %cond3A_239 = arith.constant 0 : i32
        %cond3A_240 = arith.cmpi ne, %convert_element_type3A_238, %cond3A_239 : i32
        scf.if %cond3A_240 {
          %add3A_241 = arith.constant 8 : i32
          %add3A_242 = arith.addi %add3A_165, %add3A_241 : i32
          %dma_start3A_243 = arith.constant 0 : i32
          %dma_start3A_244 = arith.constant 0 : i32
          %dma_start3A_245 = arith.constant 0 : i32
          %dma_start3A_246 = tpu.memref_slice %arg8[%dma_start3A_243, %dma_start3A_244, %dma_start3A_245] : memref<8x128x32xf32, #tpu.memory_space<vmem>> -> memref<1x128x32xf32, #tpu.memory_space<vmem>>
          %dma_start3A_247 = tpu.memref_squeeze %dma_start3A_246 : memref<1x128x32xf32, #tpu.memory_space<vmem>> -> memref<128x32xf32, #tpu.memory_space<vmem>>
          %dma_start3A_248 = arith.constant 0 : i32
          %dma_start3A_249 = tpu.memref_slice %arg6[%add3A_242, %dma_start3A_248] : memref<80x128xi32, #tpu.memory_space<vmem>> -> memref<1x128xi32, #tpu.memory_space<vmem>>
          %dma_start3A_250 = tpu.memref_squeeze %dma_start3A_249 : memref<1x128xi32, #tpu.memory_space<vmem>> -> memref<128xi32, #tpu.memory_space<vmem>>
          %dma_start3A_251 = arith.constant 0 : i32
          %dma_start3A_252 = arith.constant 0 : i32
          %dma_start3A_253 = tpu.memref_slice %arg9[%dma_start3A_251, %dma_start3A_252] : memref<10240x32xf32, #tpu.memory_space<vmem_shared>> -> memref<10240x32xf32, #tpu.memory_space<vmem_shared>>
          tpu.enqueue_indirect_dma source(%dma_start3A_253 : memref<10240x32xf32, #tpu.memory_space<vmem_shared>>) target(%dma_start3A_247 : memref<128x32xf32, #tpu.memory_space<vmem>>) offsets(%dma_start3A_250 : memref<128xi32, #tpu.memory_space<vmem>>) semaphore(%arg11 : memref<!tpu.dma_semaphore, #tpu.memory_space<semaphore_mem>>)
        } else {
        }
      } else {
      }
      %mul3A_168 = arith.constant 8 : i32
      %mul3A_169 = arith.muli %scan3A_161, %mul3A_168 : i32
      %add3A_170 = arith.constant 1 : i32
      %add3A_171 = arith.addi %mul3A_169, %add3A_170 : i32
      %lt3A_172 = arith.cmpi slt, %add3A_171, %select_n3A : i32
      %convert_element_type3A_173 = arith.extui %lt3A_172 : i1 to i32
      %cond3A_174 = arith.constant 0 : i32
      %cond3A_175 = arith.cmpi ne, %convert_element_type3A_173, %cond3A_174 : i32
      scf.if %cond3A_175 {
        %dma_wait3A_224 = arith.constant 1 : i32
        %dma_wait3A_225 = arith.constant 0 : i32
        %dma_wait3A_226 = arith.constant 0 : i32
        %dma_wait3A_227 = tpu.memref_slice %arg8[%dma_wait3A_224, %dma_wait3A_225, %dma_wait3A_226] : memref<8x128x32xf32, #tpu.memory_space<vmem>> -> memref<1x128x32xf32, #tpu.memory_space<vmem>>
        %dma_wait3A_228 = tpu.memref_squeeze %dma_wait3A_227 : memref<1x128x32xf32, #tpu.memory_space<vmem>> -> memref<128x32xf32, #tpu.memory_space<vmem>>
        %dma_wait3A_229 = arith.constant 0 : i32
        %dma_wait3A_230 = tpu.memref_slice %arg6[%add3A_171, %dma_wait3A_229] : memref<80x128xi32, #tpu.memory_space<vmem>> -> memref<1x128xi32, #tpu.memory_space<vmem>>
        %dma_wait3A_231 = tpu.memref_squeeze %dma_wait3A_230 : memref<1x128xi32, #tpu.memory_space<vmem>> -> memref<128xi32, #tpu.memory_space<vmem>>
        %dma_wait3A_232 = arith.constant 0 : i32
        %dma_wait3A_233 = arith.constant 0 : i32
        %dma_wait3A_234 = tpu.memref_slice %arg9[%dma_wait3A_232, %dma_wait3A_233] : memref<10240x32xf32, #tpu.memory_space<vmem_shared>> -> memref<10240x32xf32, #tpu.memory_space<vmem_shared>>
        tpu.wait_indirect_dma semaphore(%arg12 : memref<!tpu.dma_semaphore, #tpu.memory_space<semaphore_mem>>) src(%dma_wait3A_234 : memref<10240x32xf32, #tpu.memory_space<vmem_shared>>) dst(%dma_wait3A_228 : memref<128x32xf32, #tpu.memory_space<vmem>>)
        %run_scoped3A = arith.constant 1 : i32
        "tpu.region"() ({
          %run_scoped3A_241 = tpu.sem_alloc : memref<!tpu.dma_semaphore, #tpu.memory_space<semaphore_mem>>
          %dma_start3A_242 = arith.constant 0 : i32
          %dma_start3A_243 = arith.constant 0 : i32
          %dma_start3A_244 = tpu.memref_slice %arg8[%run_scoped3A, %dma_start3A_242, %dma_start3A_243] : memref<8x128x32xf32, #tpu.memory_space<vmem>> -> memref<1x128x32xf32, #tpu.memory_space<vmem>>
          %dma_start3A_245 = tpu.memref_squeeze %dma_start3A_244 : memref<1x128x32xf32, #tpu.memory_space<vmem>> -> memref<128x32xf32, #tpu.memory_space<vmem>>
          %dma_start3A_246 = arith.constant 0 : i32
          %dma_start3A_247 = tpu.memref_slice %arg7[%add3A_171, %dma_start3A_246] : memref<80x128xi32, #tpu.memory_space<vmem>> -> memref<1x128xi32, #tpu.memory_space<vmem>>
          %dma_start3A_248 = tpu.memref_squeeze %dma_start3A_247 : memref<1x128xi32, #tpu.memory_space<vmem>> -> memref<128xi32, #tpu.memory_space<vmem>>
          %dma_start3A_249 = arith.constant 0 : i32
          %dma_start3A_250 = arith.constant 0 : i32
          %dma_start3A_251 = tpu.memref_slice %arg10[%dma_start3A_249, %dma_start3A_250] : memref<10240x32xf32, #tpu.memory_space<vmem_shared>> -> memref<10240x32xf32, #tpu.memory_space<vmem_shared>>
          tpu.enqueue_indirect_dma source(%dma_start3A_245 : memref<128x32xf32, #tpu.memory_space<vmem>>) target(%dma_start3A_251 : memref<10240x32xf32, #tpu.memory_space<vmem_shared>>) offsets(%dma_start3A_248 : memref<128xi32, #tpu.memory_space<vmem>>) semaphore(%run_scoped3A_241 : memref<!tpu.dma_semaphore, #tpu.memory_space<semaphore_mem>>) {add = true}
          %dma_wait3A_252 = arith.constant 0 : i32
          %dma_wait3A_253 = arith.constant 0 : i32
          %dma_wait3A_254 = tpu.memref_slice %arg8[%run_scoped3A, %dma_wait3A_252, %dma_wait3A_253] : memref<8x128x32xf32, #tpu.memory_space<vmem>> -> memref<1x128x32xf32, #tpu.memory_space<vmem>>
          %dma_wait3A_255 = tpu.memref_squeeze %dma_wait3A_254 : memref<1x128x32xf32, #tpu.memory_space<vmem>> -> memref<128x32xf32, #tpu.memory_space<vmem>>
          %dma_wait3A_256 = arith.constant 0 : i32
          %dma_wait3A_257 = tpu.memref_slice %arg7[%add3A_171, %dma_wait3A_256] : memref<80x128xi32, #tpu.memory_space<vmem>> -> memref<1x128xi32, #tpu.memory_space<vmem>>
          %dma_wait3A_258 = tpu.memref_squeeze %dma_wait3A_257 : memref<1x128xi32, #tpu.memory_space<vmem>> -> memref<128xi32, #tpu.memory_space<vmem>>
          %dma_wait3A_259 = arith.constant 0 : i32
          %dma_wait3A_260 = arith.constant 0 : i32
          %dma_wait3A_261 = tpu.memref_slice %arg10[%dma_wait3A_259, %dma_wait3A_260] : memref<10240x32xf32, #tpu.memory_space<vmem_shared>> -> memref<10240x32xf32, #tpu.memory_space<vmem_shared>>
          tpu.wait_indirect_dma semaphore(%run_scoped3A_241 : memref<!tpu.dma_semaphore, #tpu.memory_space<semaphore_mem>>) src(%dma_wait3A_255 : memref<128x32xf32, #tpu.memory_space<vmem>>) dst(%dma_wait3A_261 : memref<10240x32xf32, #tpu.memory_space<vmem_shared>>)
          tpu.yield
        }) : () -> ()
        %add3A_235 = arith.constant 8 : i32
        %add3A_236 = arith.addi %add3A_171, %add3A_235 : i32
        %lt3A_237 = arith.cmpi slt, %add3A_236, %select_n3A : i32
        %convert_element_type3A_238 = arith.extui %lt3A_237 : i1 to i32
        %cond3A_239 = arith.constant 0 : i32
        %cond3A_240 = arith.cmpi ne, %convert_element_type3A_238, %cond3A_239 : i32
        scf.if %cond3A_240 {
          %add3A_241 = arith.constant 8 : i32
          %add3A_242 = arith.addi %add3A_171, %add3A_241 : i32
          %dma_start3A_243 = arith.constant 1 : i32
          %dma_start3A_244 = arith.constant 0 : i32
          %dma_start3A_245 = arith.constant 0 : i32
          %dma_start3A_246 = tpu.memref_slice %arg8[%dma_start3A_243, %dma_start3A_244, %dma_start3A_245] : memref<8x128x32xf32, #tpu.memory_space<vmem>> -> memref<1x128x32xf32, #tpu.memory_space<vmem>>
          %dma_start3A_247 = tpu.memref_squeeze %dma_start3A_246 : memref<1x128x32xf32, #tpu.memory_space<vmem>> -> memref<128x32xf32, #tpu.memory_space<vmem>>
          %dma_start3A_248 = arith.constant 0 : i32
          %dma_start3A_249 = tpu.memref_slice %arg6[%add3A_242, %dma_start3A_248] : memref<80x128xi32, #tpu.memory_space<vmem>> -> memref<1x128xi32, #tpu.memory_space<vmem>>
          %dma_start3A_250 = tpu.memref_squeeze %dma_start3A_249 : memref<1x128xi32, #tpu.memory_space<vmem>> -> memref<128xi32, #tpu.memory_space<vmem>>
          %dma_start3A_251 = arith.constant 0 : i32
          %dma_start3A_252 = arith.constant 0 : i32
          %dma_start3A_253 = tpu.memref_slice %arg9[%dma_start3A_251, %dma_start3A_252] : memref<10240x32xf32, #tpu.memory_space<vmem_shared>> -> memref<10240x32xf32, #tpu.memory_space<vmem_shared>>
          tpu.enqueue_indirect_dma source(%dma_start3A_253 : memref<10240x32xf32, #tpu.memory_space<vmem_shared>>) target(%dma_start3A_247 : memref<128x32xf32, #tpu.memory_space<vmem>>) offsets(%dma_start3A_250 : memref<128xi32, #tpu.memory_space<vmem>>) semaphore(%arg12 : memref<!tpu.dma_semaphore, #tpu.memory_space<semaphore_mem>>)
        } else {
        }
      } else {
      }
      %mul3A_176 = arith.constant 8 : i32
      %mul3A_177 = arith.muli %scan3A_161, %mul3A_176 : i32
      %add3A_178 = arith.constant 2 : i32
      %add3A_179 = arith.addi %mul3A_177, %add3A_178 : i32
      %lt3A_180 = arith.cmpi slt, %add3A_179, %select_n3A : i32
      %convert_element_type3A_181 = arith.extui %lt3A_180 : i1 to i32
      %cond3A_182 = arith.constant 0 : i32
      %cond3A_183 = arith.cmpi ne, %convert_element_type3A_181, %cond3A_182 : i32
      scf.if %cond3A_183 {
        %dma_wait3A_224 = arith.constant 2 : i32
        %dma_wait3A_225 = arith.constant 0 : i32
        %dma_wait3A_226 = arith.constant 0 : i32
        %dma_wait3A_227 = tpu.memref_slice %arg8[%dma_wait3A_224, %dma_wait3A_225, %dma_wait3A_226] : memref<8x128x32xf32, #tpu.memory_space<vmem>> -> memref<1x128x32xf32, #tpu.memory_space<vmem>>
        %dma_wait3A_228 = tpu.memref_squeeze %dma_wait3A_227 : memref<1x128x32xf32, #tpu.memory_space<vmem>> -> memref<128x32xf32, #tpu.memory_space<vmem>>
        %dma_wait3A_229 = arith.constant 0 : i32
        %dma_wait3A_230 = tpu.memref_slice %arg6[%add3A_179, %dma_wait3A_229] : memref<80x128xi32, #tpu.memory_space<vmem>> -> memref<1x128xi32, #tpu.memory_space<vmem>>
        %dma_wait3A_231 = tpu.memref_squeeze %dma_wait3A_230 : memref<1x128xi32, #tpu.memory_space<vmem>> -> memref<128xi32, #tpu.memory_space<vmem>>
        %dma_wait3A_232 = arith.constant 0 : i32
        %dma_wait3A_233 = arith.constant 0 : i32
        %dma_wait3A_234 = tpu.memref_slice %arg9[%dma_wait3A_232, %dma_wait3A_233] : memref<10240x32xf32, #tpu.memory_space<vmem_shared>> -> memref<10240x32xf32, #tpu.memory_space<vmem_shared>>
        tpu.wait_indirect_dma semaphore(%arg13 : memref<!tpu.dma_semaphore, #tpu.memory_space<semaphore_mem>>) src(%dma_wait3A_234 : memref<10240x32xf32, #tpu.memory_space<vmem_shared>>) dst(%dma_wait3A_228 : memref<128x32xf32, #tpu.memory_space<vmem>>)
        %run_scoped3A = arith.constant 2 : i32
        "tpu.region"() ({
          %run_scoped3A_241 = tpu.sem_alloc : memref<!tpu.dma_semaphore, #tpu.memory_space<semaphore_mem>>
          %dma_start3A_242 = arith.constant 0 : i32
          %dma_start3A_243 = arith.constant 0 : i32
          %dma_start3A_244 = tpu.memref_slice %arg8[%run_scoped3A, %dma_start3A_242, %dma_start3A_243] : memref<8x128x32xf32, #tpu.memory_space<vmem>> -> memref<1x128x32xf32, #tpu.memory_space<vmem>>
          %dma_start3A_245 = tpu.memref_squeeze %dma_start3A_244 : memref<1x128x32xf32, #tpu.memory_space<vmem>> -> memref<128x32xf32, #tpu.memory_space<vmem>>
          %dma_start3A_246 = arith.constant 0 : i32
          %dma_start3A_247 = tpu.memref_slice %arg7[%add3A_179, %dma_start3A_246] : memref<80x128xi32, #tpu.memory_space<vmem>> -> memref<1x128xi32, #tpu.memory_space<vmem>>
          %dma_start3A_248 = tpu.memref_squeeze %dma_start3A_247 : memref<1x128xi32, #tpu.memory_space<vmem>> -> memref<128xi32, #tpu.memory_space<vmem>>
          %dma_start3A_249 = arith.constant 0 : i32
          %dma_start3A_250 = arith.constant 0 : i32
          %dma_start3A_251 = tpu.memref_slice %arg10[%dma_start3A_249, %dma_start3A_250] : memref<10240x32xf32, #tpu.memory_space<vmem_shared>> -> memref<10240x32xf32, #tpu.memory_space<vmem_shared>>
          tpu.enqueue_indirect_dma source(%dma_start3A_245 : memref<128x32xf32, #tpu.memory_space<vmem>>) target(%dma_start3A_251 : memref<10240x32xf32, #tpu.memory_space<vmem_shared>>) offsets(%dma_start3A_248 : memref<128xi32, #tpu.memory_space<vmem>>) semaphore(%run_scoped3A_241 : memref<!tpu.dma_semaphore, #tpu.memory_space<semaphore_mem>>) {add = true}
          %dma_wait3A_252 = arith.constant 0 : i32
          %dma_wait3A_253 = arith.constant 0 : i32
          %dma_wait3A_254 = tpu.memref_slice %arg8[%run_scoped3A, %dma_wait3A_252, %dma_wait3A_253] : memref<8x128x32xf32, #tpu.memory_space<vmem>> -> memref<1x128x32xf32, #tpu.memory_space<vmem>>
          %dma_wait3A_255 = tpu.memref_squeeze %dma_wait3A_254 : memref<1x128x32xf32, #tpu.memory_space<vmem>> -> memref<128x32xf32, #tpu.memory_space<vmem>>
          %dma_wait3A_256 = arith.constant 0 : i32
          %dma_wait3A_257 = tpu.memref_slice %arg7[%add3A_179, %dma_wait3A_256] : memref<80x128xi32, #tpu.memory_space<vmem>> -> memref<1x128xi32, #tpu.memory_space<vmem>>
          %dma_wait3A_258 = tpu.memref_squeeze %dma_wait3A_257 : memref<1x128xi32, #tpu.memory_space<vmem>> -> memref<128xi32, #tpu.memory_space<vmem>>
          %dma_wait3A_259 = arith.constant 0 : i32
          %dma_wait3A_260 = arith.constant 0 : i32
          %dma_wait3A_261 = tpu.memref_slice %arg10[%dma_wait3A_259, %dma_wait3A_260] : memref<10240x32xf32, #tpu.memory_space<vmem_shared>> -> memref<10240x32xf32, #tpu.memory_space<vmem_shared>>
          tpu.wait_indirect_dma semaphore(%run_scoped3A_241 : memref<!tpu.dma_semaphore, #tpu.memory_space<semaphore_mem>>) src(%dma_wait3A_255 : memref<128x32xf32, #tpu.memory_space<vmem>>) dst(%dma_wait3A_261 : memref<10240x32xf32, #tpu.memory_space<vmem_shared>>)
          tpu.yield
        }) : () -> ()
        %add3A_235 = arith.constant 8 : i32
        %add3A_236 = arith.addi %add3A_179, %add3A_235 : i32
        %lt3A_237 = arith.cmpi slt, %add3A_236, %select_n3A : i32
        %convert_element_type3A_238 = arith.extui %lt3A_237 : i1 to i32
        %cond3A_239 = arith.constant 0 : i32
        %cond3A_240 = arith.cmpi ne, %convert_element_type3A_238, %cond3A_239 : i32
        scf.if %cond3A_240 {
          %add3A_241 = arith.constant 8 : i32
          %add3A_242 = arith.addi %add3A_179, %add3A_241 : i32
          %dma_start3A_243 = arith.constant 2 : i32
          %dma_start3A_244 = arith.constant 0 : i32
          %dma_start3A_245 = arith.constant 0 : i32
          %dma_start3A_246 = tpu.memref_slice %arg8[%dma_start3A_243, %dma_start3A_244, %dma_start3A_245] : memref<8x128x32xf32, #tpu.memory_space<vmem>> -> memref<1x128x32xf32, #tpu.memory_space<vmem>>
          %dma_start3A_247 = tpu.memref_squeeze %dma_start3A_246 : memref<1x128x32xf32, #tpu.memory_space<vmem>> -> memref<128x32xf32, #tpu.memory_space<vmem>>
          %dma_start3A_248 = arith.constant 0 : i32
          %dma_start3A_249 = tpu.memref_slice %arg6[%add3A_242, %dma_start3A_248] : memref<80x128xi32, #tpu.memory_space<vmem>> -> memref<1x128xi32, #tpu.memory_space<vmem>>
          %dma_start3A_250 = tpu.memref_squeeze %dma_start3A_249 : memref<1x128xi32, #tpu.memory_space<vmem>> -> memref<128xi32, #tpu.memory_space<vmem>>
          %dma_start3A_251 = arith.constant 0 : i32
          %dma_start3A_252 = arith.constant 0 : i32
          %dma_start3A_253 = tpu.memref_slice %arg9[%dma_start3A_251, %dma_start3A_252] : memref<10240x32xf32, #tpu.memory_space<vmem_shared>> -> memref<10240x32xf32, #tpu.memory_space<vmem_shared>>
          tpu.enqueue_indirect_dma source(%dma_start3A_253 : memref<10240x32xf32, #tpu.memory_space<vmem_shared>>) target(%dma_start3A_247 : memref<128x32xf32, #tpu.memory_space<vmem>>) offsets(%dma_start3A_250 : memref<128xi32, #tpu.memory_space<vmem>>) semaphore(%arg13 : memref<!tpu.dma_semaphore, #tpu.memory_space<semaphore_mem>>)
        } else {
        }
      } else {
      }
      %mul3A_184 = arith.constant 8 : i32
      %mul3A_185 = arith.muli %scan3A_161, %mul3A_184 : i32
      %add3A_186 = arith.constant 3 : i32
      %add3A_187 = arith.addi %mul3A_185, %add3A_186 : i32
      %lt3A_188 = arith.cmpi slt, %add3A_187, %select_n3A : i32
      %convert_element_type3A_189 = arith.extui %lt3A_188 : i1 to i32
      %cond3A_190 = arith.constant 0 : i32
      %cond3A_191 = arith.cmpi ne, %convert_element_type3A_189, %cond3A_190 : i32
      scf.if %cond3A_191 {
        %dma_wait3A_224 = arith.constant 3 : i32
        %dma_wait3A_225 = arith.constant 0 : i32
        %dma_wait3A_226 = arith.constant 0 : i32
        %dma_wait3A_227 = tpu.memref_slice %arg8[%dma_wait3A_224, %dma_wait3A_225, %dma_wait3A_226] : memref<8x128x32xf32, #tpu.memory_space<vmem>> -> memref<1x128x32xf32, #tpu.memory_space<vmem>>
        %dma_wait3A_228 = tpu.memref_squeeze %dma_wait3A_227 : memref<1x128x32xf32, #tpu.memory_space<vmem>> -> memref<128x32xf32, #tpu.memory_space<vmem>>
        %dma_wait3A_229 = arith.constant 0 : i32
        %dma_wait3A_230 = tpu.memref_slice %arg6[%add3A_187, %dma_wait3A_229] : memref<80x128xi32, #tpu.memory_space<vmem>> -> memref<1x128xi32, #tpu.memory_space<vmem>>
        %dma_wait3A_231 = tpu.memref_squeeze %dma_wait3A_230 : memref<1x128xi32, #tpu.memory_space<vmem>> -> memref<128xi32, #tpu.memory_space<vmem>>
        %dma_wait3A_232 = arith.constant 0 : i32
        %dma_wait3A_233 = arith.constant 0 : i32
        %dma_wait3A_234 = tpu.memref_slice %arg9[%dma_wait3A_232, %dma_wait3A_233] : memref<10240x32xf32, #tpu.memory_space<vmem_shared>> -> memref<10240x32xf32, #tpu.memory_space<vmem_shared>>
        tpu.wait_indirect_dma semaphore(%arg14 : memref<!tpu.dma_semaphore, #tpu.memory_space<semaphore_mem>>) src(%dma_wait3A_234 : memref<10240x32xf32, #tpu.memory_space<vmem_shared>>) dst(%dma_wait3A_228 : memref<128x32xf32, #tpu.memory_space<vmem>>)
        %run_scoped3A = arith.constant 3 : i32
        "tpu.region"() ({
          %run_scoped3A_241 = tpu.sem_alloc : memref<!tpu.dma_semaphore, #tpu.memory_space<semaphore_mem>>
          %dma_start3A_242 = arith.constant 0 : i32
          %dma_start3A_243 = arith.constant 0 : i32
          %dma_start3A_244 = tpu.memref_slice %arg8[%run_scoped3A, %dma_start3A_242, %dma_start3A_243] : memref<8x128x32xf32, #tpu.memory_space<vmem>> -> memref<1x128x32xf32, #tpu.memory_space<vmem>>
          %dma_start3A_245 = tpu.memref_squeeze %dma_start3A_244 : memref<1x128x32xf32, #tpu.memory_space<vmem>> -> memref<128x32xf32, #tpu.memory_space<vmem>>
          %dma_start3A_246 = arith.constant 0 : i32
          %dma_start3A_247 = tpu.memref_slice %arg7[%add3A_187, %dma_start3A_246] : memref<80x128xi32, #tpu.memory_space<vmem>> -> memref<1x128xi32, #tpu.memory_space<vmem>>
          %dma_start3A_248 = tpu.memref_squeeze %dma_start3A_247 : memref<1x128xi32, #tpu.memory_space<vmem>> -> memref<128xi32, #tpu.memory_space<vmem>>
          %dma_start3A_249 = arith.constant 0 : i32
          %dma_start3A_250 = arith.constant 0 : i32
          %dma_start3A_251 = tpu.memref_slice %arg10[%dma_start3A_249, %dma_start3A_250] : memref<10240x32xf32, #tpu.memory_space<vmem_shared>> -> memref<10240x32xf32, #tpu.memory_space<vmem_shared>>
          tpu.enqueue_indirect_dma source(%dma_start3A_245 : memref<128x32xf32, #tpu.memory_space<vmem>>) target(%dma_start3A_251 : memref<10240x32xf32, #tpu.memory_space<vmem_shared>>) offsets(%dma_start3A_248 : memref<128xi32, #tpu.memory_space<vmem>>) semaphore(%run_scoped3A_241 : memref<!tpu.dma_semaphore, #tpu.memory_space<semaphore_mem>>) {add = true}
          %dma_wait3A_252 = arith.constant 0 : i32
          %dma_wait3A_253 = arith.constant 0 : i32
          %dma_wait3A_254 = tpu.memref_slice %arg8[%run_scoped3A, %dma_wait3A_252, %dma_wait3A_253] : memref<8x128x32xf32, #tpu.memory_space<vmem>> -> memref<1x128x32xf32, #tpu.memory_space<vmem>>
          %dma_wait3A_255 = tpu.memref_squeeze %dma_wait3A_254 : memref<1x128x32xf32, #tpu.memory_space<vmem>> -> memref<128x32xf32, #tpu.memory_space<vmem>>
          %dma_wait3A_256 = arith.constant 0 : i32
          %dma_wait3A_257 = tpu.memref_slice %arg7[%add3A_187, %dma_wait3A_256] : memref<80x128xi32, #tpu.memory_space<vmem>> -> memref<1x128xi32, #tpu.memory_space<vmem>>
          %dma_wait3A_258 = tpu.memref_squeeze %dma_wait3A_257 : memref<1x128xi32, #tpu.memory_space<vmem>> -> memref<128xi32, #tpu.memory_space<vmem>>
          %dma_wait3A_259 = arith.constant 0 : i32
          %dma_wait3A_260 = arith.constant 0 : i32
          %dma_wait3A_261 = tpu.memref_slice %arg10[%dma_wait3A_259, %dma_wait3A_260] : memref<10240x32xf32, #tpu.memory_space<vmem_shared>> -> memref<10240x32xf32, #tpu.memory_space<vmem_shared>>
          tpu.wait_indirect_dma semaphore(%run_scoped3A_241 : memref<!tpu.dma_semaphore, #tpu.memory_space<semaphore_mem>>) src(%dma_wait3A_255 : memref<128x32xf32, #tpu.memory_space<vmem>>) dst(%dma_wait3A_261 : memref<10240x32xf32, #tpu.memory_space<vmem_shared>>)
          tpu.yield
        }) : () -> ()
        %add3A_235 = arith.constant 8 : i32
        %add3A_236 = arith.addi %add3A_187, %add3A_235 : i32
        %lt3A_237 = arith.cmpi slt, %add3A_236, %select_n3A : i32
        %convert_element_type3A_238 = arith.extui %lt3A_237 : i1 to i32
        %cond3A_239 = arith.constant 0 : i32
        %cond3A_240 = arith.cmpi ne, %convert_element_type3A_238, %cond3A_239 : i32
        scf.if %cond3A_240 {
          %add3A_241 = arith.constant 8 : i32
          %add3A_242 = arith.addi %add3A_187, %add3A_241 : i32
          %dma_start3A_243 = arith.constant 3 : i32
          %dma_start3A_244 = arith.constant 0 : i32
          %dma_start3A_245 = arith.constant 0 : i32
          %dma_start3A_246 = tpu.memref_slice %arg8[%dma_start3A_243, %dma_start3A_244, %dma_start3A_245] : memref<8x128x32xf32, #tpu.memory_space<vmem>> -> memref<1x128x32xf32, #tpu.memory_space<vmem>>
          %dma_start3A_247 = tpu.memref_squeeze %dma_start3A_246 : memref<1x128x32xf32, #tpu.memory_space<vmem>> -> memref<128x32xf32, #tpu.memory_space<vmem>>
          %dma_start3A_248 = arith.constant 0 : i32
          %dma_start3A_249 = tpu.memref_slice %arg6[%add3A_242, %dma_start3A_248] : memref<80x128xi32, #tpu.memory_space<vmem>> -> memref<1x128xi32, #tpu.memory_space<vmem>>
          %dma_start3A_250 = tpu.memref_squeeze %dma_start3A_249 : memref<1x128xi32, #tpu.memory_space<vmem>> -> memref<128xi32, #tpu.memory_space<vmem>>
          %dma_start3A_251 = arith.constant 0 : i32
          %dma_start3A_252 = arith.constant 0 : i32
          %dma_start3A_253 = tpu.memref_slice %arg9[%dma_start3A_251, %dma_start3A_252] : memref<10240x32xf32, #tpu.memory_space<vmem_shared>> -> memref<10240x32xf32, #tpu.memory_space<vmem_shared>>
          tpu.enqueue_indirect_dma source(%dma_start3A_253 : memref<10240x32xf32, #tpu.memory_space<vmem_shared>>) target(%dma_start3A_247 : memref<128x32xf32, #tpu.memory_space<vmem>>) offsets(%dma_start3A_250 : memref<128xi32, #tpu.memory_space<vmem>>) semaphore(%arg14 : memref<!tpu.dma_semaphore, #tpu.memory_space<semaphore_mem>>)
        } else {
        }
      } else {
      }
      %mul3A_192 = arith.constant 8 : i32
      %mul3A_193 = arith.muli %scan3A_161, %mul3A_192 : i32
      %add3A_194 = arith.constant 4 : i32
      %add3A_195 = arith.addi %mul3A_193, %add3A_194 : i32
      %lt3A_196 = arith.cmpi slt, %add3A_195, %select_n3A : i32
      %convert_element_type3A_197 = arith.extui %lt3A_196 : i1 to i32
      %cond3A_198 = arith.constant 0 : i32
      %cond3A_199 = arith.cmpi ne, %convert_element_type3A_197, %cond3A_198 : i32
      scf.if %cond3A_199 {
        %dma_wait3A_224 = arith.constant 4 : i32
        %dma_wait3A_225 = arith.constant 0 : i32
        %dma_wait3A_226 = arith.constant 0 : i32
        %dma_wait3A_227 = tpu.memref_slice %arg8[%dma_wait3A_224, %dma_wait3A_225, %dma_wait3A_226] : memref<8x128x32xf32, #tpu.memory_space<vmem>> -> memref<1x128x32xf32, #tpu.memory_space<vmem>>
        %dma_wait3A_228 = tpu.memref_squeeze %dma_wait3A_227 : memref<1x128x32xf32, #tpu.memory_space<vmem>> -> memref<128x32xf32, #tpu.memory_space<vmem>>
        %dma_wait3A_229 = arith.constant 0 : i32
        %dma_wait3A_230 = tpu.memref_slice %arg6[%add3A_195, %dma_wait3A_229] : memref<80x128xi32, #tpu.memory_space<vmem>> -> memref<1x128xi32, #tpu.memory_space<vmem>>
        %dma_wait3A_231 = tpu.memref_squeeze %dma_wait3A_230 : memref<1x128xi32, #tpu.memory_space<vmem>> -> memref<128xi32, #tpu.memory_space<vmem>>
        %dma_wait3A_232 = arith.constant 0 : i32
        %dma_wait3A_233 = arith.constant 0 : i32
        %dma_wait3A_234 = tpu.memref_slice %arg9[%dma_wait3A_232, %dma_wait3A_233] : memref<10240x32xf32, #tpu.memory_space<vmem_shared>> -> memref<10240x32xf32, #tpu.memory_space<vmem_shared>>
        tpu.wait_indirect_dma semaphore(%arg15 : memref<!tpu.dma_semaphore, #tpu.memory_space<semaphore_mem>>) src(%dma_wait3A_234 : memref<10240x32xf32, #tpu.memory_space<vmem_shared>>) dst(%dma_wait3A_228 : memref<128x32xf32, #tpu.memory_space<vmem>>)
        %run_scoped3A = arith.constant 4 : i32
        "tpu.region"() ({
          %run_scoped3A_241 = tpu.sem_alloc : memref<!tpu.dma_semaphore, #tpu.memory_space<semaphore_mem>>
          %dma_start3A_242 = arith.constant 0 : i32
          %dma_start3A_243 = arith.constant 0 : i32
          %dma_start3A_244 = tpu.memref_slice %arg8[%run_scoped3A, %dma_start3A_242, %dma_start3A_243] : memref<8x128x32xf32, #tpu.memory_space<vmem>> -> memref<1x128x32xf32, #tpu.memory_space<vmem>>
          %dma_start3A_245 = tpu.memref_squeeze %dma_start3A_244 : memref<1x128x32xf32, #tpu.memory_space<vmem>> -> memref<128x32xf32, #tpu.memory_space<vmem>>
          %dma_start3A_246 = arith.constant 0 : i32
          %dma_start3A_247 = tpu.memref_slice %arg7[%add3A_195, %dma_start3A_246] : memref<80x128xi32, #tpu.memory_space<vmem>> -> memref<1x128xi32, #tpu.memory_space<vmem>>
          %dma_start3A_248 = tpu.memref_squeeze %dma_start3A_247 : memref<1x128xi32, #tpu.memory_space<vmem>> -> memref<128xi32, #tpu.memory_space<vmem>>
          %dma_start3A_249 = arith.constant 0 : i32
          %dma_start3A_250 = arith.constant 0 : i32
          %dma_start3A_251 = tpu.memref_slice %arg10[%dma_start3A_249, %dma_start3A_250] : memref<10240x32xf32, #tpu.memory_space<vmem_shared>> -> memref<10240x32xf32, #tpu.memory_space<vmem_shared>>
          tpu.enqueue_indirect_dma source(%dma_start3A_245 : memref<128x32xf32, #tpu.memory_space<vmem>>) target(%dma_start3A_251 : memref<10240x32xf32, #tpu.memory_space<vmem_shared>>) offsets(%dma_start3A_248 : memref<128xi32, #tpu.memory_space<vmem>>) semaphore(%run_scoped3A_241 : memref<!tpu.dma_semaphore, #tpu.memory_space<semaphore_mem>>) {add = true}
          %dma_wait3A_252 = arith.constant 0 : i32
          %dma_wait3A_253 = arith.constant 0 : i32
          %dma_wait3A_254 = tpu.memref_slice %arg8[%run_scoped3A, %dma_wait3A_252, %dma_wait3A_253] : memref<8x128x32xf32, #tpu.memory_space<vmem>> -> memref<1x128x32xf32, #tpu.memory_space<vmem>>
          %dma_wait3A_255 = tpu.memref_squeeze %dma_wait3A_254 : memref<1x128x32xf32, #tpu.memory_space<vmem>> -> memref<128x32xf32, #tpu.memory_space<vmem>>
          %dma_wait3A_256 = arith.constant 0 : i32
          %dma_wait3A_257 = tpu.memref_slice %arg7[%add3A_195, %dma_wait3A_256] : memref<80x128xi32, #tpu.memory_space<vmem>> -> memref<1x128xi32, #tpu.memory_space<vmem>>
          %dma_wait3A_258 = tpu.memref_squeeze %dma_wait3A_257 : memref<1x128xi32, #tpu.memory_space<vmem>> -> memref<128xi32, #tpu.memory_space<vmem>>
          %dma_wait3A_259 = arith.constant 0 : i32
          %dma_wait3A_260 = arith.constant 0 : i32
          %dma_wait3A_261 = tpu.memref_slice %arg10[%dma_wait3A_259, %dma_wait3A_260] : memref<10240x32xf32, #tpu.memory_space<vmem_shared>> -> memref<10240x32xf32, #tpu.memory_space<vmem_shared>>
          tpu.wait_indirect_dma semaphore(%run_scoped3A_241 : memref<!tpu.dma_semaphore, #tpu.memory_space<semaphore_mem>>) src(%dma_wait3A_255 : memref<128x32xf32, #tpu.memory_space<vmem>>) dst(%dma_wait3A_261 : memref<10240x32xf32, #tpu.memory_space<vmem_shared>>)
          tpu.yield
        }) : () -> ()
        %add3A_235 = arith.constant 8 : i32
        %add3A_236 = arith.addi %add3A_195, %add3A_235 : i32
        %lt3A_237 = arith.cmpi slt, %add3A_236, %select_n3A : i32
        %convert_element_type3A_238 = arith.extui %lt3A_237 : i1 to i32
        %cond3A_239 = arith.constant 0 : i32
        %cond3A_240 = arith.cmpi ne, %convert_element_type3A_238, %cond3A_239 : i32
        scf.if %cond3A_240 {
          %add3A_241 = arith.constant 8 : i32
          %add3A_242 = arith.addi %add3A_195, %add3A_241 : i32
          %dma_start3A_243 = arith.constant 4 : i32
          %dma_start3A_244 = arith.constant 0 : i32
          %dma_start3A_245 = arith.constant 0 : i32
          %dma_start3A_246 = tpu.memref_slice %arg8[%dma_start3A_243, %dma_start3A_244, %dma_start3A_245] : memref<8x128x32xf32, #tpu.memory_space<vmem>> -> memref<1x128x32xf32, #tpu.memory_space<vmem>>
          %dma_start3A_247 = tpu.memref_squeeze %dma_start3A_246 : memref<1x128x32xf32, #tpu.memory_space<vmem>> -> memref<128x32xf32, #tpu.memory_space<vmem>>
          %dma_start3A_248 = arith.constant 0 : i32
          %dma_start3A_249 = tpu.memref_slice %arg6[%add3A_242, %dma_start3A_248] : memref<80x128xi32, #tpu.memory_space<vmem>> -> memref<1x128xi32, #tpu.memory_space<vmem>>
          %dma_start3A_250 = tpu.memref_squeeze %dma_start3A_249 : memref<1x128xi32, #tpu.memory_space<vmem>> -> memref<128xi32, #tpu.memory_space<vmem>>
          %dma_start3A_251 = arith.constant 0 : i32
          %dma_start3A_252 = arith.constant 0 : i32
          %dma_start3A_253 = tpu.memref_slice %arg9[%dma_start3A_251, %dma_start3A_252] : memref<10240x32xf32, #tpu.memory_space<vmem_shared>> -> memref<10240x32xf32, #tpu.memory_space<vmem_shared>>
          tpu.enqueue_indirect_dma source(%dma_start3A_253 : memref<10240x32xf32, #tpu.memory_space<vmem_shared>>) target(%dma_start3A_247 : memref<128x32xf32, #tpu.memory_space<vmem>>) offsets(%dma_start3A_250 : memref<128xi32, #tpu.memory_space<vmem>>) semaphore(%arg15 : memref<!tpu.dma_semaphore, #tpu.memory_space<semaphore_mem>>)
        } else {
        }
      } else {
      }
      %mul3A_200 = arith.constant 8 : i32
      %mul3A_201 = arith.muli %scan3A_161, %mul3A_200 : i32
      %add3A_202 = arith.constant 5 : i32
      %add3A_203 = arith.addi %mul3A_201, %add3A_202 : i32
      %lt3A_204 = arith.cmpi slt, %add3A_203, %select_n3A : i32
      %convert_element_type3A_205 = arith.extui %lt3A_204 : i1 to i32
      %cond3A_206 = arith.constant 0 : i32
      %cond3A_207 = arith.cmpi ne, %convert_element_type3A_205, %cond3A_206 : i32
      scf.if %cond3A_207 {
        %dma_wait3A_224 = arith.constant 5 : i32
        %dma_wait3A_225 = arith.constant 0 : i32
        %dma_wait3A_226 = arith.constant 0 : i32
        %dma_wait3A_227 = tpu.memref_slice %arg8[%dma_wait3A_224, %dma_wait3A_225, %dma_wait3A_226] : memref<8x128x32xf32, #tpu.memory_space<vmem>> -> memref<1x128x32xf32, #tpu.memory_space<vmem>>
        %dma_wait3A_228 = tpu.memref_squeeze %dma_wait3A_227 : memref<1x128x32xf32, #tpu.memory_space<vmem>> -> memref<128x32xf32, #tpu.memory_space<vmem>>
        %dma_wait3A_229 = arith.constant 0 : i32
        %dma_wait3A_230 = tpu.memref_slice %arg6[%add3A_203, %dma_wait3A_229] : memref<80x128xi32, #tpu.memory_space<vmem>> -> memref<1x128xi32, #tpu.memory_space<vmem>>
        %dma_wait3A_231 = tpu.memref_squeeze %dma_wait3A_230 : memref<1x128xi32, #tpu.memory_space<vmem>> -> memref<128xi32, #tpu.memory_space<vmem>>
        %dma_wait3A_232 = arith.constant 0 : i32
        %dma_wait3A_233 = arith.constant 0 : i32
        %dma_wait3A_234 = tpu.memref_slice %arg9[%dma_wait3A_232, %dma_wait3A_233] : memref<10240x32xf32, #tpu.memory_space<vmem_shared>> -> memref<10240x32xf32, #tpu.memory_space<vmem_shared>>
        tpu.wait_indirect_dma semaphore(%arg16 : memref<!tpu.dma_semaphore, #tpu.memory_space<semaphore_mem>>) src(%dma_wait3A_234 : memref<10240x32xf32, #tpu.memory_space<vmem_shared>>) dst(%dma_wait3A_228 : memref<128x32xf32, #tpu.memory_space<vmem>>)
        %run_scoped3A = arith.constant 5 : i32
        "tpu.region"() ({
          %run_scoped3A_241 = tpu.sem_alloc : memref<!tpu.dma_semaphore, #tpu.memory_space<semaphore_mem>>
          %dma_start3A_242 = arith.constant 0 : i32
          %dma_start3A_243 = arith.constant 0 : i32
          %dma_start3A_244 = tpu.memref_slice %arg8[%run_scoped3A, %dma_start3A_242, %dma_start3A_243] : memref<8x128x32xf32, #tpu.memory_space<vmem>> -> memref<1x128x32xf32, #tpu.memory_space<vmem>>
          %dma_start3A_245 = tpu.memref_squeeze %dma_start3A_244 : memref<1x128x32xf32, #tpu.memory_space<vmem>> -> memref<128x32xf32, #tpu.memory_space<vmem>>
          %dma_start3A_246 = arith.constant 0 : i32
          %dma_start3A_247 = tpu.memref_slice %arg7[%add3A_203, %dma_start3A_246] : memref<80x128xi32, #tpu.memory_space<vmem>> -> memref<1x128xi32, #tpu.memory_space<vmem>>
          %dma_start3A_248 = tpu.memref_squeeze %dma_start3A_247 : memref<1x128xi32, #tpu.memory_space<vmem>> -> memref<128xi32, #tpu.memory_space<vmem>>
          %dma_start3A_249 = arith.constant 0 : i32
          %dma_start3A_250 = arith.constant 0 : i32
          %dma_start3A_251 = tpu.memref_slice %arg10[%dma_start3A_249, %dma_start3A_250] : memref<10240x32xf32, #tpu.memory_space<vmem_shared>> -> memref<10240x32xf32, #tpu.memory_space<vmem_shared>>
          tpu.enqueue_indirect_dma source(%dma_start3A_245 : memref<128x32xf32, #tpu.memory_space<vmem>>) target(%dma_start3A_251 : memref<10240x32xf32, #tpu.memory_space<vmem_shared>>) offsets(%dma_start3A_248 : memref<128xi32, #tpu.memory_space<vmem>>) semaphore(%run_scoped3A_241 : memref<!tpu.dma_semaphore, #tpu.memory_space<semaphore_mem>>) {add = true}
          %dma_wait3A_252 = arith.constant 0 : i32
          %dma_wait3A_253 = arith.constant 0 : i32
          %dma_wait3A_254 = tpu.memref_slice %arg8[%run_scoped3A, %dma_wait3A_252, %dma_wait3A_253] : memref<8x128x32xf32, #tpu.memory_space<vmem>> -> memref<1x128x32xf32, #tpu.memory_space<vmem>>
          %dma_wait3A_255 = tpu.memref_squeeze %dma_wait3A_254 : memref<1x128x32xf32, #tpu.memory_space<vmem>> -> memref<128x32xf32, #tpu.memory_space<vmem>>
          %dma_wait3A_256 = arith.constant 0 : i32
          %dma_wait3A_257 = tpu.memref_slice %arg7[%add3A_203, %dma_wait3A_256] : memref<80x128xi32, #tpu.memory_space<vmem>> -> memref<1x128xi32, #tpu.memory_space<vmem>>
          %dma_wait3A_258 = tpu.memref_squeeze %dma_wait3A_257 : memref<1x128xi32, #tpu.memory_space<vmem>> -> memref<128xi32, #tpu.memory_space<vmem>>
          %dma_wait3A_259 = arith.constant 0 : i32
          %dma_wait3A_260 = arith.constant 0 : i32
          %dma_wait3A_261 = tpu.memref_slice %arg10[%dma_wait3A_259, %dma_wait3A_260] : memref<10240x32xf32, #tpu.memory_space<vmem_shared>> -> memref<10240x32xf32, #tpu.memory_space<vmem_shared>>
          tpu.wait_indirect_dma semaphore(%run_scoped3A_241 : memref<!tpu.dma_semaphore, #tpu.memory_space<semaphore_mem>>) src(%dma_wait3A_255 : memref<128x32xf32, #tpu.memory_space<vmem>>) dst(%dma_wait3A_261 : memref<10240x32xf32, #tpu.memory_space<vmem_shared>>)
          tpu.yield
        }) : () -> ()
        %add3A_235 = arith.constant 8 : i32
        %add3A_236 = arith.addi %add3A_203, %add3A_235 : i32
        %lt3A_237 = arith.cmpi slt, %add3A_236, %select_n3A : i32
        %convert_element_type3A_238 = arith.extui %lt3A_237 : i1 to i32
        %cond3A_239 = arith.constant 0 : i32
        %cond3A_240 = arith.cmpi ne, %convert_element_type3A_238, %cond3A_239 : i32
        scf.if %cond3A_240 {
          %add3A_241 = arith.constant 8 : i32
          %add3A_242 = arith.addi %add3A_203, %add3A_241 : i32
          %dma_start3A_243 = arith.constant 5 : i32
          %dma_start3A_244 = arith.constant 0 : i32
          %dma_start3A_245 = arith.constant 0 : i32
          %dma_start3A_246 = tpu.memref_slice %arg8[%dma_start3A_243, %dma_start3A_244, %dma_start3A_245] : memref<8x128x32xf32, #tpu.memory_space<vmem>> -> memref<1x128x32xf32, #tpu.memory_space<vmem>>
          %dma_start3A_247 = tpu.memref_squeeze %dma_start3A_246 : memref<1x128x32xf32, #tpu.memory_space<vmem>> -> memref<128x32xf32, #tpu.memory_space<vmem>>
          %dma_start3A_248 = arith.constant 0 : i32
          %dma_start3A_249 = tpu.memref_slice %arg6[%add3A_242, %dma_start3A_248] : memref<80x128xi32, #tpu.memory_space<vmem>> -> memref<1x128xi32, #tpu.memory_space<vmem>>
          %dma_start3A_250 = tpu.memref_squeeze %dma_start3A_249 : memref<1x128xi32, #tpu.memory_space<vmem>> -> memref<128xi32, #tpu.memory_space<vmem>>
          %dma_start3A_251 = arith.constant 0 : i32
          %dma_start3A_252 = arith.constant 0 : i32
          %dma_start3A_253 = tpu.memref_slice %arg9[%dma_start3A_251, %dma_start3A_252] : memref<10240x32xf32, #tpu.memory_space<vmem_shared>> -> memref<10240x32xf32, #tpu.memory_space<vmem_shared>>
          tpu.enqueue_indirect_dma source(%dma_start3A_253 : memref<10240x32xf32, #tpu.memory_space<vmem_shared>>) target(%dma_start3A_247 : memref<128x32xf32, #tpu.memory_space<vmem>>) offsets(%dma_start3A_250 : memref<128xi32, #tpu.memory_space<vmem>>) semaphore(%arg16 : memref<!tpu.dma_semaphore, #tpu.memory_space<semaphore_mem>>)
        } else {
        }
      } else {
      }
      %mul3A_208 = arith.constant 8 : i32
      %mul3A_209 = arith.muli %scan3A_161, %mul3A_208 : i32
      %add3A_210 = arith.constant 6 : i32
      %add3A_211 = arith.addi %mul3A_209, %add3A_210 : i32
      %lt3A_212 = arith.cmpi slt, %add3A_211, %select_n3A : i32
      %convert_element_type3A_213 = arith.extui %lt3A_212 : i1 to i32
      %cond3A_214 = arith.constant 0 : i32
      %cond3A_215 = arith.cmpi ne, %convert_element_type3A_213, %cond3A_214 : i32
      scf.if %cond3A_215 {
        %dma_wait3A_224 = arith.constant 6 : i32
        %dma_wait3A_225 = arith.constant 0 : i32
        %dma_wait3A_226 = arith.constant 0 : i32
        %dma_wait3A_227 = tpu.memref_slice %arg8[%dma_wait3A_224, %dma_wait3A_225, %dma_wait3A_226] : memref<8x128x32xf32, #tpu.memory_space<vmem>> -> memref<1x128x32xf32, #tpu.memory_space<vmem>>
        %dma_wait3A_228 = tpu.memref_squeeze %dma_wait3A_227 : memref<1x128x32xf32, #tpu.memory_space<vmem>> -> memref<128x32xf32, #tpu.memory_space<vmem>>
        %dma_wait3A_229 = arith.constant 0 : i32
        %dma_wait3A_230 = tpu.memref_slice %arg6[%add3A_211, %dma_wait3A_229] : memref<80x128xi32, #tpu.memory_space<vmem>> -> memref<1x128xi32, #tpu.memory_space<vmem>>
        %dma_wait3A_231 = tpu.memref_squeeze %dma_wait3A_230 : memref<1x128xi32, #tpu.memory_space<vmem>> -> memref<128xi32, #tpu.memory_space<vmem>>
        %dma_wait3A_232 = arith.constant 0 : i32
        %dma_wait3A_233 = arith.constant 0 : i32
        %dma_wait3A_234 = tpu.memref_slice %arg9[%dma_wait3A_232, %dma_wait3A_233] : memref<10240x32xf32, #tpu.memory_space<vmem_shared>> -> memref<10240x32xf32, #tpu.memory_space<vmem_shared>>
        tpu.wait_indirect_dma semaphore(%arg17 : memref<!tpu.dma_semaphore, #tpu.memory_space<semaphore_mem>>) src(%dma_wait3A_234 : memref<10240x32xf32, #tpu.memory_space<vmem_shared>>) dst(%dma_wait3A_228 : memref<128x32xf32, #tpu.memory_space<vmem>>)
        %run_scoped3A = arith.constant 6 : i32
        "tpu.region"() ({
          %run_scoped3A_241 = tpu.sem_alloc : memref<!tpu.dma_semaphore, #tpu.memory_space<semaphore_mem>>
          %dma_start3A_242 = arith.constant 0 : i32
          %dma_start3A_243 = arith.constant 0 : i32
          %dma_start3A_244 = tpu.memref_slice %arg8[%run_scoped3A, %dma_start3A_242, %dma_start3A_243] : memref<8x128x32xf32, #tpu.memory_space<vmem>> -> memref<1x128x32xf32, #tpu.memory_space<vmem>>
          %dma_start3A_245 = tpu.memref_squeeze %dma_start3A_244 : memref<1x128x32xf32, #tpu.memory_space<vmem>> -> memref<128x32xf32, #tpu.memory_space<vmem>>
          %dma_start3A_246 = arith.constant 0 : i32
          %dma_start3A_247 = tpu.memref_slice %arg7[%add3A_211, %dma_start3A_246] : memref<80x128xi32, #tpu.memory_space<vmem>> -> memref<1x128xi32, #tpu.memory_space<vmem>>
          %dma_start3A_248 = tpu.memref_squeeze %dma_start3A_247 : memref<1x128xi32, #tpu.memory_space<vmem>> -> memref<128xi32, #tpu.memory_space<vmem>>
          %dma_start3A_249 = arith.constant 0 : i32
          %dma_start3A_250 = arith.constant 0 : i32
          %dma_start3A_251 = tpu.memref_slice %arg10[%dma_start3A_249, %dma_start3A_250] : memref<10240x32xf32, #tpu.memory_space<vmem_shared>> -> memref<10240x32xf32, #tpu.memory_space<vmem_shared>>
          tpu.enqueue_indirect_dma source(%dma_start3A_245 : memref<128x32xf32, #tpu.memory_space<vmem>>) target(%dma_start3A_251 : memref<10240x32xf32, #tpu.memory_space<vmem_shared>>) offsets(%dma_start3A_248 : memref<128xi32, #tpu.memory_space<vmem>>) semaphore(%run_scoped3A_241 : memref<!tpu.dma_semaphore, #tpu.memory_space<semaphore_mem>>) {add = true}
          %dma_wait3A_252 = arith.constant 0 : i32
          %dma_wait3A_253 = arith.constant 0 : i32
          %dma_wait3A_254 = tpu.memref_slice %arg8[%run_scoped3A, %dma_wait3A_252, %dma_wait3A_253] : memref<8x128x32xf32, #tpu.memory_space<vmem>> -> memref<1x128x32xf32, #tpu.memory_space<vmem>>
          %dma_wait3A_255 = tpu.memref_squeeze %dma_wait3A_254 : memref<1x128x32xf32, #tpu.memory_space<vmem>> -> memref<128x32xf32, #tpu.memory_space<vmem>>
          %dma_wait3A_256 = arith.constant 0 : i32
          %dma_wait3A_257 = tpu.memref_slice %arg7[%add3A_211, %dma_wait3A_256] : memref<80x128xi32, #tpu.memory_space<vmem>> -> memref<1x128xi32, #tpu.memory_space<vmem>>
          %dma_wait3A_258 = tpu.memref_squeeze %dma_wait3A_257 : memref<1x128xi32, #tpu.memory_space<vmem>> -> memref<128xi32, #tpu.memory_space<vmem>>
          %dma_wait3A_259 = arith.constant 0 : i32
          %dma_wait3A_260 = arith.constant 0 : i32
          %dma_wait3A_261 = tpu.memref_slice %arg10[%dma_wait3A_259, %dma_wait3A_260] : memref<10240x32xf32, #tpu.memory_space<vmem_shared>> -> memref<10240x32xf32, #tpu.memory_space<vmem_shared>>
          tpu.wait_indirect_dma semaphore(%run_scoped3A_241 : memref<!tpu.dma_semaphore, #tpu.memory_space<semaphore_mem>>) src(%dma_wait3A_255 : memref<128x32xf32, #tpu.memory_space<vmem>>) dst(%dma_wait3A_261 : memref<10240x32xf32, #tpu.memory_space<vmem_shared>>)
          tpu.yield
        }) : () -> ()
        %add3A_235 = arith.constant 8 : i32
        %add3A_236 = arith.addi %add3A_211, %add3A_235 : i32
        %lt3A_237 = arith.cmpi slt, %add3A_236, %select_n3A : i32
        %convert_element_type3A_238 = arith.extui %lt3A_237 : i1 to i32
        %cond3A_239 = arith.constant 0 : i32
        %cond3A_240 = arith.cmpi ne, %convert_element_type3A_238, %cond3A_239 : i32
        scf.if %cond3A_240 {
          %add3A_241 = arith.constant 8 : i32
          %add3A_242 = arith.addi %add3A_211, %add3A_241 : i32
          %dma_start3A_243 = arith.constant 6 : i32
          %dma_start3A_244 = arith.constant 0 : i32
          %dma_start3A_245 = arith.constant 0 : i32
          %dma_start3A_246 = tpu.memref_slice %arg8[%dma_start3A_243, %dma_start3A_244, %dma_start3A_245] : memref<8x128x32xf32, #tpu.memory_space<vmem>> -> memref<1x128x32xf32, #tpu.memory_space<vmem>>
          %dma_start3A_247 = tpu.memref_squeeze %dma_start3A_246 : memref<1x128x32xf32, #tpu.memory_space<vmem>> -> memref<128x32xf32, #tpu.memory_space<vmem>>
          %dma_start3A_248 = arith.constant 0 : i32
          %dma_start3A_249 = tpu.memref_slice %arg6[%add3A_242, %dma_start3A_248] : memref<80x128xi32, #tpu.memory_space<vmem>> -> memref<1x128xi32, #tpu.memory_space<vmem>>
          %dma_start3A_250 = tpu.memref_squeeze %dma_start3A_249 : memref<1x128xi32, #tpu.memory_space<vmem>> -> memref<128xi32, #tpu.memory_space<vmem>>
          %dma_start3A_251 = arith.constant 0 : i32
          %dma_start3A_252 = arith.constant 0 : i32
          %dma_start3A_253 = tpu.memref_slice %arg9[%dma_start3A_251, %dma_start3A_252] : memref<10240x32xf32, #tpu.memory_space<vmem_shared>> -> memref<10240x32xf32, #tpu.memory_space<vmem_shared>>
          tpu.enqueue_indirect_dma source(%dma_start3A_253 : memref<10240x32xf32, #tpu.memory_space<vmem_shared>>) target(%dma_start3A_247 : memref<128x32xf32, #tpu.memory_space<vmem>>) offsets(%dma_start3A_250 : memref<128xi32, #tpu.memory_space<vmem>>) semaphore(%arg17 : memref<!tpu.dma_semaphore, #tpu.memory_space<semaphore_mem>>)
        } else {
        }
      } else {
      }
      %mul3A_216 = arith.constant 8 : i32
      %mul3A_217 = arith.muli %scan3A_161, %mul3A_216 : i32
      %add3A_218 = arith.constant 7 : i32
      %add3A_219 = arith.addi %mul3A_217, %add3A_218 : i32
      %lt3A_220 = arith.cmpi slt, %add3A_219, %select_n3A : i32
      %convert_element_type3A_221 = arith.extui %lt3A_220 : i1 to i32
      %cond3A_222 = arith.constant 0 : i32
      %cond3A_223 = arith.cmpi ne, %convert_element_type3A_221, %cond3A_222 : i32
      scf.if %cond3A_223 {
        %dma_wait3A_224 = arith.constant 7 : i32
        %dma_wait3A_225 = arith.constant 0 : i32
        %dma_wait3A_226 = arith.constant 0 : i32
        %dma_wait3A_227 = tpu.memref_slice %arg8[%dma_wait3A_224, %dma_wait3A_225, %dma_wait3A_226] : memref<8x128x32xf32, #tpu.memory_space<vmem>> -> memref<1x128x32xf32, #tpu.memory_space<vmem>>
        %dma_wait3A_228 = tpu.memref_squeeze %dma_wait3A_227 : memref<1x128x32xf32, #tpu.memory_space<vmem>> -> memref<128x32xf32, #tpu.memory_space<vmem>>
        %dma_wait3A_229 = arith.constant 0 : i32
        %dma_wait3A_230 = tpu.memref_slice %arg6[%add3A_219, %dma_wait3A_229] : memref<80x128xi32, #tpu.memory_space<vmem>> -> memref<1x128xi32, #tpu.memory_space<vmem>>
        %dma_wait3A_231 = tpu.memref_squeeze %dma_wait3A_230 : memref<1x128xi32, #tpu.memory_space<vmem>> -> memref<128xi32, #tpu.memory_space<vmem>>
        %dma_wait3A_232 = arith.constant 0 : i32
        %dma_wait3A_233 = arith.constant 0 : i32
        %dma_wait3A_234 = tpu.memref_slice %arg9[%dma_wait3A_232, %dma_wait3A_233] : memref<10240x32xf32, #tpu.memory_space<vmem_shared>> -> memref<10240x32xf32, #tpu.memory_space<vmem_shared>>
        tpu.wait_indirect_dma semaphore(%arg18 : memref<!tpu.dma_semaphore, #tpu.memory_space<semaphore_mem>>) src(%dma_wait3A_234 : memref<10240x32xf32, #tpu.memory_space<vmem_shared>>) dst(%dma_wait3A_228 : memref<128x32xf32, #tpu.memory_space<vmem>>)
        %run_scoped3A = arith.constant 7 : i32
        "tpu.region"() ({
          %run_scoped3A_241 = tpu.sem_alloc : memref<!tpu.dma_semaphore, #tpu.memory_space<semaphore_mem>>
          %dma_start3A_242 = arith.constant 0 : i32
          %dma_start3A_243 = arith.constant 0 : i32
          %dma_start3A_244 = tpu.memref_slice %arg8[%run_scoped3A, %dma_start3A_242, %dma_start3A_243] : memref<8x128x32xf32, #tpu.memory_space<vmem>> -> memref<1x128x32xf32, #tpu.memory_space<vmem>>
          %dma_start3A_245 = tpu.memref_squeeze %dma_start3A_244 : memref<1x128x32xf32, #tpu.memory_space<vmem>> -> memref<128x32xf32, #tpu.memory_space<vmem>>
          %dma_start3A_246 = arith.constant 0 : i32
          %dma_start3A_247 = tpu.memref_slice %arg7[%add3A_219, %dma_start3A_246] : memref<80x128xi32, #tpu.memory_space<vmem>> -> memref<1x128xi32, #tpu.memory_space<vmem>>
          %dma_start3A_248 = tpu.memref_squeeze %dma_start3A_247 : memref<1x128xi32, #tpu.memory_space<vmem>> -> memref<128xi32, #tpu.memory_space<vmem>>
          %dma_start3A_249 = arith.constant 0 : i32
          %dma_start3A_250 = arith.constant 0 : i32
          %dma_start3A_251 = tpu.memref_slice %arg10[%dma_start3A_249, %dma_start3A_250] : memref<10240x32xf32, #tpu.memory_space<vmem_shared>> -> memref<10240x32xf32, #tpu.memory_space<vmem_shared>>
          tpu.enqueue_indirect_dma source(%dma_start3A_245 : memref<128x32xf32, #tpu.memory_space<vmem>>) target(%dma_start3A_251 : memref<10240x32xf32, #tpu.memory_space<vmem_shared>>) offsets(%dma_start3A_248 : memref<128xi32, #tpu.memory_space<vmem>>) semaphore(%run_scoped3A_241 : memref<!tpu.dma_semaphore, #tpu.memory_space<semaphore_mem>>) {add = true}
          %dma_wait3A_252 = arith.constant 0 : i32
          %dma_wait3A_253 = arith.constant 0 : i32
          %dma_wait3A_254 = tpu.memref_slice %arg8[%run_scoped3A, %dma_wait3A_252, %dma_wait3A_253] : memref<8x128x32xf32, #tpu.memory_space<vmem>> -> memref<1x128x32xf32, #tpu.memory_space<vmem>>
          %dma_wait3A_255 = tpu.memref_squeeze %dma_wait3A_254 : memref<1x128x32xf32, #tpu.memory_space<vmem>> -> memref<128x32xf32, #tpu.memory_space<vmem>>
          %dma_wait3A_256 = arith.constant 0 : i32
          %dma_wait3A_257 = tpu.memref_slice %arg7[%add3A_219, %dma_wait3A_256] : memref<80x128xi32, #tpu.memory_space<vmem>> -> memref<1x128xi32, #tpu.memory_space<vmem>>
          %dma_wait3A_258 = tpu.memref_squeeze %dma_wait3A_257 : memref<1x128xi32, #tpu.memory_space<vmem>> -> memref<128xi32, #tpu.memory_space<vmem>>
          %dma_wait3A_259 = arith.constant 0 : i32
          %dma_wait3A_260 = arith.constant 0 : i32
          %dma_wait3A_261 = tpu.memref_slice %arg10[%dma_wait3A_259, %dma_wait3A_260] : memref<10240x32xf32, #tpu.memory_space<vmem_shared>> -> memref<10240x32xf32, #tpu.memory_space<vmem_shared>>
          tpu.wait_indirect_dma semaphore(%run_scoped3A_241 : memref<!tpu.dma_semaphore, #tpu.memory_space<semaphore_mem>>) src(%dma_wait3A_255 : memref<128x32xf32, #tpu.memory_space<vmem>>) dst(%dma_wait3A_261 : memref<10240x32xf32, #tpu.memory_space<vmem_shared>>)
          tpu.yield
        }) : () -> ()
        %add3A_235 = arith.constant 8 : i32
        %add3A_236 = arith.addi %add3A_219, %add3A_235 : i32
        %lt3A_237 = arith.cmpi slt, %add3A_236, %select_n3A : i32
        %convert_element_type3A_238 = arith.extui %lt3A_237 : i1 to i32
        %cond3A_239 = arith.constant 0 : i32
        %cond3A_240 = arith.cmpi ne, %convert_element_type3A_238, %cond3A_239 : i32
        scf.if %cond3A_240 {
          %add3A_241 = arith.constant 8 : i32
          %add3A_242 = arith.addi %add3A_219, %add3A_241 : i32
          %dma_start3A_243 = arith.constant 7 : i32
          %dma_start3A_244 = arith.constant 0 : i32
          %dma_start3A_245 = arith.constant 0 : i32
          %dma_start3A_246 = tpu.memref_slice %arg8[%dma_start3A_243, %dma_start3A_244, %dma_start3A_245] : memref<8x128x32xf32, #tpu.memory_space<vmem>> -> memref<1x128x32xf32, #tpu.memory_space<vmem>>
          %dma_start3A_247 = tpu.memref_squeeze %dma_start3A_246 : memref<1x128x32xf32, #tpu.memory_space<vmem>> -> memref<128x32xf32, #tpu.memory_space<vmem>>
          %dma_start3A_248 = arith.constant 0 : i32
          %dma_start3A_249 = tpu.memref_slice %arg6[%add3A_242, %dma_start3A_248] : memref<80x128xi32, #tpu.memory_space<vmem>> -> memref<1x128xi32, #tpu.memory_space<vmem>>
          %dma_start3A_250 = tpu.memref_squeeze %dma_start3A_249 : memref<1x128xi32, #tpu.memory_space<vmem>> -> memref<128xi32, #tpu.memory_space<vmem>>
          %dma_start3A_251 = arith.constant 0 : i32
          %dma_start3A_252 = arith.constant 0 : i32
          %dma_start3A_253 = tpu.memref_slice %arg9[%dma_start3A_251, %dma_start3A_252] : memref<10240x32xf32, #tpu.memory_space<vmem_shared>> -> memref<10240x32xf32, #tpu.memory_space<vmem_shared>>
          tpu.enqueue_indirect_dma source(%dma_start3A_253 : memref<10240x32xf32, #tpu.memory_space<vmem_shared>>) target(%dma_start3A_247 : memref<128x32xf32, #tpu.memory_space<vmem>>) offsets(%dma_start3A_250 : memref<128xi32, #tpu.memory_space<vmem>>) semaphore(%arg18 : memref<!tpu.dma_semaphore, #tpu.memory_space<semaphore_mem>>)
        } else {
        }
      } else {
      }
    }
    %scan3A_155 = arith.constant 10 : i32
    %barrier3A_156 = arith.constant 0 : index
    tpu.barrier barrier_id(%barrier3A_156)
    %mul3A_157 = arith.constant 640 : i32
    %mul3A_158 = arith.muli %arg1, %mul3A_157 : i32
    %mul3A_159 = arith.constant 640 : i32
    %mul3A_160 = arith.muli %arg1, %mul3A_159 : i32
    "tpu.region"() ({
      %run_scoped3A = tpu.sem_alloc : memref<!tpu.dma_semaphore, #tpu.memory_space<semaphore_mem>>
      %dma_start3A_161 = arith.constant 0 : i32
      %dma_start3A_162 = tpu.memref_slice %arg5[%arg0, %mul3A_160, %dma_start3A_161] : memref<2x10240x32xf32, #tpu.memory_space<hbm>> -> memref<1x640x32xf32, #tpu.memory_space<hbm>>
      %dma_start3A_163 = tpu.memref_squeeze %dma_start3A_162 : memref<1x640x32xf32, #tpu.memory_space<hbm>> -> memref<640x32xf32, #tpu.memory_space<hbm>>
      %dma_start3A_164 = arith.constant 0 : i32
      %dma_start3A_165 = tpu.memref_slice %arg10[%mul3A_158, %dma_start3A_164] : memref<10240x32xf32, #tpu.memory_space<vmem_shared>> -> memref<640x32xf32, #tpu.memory_space<vmem_shared>>
      tpu.enqueue_dma source(%dma_start3A_165 : memref<640x32xf32, #tpu.memory_space<vmem_shared>>) target(%dma_start3A_163 : memref<640x32xf32, #tpu.memory_space<hbm>>) target_semaphore(%run_scoped3A : memref<!tpu.dma_semaphore, #tpu.memory_space<semaphore_mem>>)
      %dma_wait3A_166 = arith.constant 0 : i32
      %dma_wait3A_167 = tpu.memref_slice %arg5[%arg0, %mul3A_160, %dma_wait3A_166] : memref<2x10240x32xf32, #tpu.memory_space<hbm>> -> memref<1x640x32xf32, #tpu.memory_space<hbm>>
      %dma_wait3A_168 = tpu.memref_squeeze %dma_wait3A_167 : memref<1x640x32xf32, #tpu.memory_space<hbm>> -> memref<640x32xf32, #tpu.memory_space<hbm>>
      %dma_wait3A_169 = arith.constant 0 : i32
      %dma_wait3A_170 = tpu.memref_slice %arg10[%mul3A_158, %dma_wait3A_169] : memref<10240x32xf32, #tpu.memory_space<vmem_shared>> -> memref<640x32xf32, #tpu.memory_space<vmem_shared>>
      tpu.wait_dma2 semaphore(%run_scoped3A : memref<!tpu.dma_semaphore, #tpu.memory_space<semaphore_mem>>) src(%dma_wait3A_170 : memref<640x32xf32, #tpu.memory_space<vmem_shared>>) dst(%dma_wait3A_168 : memref<640x32xf32, #tpu.memory_space<hbm>>)
      tpu.yield
    }) : () -> ()
    return
  }
}

module attributes {stable_mosaic.version = 14 : i64} {
  func.func @_proj_body(%arg0: i32, %arg1: memref<512x512xf32, #tpu.memory_space<vmem>>, %arg2: memref<512x128xbf16, #tpu.memory_space<vmem>>, %arg3: memref<512x128xbf16, #tpu.memory_space<vmem>>, %arg4: memref<512x128xf32, #tpu.memory_space<vmem>>) attributes {dimension_semantics = [#tpu.dimension_semantics<arbitrary>], iteration_bounds = array<i64: 5>, scalar_prefetch = 0 : i64, scratch_operands = 0 : i64, tpu.core_type = #tpu.core_type<tc>, window_params = [{transform_indices = @transform_0, window_bounds = array<i64: 512, 512>}, {pipeline_mode = #tpu.pipeline_mode<synchronous>, transform_indices = @transform_1, window_bounds = array<i64: 512, 128>}, {pipeline_mode = #tpu.pipeline_mode<synchronous>, transform_indices = @transform_2, window_bounds = array<i64: 512, 128>}, {transform_indices = @transform_3, window_bounds = array<i64: 512, 128>}]} {
    %get3A = arith.constant 0 : index
    %get3A_0 = arith.constant 0 : index
    %get3A_1 = vector.load %arg1[%get3A, %get3A_0] : memref<512x512xf32, #tpu.memory_space<vmem>>, vector<512x512xf32>
    %get3A_2 = arith.constant 0 : index
    %get3A_3 = arith.constant 0 : index
    %get3A_4 = vector.load %arg2[%get3A_2, %get3A_3] : memref<512x128xbf16, #tpu.memory_space<vmem>>, vector<512x128xbf16>
    %get3A_5 = arith.constant 0 : index
    %get3A_6 = arith.constant 0 : index
    %get3A_7 = vector.load %arg3[%get3A_5, %get3A_6] : memref<512x128xbf16, #tpu.memory_space<vmem>>, vector<512x128xbf16>
    %convert_element_type3A = arith.truncf %get3A_1 : vector<512x512xf32> to vector<512x512xbf16>
    %convert_element_type3A_8 = arith.extf %convert_element_type3A : vector<512x512xbf16> to vector<512x512xf32>
    %sub3A = arith.subf %get3A_1, %convert_element_type3A_8 : vector<512x512xf32>
    %convert_element_type3A_9 = arith.truncf %sub3A : vector<512x512xf32> to vector<512x512xbf16>
    %dot_general3A = arith.constant dense<0.000000e+00> : vector<512x128xf32>
    %dot_general3A_10 = tpu.matmul %convert_element_type3A, %get3A_4, %dot_general3A {dimension_numbers = #tpu.dot_dimension_numbers<[1], [0], [0], [1], [0, 0, 1, 1], [], []>, transpose_lhs_hint = false} : vector<512x512xbf16>, vector<512x128xbf16>, vector<512x128xf32> -> vector<512x128xf32>
    %dot_general3A_11 = arith.constant dense<0.000000e+00> : vector<512x128xf32>
    %dot_general3A_12 = tpu.matmul %convert_element_type3A, %get3A_7, %dot_general3A_11 {dimension_numbers = #tpu.dot_dimension_numbers<[1], [0], [0], [1], [0, 0, 1, 1], [], []>, transpose_lhs_hint = false} : vector<512x512xbf16>, vector<512x128xbf16>, vector<512x128xf32> -> vector<512x128xf32>
    %add3A = arith.addf %dot_general3A_10, %dot_general3A_12 : vector<512x128xf32>
    %dot_general3A_13 = arith.constant dense<0.000000e+00> : vector<512x128xf32>
    %dot_general3A_14 = tpu.matmul %convert_element_type3A_9, %get3A_4, %dot_general3A_13 {dimension_numbers = #tpu.dot_dimension_numbers<[1], [0], [0], [1], [0, 0, 1, 1], [], []>, transpose_lhs_hint = false} : vector<512x512xbf16>, vector<512x128xbf16>, vector<512x128xf32> -> vector<512x128xf32>
    %add3A_15 = arith.addf %add3A, %dot_general3A_14 : vector<512x128xf32>
    %swap3A = arith.constant 0 : index
    %swap3A_16 = arith.constant 0 : index
    %swap3A_17 = vector.load %arg4[%swap3A, %swap3A_16] : memref<512x128xf32, #tpu.memory_space<vmem>>, vector<512x128xf32>
    tpu.vector_store %arg4[%swap3A, %swap3A_16], %add3A_15 {strides = array<i32>} : memref<512x128xf32, #tpu.memory_space<vmem>>, vector<512x128xf32>,
    return
  }
  func.func @transform_0(%arg0: i32) -> (i32, i32) {
    %c0_i32 = arith.constant 0 : i32
    %c0_i32_0 = arith.constant 0 : i32
    return %arg0, %c0_i32 : i32, i32
  }
  func.func @transform_1(%arg0: i32) -> (i32, i32) {
    %c0_i32 = arith.constant 0 : i32
    %c0_i32_0 = arith.constant 0 : i32
    %c0_i32_1 = arith.constant 0 : i32
    return %c0_i32, %c0_i32_0 : i32, i32
  }
  func.func @transform_2(%arg0: i32) -> (i32, i32) {
    %c0_i32 = arith.constant 0 : i32
    %c0_i32_0 = arith.constant 0 : i32
    %c0_i32_1 = arith.constant 0 : i32
    return %c0_i32, %c0_i32_0 : i32, i32
  }
  func.func @transform_3(%arg0: i32) -> (i32, i32) {
    %c0_i32 = arith.constant 0 : i32
    %c0_i32_0 = arith.constant 0 : i32
    return %arg0, %c0_i32 : i32, i32
  }
}

module attributes {stable_mosaic.version = 14 : i64} {
  func.func @_mlp_body(%arg0: i32, %arg1: memref<2x512x128xf32, #tpu.memory_space<vmem>>, %arg2: memref<512x128xf32, #tpu.memory_space<vmem>>, %arg3: memref<1x128xf32, #tpu.memory_space<vmem>>, %arg4: memref<128x128xbf16, #tpu.memory_space<vmem>>, %arg5: memref<128x128xbf16, #tpu.memory_space<vmem>>, %arg6: memref<1x128xf32, #tpu.memory_space<vmem>>, %arg7: memref<128x4xbf16, #tpu.memory_space<vmem>>, %arg8: memref<128x4xbf16, #tpu.memory_space<vmem>>, %arg9: memref<1x4xf32, #tpu.memory_space<vmem>>, %arg10: memref<512x4xf32, #tpu.memory_space<vmem>>) attributes {dimension_semantics = [#tpu.dimension_semantics<arbitrary>], iteration_bounds = array<i64: 5>, scalar_prefetch = 0 : i64, scratch_operands = 0 : i64, tpu.core_type = #tpu.core_type<tc>, window_params = [{transform_indices = @transform_0, window_bounds = array<i64: 2, 512, 128>}, {transform_indices = @transform_1, window_bounds = array<i64: 512, 128>}, {pipeline_mode = #tpu.pipeline_mode<synchronous>, transform_indices = @transform_2, window_bounds = array<i64: 1, 128>}, {pipeline_mode = #tpu.pipeline_mode<synchronous>, transform_indices = @transform_3, window_bounds = array<i64: 128, 128>}, {pipeline_mode = #tpu.pipeline_mode<synchronous>, transform_indices = @transform_4, window_bounds = array<i64: 128, 128>}, {pipeline_mode = #tpu.pipeline_mode<synchronous>, transform_indices = @transform_5, window_bounds = array<i64: 1, 128>}, {pipeline_mode = #tpu.pipeline_mode<synchronous>, transform_indices = @transform_6, window_bounds = array<i64: 128, 4>}, {pipeline_mode = #tpu.pipeline_mode<synchronous>, transform_indices = @transform_7, window_bounds = array<i64: 128, 4>}, {pipeline_mode = #tpu.pipeline_mode<synchronous>, transform_indices = @transform_8, window_bounds = array<i64: 1, 4>}, {transform_indices = @transform_9, window_bounds = array<i64: 512, 4>}]} {
    %get3A = arith.constant 0 : index
    %get3A_0 = arith.constant 0 : index
    %get3A_1 = arith.constant 0 : index
    %get3A_2 = vector.load %arg1[%get3A, %get3A_0, %get3A_1] : memref<2x512x128xf32, #tpu.memory_space<vmem>>, vector<1x512x128xf32>
    %get3A_3 = vector.shape_cast %get3A_2 : vector<1x512x128xf32> to vector<512x128xf32>
    %get3A_4 = arith.constant 1 : index
    %get3A_5 = arith.constant 0 : index
    %get3A_6 = arith.constant 0 : index
    %get3A_7 = vector.load %arg1[%get3A_4, %get3A_5, %get3A_6] : memref<2x512x128xf32, #tpu.memory_space<vmem>>, vector<1x512x128xf32>
    %get3A_8 = vector.shape_cast %get3A_7 : vector<1x512x128xf32> to vector<512x128xf32>
    %add3A = arith.addf %get3A_3, %get3A_8 : vector<512x128xf32>
    %get3A_9 = arith.constant 0 : index
    %get3A_10 = arith.constant 0 : index
    %get3A_11 = vector.load %arg2[%get3A_9, %get3A_10] : memref<512x128xf32, #tpu.memory_space<vmem>>, vector<512x128xf32>
    %add3A_12 = arith.addf %add3A, %get3A_11 : vector<512x128xf32>
    %get3A_13 = arith.constant 0 : index
    %get3A_14 = arith.constant 0 : index
    %get3A_15 = vector.load %arg3[%get3A_13, %get3A_14] : memref<1x128xf32, #tpu.memory_space<vmem>>, vector<1x128xf32>
    %add3A_16 = vector.broadcast %get3A_15 : vector<1x128xf32> to vector<512x128xf32>
    %add3A_17 = arith.addf %add3A_12, %add3A_16 : vector<512x128xf32>
    %max3A = arith.constant 0.000000e+00 : f32
    %max3A_18 = vector.broadcast %max3A : f32 to vector<512x128xf32>
    %max3A_19 = arith.maximumf %add3A_17, %max3A_18 : vector<512x128xf32>
    %get3A_20 = arith.constant 0 : index
    %get3A_21 = arith.constant 0 : index
    %get3A_22 = vector.load %arg4[%get3A_20, %get3A_21] : memref<128x128xbf16, #tpu.memory_space<vmem>>, vector<128x128xbf16>
    %get3A_23 = arith.constant 0 : index
    %get3A_24 = arith.constant 0 : index
    %get3A_25 = vector.load %arg5[%get3A_23, %get3A_24] : memref<128x128xbf16, #tpu.memory_space<vmem>>, vector<128x128xbf16>
    %convert_element_type3A = arith.truncf %max3A_19 : vector<512x128xf32> to vector<512x128xbf16>
    %convert_element_type3A_26 = arith.extf %convert_element_type3A : vector<512x128xbf16> to vector<512x128xf32>
    %sub3A = arith.subf %max3A_19, %convert_element_type3A_26 : vector<512x128xf32>
    %convert_element_type3A_27 = arith.truncf %sub3A : vector<512x128xf32> to vector<512x128xbf16>
    %dot_general3A = arith.constant dense<0.000000e+00> : vector<512x128xf32>
    %dot_general3A_28 = tpu.matmul %convert_element_type3A, %get3A_22, %dot_general3A {dimension_numbers = #tpu.dot_dimension_numbers<[1], [0], [0], [1], [0, 0, 1, 1], [], []>, transpose_lhs_hint = false} : vector<512x128xbf16>, vector<128x128xbf16>, vector<512x128xf32> -> vector<512x128xf32>
    %dot_general3A_29 = arith.constant dense<0.000000e+00> : vector<512x128xf32>
    %dot_general3A_30 = tpu.matmul %convert_element_type3A, %get3A_25, %dot_general3A_29 {dimension_numbers = #tpu.dot_dimension_numbers<[1], [0], [0], [1], [0, 0, 1, 1], [], []>, transpose_lhs_hint = false} : vector<512x128xbf16>, vector<128x128xbf16>, vector<512x128xf32> -> vector<512x128xf32>
    %add3A_31 = arith.addf %dot_general3A_28, %dot_general3A_30 : vector<512x128xf32>
    %dot_general3A_32 = arith.constant dense<0.000000e+00> : vector<512x128xf32>
    %dot_general3A_33 = tpu.matmul %convert_element_type3A_27, %get3A_22, %dot_general3A_32 {dimension_numbers = #tpu.dot_dimension_numbers<[1], [0], [0], [1], [0, 0, 1, 1], [], []>, transpose_lhs_hint = false} : vector<512x128xbf16>, vector<128x128xbf16>, vector<512x128xf32> -> vector<512x128xf32>
    %add3A_34 = arith.addf %add3A_31, %dot_general3A_33 : vector<512x128xf32>
    %get3A_35 = arith.constant 0 : index
    %get3A_36 = arith.constant 0 : index
    %get3A_37 = vector.load %arg6[%get3A_35, %get3A_36] : memref<1x128xf32, #tpu.memory_space<vmem>>, vector<1x128xf32>
    %add3A_38 = vector.broadcast %get3A_37 : vector<1x128xf32> to vector<512x128xf32>
    %add3A_39 = arith.addf %add3A_34, %add3A_38 : vector<512x128xf32>
    %max3A_40 = arith.constant 0.000000e+00 : f32
    %max3A_41 = vector.broadcast %max3A_40 : f32 to vector<512x128xf32>
    %max3A_42 = arith.maximumf %add3A_39, %max3A_41 : vector<512x128xf32>
    %get3A_43 = arith.constant 0 : index
    %get3A_44 = arith.constant 0 : index
    %get3A_45 = vector.load %arg7[%get3A_43, %get3A_44] : memref<128x4xbf16, #tpu.memory_space<vmem>>, vector<128x4xbf16>
    %get3A_46 = arith.constant 0 : index
    %get3A_47 = arith.constant 0 : index
    %get3A_48 = vector.load %arg8[%get3A_46, %get3A_47] : memref<128x4xbf16, #tpu.memory_space<vmem>>, vector<128x4xbf16>
    %convert_element_type3A_49 = arith.truncf %max3A_42 : vector<512x128xf32> to vector<512x128xbf16>
    %convert_element_type3A_50 = arith.extf %convert_element_type3A_49 : vector<512x128xbf16> to vector<512x128xf32>
    %sub3A_51 = arith.subf %max3A_42, %convert_element_type3A_50 : vector<512x128xf32>
    %convert_element_type3A_52 = arith.truncf %sub3A_51 : vector<512x128xf32> to vector<512x128xbf16>
    %dot_general3A_53 = arith.constant dense<0.000000e+00> : vector<512x4xf32>
    %dot_general3A_54 = tpu.matmul %convert_element_type3A_49, %get3A_45, %dot_general3A_53 {dimension_numbers = #tpu.dot_dimension_numbers<[1], [0], [0], [1], [0, 0, 1, 1], [], []>, transpose_lhs_hint = false} : vector<512x128xbf16>, vector<128x4xbf16>, vector<512x4xf32> -> vector<512x4xf32>
    %dot_general3A_55 = arith.constant dense<0.000000e+00> : vector<512x4xf32>
    %dot_general3A_56 = tpu.matmul %convert_element_type3A_49, %get3A_48, %dot_general3A_55 {dimension_numbers = #tpu.dot_dimension_numbers<[1], [0], [0], [1], [0, 0, 1, 1], [], []>, transpose_lhs_hint = false} : vector<512x128xbf16>, vector<128x4xbf16>, vector<512x4xf32> -> vector<512x4xf32>
    %add3A_57 = arith.addf %dot_general3A_54, %dot_general3A_56 : vector<512x4xf32>
    %dot_general3A_58 = arith.constant dense<0.000000e+00> : vector<512x4xf32>
    %dot_general3A_59 = tpu.matmul %convert_element_type3A_52, %get3A_45, %dot_general3A_58 {dimension_numbers = #tpu.dot_dimension_numbers<[1], [0], [0], [1], [0, 0, 1, 1], [], []>, transpose_lhs_hint = false} : vector<512x128xbf16>, vector<128x4xbf16>, vector<512x4xf32> -> vector<512x4xf32>
    %add3A_60 = arith.addf %add3A_57, %dot_general3A_59 : vector<512x4xf32>
    %get3A_61 = arith.constant 0 : index
    %get3A_62 = arith.constant 0 : index
    %get3A_63 = vector.load %arg9[%get3A_61, %get3A_62] : memref<1x4xf32, #tpu.memory_space<vmem>>, vector<1x4xf32>
    %add3A_64 = vector.broadcast %get3A_63 : vector<1x4xf32> to vector<512x4xf32>
    %add3A_65 = arith.addf %add3A_60, %add3A_64 : vector<512x4xf32>
    %swap3A = arith.constant 0 : index
    %swap3A_66 = arith.constant 0 : index
    %swap3A_67 = vector.load %arg10[%swap3A, %swap3A_66] : memref<512x4xf32, #tpu.memory_space<vmem>>, vector<512x4xf32>
    tpu.vector_store %arg10[%swap3A, %swap3A_66], %add3A_65 {strides = array<i32>} : memref<512x4xf32, #tpu.memory_space<vmem>>, vector<512x4xf32>,
    return
  }
  func.func @transform_0(%arg0: i32) -> (i32, i32, i32) {
    %c0_i32 = arith.constant 0 : i32
    %c0_i32_0 = arith.constant 0 : i32
    %c0_i32_1 = arith.constant 0 : i32
    return %c0_i32, %arg0, %c0_i32_0 : i32, i32, i32
  }
  func.func @transform_1(%arg0: i32) -> (i32, i32) {
    %c0_i32 = arith.constant 0 : i32
    %c0_i32_0 = arith.constant 0 : i32
    return %arg0, %c0_i32 : i32, i32
  }
  func.func @transform_2(%arg0: i32) -> (i32, i32) {
    %c0_i32 = arith.constant 0 : i32
    %c0_i32_0 = arith.constant 0 : i32
    %c0_i32_1 = arith.constant 0 : i32
    return %c0_i32, %c0_i32_0 : i32, i32
  }
  func.func @transform_3(%arg0: i32) -> (i32, i32) {
    %c0_i32 = arith.constant 0 : i32
    %c0_i32_0 = arith.constant 0 : i32
    %c0_i32_1 = arith.constant 0 : i32
    return %c0_i32, %c0_i32_0 : i32, i32
  }
  func.func @transform_4(%arg0: i32) -> (i32, i32) {
    %c0_i32 = arith.constant 0 : i32
    %c0_i32_0 = arith.constant 0 : i32
    %c0_i32_1 = arith.constant 0 : i32
    return %c0_i32, %c0_i32_0 : i32, i32
  }
  func.func @transform_5(%arg0: i32) -> (i32, i32) {
    %c0_i32 = arith.constant 0 : i32
    %c0_i32_0 = arith.constant 0 : i32
    %c0_i32_1 = arith.constant 0 : i32
    return %c0_i32, %c0_i32_0 : i32, i32
  }
  func.func @transform_6(%arg0: i32) -> (i32, i32) {
    %c0_i32 = arith.constant 0 : i32
    %c0_i32_0 = arith.constant 0 : i32
    %c0_i32_1 = arith.constant 0 : i32
    return %c0_i32, %c0_i32_0 : i32, i32
  }
  func.func @transform_7(%arg0: i32) -> (i32, i32) {
    %c0_i32 = arith.constant 0 : i32
    %c0_i32_0 = arith.constant 0 : i32
    %c0_i32_1 = arith.constant 0 : i32
    return %c0_i32, %c0_i32_0 : i32, i32
  }
  func.func @transform_8(%arg0: i32) -> (i32, i32) {
    %c0_i32 = arith.constant 0 : i32
    %c0_i32_0 = arith.constant 0 : i32
    %c0_i32_1 = arith.constant 0 : i32
    return %c0_i32, %c0_i32_0 : i32, i32
  }
  func.func @transform_9(%arg0: i32) -> (i32, i32) {
    %c0_i32 = arith.constant 0 : i32
    %c0_i32_0 = arith.constant 0 : i32
    return %arg0, %c0_i32 : i32, i32
  }
}

module attributes {stable_mosaic.version = 14 : i64} {
  func.func @_mlp_body(%arg0: i32, %arg1: memref<2x512x128xf32, #tpu.memory_space<vmem>>, %arg2: memref<512x128xf32, #tpu.memory_space<vmem>>, %arg3: memref<1x128xf32, #tpu.memory_space<vmem>>, %arg4: memref<128x128xbf16, #tpu.memory_space<vmem>>, %arg5: memref<128x128xbf16, #tpu.memory_space<vmem>>, %arg6: memref<1x128xf32, #tpu.memory_space<vmem>>, %arg7: memref<128x128xbf16, #tpu.memory_space<vmem>>, %arg8: memref<128x128xbf16, #tpu.memory_space<vmem>>, %arg9: memref<1x128xf32, #tpu.memory_space<vmem>>, %arg10: memref<512x128xf32, #tpu.memory_space<vmem>>) attributes {dimension_semantics = [#tpu.dimension_semantics<arbitrary>], iteration_bounds = array<i64: 5>, scalar_prefetch = 0 : i64, scratch_operands = 0 : i64, tpu.core_type = #tpu.core_type<tc>, window_params = [{transform_indices = @transform_0, window_bounds = array<i64: 2, 512, 128>}, {transform_indices = @transform_1, window_bounds = array<i64: 512, 128>}, {pipeline_mode = #tpu.pipeline_mode<synchronous>, transform_indices = @transform_2, window_bounds = array<i64: 1, 128>}, {pipeline_mode = #tpu.pipeline_mode<synchronous>, transform_indices = @transform_3, window_bounds = array<i64: 128, 128>}, {pipeline_mode = #tpu.pipeline_mode<synchronous>, transform_indices = @transform_4, window_bounds = array<i64: 128, 128>}, {pipeline_mode = #tpu.pipeline_mode<synchronous>, transform_indices = @transform_5, window_bounds = array<i64: 1, 128>}, {pipeline_mode = #tpu.pipeline_mode<synchronous>, transform_indices = @transform_6, window_bounds = array<i64: 128, 128>}, {pipeline_mode = #tpu.pipeline_mode<synchronous>, transform_indices = @transform_7, window_bounds = array<i64: 128, 128>}, {pipeline_mode = #tpu.pipeline_mode<synchronous>, transform_indices = @transform_8, window_bounds = array<i64: 1, 128>}, {transform_indices = @transform_9, window_bounds = array<i64: 512, 128>}]} {
    %get3A = arith.constant 0 : index
    %get3A_0 = arith.constant 0 : index
    %get3A_1 = arith.constant 0 : index
    %get3A_2 = vector.load %arg1[%get3A, %get3A_0, %get3A_1] : memref<2x512x128xf32, #tpu.memory_space<vmem>>, vector<1x512x128xf32>
    %get3A_3 = vector.shape_cast %get3A_2 : vector<1x512x128xf32> to vector<512x128xf32>
    %get3A_4 = arith.constant 1 : index
    %get3A_5 = arith.constant 0 : index
    %get3A_6 = arith.constant 0 : index
    %get3A_7 = vector.load %arg1[%get3A_4, %get3A_5, %get3A_6] : memref<2x512x128xf32, #tpu.memory_space<vmem>>, vector<1x512x128xf32>
    %get3A_8 = vector.shape_cast %get3A_7 : vector<1x512x128xf32> to vector<512x128xf32>
    %add3A = arith.addf %get3A_3, %get3A_8 : vector<512x128xf32>
    %get3A_9 = arith.constant 0 : index
    %get3A_10 = arith.constant 0 : index
    %get3A_11 = vector.load %arg2[%get3A_9, %get3A_10] : memref<512x128xf32, #tpu.memory_space<vmem>>, vector<512x128xf32>
    %add3A_12 = arith.addf %add3A, %get3A_11 : vector<512x128xf32>
    %get3A_13 = arith.constant 0 : index
    %get3A_14 = arith.constant 0 : index
    %get3A_15 = vector.load %arg3[%get3A_13, %get3A_14] : memref<1x128xf32, #tpu.memory_space<vmem>>, vector<1x128xf32>
    %add3A_16 = vector.broadcast %get3A_15 : vector<1x128xf32> to vector<512x128xf32>
    %add3A_17 = arith.addf %add3A_12, %add3A_16 : vector<512x128xf32>
    %max3A = arith.constant 0.000000e+00 : f32
    %max3A_18 = vector.broadcast %max3A : f32 to vector<512x128xf32>
    %max3A_19 = arith.maximumf %add3A_17, %max3A_18 : vector<512x128xf32>
    %get3A_20 = arith.constant 0 : index
    %get3A_21 = arith.constant 0 : index
    %get3A_22 = vector.load %arg4[%get3A_20, %get3A_21] : memref<128x128xbf16, #tpu.memory_space<vmem>>, vector<128x128xbf16>
    %get3A_23 = arith.constant 0 : index
    %get3A_24 = arith.constant 0 : index
    %get3A_25 = vector.load %arg5[%get3A_23, %get3A_24] : memref<128x128xbf16, #tpu.memory_space<vmem>>, vector<128x128xbf16>
    %convert_element_type3A = arith.truncf %max3A_19 : vector<512x128xf32> to vector<512x128xbf16>
    %convert_element_type3A_26 = arith.extf %convert_element_type3A : vector<512x128xbf16> to vector<512x128xf32>
    %sub3A = arith.subf %max3A_19, %convert_element_type3A_26 : vector<512x128xf32>
    %convert_element_type3A_27 = arith.truncf %sub3A : vector<512x128xf32> to vector<512x128xbf16>
    %dot_general3A = arith.constant dense<0.000000e+00> : vector<512x128xf32>
    %dot_general3A_28 = tpu.matmul %convert_element_type3A, %get3A_22, %dot_general3A {dimension_numbers = #tpu.dot_dimension_numbers<[1], [0], [0], [1], [0, 0, 1, 1], [], []>, transpose_lhs_hint = false} : vector<512x128xbf16>, vector<128x128xbf16>, vector<512x128xf32> -> vector<512x128xf32>
    %dot_general3A_29 = arith.constant dense<0.000000e+00> : vector<512x128xf32>
    %dot_general3A_30 = tpu.matmul %convert_element_type3A, %get3A_25, %dot_general3A_29 {dimension_numbers = #tpu.dot_dimension_numbers<[1], [0], [0], [1], [0, 0, 1, 1], [], []>, transpose_lhs_hint = false} : vector<512x128xbf16>, vector<128x128xbf16>, vector<512x128xf32> -> vector<512x128xf32>
    %add3A_31 = arith.addf %dot_general3A_28, %dot_general3A_30 : vector<512x128xf32>
    %dot_general3A_32 = arith.constant dense<0.000000e+00> : vector<512x128xf32>
    %dot_general3A_33 = tpu.matmul %convert_element_type3A_27, %get3A_22, %dot_general3A_32 {dimension_numbers = #tpu.dot_dimension_numbers<[1], [0], [0], [1], [0, 0, 1, 1], [], []>, transpose_lhs_hint = false} : vector<512x128xbf16>, vector<128x128xbf16>, vector<512x128xf32> -> vector<512x128xf32>
    %add3A_34 = arith.addf %add3A_31, %dot_general3A_33 : vector<512x128xf32>
    %get3A_35 = arith.constant 0 : index
    %get3A_36 = arith.constant 0 : index
    %get3A_37 = vector.load %arg6[%get3A_35, %get3A_36] : memref<1x128xf32, #tpu.memory_space<vmem>>, vector<1x128xf32>
    %add3A_38 = vector.broadcast %get3A_37 : vector<1x128xf32> to vector<512x128xf32>
    %add3A_39 = arith.addf %add3A_34, %add3A_38 : vector<512x128xf32>
    %max3A_40 = arith.constant 0.000000e+00 : f32
    %max3A_41 = vector.broadcast %max3A_40 : f32 to vector<512x128xf32>
    %max3A_42 = arith.maximumf %add3A_39, %max3A_41 : vector<512x128xf32>
    %get3A_43 = arith.constant 0 : index
    %get3A_44 = arith.constant 0 : index
    %get3A_45 = vector.load %arg7[%get3A_43, %get3A_44] : memref<128x128xbf16, #tpu.memory_space<vmem>>, vector<128x128xbf16>
    %get3A_46 = arith.constant 0 : index
    %get3A_47 = arith.constant 0 : index
    %get3A_48 = vector.load %arg8[%get3A_46, %get3A_47] : memref<128x128xbf16, #tpu.memory_space<vmem>>, vector<128x128xbf16>
    %convert_element_type3A_49 = arith.truncf %max3A_42 : vector<512x128xf32> to vector<512x128xbf16>
    %convert_element_type3A_50 = arith.extf %convert_element_type3A_49 : vector<512x128xbf16> to vector<512x128xf32>
    %sub3A_51 = arith.subf %max3A_42, %convert_element_type3A_50 : vector<512x128xf32>
    %convert_element_type3A_52 = arith.truncf %sub3A_51 : vector<512x128xf32> to vector<512x128xbf16>
    %dot_general3A_53 = arith.constant dense<0.000000e+00> : vector<512x128xf32>
    %dot_general3A_54 = tpu.matmul %convert_element_type3A_49, %get3A_45, %dot_general3A_53 {dimension_numbers = #tpu.dot_dimension_numbers<[1], [0], [0], [1], [0, 0, 1, 1], [], []>, transpose_lhs_hint = false} : vector<512x128xbf16>, vector<128x128xbf16>, vector<512x128xf32> -> vector<512x128xf32>
    %dot_general3A_55 = arith.constant dense<0.000000e+00> : vector<512x128xf32>
    %dot_general3A_56 = tpu.matmul %convert_element_type3A_49, %get3A_48, %dot_general3A_55 {dimension_numbers = #tpu.dot_dimension_numbers<[1], [0], [0], [1], [0, 0, 1, 1], [], []>, transpose_lhs_hint = false} : vector<512x128xbf16>, vector<128x128xbf16>, vector<512x128xf32> -> vector<512x128xf32>
    %add3A_57 = arith.addf %dot_general3A_54, %dot_general3A_56 : vector<512x128xf32>
    %dot_general3A_58 = arith.constant dense<0.000000e+00> : vector<512x128xf32>
    %dot_general3A_59 = tpu.matmul %convert_element_type3A_52, %get3A_45, %dot_general3A_58 {dimension_numbers = #tpu.dot_dimension_numbers<[1], [0], [0], [1], [0, 0, 1, 1], [], []>, transpose_lhs_hint = false} : vector<512x128xbf16>, vector<128x128xbf16>, vector<512x128xf32> -> vector<512x128xf32>
    %add3A_60 = arith.addf %add3A_57, %dot_general3A_59 : vector<512x128xf32>
    %get3A_61 = arith.constant 0 : index
    %get3A_62 = arith.constant 0 : index
    %get3A_63 = vector.load %arg9[%get3A_61, %get3A_62] : memref<1x128xf32, #tpu.memory_space<vmem>>, vector<1x128xf32>
    %add3A_64 = vector.broadcast %get3A_63 : vector<1x128xf32> to vector<512x128xf32>
    %add3A_65 = arith.addf %add3A_60, %add3A_64 : vector<512x128xf32>
    %swap3A = arith.constant 0 : index
    %swap3A_66 = arith.constant 0 : index
    %swap3A_67 = vector.load %arg10[%swap3A, %swap3A_66] : memref<512x128xf32, #tpu.memory_space<vmem>>, vector<512x128xf32>
    tpu.vector_store %arg10[%swap3A, %swap3A_66], %add3A_65 {strides = array<i32>} : memref<512x128xf32, #tpu.memory_space<vmem>>, vector<512x128xf32>,
    return
  }
  func.func @transform_0(%arg0: i32) -> (i32, i32, i32) {
    %c0_i32 = arith.constant 0 : i32
    %c0_i32_0 = arith.constant 0 : i32
    %c0_i32_1 = arith.constant 0 : i32
    return %c0_i32, %arg0, %c0_i32_0 : i32, i32, i32
  }
  func.func @transform_1(%arg0: i32) -> (i32, i32) {
    %c0_i32 = arith.constant 0 : i32
    %c0_i32_0 = arith.constant 0 : i32
    return %arg0, %c0_i32 : i32, i32
  }
  func.func @transform_2(%arg0: i32) -> (i32, i32) {
    %c0_i32 = arith.constant 0 : i32
    %c0_i32_0 = arith.constant 0 : i32
    %c0_i32_1 = arith.constant 0 : i32
    return %c0_i32, %c0_i32_0 : i32, i32
  }
  func.func @transform_3(%arg0: i32) -> (i32, i32) {
    %c0_i32 = arith.constant 0 : i32
    %c0_i32_0 = arith.constant 0 : i32
    %c0_i32_1 = arith.constant 0 : i32
    return %c0_i32, %c0_i32_0 : i32, i32
  }
  func.func @transform_4(%arg0: i32) -> (i32, i32) {
    %c0_i32 = arith.constant 0 : i32
    %c0_i32_0 = arith.constant 0 : i32
    %c0_i32_1 = arith.constant 0 : i32
    return %c0_i32, %c0_i32_0 : i32, i32
  }
  func.func @transform_5(%arg0: i32) -> (i32, i32) {
    %c0_i32 = arith.constant 0 : i32
    %c0_i32_0 = arith.constant 0 : i32
    %c0_i32_1 = arith.constant 0 : i32
    return %c0_i32, %c0_i32_0 : i32, i32
  }
  func.func @transform_6(%arg0: i32) -> (i32, i32) {
    %c0_i32 = arith.constant 0 : i32
    %c0_i32_0 = arith.constant 0 : i32
    %c0_i32_1 = arith.constant 0 : i32
    return %c0_i32, %c0_i32_0 : i32, i32
  }
  func.func @transform_7(%arg0: i32) -> (i32, i32) {
    %c0_i32 = arith.constant 0 : i32
    %c0_i32_0 = arith.constant 0 : i32
    %c0_i32_1 = arith.constant 0 : i32
    return %c0_i32, %c0_i32_0 : i32, i32
  }
  func.func @transform_8(%arg0: i32) -> (i32, i32) {
    %c0_i32 = arith.constant 0 : i32
    %c0_i32_0 = arith.constant 0 : i32
    %c0_i32_1 = arith.constant 0 : i32
    return %c0_i32, %c0_i32_0 : i32, i32
  }
  func.func @transform_9(%arg0: i32) -> (i32, i32) {
    %c0_i32 = arith.constant 0 : i32
    %c0_i32_0 = arith.constant 0 : i32
    return %arg0, %c0_i32 : i32, i32
  }
}

</mosaic_0001>

<sc_bundles>
// kernel: kernel.12.cloned.1.call-start
scs
__scs_entry_jumppad:
0x0: {  	(pc) =	sbr.rel $0x88, $3  }
0x1: {  	(tag) =	ssettag $0x0;
	lr =	simm.s32 $0x1  }
0x2: {  	[smem:$0x3F91] =	sst lr;
	_ =	strace $0xD0000000  }
0x3: {  	_ = 	snop  }
0x4: {  	_ = 	snop  }
0x5: {  	_ = 	snop  }
0x6: {  	_ = 	snop  }
0x7: {  	_ = 	snop  }
__scs_overlays_trampoline_lowered:
0x8: {  	[smem:$0x3FA0] =	sst s0  }
0x9: {  	[smem:$0x3FA1] =	sst s1  }
0xa: {  	[smem:$0x3FA2] =	sst s2  }
0xb: {  	[smem:$0x3FA3] =	sst s3  }
0xc: {  	[smem:$0x3FA4] =	sst s4  }
0xd: {  	[smem:$0x3FA5] =	sst s5  }
0xe: {  	[smem:$0x3FA6] =	sst s6  }
0xf: {  	[smem:$0x3FA7] =	sst s7  }
0x10: {  	[smem:$0x3FA8] =	sst s8  }
0x11: {  	[smem:$0x3FA9] =	sst s9;
	s0 =	simm.s32 @!p0 $0x0  }
0x12: {  	s1 =	sld [smem:$0x3F8F];
	s0 =	simm.s32 @p0 $0x1  }
0x13: {  	[smem:$0x3FAA] =	sst s0;
	s0 =	simm.s32 @!p1 $0x0  }
0x14: {  	s2 =	sld [smem:$0x3F8E];
	s0 =	simm.s32 @p1 $0x1  }
0x15: {  	[smem:$0x3FAB] =	sst s0;
	s0 =	simm.s32 @!p2 $0x0  }
0x16: {  	s3 =	sld [smem:$0x3FDB];
	s0 =	simm.s32 @p2 $0x1  }
0x17: {  	s4 =	simm.s32 $0x1BF5;
	[smem:$0x3FAD] =	sst s0  }
0x18: {  	s0 =	sld [smem:$0x3F90];
	_ =	swait.ge [sflag:s4], $0x0  }
0x19: {  	s7 =	sld [smem:$0x3F91]  }
0x1a: {  	s8 =	sadd.s32 $0xFFFFE003, lr  }
0x1b: {  	s9 =	sadd.s32 $0xFFFFFEF7, lr;
	s5 =	simm.s32 $0xFFFFFFFF;
	p2 =	slt.u32 s8, $0xFFFFF086  }
0x1c: {  	p1 =	slt.u32 s9, $0xF7A;
	s5 =	simm.s32 @!p2 $0x0  }
0x1d: {  	s5 =	simm.s32 @p1 $0x1;
	p0 =	seq.s32 s7, s2  }
0x1e: {  	s7 =	smul.u32 @!p0 $0xF7A, s2;
	p2 =	seq.s32 @!p0 s5, $0x0  }
0x1f: {  	s9 =	smul.u32 $0xF7A, s1;
	s8 =	simm.s32 @!p0 $0x1BF5;
	p2 =	por !p2, p0  }
0x20: {  	[sflag:s8] =	ssyncset.s32 @!p0 $0xFFFFF086;
	s6 =	sadd.s32 @!p0 s3, s7;
	s7 =	simm.s32 @!p0 $0x108  }
0x21: {  	s3 =	sadd.s32 s3, s9;
	s6 =	sadd.s32 @!p0 $0x88, s6;
	s7 =	simm.s32 @p2 $0x1082  }
0x22: {  	[simem:s7], [sflag:s8] =	dma.local @!p0 [hbm:s6], $0xF7A  }
0x23: {  	s9 =	sor.u32 $0xD0000000, s2;
	s6 =	simm.s32 $0x108;
	_ =	swait.ge @!p0 [sflag:s8], $0x0  }
0x24: {  	s3 =	sadd.s32 $0x88, s3;
	s6 =	simm.s32 @!p1 $0x1082;
	[sflag:s4] =	ssyncset.s32 $0xFFFFF086  }
0x25: {  	[simem:s6], [sflag:s4] =	dma.local [hbm:s3], $0xF7A  }
0x26: {  	[smem:$0x3F91] =	sst s1;
	(tag) =	ssettag s2;
	_ =	strace s9  }
0x27: {  	s1 =	sld [smem:$0x3FA1]  }
0x28: {  	s2 =	sld [smem:$0x3FA2]  }
0x29: {  	s4 =	sld [smem:$0x3FA4]  }
0x2a: {  	p0 =	seq.s32 s5, $0x0;
	s5 =	sld [smem:$0x3FA5]  }
0x2b: {  	s6 =	sld [smem:$0x3FA6]  }
0x2c: {  	s7 =	sld [smem:$0x3FA7]  }
0x2d: {  	s3 =	simm.s32 $0x108;
	s8 =	sld [smem:$0x3FA8]  }
0x2e: {  	s3 =	simm.s32 @!p0 $0x1082;
	s9 =	sld [smem:$0x3FA9]  }
0x2f: {  	lr =	sadd.s32 s0, s3;
	s0 =	sld [smem:$0x3FA0]  }
0x30: {  	s3 =	sld [smem:$0x3FA3]  }
0x31: {  	[smem:$0x3FAC] =	sst s10  }
0x32: {  	s10 =	sld [smem:$0x3FAA];
	_ =	sdelay $0x3  }
0x33: {  	p0 =	seq.s32 s10, $0x1;
	s10 =	sld [smem:$0x3FAC];
	_ =	sdelay $0x3  }
0x34: {  	[smem:$0x3FAC] =	sst s10  }
0x35: {  	s10 =	sld [smem:$0x3FAB];
	_ =	sdelay $0x3  }
0x36: {  	p1 =	seq.s32 s10, $0x1;
	s10 =	sld [smem:$0x3FAC];
	_ =	sdelay $0x3  }
0x37: {  	[smem:$0x3FAC] =	sst s10  }
0x38: {  	s10 =	sld [smem:$0x3FAD]  }
0x39: {  	_ = 	snop;
	(pc) =	sbr.ind lr, $3  }
0x3a: {  	_ = 	snop  }
0x3b: {  	_ = 	snop  }
0x3c: {  	p2 =	seq.s32 s10, $0x1;
	s10 =	sld [smem:$0x3FAC]  }
0x3d: {  	_ =	shalt  }
0x3e: {  	_ =	shalt  }
0x3f: {  	_ =	shalt  }
0x40: {  	_ =	shalt  }
0x41: {  	_ =	shalt  }
0x42: {  	_ =	shalt  }
0x43: {  	_ =	shalt  }
0x44: {  	_ =	shalt  }
0x45: {  	_ =	shalt  }
0x46: {  	_ =	shalt  }
0x47: {  	_ =	shalt  }
0x48: {  	_ =	shalt  }
0x49: {  	_ =	shalt  }
0x4a: {  	_ =	shalt  }
0x4b: {  	_ =	shalt  }
0x4c: {  	_ =	shalt  }
0x4d: {  	_ =	shalt  }
0x4e: {  	_ =	shalt  }
0x4f: {  	_ =	shalt  }
0x50: {  	_ =	shalt  }
0x51: {  	_ =	shalt  }
0x52: {  	_ =	shalt  }
0x53: {  	_ =	shalt  }
0x54: {  	_ =	shalt  }
0x55: {  	_ =	shalt  }
0x56: {  	_ =	shalt  }
0x57: {  	_ =	shalt  }
0x58: {  	_ =	shalt  }
0x59: {  	_ =	shalt  }
0x5a: {  	_ =	shalt  }
0x5b: {  	_ =	shalt  }
0x5c: {  	_ =	shalt  }
0x5d: {  	_ =	shalt  }
0x5e: {  	_ =	shalt  }
0x5f: {  	_ =	shalt  }
0x60: {  	_ =	shalt  }
0x61: {  	_ =	shalt  }
0x62: {  	_ =	shalt  }
0x63: {  	_ =	shalt  }
0x64: {  	_ =	shalt  }
0x65: {  	_ =	shalt  }
0x66: {  	_ =	shalt  }
0x67: {  	_ =	shalt  }
0x68: {  	_ =	shalt  }
0x69: {  	_ =	shalt  }
0x6a: {  	_ =	shalt  }
0x6b: {  	_ =	shalt  }
0x6c: {  	_ =	shalt  }
0x6d: {  	_ =	shalt  }
0x6e: {  	_ =	shalt  }
0x6f: {  	_ =	shalt  }
0x70: {  	_ =	shalt  }
0x71: {  	_ =	shalt  }
0x72: {  	_ =	shalt  }
0x73: {  	_ =	shalt  }
0x74: {  	_ =	shalt  }
0x75: {  	_ =	shalt  }
0x76: {  	_ =	shalt  }
0x77: {  	_ =	shalt  }
0x78: {  	_ =	shalt  }
0x79: {  	_ =	shalt  }
0x7a: {  	_ =	shalt  }
0x7b: {  	_ =	shalt  }
0x7c: {  	_ =	shalt  }
0x7d: {  	_ =	shalt  }
0x7e: {  	_ =	shalt  }
0x7f: {  	_ =	shalt  }
0x80: {  	_ =	shalt  }
0x81: {  	_ =	shalt  }
0x82: {  	_ =	shalt  }
0x83: {  	_ =	shalt  }
0x84: {  	_ =	shalt  }
0x85: {  	_ =	shalt  }
0x86: {  	_ =	shalt  }
0x87: {  	_ =	shalt  }
.Lfunc_end0:
.L_simem_size_0:
called_computation.1_lowered:
.L_overlay_start_0:
0x88: {  	s2 =	sld [smem:$0x3FD9]  }
0x89: {  	s3 =	sld [smem:$0x3FFE];
	_ =	sdelay $0x1  }
0x8a: {  	s1 =	srdreg.scid  }
0x8b: {  	s0 =	sand.u32 $0x1, s1  }
0x8c: {  	s16 =	sshll.u32 s0, $0xA;
	s2 =	sadd.s32 s3, s2  }
0x8d: {  	s2 =	sadd.s32 s2, s16  }
0x8e: {  	[smem:$0x3FB8] =	sst s2  }
0x8f: {  	_ = 	snop  }
0x90: {  	(tm) =	ssettm $0x1  }
0x91: {  	s17 =	sld [smem:$0x3FFB];
	_ =	sdelay $0x3  }
0x92: {  	_ =	strace s17  }
0x93: {  	s2 =	sld [smem:$0x3FFC];
	_ =	sdelay $0x3  }
0x94: {  	_ =	strace s2  }
0x95: {  	s2 =	sld [smem:$0x3FFD];
	_ =	sdelay $0x3  }
0x96: {  	_ =	strace s2  }
0x97: {  	_ =	strace $0x8FFFFFFF  }
0x98: {  	s18 =	sld [smem:$0x3FDB];
	_ =	sdelay $0x1  }
0x99: {  	s19 =	simm.s32 $_scs_section_size  }
0x9a: {  	s4 =	simm.s32 $_size__tile_overlayer_lowered;
	s5 =	simm.s32 $_tile_overlayer_lowered  }
0x9b: {  	s22 =	simm.s32 $0x1BFF;
	s21 =	sshll.u32 s5, $0x1;
	s2 =	sadd.s32 s19, s18  }
0x9c: {  	s6 =	simm.s32 $0x0;
	s20 =	sshll.u32 s4, $0x1;
	s4 =	sadd.s32 s21, s2  }
0x9d: {  	[timem:s6], [sflag:s22] =	dma.local [hbm:s4], s20  }
0x9e: {  	_ =	swait.ge [sflag:s22], s20  }
0x9f: {  	s3 =	ssub.s32 $0x0, s20;
	[sflag:s22] =	ssyncset.done $0x0  }
0xa0: {  	[sflag:s22] =	ssyncadd.s32 s3;
	_ =	sdelay $0x1  }
0xa1: {  	s23 =	simm.s32 $0x1B8B  }
0xa2: {  	_ =	swait.ge [sflag:s23], $0x1  }
0xa3: {  	[sflag:s23] =	ssyncset.done $0x0  }
0xa4: {  	s25 =	simm.s32 $0x1B8E;
	s24 =	sld [smem:$0x3FFE];
	[sflag:s23] =	ssyncadd.s32 $0xFFFFFFFF  }
0xa5: {  	s26 =	simm.s32 $execute0_lowered;
	[smem:$0x3FD2] =	sst s25  }
0xa6: {  	s4 =	sshll.u32 s26, $0x1;
	_ =	strace $0x80000049;
	[dreg:$0x1] =	wrdreg $0xFFFFFFFF  }
0xa7: {  	s28 =	simm.s32 $_size_execute0_lowered;
	s2 =	sadd.s32 s2, s4;
	[dreg:$0x0] =	wrdreg $0x0  }
0xa8: {  	s4 =	sshll.u32 s28, $0x1;
	[dreg:$0x2] =	wrdreg s2  }
0xa9: {  	[dreg:$0x3] =	wrdreg s4  }
0xaa: {  	[dreg:$0x4] =	wrdreg $0xC0  }
0xab: {  	_ =	task [dreg:s6], $0x5FFFF  }
0xac: {  	[dreg:$0x1] =	wrdreg $0xFFFFFFFF  }
0xad: {  	[dreg:$0x0] =	wrdreg $0x60  }
0xae: {  	[dreg:$0x2] =	wrdreg s24  }
0xaf: {  	[dreg:$0x3] =	wrdreg $0xD0000  }
0xb0: {  	[dreg:$0x4] =	wrdreg $0x120000  }
0xb1: {  	[dreg:$0x5] =	wrdreg $0x9  }
0xb2: {  	_ =	task.clear_ibuf [dreg:s6], $0x6FFFF;
	_ =	strace $0x90000049  }
0xb3: {  	s29 =	simm.s32 $0x9;
	_ =	strace $0x8000004B  }
0xb4: {  	_ =	swait.ge [sflag:s29], $0x1  }
0xb5: {  	[sflag:s29] =	ssyncadd.s32 $0xFFFFFFFF  }
0xb6: {  	_ =	strace $0x9000004B  }
0xb7: {  	_ =	sfence  }
0xb8: {  	s30 =	sld [smem:$0x0];
	_ =	sdelay $0x2  }
0xb9: {  	s31 =	sshll.u32 s1, $0xD;
	s1 =	sshrl.u32 s1, $0x2  }
0xba: {  	s3 =	sand.u32 $0x4000, s31;
	s1 =	sadd.s32 s1, s30  }
0xbb: {  	s0 =	sor.u32 s3, s0;
	s1 =	sshll.u32 s1, $0x11  }
0xbc: {  	s0 =	sor.u32 s1, s0  }
0xbd: {  	s0 =	sadd.s32 $0x8F2B, s0  }
0xbe: {  	[sflag:s0] =	ssyncadd.remote.s32 $0x1  }
0xbf: {  	_ =	sfence.sel $0xFFFF  }
0xc0: {  	[dreg:$0x0] =	wrdreg $0xFFFFFFFF;
	(pc) =	sbr.abs _section_cstart, $3  }
0xc1: {  	[dreg:$0x1] =	wrdreg $0xFFFFFFFF  }
0xc2: {  	_ =	task.clear_ibuf [dreg:s6], $0x2FFFF;
	_ =	strace $0x9FFFFFFF  }
0xc3: {  	(tm) =	ssettm $0x7FFFFFFF  }
tec
execute0_lowered:
.L_overlay_start_1:
0x0: {  	(tag) =	ssettag $0x1  }
0x1: {  	s5 =	rddreg [dreg:$0x0]  }
0x2: {  	s0 =	srdreg.scid;
	s2 =	rddreg [dreg:$0x1]  }
0x3: {  	s9 =	stileid.u32;
	s3 =	rddreg [dreg:$0x2];
	s4 =	simm.s32 $0x0  }
0x4: {  	s18 =	simm.s32 $0x1;
	s19 =	simm.s32 $0x2;
	s20 =	simm.s32 $0x3  }
0x5: {  	s21 =	simm.s32 $0x4;
	s28 =	simm.s32 $0x0;
	s0 =	sand.u32 $0x1, s0  }
0x6: {  	s1 =	sshll.u32 s9, $0x1;
	s11 =	smul.u32 $0x5000, s9;
	[smem:$0x7FF] =	sst s4  }
0x7: {  	s9 =	sshll.u32 s9, $0x6;
	s1 =	sor.u32 s0, s1;
	s7 =	smul.u32 $0x50000, s0  }
0x8: {  	_ =	strace $0x8000004A;
	s0 =	ssub.s32 $0x2, s0;
	s31 =	sor.u32 $0x1C03, s9  }
0x9: {  	s16 =	sor.u32 $0x1C04, s9;
	s6 =	smul.u32 $0x2800, s1;
	s23 =	sshrl.u32 s11, $0x3  }
0xa: {  	s24 =	sshrl.u32 s0, $0x1;
	p0 =	seq.s32 s1, $0x1F;
	s29 =	sadd.s32 s11, s2  }
0xb: {  	[dreg:$0x7] =	wrdreg s31;
	s14 =	sadd.s32 s11, s3;
	s22 =	sadd.s32 s11, s7  }
0xc: {  	s12 =	sadd.s32 s23, s5;
	s0 =	ssub.s32 s0, s24;
	s15 =	sshrl.u32 s29, $0x3  }
0xd: {  	s17 =	sshrl.u32 s14, $0x3;
	s6 =	sshrl.u32 s6, $0x3;
	s30 =	sadd.s32 $0x18400, s12  }
0xe: {  	s11 =	sadd.s32 $0x22400, s12;
	s8 =	sadd.s32 s6, s5;
	s6 =	sshrl.u32 s22, $0x3  }
0xf: {  	[dreg:$0x6] =	wrdreg s30;
	s13 =	sadd.s32 s6, s5;
	s25 =	sadd.s32 $0x4400, s8  }
0x10: {  	s5 =	simm.s32 $0x14;
	s26 =	sadd.s32 $0xE400, s8;
	[dreg:$0x4] =	wrdreg s25  }
0x11: {  	s22 =	simm.s32 $0x80;
	s5 =	simm.s32 @!p0 $0x50;
	[dreg:$0x5] =	wrdreg s26  }
0x12: {  	s12 =	sadd.s32 $0x2C400, s13;
	s13 =	smax.u32 s0, $0x1;
	s26 =	simm.s32 $0x9  }
.LBB2_1:
0x13: {  	s0 =	rddreg [dreg:$0x4]  }
0x14: {  	s25 =	rddreg [dreg:$0x5]  }
0x15: {  	s6 =	rddreg [dreg:$0x6]  }
0x16: {  	[tilespmem:s4], [sflag:$0x1] =	stream.linear.gather [hbm4b:s0+s4], $0x2800, $0x38;
	[tilespmem:$0x17000] =	vst v63  }
0x17: {  	s1 =	simm.s32 $0x2800;
	s7 =	rddreg [dreg:$0x7]  }
0x18: {  	[tilespmem:s1], [sflag:$0x2] =	stream.linear.gather [hbm4b:s25+s4], $0x2800, $0x38;
	[tilespmem:$0x17000] =	vst v63  }
0x19: {  	[spmem:s15], [sflag:s7] =	dma.local [hbm:s6], $0xA00  }
0x1a: {  	[spmem:s17], [sflag:s16] =	dma.local [hbm:s11], $0xA00  }
0x1b: {  	_ =	swait.ge [sflag:s18], $0x2800  }
0x1c: {  	[sflag:s18] =	ssyncset.done $0x0  }
0x1d: {  	[sflag:s18] =	ssyncadd.s32 $0xFFFFD800  }
0x1e: {  	_ =	swait.ge [sflag:s19], $0x2800  }
0x1f: {  	[sflag:s19] =	ssyncset.done $0x0  }
0x20: {  	[sflag:s19] =	ssyncadd.s32 $0xFFFFD800  }
0x21: {  	_ =	swait.ge [sflag:s20], $0xA00  }
0x22: {  	[sflag:s20] =	ssyncset.done $0x0  }
0x23: {  	[sflag:s20] =	ssyncadd.s32 $0xFFFFF600  }
0x24: {  	_ =	swait.ge [sflag:s21], $0xA00  }
0x25: {  	[sflag:s21] =	ssyncset.done $0x0  }
0x26: {  	[sflag:s21] =	ssyncadd.s32 $0xFFFFF600  }
0x27: {  	s8 =	simm.s32 $0x5000;
	[bflag:$0x0] =	sbarrier.arrive $0xFFFF  }
0x28: {  	[tilespmem:s8], [sflag:$0x1] =	stream.indirect.gather [spmem:s2], $0x20, s4, s22, $0xb8;
	[tilespmem:$0x17000] =	vst v63  }
0x29: {  	s10 =	simm.s32 $0x6000  }
0x2a: {  	[tilespmem:s10], [sflag:$0x2] =	stream.indirect.gather [spmem:s2], $0x20, s22, s22, $0xb8;
	[tilespmem:$0x17000] =	vst v63  }
0x2b: {  	s14 =	simm.s32 $0x100;
	s23 =	simm.s32 $0x7000  }
0x2c: {  	[tilespmem:s23], [sflag:$0x3] =	stream.indirect.gather [spmem:s2], $0x20, s14, s22, $0xb8;
	[tilespmem:$0x17000] =	vst v63  }
0x2d: {  	s24 =	simm.s32 $0x180;
	s25 =	simm.s32 $0x8000  }
0x2e: {  	[tilespmem:s25], [sflag:$0x4] =	stream.indirect.gather [spmem:s2], $0x20, s24, s22, $0xb8;
	[tilespmem:$0x17000] =	vst v63  }
0x2f: {  	s6 =	simm.s32 $0x200;
	s7 =	simm.s32 $0x9000  }
0x30: {  	[tilespmem:s7], [sflag:$0x5] =	stream.indirect.gather [spmem:s2], $0x20, s6, s22, $0xb8;
	[tilespmem:$0x17000] =	vst v63  }
0x31: {  	s8 =	simm.s32 $0x280;
	s10 =	simm.s32 $0xA000  }
0x32: {  	[tilespmem:s10], [sflag:$0x6] =	stream.indirect.gather [spmem:s2], $0x20, s8, s22, $0xb8;
	[tilespmem:$0x17000] =	vst v63  }
0x33: {  	p0 =	sle.u32 s5, $0x0;
	s14 =	simm.s32 $0x300;
	s23 =	simm.s32 $0xB000  }
0x34: {  	[tilespmem:s23], [sflag:$0x7] =	stream.indirect.gather [spmem:s2], $0x20, s14, s22, $0xb8;
	[tilespmem:$0x17000] =	vst v63  }
0x35: {  	s1 =	simm.s32 @!p0 $0x1;
	s24 =	simm.s32 $0x380;
	s25 =	simm.s32 $0xC000  }
0x36: {  	[tilespmem:s25], [sflag:$0x8] =	stream.indirect.gather [spmem:s2], $0x20, s24, s22, $0xb8;
	[tilespmem:$0x17000] =	vst v63  }
0x37: {  	s29 =	simm.s32 @!p0 $0x9;
	_ =	swait.ge @!p0 [sflag:s1], $0x1000  }
0x38: {  	s30 =	simm.s32 @!p0 $0x2800;
	s31 =	simm.s32 @!p0 $0x5000;
	[sflag:s1] =	ssyncset.done @!p0 $0x0  }
0x39: {  	p1 =	sle.u32 @!p0 s5, $0x8;
	[sflag:s1] =	ssyncadd.s32 @!p0 $0xFFFFF000;
	s1 =	simm.s32 @!p0 $0x80  }
0x3a: {  	[spmem:s3] =	stream.indirect.scatter.add.f32 @!p0 [tilespmem:s31], [sflag:$0x9], $0x20, s30, s1, $0xb8;
	[tilespmem:$0x17000] =	vst v63  }
0x3b: {  	p2 =	por p1, p0;
	p1 =	sle.u32 s5, $0x1;
	_ =	swait.ge @!p0 [sflag:s29], $0x1000  }
0x3c: {  	s1 =	simm.s32 @!p2 $0x400;
	s30 =	simm.s32 @!p1 $0x2;
	[sflag:s29] =	ssyncset.done @!p0 $0x0  }
0x3d: {  	s31 =	simm.s32 @!p2 $0x5000;
	[sflag:s29] =	ssyncadd.s32 @!p0 $0xFFFFF000;
	s29 =	simm.s32 @!p2 $0x80  }
0x3e: {  	[tilespmem:s31], [sflag:$0x1] =	stream.indirect.gather @!p2 [spmem:s2], $0x20, s1, s29, $0xb8;
	[tilespmem:$0x17000] =	vst v63  }
0x3f: {  	s1 =	simm.s32 @!p1 $0x2880;
	_ =	swait.ge @!p1 [sflag:s30], $0x1000  }
0x40: {  	p2 =	sle.u32 @!p1 s5, $0x9;
	s29 =	simm.s32 @!p1 $0x9;
	[sflag:s30] =	ssyncset.done @!p1 $0x0  }
0x41: {  	s31 =	simm.s32 @!p1 $0x80;
	[sflag:s30] =	ssyncadd.s32 @!p1 $0xFFFFF000;
	s30 =	simm.s32 @!p1 $0x6000  }
0x42: {  	[spmem:s3] =	stream.indirect.scatter.add.f32 @!p1 [tilespmem:s30], [sflag:$0x9], $0x20, s1, s31, $0xb8;
	[tilespmem:$0x17000] =	vst v63  }
0x43: {  	p0 =	sle.u32 s5, $0x2;
	p2 =	por p2, p1;
	_ =	swait.ge @!p1 [sflag:s29], $0x1000  }
0x44: {  	s1 =	simm.s32 @!p2 $0x6000;
	s30 =	simm.s32 @!p2 $0x480;
	[sflag:s29] =	ssyncset.done @!p1 $0x0  }
0x45: {  	s31 =	simm.s32 @!p0 $0x3;
	[sflag:s29] =	ssyncadd.s32 @!p1 $0xFFFFF000;
	s29 =	simm.s32 @!p2 $0x80  }
0x46: {  	[tilespmem:s1], [sflag:$0x2] =	stream.indirect.gather @!p2 [spmem:s2], $0x20, s30, s29, $0xb8;
	[tilespmem:$0x17000] =	vst v63  }
0x47: {  	p1 =	sle.u32 @!p0 s5, $0xA;
	_ =	swait.ge @!p0 [sflag:s31], $0x1000  }
0x48: {  	s1 =	simm.s32 @!p0 $0x2900;
	s29 =	simm.s32 @!p0 $0x7000;
	[sflag:s31] =	ssyncset.done @!p0 $0x0  }
0x49: {  	s30 =	simm.s32 @!p0 $0x80;
	[sflag:s31] =	ssyncadd.s32 @!p0 $0xFFFFF000;
	s31 =	simm.s32 @!p0 $0x9  }
0x4a: {  	[spmem:s3] =	stream.indirect.scatter.add.f32 @!p0 [tilespmem:s29], [sflag:$0x9], $0x20, s1, s30, $0xb8;
	[tilespmem:$0x17000] =	vst v63  }
0x4b: {  	p2 =	por p1, p0;
	p1 =	sle.u32 s5, $0x3;
	_ =	swait.ge @!p0 [sflag:s31], $0x1000  }
0x4c: {  	s1 =	simm.s32 @!p2 $0x7000;
	s29 =	simm.s32 @!p2 $0x500;
	[sflag:s31] =	ssyncset.done @!p0 $0x0  }
0x4d: {  	s30 =	simm.s32 @!p2 $0x80;
	[sflag:s31] =	ssyncadd.s32 @!p0 $0xFFFFF000;
	s31 =	simm.s32 @!p1 $0x4  }
0x4e: {  	[tilespmem:s1], [sflag:$0x3] =	stream.indirect.gather @!p2 [spmem:s2], $0x20, s29, s30, $0xb8;
	[tilespmem:$0x17000] =	vst v63  }
0x4f: {  	p0 =	sle.u32 @!p1 s5, $0xB;
	_ =	swait.ge @!p1 [sflag:s31], $0x1000  }
0x50: {  	s1 =	simm.s32 @!p1 $0x2980;
	s29 =	simm.s32 @!p1 $0x80;
	[sflag:s31] =	ssyncset.done @!p1 $0x0  }
0x51: {  	s30 =	simm.s32 @!p1 $0x8000;
	[sflag:s31] =	ssyncadd.s32 @!p1 $0xFFFFF000;
	s31 =	simm.s32 @!p1 $0x9  }
0x52: {  	[spmem:s3] =	stream.indirect.scatter.add.f32 @!p1 [tilespmem:s30], [sflag:$0x9], $0x20, s1, s29, $0xb8;
	[tilespmem:$0x17000] =	vst v63  }
0x53: {  	p0 =	por p0, p1;
	p2 =	sle.u32 s5, $0x4;
	_ =	swait.ge @!p1 [sflag:s31], $0x1000  }
0x54: {  	s1 =	simm.s32 @!p0 $0x580;
	s29 =	simm.s32 @!p0 $0x8000;
	[sflag:s31] =	ssyncset.done @!p1 $0x0  }
0x55: {  	s30 =	simm.s32 @!p0 $0x80;
	[sflag:s31] =	ssyncadd.s32 @!p1 $0xFFFFF000;
	s31 =	simm.s32 @!p2 $0x5  }
0x56: {  	[tilespmem:s29], [sflag:$0x4] =	stream.indirect.gather @!p0 [spmem:s2], $0x20, s1, s30, $0xb8;
	[tilespmem:$0x17000] =	vst v63  }
0x57: {  	p1 =	sle.u32 @!p2 s5, $0xC;
	_ =	swait.ge @!p2 [sflag:s31], $0x1000  }
0x58: {  	s1 =	simm.s32 @!p2 $0x2A00;
	s29 =	simm.s32 @!p2 $0x9;
	[sflag:s31] =	ssyncset.done @!p2 $0x0  }
0x59: {  	s30 =	simm.s32 @!p2 $0x80;
	[sflag:s31] =	ssyncadd.s32 @!p2 $0xFFFFF000;
	s31 =	simm.s32 @!p2 $0x9000  }
0x5a: {  	[spmem:s3] =	stream.indirect.scatter.add.f32 @!p2 [tilespmem:s31], [sflag:$0x9], $0x20, s1, s30, $0xb8;
	[tilespmem:$0x17000] =	vst v63  }
0x5b: {  	p0 =	sle.u32 s5, $0x5;
	p1 =	por p1, p2;
	_ =	swait.ge @!p2 [sflag:s29], $0x1000  }
0x5c: {  	s1 =	simm.s32 @!p1 $0x9000;
	s30 =	simm.s32 @!p1 $0x600;
	[sflag:s29] =	ssyncset.done @!p2 $0x0  }
0x5d: {  	s31 =	simm.s32 @!p0 $0x6;
	[sflag:s29] =	ssyncadd.s32 @!p2 $0xFFFFF000;
	s29 =	simm.s32 @!p1 $0x80  }
0x5e: {  	[tilespmem:s1], [sflag:$0x5] =	stream.indirect.gather @!p1 [spmem:s2], $0x20, s30, s29, $0xb8;
	[tilespmem:$0x17000] =	vst v63  }
0x5f: {  	s1 =	simm.s32 @!p0 $0xA000;
	_ =	swait.ge @!p0 [sflag:s31], $0x1000  }
0x60: {  	p1 =	sle.u32 @!p0 s5, $0xD;
	s29 =	simm.s32 @!p0 $0x2A80;
	[sflag:s31] =	ssyncset.done @!p0 $0x0  }
0x61: {  	s30 =	simm.s32 @!p0 $0x80;
	[sflag:s31] =	ssyncadd.s32 @!p0 $0xFFFFF000;
	s31 =	simm.s32 @!p0 $0x9  }
0x62: {  	[spmem:s3] =	stream.indirect.scatter.add.f32 @!p0 [tilespmem:s1], [sflag:$0x9], $0x20, s29, s30, $0xb8;
	[tilespmem:$0x17000] =	vst v63  }
0x63: {  	p2 =	por p1, p0;
	p1 =	sle.u32 s5, $0x6;
	_ =	swait.ge @!p0 [sflag:s31], $0x1000  }
0x64: {  	s1 =	simm.s32 @!p2 $0xA000;
	s29 =	simm.s32 @!p2 $0x680;
	[sflag:s31] =	ssyncset.done @!p0 $0x0  }
0x65: {  	s30 =	simm.s32 @!p2 $0x80;
	[sflag:s31] =	ssyncadd.s32 @!p0 $0xFFFFF000;
	s31 =	simm.s32 @!p1 $0x7  }
0x66: {  	[tilespmem:s1], [sflag:$0x6] =	stream.indirect.gather @!p2 [spmem:s2], $0x20, s29, s30, $0xb8;
	[tilespmem:$0x17000] =	vst v63  }
0x67: {  	p0 =	sle.u32 @!p1 s5, $0xE;
	s1 =	simm.s32 @!p1 $0x2B00;
	_ =	swait.ge @!p1 [sflag:s31], $0x1000  }
0x68: {  	s29 =	simm.s32 @!p1 $0x80;
	s30 =	simm.s32 @!p1 $0xB000;
	[sflag:s31] =	ssyncset.done @!p1 $0x0  }
0x69: {  	p0 =	por p0, p1;
	[sflag:s31] =	ssyncadd.s32 @!p1 $0xFFFFF000;
	s31 =	simm.s32 @!p1 $0x9  }
0x6a: {  	[spmem:s3] =	stream.indirect.scatter.add.f32 @!p1 [tilespmem:s30], [sflag:$0x9], $0x20, s1, s29, $0xb8;
	[tilespmem:$0x17000] =	vst v63  }
0x6b: {  	s1 =	simm.s32 @!p0 $0x700;
	_ =	swait.ge @!p1 [sflag:s31], $0x1000  }
0x6c: {  	s29 =	simm.s32 @!p0 $0x80;
	s30 =	simm.s32 @!p0 $0xB000;
	[sflag:s31] =	ssyncset.done @!p1 $0x0  }
0x6d: {  	[sflag:s31] =	ssyncadd.s32 @!p1 $0xFFFFF000;
	p1 =	sle.u32 s5, $0x7;
	s31 =	simm.s32 $0x0  }
0x6e: {  	[tilespmem:s30], [sflag:$0x7] =	stream.indirect.gather @!p0 [spmem:s2], $0x20, s1, s29, $0xb8;
	[tilespmem:$0x17000] =	vst v63  }
0x6f: {  	s30 =	simm.s32 $0x8;
	s1 =	simm.s32 $0x1000;
	s29 =	simm.s32 $0x0  }
.LBB2_2:
0x70: {  	s0 =	simm.s32 @!p1 $0x8  }
0x71: {  	s14 =	sshra.s32 @!p1 s29, $0x2;
	s23 =	sadd.s32 @!p1 $0xF, s31;
	s31 =	smov.u32 s30  }
0x72: {  	s24 =	simm.s32 @!p1 $0x80;
	_ =	swait.ge @!p1 [sflag:s0], $0x1000;
	s14 =	sadd.s32 @!p1 $0x2B80, s14  }
0x73: {  	s30 =	sadd.s32 $0x8, s30;
	p0 =	sge.u32 @!p1 s23, s5;
	[sflag:s0] =	ssyncset.done @!p1 $0x0  }
0x74: {  	p3 =	por p0, p1;
	[sflag:s0] =	ssyncadd.s32 @!p1 $0xFFFFF000;
	s0 =	simm.s32 @!p1 $0xC000  }
0x75: {  	s23 =	simm.s32 @!p1 $0x9;
	s29 =	sshra.s32 @!p3 s29, $0x2;
	s25 =	simm.s32 @!p3 $0xC000  }
0x76: {  	[spmem:s3] =	stream.indirect.scatter.add.f32 @!p1 [tilespmem:s0], [sflag:$0x9], $0x20, s14, s24, $0xb8;
	[tilespmem:$0x17000] =	vst v63  }
0x77: {  	p0 =	sne.s32 s30, $0x50;
	s0 =	sadd.s32 @!p3 $0x780, s29;
	_ =	swait.ge @!p1 [sflag:s23], $0x1000  }
0x78: {  	s14 =	simm.s32 @!p3 $0x80;
	s29 =	smov.u32 s1;
	[sflag:s23] =	ssyncset.done @!p1 $0x0  }
0x79: {  	p2 =	sge.u32 s31, s5;
	s24 =	sadd.s32 $0x2, s31;
	[sflag:s23] =	ssyncadd.s32 @!p1 $0xFFFFF000  }
0x7a: {  	[tilespmem:s25], [sflag:$0x8] =	stream.indirect.gather @!p3 [spmem:s2], $0x20, s0, s14, $0xb8;
	[tilespmem:$0x17000] =	vst v63  }
0x7b: {  	s23 =	simm.s32 @!p2 $0x9;
	s0 =	simm.s32 @!p2 $0x1;
	s14 =	sshra.s32 @!p2 s1, $0x2  }
0x7c: {  	s25 =	sadd.s32 @!p2 $0x8, s31;
	s14 =	sadd.s32 @!p2 $0x2800, s14;
	_ =	swait.ge @!p2 [sflag:s0], $0x1000  }
0x7d: {  	p1 =	sge.u32 s24, s5;
	p3 =	sge.u32 @!p2 s25, s5;
	[sflag:s0] =	ssyncset.done @!p2 $0x0  }
0x7e: {  	s24 =	simm.s32 @!p2 $0x5000;
	[sflag:s0] =	ssyncadd.s32 @!p2 $0xFFFFF000;
	s0 =	simm.s32 @!p2 $0x80  }
0x7f: {  	[spmem:s3] =	stream.indirect.scatter.add.f32 @!p2 [tilespmem:s24], [sflag:$0x9], $0x20, s14, s0, $0xb8;
	[tilespmem:$0x17000] =	vst v63  }
0x80: {  	p3 =	por p3, p2;
	s0 =	sshra.s32 @!p1 s1, $0x2;
	_ =	swait.ge @!p2 [sflag:s23], $0x1000  }
0x81: {  	s14 =	sshra.s32 @!p3 s1, $0x2;
	s24 =	sadd.s32 $0x1, s31;
	[sflag:s23] =	ssyncset.done @!p2 $0x0  }
0x82: {  	s14 =	sadd.s32 @!p3 $0x400, s14;
	[sflag:s23] =	ssyncadd.s32 @!p2 $0xFFFFF000;
	p2 =	sge.u32 s24, s5  }
0x83: {  	s23 =	simm.s32 @!p3 $0x80;
	s24 =	simm.s32 @!p2 $0x2;
	s25 =	sshra.s32 @!p2 s1, $0x2  }
0x84: {  	s6 =	simm.s32 @!p3 $0x5000;
	s7 =	sadd.s32 @!p2 $0x9, s31;
	s25 =	sadd.s32 @!p2 $0x2880, s25  }
0x85: {  	s0 =	sadd.s32 @!p1 $0x2900, s0;
	p4 =	sge.u32 @!p2 s7, s5;
	s7 =	sadd.s32 @!p1 $0xA, s31  }
0x86: {  	[tilespmem:s6], [sflag:$0x1] =	stream.indirect.gather @!p3 [spmem:s2], $0x20, s14, s23, $0xb8;
	[tilespmem:$0x17000] =	vst v63  }
0x87: {  	p4 =	por p4, p2;
	s6 =	simm.s32 @!p2 $0x9;
	_ =	swait.ge @!p2 [sflag:s24], $0x1000  }
0x88: {  	s14 =	simm.s32 @!p2 $0x80;
	s23 =	simm.s32 @!p2 $0x6000;
	[sflag:s24] =	ssyncset.done @!p2 $0x0  }
0x89: {  	s8 =	simm.s32 @!p4 $0x6000;
	[sflag:s24] =	ssyncadd.s32 @!p2 $0xFFFFF000;
	s24 =	sshra.s32 @!p4 s1, $0x2  }
0x8a: {  	[spmem:s3] =	stream.indirect.scatter.add.f32 @!p2 [tilespmem:s23], [sflag:$0x9], $0x20, s25, s14, $0xb8;
	[tilespmem:$0x17000] =	vst v63  }
0x8b: {  	s14 =	sadd.s32 @!p4 $0x480, s24;
	s23 =	simm.s32 @!p1 $0x3;
	_ =	swait.ge @!p2 [sflag:s6], $0x1000  }
0x8c: {  	p3 =	sge.u32 @!p1 s7, s5;
	s24 =	simm.s32 @!p1 $0x7000;
	[sflag:s6] =	ssyncset.done @!p2 $0x0  }
0x8d: {  	p3 =	por p3, p1;
	[sflag:s6] =	ssyncadd.s32 @!p2 $0xFFFFF000;
	s6 =	simm.s32 @!p4 $0x80  }
0x8e: {  	[tilespmem:s8], [sflag:$0x2] =	stream.indirect.gather @!p4 [spmem:s2], $0x20, s14, s6, $0xb8;
	[tilespmem:$0x17000] =	vst v63  }
0x8f: {  	s7 =	simm.s32 @!p3 $0x7000;
	s6 =	simm.s32 @!p1 $0x80;
	_ =	swait.ge @!p1 [sflag:s23], $0x1000  }
0x90: {  	s8 =	simm.s32 @!p1 $0x9;
	s14 =	sshra.s32 @!p3 s1, $0x2;
	[sflag:s23] =	ssyncset.done @!p1 $0x0  }
0x91: {  	s14 =	sadd.s32 @!p3 $0x500, s14;
	[sflag:s23] =	ssyncadd.s32 @!p1 $0xFFFFF000;
	s23 =	sadd.s32 $0x3, s31  }
0x92: {  	[spmem:s3] =	stream.indirect.scatter.add.f32 @!p1 [tilespmem:s24], [sflag:$0x9], $0x20, s0, s6, $0xb8;
	[tilespmem:$0x17000] =	vst v63  }
0x93: {  	s0 =	simm.s32 @!p3 $0x80;
	p2 =	sge.u32 s23, s5;
	_ =	swait.ge @!p1 [sflag:s8], $0x1000  }
0x94: {  	s6 =	simm.s32 @!p2 $0x4;
	s23 =	sshra.s32 @!p2 s1, $0x2;
	[sflag:s8] =	ssyncset.done @!p1 $0x0  }
0x95: {  	[sflag:s8] =	ssyncadd.s32 @!p1 $0xFFFFF000;
	s8 =	sadd.s32 @!p2 $0x2980, s23;
	s23 =	sadd.s32 @!p2 $0xB, s31  }
0x96: {  	[tilespmem:s7], [sflag:$0x3] =	stream.indirect.gather @!p3 [spmem:s2], $0x20, s14, s0, $0xb8;
	[tilespmem:$0x17000] =	vst v63  }
0x97: {  	s0 =	simm.s32 @!p2 $0x80;
	s7 =	simm.s32 @!p2 $0x8000;
	_ =	swait.ge @!p2 [sflag:s6], $0x1000  }
0x98: {  	s14 =	simm.s32 @!p2 $0x9;
	p1 =	sge.u32 @!p2 s23, s5;
	[sflag:s6] =	ssyncset.done @!p2 $0x0  }
0x99: {  	p4 =	por p1, p2;
	[sflag:s6] =	ssyncadd.s32 @!p2 $0xFFFFF000;
	s6 =	sadd.s32 $0x5, s31  }
0x9a: {  	s24 =	sadd.s32 $0x4, s31;
	s23 =	sshra.s32 @!p4 s1, $0x2;
	p1 =	sge.u32 s6, s5  }
0x9b: {  	s6 =	sadd.s32 @!p4 $0x580, s23;
	s23 =	simm.s32 @!p4 $0x8000;
	s25 =	simm.s32 @!p1 $0xA000  }
0x9c: {  	[spmem:s3] =	stream.indirect.scatter.add.f32 @!p2 [tilespmem:s7], [sflag:$0x9], $0x20, s8, s0, $0xb8;
	[tilespmem:$0x17000] =	vst v63  }
0x9d: {  	p3 =	sge.u32 s24, s5;
	s0 =	simm.s32 @!p4 $0x80;
	_ =	swait.ge @!p2 [sflag:s14], $0x1000  }
0x9e: {  	s7 =	simm.s32 @!p3 $0x5;
	s8 =	sshra.s32 @!p3 s1, $0x2;
	[sflag:s14] =	ssyncset.done @!p2 $0x0  }
0x9f: {  	s8 =	sadd.s32 @!p3 $0x2A00, s8;
	[sflag:s14] =	ssyncadd.s32 @!p2 $0xFFFFF000;
	s14 =	sadd.s32 @!p3 $0xC, s31  }
0xa0: {  	s24 =	sadd.s32 @!p1 $0xD, s31;
	p2 =	sge.u32 @!p3 s14, s5;
	s14 =	sshra.s32 @!p1 s1, $0x2  }
0xa1: {  	[tilespmem:s23], [sflag:$0x4] =	stream.indirect.gather @!p4 [spmem:s2], $0x20, s6, s0, $0xb8;
	[tilespmem:$0x17000] =	vst v63  }
0xa2: {  	s0 =	simm.s32 @!p3 $0x9;
	p2 =	por p2, p3;
	_ =	swait.ge @!p3 [sflag:s7], $0x1000  }
0xa3: {  	s6 =	simm.s32 @!p3 $0x80;
	s23 =	simm.s32 @!p3 $0x9000;
	[sflag:s7] =	ssyncset.done @!p3 $0x0  }
0xa4: {  	s10 =	simm.s32 @!p2 $0x9000;
	[sflag:s7] =	ssyncadd.s32 @!p3 $0xFFFFF000;
	s7 =	sshra.s32 @!p2 s1, $0x2  }
0xa5: {  	[spmem:s3] =	stream.indirect.scatter.add.f32 @!p3 [tilespmem:s23], [sflag:$0x9], $0x20, s8, s6, $0xb8;
	[tilespmem:$0x17000] =	vst v63  }
0xa6: {  	s6 =	sadd.s32 @!p2 $0x600, s7;
	s7 =	sadd.s32 @!p1 $0x2A80, s14;
	_ =	swait.ge @!p3 [sflag:s0], $0x1000  }
0xa7: {  	p4 =	sge.u32 @!p1 s24, s5;
	s8 =	simm.s32 @!p1 $0x6;
	[sflag:s0] =	ssyncset.done @!p3 $0x0  }
0xa8: {  	[sflag:s0] =	ssyncadd.s32 @!p3 $0xFFFFF000;
	s0 =	simm.s32 @!p2 $0x80;
	p3 =	por p4, p1  }
0xa9: {  	[tilespmem:s10], [sflag:$0x5] =	stream.indirect.gather @!p2 [spmem:s2], $0x20, s6, s0, $0xb8;
	[tilespmem:$0x17000] =	vst v63  }
0xaa: {  	s0 =	simm.s32 @!p1 $0x80;
	s6 =	simm.s32 @!p3 $0xA000;
	_ =	swait.ge @!p1 [sflag:s8], $0x1000  }
0xab: {  	s10 =	simm.s32 @!p1 $0x9;
	s14 =	sshra.s32 @!p3 s1, $0x2;
	[sflag:s8] =	ssyncset.done @!p1 $0x0  }
0xac: {  	[sflag:s8] =	ssyncadd.s32 @!p1 $0xFFFFF000;
	s8 =	sadd.s32 @!p3 $0x680, s14;
	s14 =	sadd.s32 $0x6, s31  }
0xad: {  	[spmem:s3] =	stream.indirect.scatter.add.f32 @!p1 [tilespmem:s25], [sflag:$0x9], $0x20, s7, s0, $0xb8;
	[tilespmem:$0x17000] =	vst v63  }
0xae: {  	s0 =	simm.s32 @!p3 $0x80;
	p2 =	sge.u32 s14, s5;
	_ =	swait.ge @!p1 [sflag:s10], $0x1000  }
0xaf: {  	s7 =	simm.s32 @!p2 $0x7;
	s14 =	sshra.s32 @!p2 s1, $0x2;
	[sflag:s10] =	ssyncset.done @!p1 $0x0  }
0xb0: {  	[sflag:s10] =	ssyncadd.s32 @!p1 $0xFFFFF000;
	s10 =	sadd.s32 @!p2 $0x2B00, s14;
	s14 =	sadd.s32 @!p2 $0xE, s31  }
0xb1: {  	[tilespmem:s6], [sflag:$0x6] =	stream.indirect.gather @!p3 [spmem:s2], $0x20, s8, s0, $0xb8;
	[tilespmem:$0x17000] =	vst v63  }
0xb2: {  	s0 =	simm.s32 @!p2 $0x80;
	s6 =	simm.s32 @!p2 $0xB000;
	_ =	swait.ge @!p2 [sflag:s7], $0x1000  }
0xb3: {  	s8 =	simm.s32 @!p2 $0x9;
	p1 =	sge.u32 @!p2 s14, s5;
	[sflag:s7] =	ssyncset.done @!p2 $0x0  }
0xb4: {  	p1 =	por p1, p2;
	[sflag:s7] =	ssyncadd.s32 @!p2 $0xFFFFF000  }
0xb5: {  	[spmem:s3] =	stream.indirect.scatter.add.f32 @!p2 [tilespmem:s6], [sflag:$0x9], $0x20, s10, s0, $0xb8;
	[tilespmem:$0x17000] =	vst v63  }
.Ltmp0:
0xb6: {  	s0 =	sshra.s32 @!p1 s1, $0x2;
	_ =	swait.ge @!p2 [sflag:s8], $0x1000;
	(pc) =	sbr.rel @p0 .LBB2_2-.Ltmp0, $4  }
0xb7: {  	s6 =	sadd.s32 $0x7, s31;
	s0 =	sadd.s32 @!p1 $0x700, s0;
	[sflag:s8] =	ssyncset.done @!p2 $0x0  }
0xb8: {  	s7 =	simm.s32 @!p1 $0x80;
	[sflag:s8] =	ssyncadd.s32 @!p2 $0xFFFFF000;
	s8 =	simm.s32 @!p1 $0xB000  }
0xb9: {  	[tilespmem:s8], [sflag:$0x7] =	stream.indirect.gather @!p1 [spmem:s2], $0x20, s0, s7, $0xb8;
	[tilespmem:$0x17000] =	vst v63  }
0xba: {  	s1 =	sadd.s32 $0x1000, s1;
	p1 =	sge.u32 s6, s5  }
0xbb: {  	s0 =	simm.s32 @!p1 $0x8;
	s1 =	sshra.s32 @!p1 s29, $0x2  }
0xbc: {  	s6 =	sadd.s32 @!p1 $0xF, s31;
	s7 =	simm.s32 @!p1 $0x80;
	_ =	swait.ge @!p1 [sflag:s0], $0x1000  }
0xbd: {  	s1 =	sadd.s32 @!p1 $0x2B80, s1;
	p0 =	sge.u32 @!p1 s6, s5;
	[sflag:s0] =	ssyncset.done @!p1 $0x0  }
0xbe: {  	s6 =	simm.s32 @!p1 $0x9;
	[sflag:s0] =	ssyncadd.s32 @!p1 $0xFFFFF000;
	s0 =	simm.s32 @!p1 $0xC000  }
0xbf: {  	[spmem:s3] =	stream.indirect.scatter.add.f32 @!p1 [tilespmem:s0], [sflag:$0x9], $0x20, s1, s7, $0xb8;
	[tilespmem:$0x17000] =	vst v63  }
0xc0: {  	s28 =	sadd.s32 $0x1, s28;
	p0 =	por p0, p1;
	_ =	swait.ge @!p1 [sflag:s6], $0x1000  }
0xc1: {  	s0 =	sshra.s32 @!p0 s29, $0x2;
	s1 =	simm.s32 @!p0 $0xC000;
	[sflag:s6] =	ssyncset.done @!p1 $0x0  }
0xc2: {  	s7 =	simm.s32 @!p0 $0x80;
	s0 =	sadd.s32 @!p0 $0x780, s0;
	[sflag:s6] =	ssyncadd.s32 @!p1 $0xFFFFF000  }
0xc3: {  	[tilespmem:s1], [sflag:$0x8] =	stream.indirect.gather @!p0 [spmem:s2], $0x20, s0, s7, $0xb8;
	[tilespmem:$0x17000] =	vst v63  }
0xc4: {  	p0 =	sne.s32 s28, s13  }
.Ltmp1:
0xc5: {  	s31 =	sor.u32 $0x1C09, s9;
	[bflag:$0x0] =	sbarrier.arrive $0xFFFF;
	(pc) =	sbr.rel @p0 .LBB2_1-.Ltmp1, $4  }
0xc6: {  	[hbm:s12], [sflag:s31] =	dma.local [spmem:s17], $0xA00  }
0xc7: {  	_ =	swait.ge [sflag:s26], $0xA00  }
0xc8: {  	[sflag:s26] =	ssyncset.done $0x0  }
0xc9: {  	[sflag:s26] =	ssyncadd.s32 $0xFFFFF600  }
0xca: {  	_ =	sfence.sel $0x180000  }
0xcb: {  	[bflag:$0x0] =	sbarrier.arrive $0xFFFF  }
0xcc: {  	_ =	strace $0x9000004A  }
0xcd: {  	s0 =	stileid.u32;
	[bflag:$0x2] =	sbarrier.arrive $0xFFFF  }
0xce: {  	p0 =	sne.s32 s0, $0x0;
	s0 =	rddreg [dreg:$0x3]  }
0xcf: {  	s0 =	sadd.s32 @!p0 $0x100000, s0  }
0xd0: {  	[sflag:s0] =	ssyncadd.tile.s32 @!p0 $0x1;
	_ =	shalt  }
.Lfunc_end2:
_tile_overlayer_lowered:
.L_overlay_start_2:
0xd1: {  	(tag) =	ssettag $0x2  }
0xd2: {  	s0 =	rddreg [dreg:$0x0];
	s2 =	stileid.u32  }
0xd3: {  	s1 =	rddreg [dreg:$0x1];
	p0 =	sne.s32 s2, $0x0  }
0xd4: {  	s3 =	rddreg [dreg:$0x2];
	[bflag:$0x3] =	sbarrier.arrive $0xFFFF;
	s2 =	simm.s32 @!p0 $0x1C09  }
0xd5: {  	[timem:s3], [sflag:s2] =	dma.local @!p0 [hbm:s0], s1  }
0xd6: {  	s0 =	simm.s32 @!p0 $0x9  }
0xd7: {  	_ =	swait.ge @!p0 [sflag:s0], s1  }
0xd8: {  	s1 =	ssub.s32 @!p0 $0x0, s1;
	[sflag:s0] =	ssyncset.done @!p0 $0x0  }
0xd9: {  	[sflag:s0] =	ssyncadd.s32 @!p0 s1  }
0xda: {  	[bflag:$0x3] =	sbarrier.arrive $0xFFFF  }
0xdb: {  	_ =	shalt  }

// kernel: kernel.15.cloned.1.call-start
scs
__scs_entry_jumppad:
0x0: {  	(pc) =	sbr.rel $0x88, $3  }
0x1: {  	(tag) =	ssettag $0x0;
	lr =	simm.s32 $0x1  }
0x2: {  	[smem:$0x3F91] =	sst lr;
	_ =	strace $0xD0000000  }
0x3: {  	_ = 	snop  }
0x4: {  	_ = 	snop  }
0x5: {  	_ = 	snop  }
0x6: {  	_ = 	snop  }
0x7: {  	_ = 	snop  }
__scs_overlays_trampoline_lowered:
0x8: {  	[smem:$0x3FA0] =	sst s0  }
0x9: {  	[smem:$0x3FA1] =	sst s1  }
0xa: {  	[smem:$0x3FA2] =	sst s2  }
0xb: {  	[smem:$0x3FA3] =	sst s3  }
0xc: {  	[smem:$0x3FA4] =	sst s4  }
0xd: {  	[smem:$0x3FA5] =	sst s5  }
0xe: {  	[smem:$0x3FA6] =	sst s6  }
0xf: {  	[smem:$0x3FA7] =	sst s7  }
0x10: {  	[smem:$0x3FA8] =	sst s8  }
0x11: {  	[smem:$0x3FA9] =	sst s9;
	s0 =	simm.s32 @!p0 $0x0  }
0x12: {  	s1 =	sld [smem:$0x3F8F];
	s0 =	simm.s32 @p0 $0x1  }
0x13: {  	[smem:$0x3FAA] =	sst s0;
	s0 =	simm.s32 @!p1 $0x0  }
0x14: {  	s2 =	sld [smem:$0x3F8E];
	s0 =	simm.s32 @p1 $0x1  }
0x15: {  	[smem:$0x3FAB] =	sst s0;
	s0 =	simm.s32 @!p2 $0x0  }
0x16: {  	s3 =	sld [smem:$0x3FDB];
	s0 =	simm.s32 @p2 $0x1  }
0x17: {  	s4 =	simm.s32 $0x1BF5;
	[smem:$0x3FAD] =	sst s0  }
0x18: {  	s0 =	sld [smem:$0x3F90];
	_ =	swait.ge [sflag:s4], $0x0  }
0x19: {  	s7 =	sld [smem:$0x3F91]  }
0x1a: {  	s8 =	sadd.s32 $0xFFFFE003, lr  }
0x1b: {  	s9 =	sadd.s32 $0xFFFFFEF7, lr;
	s5 =	simm.s32 $0xFFFFFFFF;
	p2 =	slt.u32 s8, $0xFFFFF086  }
0x1c: {  	p1 =	slt.u32 s9, $0xF7A;
	s5 =	simm.s32 @!p2 $0x0  }
0x1d: {  	s5 =	simm.s32 @p1 $0x1;
	p0 =	seq.s32 s7, s2  }
0x1e: {  	s7 =	smul.u32 @!p0 $0xF7A, s2;
	p2 =	seq.s32 @!p0 s5, $0x0  }
0x1f: {  	s9 =	smul.u32 $0xF7A, s1;
	s8 =	simm.s32 @!p0 $0x1BF5;
	p2 =	por !p2, p0  }
0x20: {  	[sflag:s8] =	ssyncset.s32 @!p0 $0xFFFFF086;
	s6 =	sadd.s32 @!p0 s3, s7;
	s7 =	simm.s32 @!p0 $0x108  }
0x21: {  	s3 =	sadd.s32 s3, s9;
	s6 =	sadd.s32 @!p0 $0x88, s6;
	s7 =	simm.s32 @p2 $0x1082  }
0x22: {  	[simem:s7], [sflag:s8] =	dma.local @!p0 [hbm:s6], $0xF7A  }
0x23: {  	s9 =	sor.u32 $0xD0000000, s2;
	s6 =	simm.s32 $0x108;
	_ =	swait.ge @!p0 [sflag:s8], $0x0  }
0x24: {  	s3 =	sadd.s32 $0x88, s3;
	s6 =	simm.s32 @!p1 $0x1082;
	[sflag:s4] =	ssyncset.s32 $0xFFFFF086  }
0x25: {  	[simem:s6], [sflag:s4] =	dma.local [hbm:s3], $0xF7A  }
0x26: {  	[smem:$0x3F91] =	sst s1;
	(tag) =	ssettag s2;
	_ =	strace s9  }
0x27: {  	s1 =	sld [smem:$0x3FA1]  }
0x28: {  	s2 =	sld [smem:$0x3FA2]  }
0x29: {  	s4 =	sld [smem:$0x3FA4]  }
0x2a: {  	p0 =	seq.s32 s5, $0x0;
	s5 =	sld [smem:$0x3FA5]  }
0x2b: {  	s6 =	sld [smem:$0x3FA6]  }
0x2c: {  	s7 =	sld [smem:$0x3FA7]  }
0x2d: {  	s3 =	simm.s32 $0x108;
	s8 =	sld [smem:$0x3FA8]  }
0x2e: {  	s3 =	simm.s32 @!p0 $0x1082;
	s9 =	sld [smem:$0x3FA9]  }
0x2f: {  	lr =	sadd.s32 s0, s3;
	s0 =	sld [smem:$0x3FA0]  }
0x30: {  	s3 =	sld [smem:$0x3FA3]  }
0x31: {  	[smem:$0x3FAC] =	sst s10  }
0x32: {  	s10 =	sld [smem:$0x3FAA];
	_ =	sdelay $0x3  }
0x33: {  	p0 =	seq.s32 s10, $0x1;
	s10 =	sld [smem:$0x3FAC];
	_ =	sdelay $0x3  }
0x34: {  	[smem:$0x3FAC] =	sst s10  }
0x35: {  	s10 =	sld [smem:$0x3FAB];
	_ =	sdelay $0x3  }
0x36: {  	p1 =	seq.s32 s10, $0x1;
	s10 =	sld [smem:$0x3FAC];
	_ =	sdelay $0x3  }
0x37: {  	[smem:$0x3FAC] =	sst s10  }
0x38: {  	s10 =	sld [smem:$0x3FAD]  }
0x39: {  	_ = 	snop;
	(pc) =	sbr.ind lr, $3  }
0x3a: {  	_ = 	snop  }
0x3b: {  	_ = 	snop  }
0x3c: {  	p2 =	seq.s32 s10, $0x1;
	s10 =	sld [smem:$0x3FAC]  }
0x3d: {  	_ =	shalt  }
0x3e: {  	_ =	shalt  }
0x3f: {  	_ =	shalt  }
0x40: {  	_ =	shalt  }
0x41: {  	_ =	shalt  }
0x42: {  	_ =	shalt  }
0x43: {  	_ =	shalt  }
0x44: {  	_ =	shalt  }
0x45: {  	_ =	shalt  }
0x46: {  	_ =	shalt  }
0x47: {  	_ =	shalt  }
0x48: {  	_ =	shalt  }
0x49: {  	_ =	shalt  }
0x4a: {  	_ =	shalt  }
0x4b: {  	_ =	shalt  }
0x4c: {  	_ =	shalt  }
0x4d: {  	_ =	shalt  }
0x4e: {  	_ =	shalt  }
0x4f: {  	_ =	shalt  }
0x50: {  	_ =	shalt  }
0x51: {  	_ =	shalt  }
0x52: {  	_ =	shalt  }
0x53: {  	_ =	shalt  }
0x54: {  	_ =	shalt  }
0x55: {  	_ =	shalt  }
0x56: {  	_ =	shalt  }
0x57: {  	_ =	shalt  }
0x58: {  	_ =	shalt  }
0x59: {  	_ =	shalt  }
0x5a: {  	_ =	shalt  }
0x5b: {  	_ =	shalt  }
0x5c: {  	_ =	shalt  }
0x5d: {  	_ =	shalt  }
0x5e: {  	_ =	shalt  }
0x5f: {  	_ =	shalt  }
0x60: {  	_ =	shalt  }
0x61: {  	_ =	shalt  }
0x62: {  	_ =	shalt  }
0x63: {  	_ =	shalt  }
0x64: {  	_ =	shalt  }
0x65: {  	_ =	shalt  }
0x66: {  	_ =	shalt  }
0x67: {  	_ =	shalt  }
0x68: {  	_ =	shalt  }
0x69: {  	_ =	shalt  }
0x6a: {  	_ =	shalt  }
0x6b: {  	_ =	shalt  }
0x6c: {  	_ =	shalt  }
0x6d: {  	_ =	shalt  }
0x6e: {  	_ =	shalt  }
0x6f: {  	_ =	shalt  }
0x70: {  	_ =	shalt  }
0x71: {  	_ =	shalt  }
0x72: {  	_ =	shalt  }
0x73: {  	_ =	shalt  }
0x74: {  	_ =	shalt  }
0x75: {  	_ =	shalt  }
0x76: {  	_ =	shalt  }
0x77: {  	_ =	shalt  }
0x78: {  	_ =	shalt  }
0x79: {  	_ =	shalt  }
0x7a: {  	_ =	shalt  }
0x7b: {  	_ =	shalt  }
0x7c: {  	_ =	shalt  }
0x7d: {  	_ =	shalt  }
0x7e: {  	_ =	shalt  }
0x7f: {  	_ =	shalt  }
0x80: {  	_ =	shalt  }
0x81: {  	_ =	shalt  }
0x82: {  	_ =	shalt  }
0x83: {  	_ =	shalt  }
0x84: {  	_ =	shalt  }
0x85: {  	_ =	shalt  }
0x86: {  	_ =	shalt  }
0x87: {  	_ =	shalt  }
.Lfunc_end0:
.L_simem_size_0:
called_computation.2_lowered:
.L_overlay_start_0:
0x88: {  	s2 =	sld [smem:$0x3FD9]  }
0x89: {  	s3 =	sld [smem:$0x3FFE];
	_ =	sdelay $0x1  }
0x8a: {  	s1 =	srdreg.scid  }
0x8b: {  	s0 =	sand.u32 $0x1, s1  }
0x8c: {  	s16 =	sshll.u32 s0, $0xA;
	s2 =	sadd.s32 s3, s2  }
0x8d: {  	s2 =	sadd.s32 s2, s16  }
0x8e: {  	[smem:$0x3FB8] =	sst s2  }
0x8f: {  	_ = 	snop  }
0x90: {  	(tm) =	ssettm $0x1  }
0x91: {  	s17 =	sld [smem:$0x3FFB];
	_ =	sdelay $0x3  }
0x92: {  	_ =	strace s17  }
0x93: {  	s2 =	sld [smem:$0x3FFC];
	_ =	sdelay $0x3  }
0x94: {  	_ =	strace s2  }
0x95: {  	s2 =	sld [smem:$0x3FFD];
	_ =	sdelay $0x3  }
0x96: {  	_ =	strace s2  }
0x97: {  	_ =	strace $0x8FFFFFFF  }
0x98: {  	s18 =	sld [smem:$0x3FDB];
	_ =	sdelay $0x1  }
0x99: {  	s19 =	simm.s32 $_scs_section_size  }
0x9a: {  	s4 =	simm.s32 $_size__tile_overlayer_lowered;
	s5 =	simm.s32 $_tile_overlayer_lowered  }
0x9b: {  	s22 =	simm.s32 $0x1BFF;
	s21 =	sshll.u32 s5, $0x1;
	s2 =	sadd.s32 s19, s18  }
0x9c: {  	s6 =	simm.s32 $0x0;
	s20 =	sshll.u32 s4, $0x1;
	s4 =	sadd.s32 s21, s2  }
0x9d: {  	[timem:s6], [sflag:s22] =	dma.local [hbm:s4], s20  }
0x9e: {  	_ =	swait.ge [sflag:s22], s20  }
0x9f: {  	s3 =	ssub.s32 $0x0, s20;
	[sflag:s22] =	ssyncset.done $0x0  }
0xa0: {  	[sflag:s22] =	ssyncadd.s32 s3;
	_ =	sdelay $0x1  }
0xa1: {  	s23 =	simm.s32 $0x1B8B  }
0xa2: {  	_ =	swait.ge [sflag:s23], $0x1  }
0xa3: {  	[sflag:s23] =	ssyncset.done $0x0  }
0xa4: {  	s25 =	simm.s32 $0x1B8E;
	s24 =	sld [smem:$0x3FFE];
	[sflag:s23] =	ssyncadd.s32 $0xFFFFFFFF  }
0xa5: {  	s26 =	simm.s32 $execute0_lowered;
	[smem:$0x3FD2] =	sst s25  }
0xa6: {  	s4 =	sshll.u32 s26, $0x1;
	_ =	strace $0x8000004C;
	[dreg:$0x1] =	wrdreg $0xFFFFFFFF  }
0xa7: {  	s28 =	simm.s32 $_size_execute0_lowered;
	s2 =	sadd.s32 s2, s4;
	[dreg:$0x0] =	wrdreg $0x0  }
0xa8: {  	s4 =	sshll.u32 s28, $0x1;
	[dreg:$0x2] =	wrdreg s2  }
0xa9: {  	[dreg:$0x3] =	wrdreg s4  }
0xaa: {  	[dreg:$0x4] =	wrdreg $0xC0  }
0xab: {  	_ =	task [dreg:s6], $0x5FFFF  }
0xac: {  	[dreg:$0x1] =	wrdreg $0xFFFFFFFF  }
0xad: {  	[dreg:$0x0] =	wrdreg $0x60  }
0xae: {  	[dreg:$0x2] =	wrdreg s24  }
0xaf: {  	[dreg:$0x3] =	wrdreg $0xD0000  }
0xb0: {  	[dreg:$0x4] =	wrdreg $0x120000  }
0xb1: {  	[dreg:$0x5] =	wrdreg $0x9  }
0xb2: {  	_ =	task.clear_ibuf [dreg:s6], $0x6FFFF;
	_ =	strace $0x9000004C  }
0xb3: {  	s29 =	simm.s32 $0x9;
	_ =	strace $0x8000004E  }
0xb4: {  	_ =	swait.ge [sflag:s29], $0x1  }
0xb5: {  	[sflag:s29] =	ssyncadd.s32 $0xFFFFFFFF  }
0xb6: {  	_ =	strace $0x9000004E  }
0xb7: {  	_ =	sfence  }
0xb8: {  	s30 =	sld [smem:$0x0];
	_ =	sdelay $0x2  }
0xb9: {  	s31 =	sshll.u32 s1, $0xD;
	s1 =	sshrl.u32 s1, $0x2  }
0xba: {  	s3 =	sand.u32 $0x4000, s31;
	s1 =	sadd.s32 s1, s30  }
0xbb: {  	s0 =	sor.u32 s3, s0;
	s1 =	sshll.u32 s1, $0x11  }
0xbc: {  	s0 =	sor.u32 s1, s0  }
0xbd: {  	s0 =	sadd.s32 $0x8F2B, s0  }
0xbe: {  	[sflag:s0] =	ssyncadd.remote.s32 $0x1  }
0xbf: {  	_ =	sfence.sel $0xFFFF  }
0xc0: {  	[dreg:$0x0] =	wrdreg $0xFFFFFFFF;
	(pc) =	sbr.abs _section_cstart, $3  }
0xc1: {  	[dreg:$0x1] =	wrdreg $0xFFFFFFFF  }
0xc2: {  	_ =	task.clear_ibuf [dreg:s6], $0x2FFFF;
	_ =	strace $0x9FFFFFFF  }
0xc3: {  	(tm) =	ssettm $0x7FFFFFFF  }
tec
execute0_lowered:
.L_overlay_start_1:
0x0: {  	(tag) =	ssettag $0x1  }
0x1: {  	s5 =	rddreg [dreg:$0x0]  }
0x2: {  	s0 =	srdreg.scid;
	s2 =	rddreg [dreg:$0x1]  }
0x3: {  	s9 =	stileid.u32;
	s3 =	rddreg [dreg:$0x2];
	s4 =	simm.s32 $0x0  }
0x4: {  	s18 =	simm.s32 $0x1;
	s19 =	simm.s32 $0x2;
	s20 =	simm.s32 $0x3  }
0x5: {  	s21 =	simm.s32 $0x4;
	s28 =	simm.s32 $0x0;
	s0 =	sand.u32 $0x1, s0  }
0x6: {  	s1 =	sshll.u32 s9, $0x1;
	s11 =	smul.u32 $0x5000, s9;
	[smem:$0x7FF] =	sst s4  }
0x7: {  	s9 =	sshll.u32 s9, $0x6;
	s1 =	sor.u32 s0, s1;
	s7 =	smul.u32 $0x50000, s0  }
0x8: {  	_ =	strace $0x8000004D;
	s0 =	ssub.s32 $0x2, s0;
	s31 =	sor.u32 $0x1C03, s9  }
0x9: {  	s16 =	sor.u32 $0x1C04, s9;
	s6 =	smul.u32 $0x2800, s1;
	s23 =	sshrl.u32 s11, $0x3  }
0xa: {  	s24 =	sshrl.u32 s0, $0x1;
	p0 =	seq.s32 s1, $0x1F;
	s29 =	sadd.s32 s11, s2  }
0xb: {  	[dreg:$0x7] =	wrdreg s31;
	s14 =	sadd.s32 s11, s3;
	s22 =	sadd.s32 s11, s7  }
0xc: {  	s12 =	sadd.s32 s23, s5;
	s0 =	ssub.s32 s0, s24;
	s15 =	sshrl.u32 s29, $0x3  }
0xd: {  	s17 =	sshrl.u32 s14, $0x3;
	s6 =	sshrl.u32 s6, $0x3;
	s30 =	sadd.s32 $0x18400, s12  }
0xe: {  	s11 =	sadd.s32 $0x22400, s12;
	s8 =	sadd.s32 s6, s5;
	s6 =	sshrl.u32 s22, $0x3  }
0xf: {  	[dreg:$0x6] =	wrdreg s30;
	s13 =	sadd.s32 s6, s5;
	s25 =	sadd.s32 $0x4400, s8  }
0x10: {  	s5 =	simm.s32 $0x14;
	s26 =	sadd.s32 $0xE400, s8;
	[dreg:$0x4] =	wrdreg s25  }
0x11: {  	s22 =	simm.s32 $0x80;
	s5 =	simm.s32 @!p0 $0x50;
	[dreg:$0x5] =	wrdreg s26  }
0x12: {  	s12 =	sadd.s32 $0x2C400, s13;
	s13 =	smax.u32 s0, $0x1;
	s26 =	simm.s32 $0x9  }
.LBB2_1:
0x13: {  	s0 =	rddreg [dreg:$0x4]  }
0x14: {  	s25 =	rddreg [dreg:$0x5]  }
0x15: {  	s6 =	rddreg [dreg:$0x6]  }
0x16: {  	[tilespmem:s4], [sflag:$0x1] =	stream.linear.gather [hbm4b:s0+s4], $0x2800, $0x38;
	[tilespmem:$0x17000] =	vst v63  }
0x17: {  	s1 =	simm.s32 $0x2800;
	s7 =	rddreg [dreg:$0x7]  }
0x18: {  	[tilespmem:s1], [sflag:$0x2] =	stream.linear.gather [hbm4b:s25+s4], $0x2800, $0x38;
	[tilespmem:$0x17000] =	vst v63  }
0x19: {  	[spmem:s15], [sflag:s7] =	dma.local [hbm:s6], $0xA00  }
0x1a: {  	[spmem:s17], [sflag:s16] =	dma.local [hbm:s11], $0xA00  }
0x1b: {  	_ =	swait.ge [sflag:s18], $0x2800  }
0x1c: {  	[sflag:s18] =	ssyncset.done $0x0  }
0x1d: {  	[sflag:s18] =	ssyncadd.s32 $0xFFFFD800  }
0x1e: {  	_ =	swait.ge [sflag:s19], $0x2800  }
0x1f: {  	[sflag:s19] =	ssyncset.done $0x0  }
0x20: {  	[sflag:s19] =	ssyncadd.s32 $0xFFFFD800  }
0x21: {  	_ =	swait.ge [sflag:s20], $0xA00  }
0x22: {  	[sflag:s20] =	ssyncset.done $0x0  }
0x23: {  	[sflag:s20] =	ssyncadd.s32 $0xFFFFF600  }
0x24: {  	_ =	swait.ge [sflag:s21], $0xA00  }
0x25: {  	[sflag:s21] =	ssyncset.done $0x0  }
0x26: {  	[sflag:s21] =	ssyncadd.s32 $0xFFFFF600  }
0x27: {  	s8 =	simm.s32 $0x5000;
	[bflag:$0x0] =	sbarrier.arrive $0xFFFF  }
0x28: {  	[tilespmem:s8], [sflag:$0x1] =	stream.indirect.gather [spmem:s2], $0x20, s4, s22, $0xb8;
	[tilespmem:$0x17000] =	vst v63  }
0x29: {  	s10 =	simm.s32 $0x6000  }
0x2a: {  	[tilespmem:s10], [sflag:$0x2] =	stream.indirect.gather [spmem:s2], $0x20, s22, s22, $0xb8;
	[tilespmem:$0x17000] =	vst v63  }
0x2b: {  	s14 =	simm.s32 $0x100;
	s23 =	simm.s32 $0x7000  }
0x2c: {  	[tilespmem:s23], [sflag:$0x3] =	stream.indirect.gather [spmem:s2], $0x20, s14, s22, $0xb8;
	[tilespmem:$0x17000] =	vst v63  }
0x2d: {  	s24 =	simm.s32 $0x180;
	s25 =	simm.s32 $0x8000  }
0x2e: {  	[tilespmem:s25], [sflag:$0x4] =	stream.indirect.gather [spmem:s2], $0x20, s24, s22, $0xb8;
	[tilespmem:$0x17000] =	vst v63  }
0x2f: {  	s6 =	simm.s32 $0x200;
	s7 =	simm.s32 $0x9000  }
0x30: {  	[tilespmem:s7], [sflag:$0x5] =	stream.indirect.gather [spmem:s2], $0x20, s6, s22, $0xb8;
	[tilespmem:$0x17000] =	vst v63  }
0x31: {  	s8 =	simm.s32 $0x280;
	s10 =	simm.s32 $0xA000  }
0x32: {  	[tilespmem:s10], [sflag:$0x6] =	stream.indirect.gather [spmem:s2], $0x20, s8, s22, $0xb8;
	[tilespmem:$0x17000] =	vst v63  }
0x33: {  	p0 =	sle.u32 s5, $0x0;
	s14 =	simm.s32 $0x300;
	s23 =	simm.s32 $0xB000  }
0x34: {  	[tilespmem:s23], [sflag:$0x7] =	stream.indirect.gather [spmem:s2], $0x20, s14, s22, $0xb8;
	[tilespmem:$0x17000] =	vst v63  }
0x35: {  	s1 =	simm.s32 @!p0 $0x1;
	s24 =	simm.s32 $0x380;
	s25 =	simm.s32 $0xC000  }
0x36: {  	[tilespmem:s25], [sflag:$0x8] =	stream.indirect.gather [spmem:s2], $0x20, s24, s22, $0xb8;
	[tilespmem:$0x17000] =	vst v63  }
0x37: {  	s29 =	simm.s32 @!p0 $0x9;
	_ =	swait.ge @!p0 [sflag:s1], $0x1000  }
0x38: {  	s30 =	simm.s32 @!p0 $0x2800;
	s31 =	simm.s32 @!p0 $0x5000;
	[sflag:s1] =	ssyncset.done @!p0 $0x0  }
0x39: {  	p1 =	sle.u32 @!p0 s5, $0x8;
	[sflag:s1] =	ssyncadd.s32 @!p0 $0xFFFFF000;
	s1 =	simm.s32 @!p0 $0x80  }
0x3a: {  	[spmem:s3] =	stream.indirect.scatter.add.f32 @!p0 [tilespmem:s31], [sflag:$0x9], $0x20, s30, s1, $0xb8;
	[tilespmem:$0x17000] =	vst v63  }
0x3b: {  	p2 =	por p1, p0;
	p1 =	sle.u32 s5, $0x1;
	_ =	swait.ge @!p0 [sflag:s29], $0x1000  }
0x3c: {  	s1 =	simm.s32 @!p2 $0x400;
	s30 =	simm.s32 @!p1 $0x2;
	[sflag:s29] =	ssyncset.done @!p0 $0x0  }
0x3d: {  	s31 =	simm.s32 @!p2 $0x5000;
	[sflag:s29] =	ssyncadd.s32 @!p0 $0xFFFFF000;
	s29 =	simm.s32 @!p2 $0x80  }
0x3e: {  	[tilespmem:s31], [sflag:$0x1] =	stream.indirect.gather @!p2 [spmem:s2], $0x20, s1, s29, $0xb8;
	[tilespmem:$0x17000] =	vst v63  }
0x3f: {  	s1 =	simm.s32 @!p1 $0x2880;
	_ =	swait.ge @!p1 [sflag:s30], $0x1000  }
0x40: {  	p2 =	sle.u32 @!p1 s5, $0x9;
	s29 =	simm.s32 @!p1 $0x9;
	[sflag:s30] =	ssyncset.done @!p1 $0x0  }
0x41: {  	s31 =	simm.s32 @!p1 $0x80;
	[sflag:s30] =	ssyncadd.s32 @!p1 $0xFFFFF000;
	s30 =	simm.s32 @!p1 $0x6000  }
0x42: {  	[spmem:s3] =	stream.indirect.scatter.add.f32 @!p1 [tilespmem:s30], [sflag:$0x9], $0x20, s1, s31, $0xb8;
	[tilespmem:$0x17000] =	vst v63  }
0x43: {  	p0 =	sle.u32 s5, $0x2;
	p2 =	por p2, p1;
	_ =	swait.ge @!p1 [sflag:s29], $0x1000  }
0x44: {  	s1 =	simm.s32 @!p2 $0x6000;
	s30 =	simm.s32 @!p2 $0x480;
	[sflag:s29] =	ssyncset.done @!p1 $0x0  }
0x45: {  	s31 =	simm.s32 @!p0 $0x3;
	[sflag:s29] =	ssyncadd.s32 @!p1 $0xFFFFF000;
	s29 =	simm.s32 @!p2 $0x80  }
0x46: {  	[tilespmem:s1], [sflag:$0x2] =	stream.indirect.gather @!p2 [spmem:s2], $0x20, s30, s29, $0xb8;
	[tilespmem:$0x17000] =	vst v63  }
0x47: {  	p1 =	sle.u32 @!p0 s5, $0xA;
	_ =	swait.ge @!p0 [sflag:s31], $0x1000  }
0x48: {  	s1 =	simm.s32 @!p0 $0x2900;
	s29 =	simm.s32 @!p0 $0x7000;
	[sflag:s31] =	ssyncset.done @!p0 $0x0  }
0x49: {  	s30 =	simm.s32 @!p0 $0x80;
	[sflag:s31] =	ssyncadd.s32 @!p0 $0xFFFFF000;
	s31 =	simm.s32 @!p0 $0x9  }
0x4a: {  	[spmem:s3] =	stream.indirect.scatter.add.f32 @!p0 [tilespmem:s29], [sflag:$0x9], $0x20, s1, s30, $0xb8;
	[tilespmem:$0x17000] =	vst v63  }
0x4b: {  	p2 =	por p1, p0;
	p1 =	sle.u32 s5, $0x3;
	_ =	swait.ge @!p0 [sflag:s31], $0x1000  }
0x4c: {  	s1 =	simm.s32 @!p2 $0x7000;
	s29 =	simm.s32 @!p2 $0x500;
	[sflag:s31] =	ssyncset.done @!p0 $0x0  }
0x4d: {  	s30 =	simm.s32 @!p2 $0x80;
	[sflag:s31] =	ssyncadd.s32 @!p0 $0xFFFFF000;
	s31 =	simm.s32 @!p1 $0x4  }
0x4e: {  	[tilespmem:s1], [sflag:$0x3] =	stream.indirect.gather @!p2 [spmem:s2], $0x20, s29, s30, $0xb8;
	[tilespmem:$0x17000] =	vst v63  }
0x4f: {  	p0 =	sle.u32 @!p1 s5, $0xB;
	_ =	swait.ge @!p1 [sflag:s31], $0x1000  }
0x50: {  	s1 =	simm.s32 @!p1 $0x2980;
	s29 =	simm.s32 @!p1 $0x80;
	[sflag:s31] =	ssyncset.done @!p1 $0x0  }
0x51: {  	s30 =	simm.s32 @!p1 $0x8000;
	[sflag:s31] =	ssyncadd.s32 @!p1 $0xFFFFF000;
	s31 =	simm.s32 @!p1 $0x9  }
0x52: {  	[spmem:s3] =	stream.indirect.scatter.add.f32 @!p1 [tilespmem:s30], [sflag:$0x9], $0x20, s1, s29, $0xb8;
	[tilespmem:$0x17000] =	vst v63  }
0x53: {  	p0 =	por p0, p1;
	p2 =	sle.u32 s5, $0x4;
	_ =	swait.ge @!p1 [sflag:s31], $0x1000  }
0x54: {  	s1 =	simm.s32 @!p0 $0x580;
	s29 =	simm.s32 @!p0 $0x8000;
	[sflag:s31] =	ssyncset.done @!p1 $0x0  }
0x55: {  	s30 =	simm.s32 @!p0 $0x80;
	[sflag:s31] =	ssyncadd.s32 @!p1 $0xFFFFF000;
	s31 =	simm.s32 @!p2 $0x5  }
0x56: {  	[tilespmem:s29], [sflag:$0x4] =	stream.indirect.gather @!p0 [spmem:s2], $0x20, s1, s30, $0xb8;
	[tilespmem:$0x17000] =	vst v63  }
0x57: {  	p1 =	sle.u32 @!p2 s5, $0xC;
	_ =	swait.ge @!p2 [sflag:s31], $0x1000  }
0x58: {  	s1 =	simm.s32 @!p2 $0x2A00;
	s29 =	simm.s32 @!p2 $0x9;
	[sflag:s31] =	ssyncset.done @!p2 $0x0  }
0x59: {  	s30 =	simm.s32 @!p2 $0x80;
	[sflag:s31] =	ssyncadd.s32 @!p2 $0xFFFFF000;
	s31 =	simm.s32 @!p2 $0x9000  }
0x5a: {  	[spmem:s3] =	stream.indirect.scatter.add.f32 @!p2 [tilespmem:s31], [sflag:$0x9], $0x20, s1, s30, $0xb8;
	[tilespmem:$0x17000] =	vst v63  }
0x5b: {  	p0 =	sle.u32 s5, $0x5;
	p1 =	por p1, p2;
	_ =	swait.ge @!p2 [sflag:s29], $0x1000  }
0x5c: {  	s1 =	simm.s32 @!p1 $0x9000;
	s30 =	simm.s32 @!p1 $0x600;
	[sflag:s29] =	ssyncset.done @!p2 $0x0  }
0x5d: {  	s31 =	simm.s32 @!p0 $0x6;
	[sflag:s29] =	ssyncadd.s32 @!p2 $0xFFFFF000;
	s29 =	simm.s32 @!p1 $0x80  }
0x5e: {  	[tilespmem:s1], [sflag:$0x5] =	stream.indirect.gather @!p1 [spmem:s2], $0x20, s30, s29, $0xb8;
	[tilespmem:$0x17000] =	vst v63  }
0x5f: {  	s1 =	simm.s32 @!p0 $0xA000;
	_ =	swait.ge @!p0 [sflag:s31], $0x1000  }
0x60: {  	p1 =	sle.u32 @!p0 s5, $0xD;
	s29 =	simm.s32 @!p0 $0x2A80;
	[sflag:s31] =	ssyncset.done @!p0 $0x0  }
0x61: {  	s30 =	simm.s32 @!p0 $0x80;
	[sflag:s31] =	ssyncadd.s32 @!p0 $0xFFFFF000;
	s31 =	simm.s32 @!p0 $0x9  }
0x62: {  	[spmem:s3] =	stream.indirect.scatter.add.f32 @!p0 [tilespmem:s1], [sflag:$0x9], $0x20, s29, s30, $0xb8;
	[tilespmem:$0x17000] =	vst v63  }
0x63: {  	p2 =	por p1, p0;
	p1 =	sle.u32 s5, $0x6;
	_ =	swait.ge @!p0 [sflag:s31], $0x1000  }
0x64: {  	s1 =	simm.s32 @!p2 $0xA000;
	s29 =	simm.s32 @!p2 $0x680;
	[sflag:s31] =	ssyncset.done @!p0 $0x0  }
0x65: {  	s30 =	simm.s32 @!p2 $0x80;
	[sflag:s31] =	ssyncadd.s32 @!p0 $0xFFFFF000;
	s31 =	simm.s32 @!p1 $0x7  }
0x66: {  	[tilespmem:s1], [sflag:$0x6] =	stream.indirect.gather @!p2 [spmem:s2], $0x20, s29, s30, $0xb8;
	[tilespmem:$0x17000] =	vst v63  }
0x67: {  	p0 =	sle.u32 @!p1 s5, $0xE;
	s1 =	simm.s32 @!p1 $0x2B00;
	_ =	swait.ge @!p1 [sflag:s31], $0x1000  }
0x68: {  	s29 =	simm.s32 @!p1 $0x80;
	s30 =	simm.s32 @!p1 $0xB000;
	[sflag:s31] =	ssyncset.done @!p1 $0x0  }
0x69: {  	p0 =	por p0, p1;
	[sflag:s31] =	ssyncadd.s32 @!p1 $0xFFFFF000;
	s31 =	simm.s32 @!p1 $0x9  }
0x6a: {  	[spmem:s3] =	stream.indirect.scatter.add.f32 @!p1 [tilespmem:s30], [sflag:$0x9], $0x20, s1, s29, $0xb8;
	[tilespmem:$0x17000] =	vst v63  }
0x6b: {  	s1 =	simm.s32 @!p0 $0x700;
	_ =	swait.ge @!p1 [sflag:s31], $0x1000  }
0x6c: {  	s29 =	simm.s32 @!p0 $0x80;
	s30 =	simm.s32 @!p0 $0xB000;
	[sflag:s31] =	ssyncset.done @!p1 $0x0  }
0x6d: {  	[sflag:s31] =	ssyncadd.s32 @!p1 $0xFFFFF000;
	p1 =	sle.u32 s5, $0x7;
	s31 =	simm.s32 $0x0  }
0x6e: {  	[tilespmem:s30], [sflag:$0x7] =	stream.indirect.gather @!p0 [spmem:s2], $0x20, s1, s29, $0xb8;
	[tilespmem:$0x17000] =	vst v63  }
0x6f: {  	s30 =	simm.s32 $0x8;
	s1 =	simm.s32 $0x1000;
	s29 =	simm.s32 $0x0  }
.LBB2_2:
0x70: {  	s0 =	simm.s32 @!p1 $0x8  }
0x71: {  	s14 =	sshra.s32 @!p1 s29, $0x2;
	s23 =	sadd.s32 @!p1 $0xF, s31;
	s31 =	smov.u32 s30  }
0x72: {  	s24 =	simm.s32 @!p1 $0x80;
	_ =	swait.ge @!p1 [sflag:s0], $0x1000;
	s14 =	sadd.s32 @!p1 $0x2B80, s14  }
0x73: {  	s30 =	sadd.s32 $0x8, s30;
	p0 =	sge.u32 @!p1 s23, s5;
	[sflag:s0] =	ssyncset.done @!p1 $0x0  }
0x74: {  	p3 =	por p0, p1;
	[sflag:s0] =	ssyncadd.s32 @!p1 $0xFFFFF000;
	s0 =	simm.s32 @!p1 $0xC000  }
0x75: {  	s23 =	simm.s32 @!p1 $0x9;
	s29 =	sshra.s32 @!p3 s29, $0x2;
	s25 =	simm.s32 @!p3 $0xC000  }
0x76: {  	[spmem:s3] =	stream.indirect.scatter.add.f32 @!p1 [tilespmem:s0], [sflag:$0x9], $0x20, s14, s24, $0xb8;
	[tilespmem:$0x17000] =	vst v63  }
0x77: {  	p0 =	sne.s32 s30, $0x50;
	s0 =	sadd.s32 @!p3 $0x780, s29;
	_ =	swait.ge @!p1 [sflag:s23], $0x1000  }
0x78: {  	s14 =	simm.s32 @!p3 $0x80;
	s29 =	smov.u32 s1;
	[sflag:s23] =	ssyncset.done @!p1 $0x0  }
0x79: {  	p2 =	sge.u32 s31, s5;
	s24 =	sadd.s32 $0x2, s31;
	[sflag:s23] =	ssyncadd.s32 @!p1 $0xFFFFF000  }
0x7a: {  	[tilespmem:s25], [sflag:$0x8] =	stream.indirect.gather @!p3 [spmem:s2], $0x20, s0, s14, $0xb8;
	[tilespmem:$0x17000] =	vst v63  }
0x7b: {  	s23 =	simm.s32 @!p2 $0x9;
	s0 =	simm.s32 @!p2 $0x1;
	s14 =	sshra.s32 @!p2 s1, $0x2  }
0x7c: {  	s25 =	sadd.s32 @!p2 $0x8, s31;
	s14 =	sadd.s32 @!p2 $0x2800, s14;
	_ =	swait.ge @!p2 [sflag:s0], $0x1000  }
0x7d: {  	p1 =	sge.u32 s24, s5;
	p3 =	sge.u32 @!p2 s25, s5;
	[sflag:s0] =	ssyncset.done @!p2 $0x0  }
0x7e: {  	s24 =	simm.s32 @!p2 $0x5000;
	[sflag:s0] =	ssyncadd.s32 @!p2 $0xFFFFF000;
	s0 =	simm.s32 @!p2 $0x80  }
0x7f: {  	[spmem:s3] =	stream.indirect.scatter.add.f32 @!p2 [tilespmem:s24], [sflag:$0x9], $0x20, s14, s0, $0xb8;
	[tilespmem:$0x17000] =	vst v63  }
0x80: {  	p3 =	por p3, p2;
	s0 =	sshra.s32 @!p1 s1, $0x2;
	_ =	swait.ge @!p2 [sflag:s23], $0x1000  }
0x81: {  	s14 =	sshra.s32 @!p3 s1, $0x2;
	s24 =	sadd.s32 $0x1, s31;
	[sflag:s23] =	ssyncset.done @!p2 $0x0  }
0x82: {  	s14 =	sadd.s32 @!p3 $0x400, s14;
	[sflag:s23] =	ssyncadd.s32 @!p2 $0xFFFFF000;
	p2 =	sge.u32 s24, s5  }
0x83: {  	s23 =	simm.s32 @!p3 $0x80;
	s24 =	simm.s32 @!p2 $0x2;
	s25 =	sshra.s32 @!p2 s1, $0x2  }
0x84: {  	s6 =	simm.s32 @!p3 $0x5000;
	s7 =	sadd.s32 @!p2 $0x9, s31;
	s25 =	sadd.s32 @!p2 $0x2880, s25  }
0x85: {  	s0 =	sadd.s32 @!p1 $0x2900, s0;
	p4 =	sge.u32 @!p2 s7, s5;
	s7 =	sadd.s32 @!p1 $0xA, s31  }
0x86: {  	[tilespmem:s6], [sflag:$0x1] =	stream.indirect.gather @!p3 [spmem:s2], $0x20, s14, s23, $0xb8;
	[tilespmem:$0x17000] =	vst v63  }
0x87: {  	p4 =	por p4, p2;
	s6 =	simm.s32 @!p2 $0x9;
	_ =	swait.ge @!p2 [sflag:s24], $0x1000  }
0x88: {  	s14 =	simm.s32 @!p2 $0x80;
	s23 =	simm.s32 @!p2 $0x6000;
	[sflag:s24] =	ssyncset.done @!p2 $0x0  }
0x89: {  	s8 =	simm.s32 @!p4 $0x6000;
	[sflag:s24] =	ssyncadd.s32 @!p2 $0xFFFFF000;
	s24 =	sshra.s32 @!p4 s1, $0x2  }
0x8a: {  	[spmem:s3] =	stream.indirect.scatter.add.f32 @!p2 [tilespmem:s23], [sflag:$0x9], $0x20, s25, s14, $0xb8;
	[tilespmem:$0x17000] =	vst v63  }
0x8b: {  	s14 =	sadd.s32 @!p4 $0x480, s24;
	s23 =	simm.s32 @!p1 $0x3;
	_ =	swait.ge @!p2 [sflag:s6], $0x1000  }
0x8c: {  	p3 =	sge.u32 @!p1 s7, s5;
	s24 =	simm.s32 @!p1 $0x7000;
	[sflag:s6] =	ssyncset.done @!p2 $0x0  }
0x8d: {  	p3 =	por p3, p1;
	[sflag:s6] =	ssyncadd.s32 @!p2 $0xFFFFF000;
	s6 =	simm.s32 @!p4 $0x80  }
0x8e: {  	[tilespmem:s8], [sflag:$0x2] =	stream.indirect.gather @!p4 [spmem:s2], $0x20, s14, s6, $0xb8;
	[tilespmem:$0x17000] =	vst v63  }
0x8f: {  	s7 =	simm.s32 @!p3 $0x7000;
	s6 =	simm.s32 @!p1 $0x80;
	_ =	swait.ge @!p1 [sflag:s23], $0x1000  }
0x90: {  	s8 =	simm.s32 @!p1 $0x9;
	s14 =	sshra.s32 @!p3 s1, $0x2;
	[sflag:s23] =	ssyncset.done @!p1 $0x0  }
0x91: {  	s14 =	sadd.s32 @!p3 $0x500, s14;
	[sflag:s23] =	ssyncadd.s32 @!p1 $0xFFFFF000;
	s23 =	sadd.s32 $0x3, s31  }
0x92: {  	[spmem:s3] =	stream.indirect.scatter.add.f32 @!p1 [tilespmem:s24], [sflag:$0x9], $0x20, s0, s6, $0xb8;
	[tilespmem:$0x17000] =	vst v63  }
0x93: {  	s0 =	simm.s32 @!p3 $0x80;
	p2 =	sge.u32 s23, s5;
	_ =	swait.ge @!p1 [sflag:s8], $0x1000  }
0x94: {  	s6 =	simm.s32 @!p2 $0x4;
	s23 =	sshra.s32 @!p2 s1, $0x2;
	[sflag:s8] =	ssyncset.done @!p1 $0x0  }
0x95: {  	[sflag:s8] =	ssyncadd.s32 @!p1 $0xFFFFF000;
	s8 =	sadd.s32 @!p2 $0x2980, s23;
	s23 =	sadd.s32 @!p2 $0xB, s31  }
0x96: {  	[tilespmem:s7], [sflag:$0x3] =	stream.indirect.gather @!p3 [spmem:s2], $0x20, s14, s0, $0xb8;
	[tilespmem:$0x17000] =	vst v63  }
0x97: {  	s0 =	simm.s32 @!p2 $0x80;
	s7 =	simm.s32 @!p2 $0x8000;
	_ =	swait.ge @!p2 [sflag:s6], $0x1000  }
0x98: {  	s14 =	simm.s32 @!p2 $0x9;
	p1 =	sge.u32 @!p2 s23, s5;
	[sflag:s6] =	ssyncset.done @!p2 $0x0  }
0x99: {  	p4 =	por p1, p2;
	[sflag:s6] =	ssyncadd.s32 @!p2 $0xFFFFF000;
	s6 =	sadd.s32 $0x5, s31  }
0x9a: {  	s24 =	sadd.s32 $0x4, s31;
	s23 =	sshra.s32 @!p4 s1, $0x2;
	p1 =	sge.u32 s6, s5  }
0x9b: {  	s6 =	sadd.s32 @!p4 $0x580, s23;
	s23 =	simm.s32 @!p4 $0x8000;
	s25 =	simm.s32 @!p1 $0xA000  }
0x9c: {  	[spmem:s3] =	stream.indirect.scatter.add.f32 @!p2 [tilespmem:s7], [sflag:$0x9], $0x20, s8, s0, $0xb8;
	[tilespmem:$0x17000] =	vst v63  }
0x9d: {  	p3 =	sge.u32 s24, s5;
	s0 =	simm.s32 @!p4 $0x80;
	_ =	swait.ge @!p2 [sflag:s14], $0x1000  }
0x9e: {  	s7 =	simm.s32 @!p3 $0x5;
	s8 =	sshra.s32 @!p3 s1, $0x2;
	[sflag:s14] =	ssyncset.done @!p2 $0x0  }
0x9f: {  	s8 =	sadd.s32 @!p3 $0x2A00, s8;
	[sflag:s14] =	ssyncadd.s32 @!p2 $0xFFFFF000;
	s14 =	sadd.s32 @!p3 $0xC, s31  }
0xa0: {  	s24 =	sadd.s32 @!p1 $0xD, s31;
	p2 =	sge.u32 @!p3 s14, s5;
	s14 =	sshra.s32 @!p1 s1, $0x2  }
0xa1: {  	[tilespmem:s23], [sflag:$0x4] =	stream.indirect.gather @!p4 [spmem:s2], $0x20, s6, s0, $0xb8;
	[tilespmem:$0x17000] =	vst v63  }
0xa2: {  	s0 =	simm.s32 @!p3 $0x9;
	p2 =	por p2, p3;
	_ =	swait.ge @!p3 [sflag:s7], $0x1000  }
0xa3: {  	s6 =	simm.s32 @!p3 $0x80;
	s23 =	simm.s32 @!p3 $0x9000;
	[sflag:s7] =	ssyncset.done @!p3 $0x0  }
0xa4: {  	s10 =	simm.s32 @!p2 $0x9000;
	[sflag:s7] =	ssyncadd.s32 @!p3 $0xFFFFF000;
	s7 =	sshra.s32 @!p2 s1, $0x2  }
0xa5: {  	[spmem:s3] =	stream.indirect.scatter.add.f32 @!p3 [tilespmem:s23], [sflag:$0x9], $0x20, s8, s6, $0xb8;
	[tilespmem:$0x17000] =	vst v63  }
0xa6: {  	s6 =	sadd.s32 @!p2 $0x600, s7;
	s7 =	sadd.s32 @!p1 $0x2A80, s14;
	_ =	swait.ge @!p3 [sflag:s0], $0x1000  }
0xa7: {  	p4 =	sge.u32 @!p1 s24, s5;
	s8 =	simm.s32 @!p1 $0x6;
	[sflag:s0] =	ssyncset.done @!p3 $0x0  }
0xa8: {  	[sflag:s0] =	ssyncadd.s32 @!p3 $0xFFFFF000;
	s0 =	simm.s32 @!p2 $0x80;
	p3 =	por p4, p1  }
0xa9: {  	[tilespmem:s10], [sflag:$0x5] =	stream.indirect.gather @!p2 [spmem:s2], $0x20, s6, s0, $0xb8;
	[tilespmem:$0x17000] =	vst v63  }
0xaa: {  	s0 =	simm.s32 @!p1 $0x80;
	s6 =	simm.s32 @!p3 $0xA000;
	_ =	swait.ge @!p1 [sflag:s8], $0x1000  }
0xab: {  	s10 =	simm.s32 @!p1 $0x9;
	s14 =	sshra.s32 @!p3 s1, $0x2;
	[sflag:s8] =	ssyncset.done @!p1 $0x0  }
0xac: {  	[sflag:s8] =	ssyncadd.s32 @!p1 $0xFFFFF000;
	s8 =	sadd.s32 @!p3 $0x680, s14;
	s14 =	sadd.s32 $0x6, s31  }
0xad: {  	[spmem:s3] =	stream.indirect.scatter.add.f32 @!p1 [tilespmem:s25], [sflag:$0x9], $0x20, s7, s0, $0xb8;
	[tilespmem:$0x17000] =	vst v63  }
0xae: {  	s0 =	simm.s32 @!p3 $0x80;
	p2 =	sge.u32 s14, s5;
	_ =	swait.ge @!p1 [sflag:s10], $0x1000  }
0xaf: {  	s7 =	simm.s32 @!p2 $0x7;
	s14 =	sshra.s32 @!p2 s1, $0x2;
	[sflag:s10] =	ssyncset.done @!p1 $0x0  }
0xb0: {  	[sflag:s10] =	ssyncadd.s32 @!p1 $0xFFFFF000;
	s10 =	sadd.s32 @!p2 $0x2B00, s14;
	s14 =	sadd.s32 @!p2 $0xE, s31  }
0xb1: {  	[tilespmem:s6], [sflag:$0x6] =	stream.indirect.gather @!p3 [spmem:s2], $0x20, s8, s0, $0xb8;
	[tilespmem:$0x17000] =	vst v63  }
0xb2: {  	s0 =	simm.s32 @!p2 $0x80;
	s6 =	simm.s32 @!p2 $0xB000;
	_ =	swait.ge @!p2 [sflag:s7], $0x1000  }
0xb3: {  	s8 =	simm.s32 @!p2 $0x9;
	p1 =	sge.u32 @!p2 s14, s5;
	[sflag:s7] =	ssyncset.done @!p2 $0x0  }
0xb4: {  	p1 =	por p1, p2;
	[sflag:s7] =	ssyncadd.s32 @!p2 $0xFFFFF000  }
0xb5: {  	[spmem:s3] =	stream.indirect.scatter.add.f32 @!p2 [tilespmem:s6], [sflag:$0x9], $0x20, s10, s0, $0xb8;
	[tilespmem:$0x17000] =	vst v63  }
.Ltmp0:
0xb6: {  	s0 =	sshra.s32 @!p1 s1, $0x2;
	_ =	swait.ge @!p2 [sflag:s8], $0x1000;
	(pc) =	sbr.rel @p0 .LBB2_2-.Ltmp0, $4  }
0xb7: {  	s6 =	sadd.s32 $0x7, s31;
	s0 =	sadd.s32 @!p1 $0x700, s0;
	[sflag:s8] =	ssyncset.done @!p2 $0x0  }
0xb8: {  	s7 =	simm.s32 @!p1 $0x80;
	[sflag:s8] =	ssyncadd.s32 @!p2 $0xFFFFF000;
	s8 =	simm.s32 @!p1 $0xB000  }
0xb9: {  	[tilespmem:s8], [sflag:$0x7] =	stream.indirect.gather @!p1 [spmem:s2], $0x20, s0, s7, $0xb8;
	[tilespmem:$0x17000] =	vst v63  }
0xba: {  	s1 =	sadd.s32 $0x1000, s1;
	p1 =	sge.u32 s6, s5  }
0xbb: {  	s0 =	simm.s32 @!p1 $0x8;
	s1 =	sshra.s32 @!p1 s29, $0x2  }
0xbc: {  	s6 =	sadd.s32 @!p1 $0xF, s31;
	s7 =	simm.s32 @!p1 $0x80;
	_ =	swait.ge @!p1 [sflag:s0], $0x1000  }
0xbd: {  	s1 =	sadd.s32 @!p1 $0x2B80, s1;
	p0 =	sge.u32 @!p1 s6, s5;
	[sflag:s0] =	ssyncset.done @!p1 $0x0  }
0xbe: {  	s6 =	simm.s32 @!p1 $0x9;
	[sflag:s0] =	ssyncadd.s32 @!p1 $0xFFFFF000;
	s0 =	simm.s32 @!p1 $0xC000  }
0xbf: {  	[spmem:s3] =	stream.indirect.scatter.add.f32 @!p1 [tilespmem:s0], [sflag:$0x9], $0x20, s1, s7, $0xb8;
	[tilespmem:$0x17000] =	vst v63  }
0xc0: {  	s28 =	sadd.s32 $0x1, s28;
	p0 =	por p0, p1;
	_ =	swait.ge @!p1 [sflag:s6], $0x1000  }
0xc1: {  	s0 =	sshra.s32 @!p0 s29, $0x2;
	s1 =	simm.s32 @!p0 $0xC000;
	[sflag:s6] =	ssyncset.done @!p1 $0x0  }
0xc2: {  	s7 =	simm.s32 @!p0 $0x80;
	s0 =	sadd.s32 @!p0 $0x780, s0;
	[sflag:s6] =	ssyncadd.s32 @!p1 $0xFFFFF000  }
0xc3: {  	[tilespmem:s1], [sflag:$0x8] =	stream.indirect.gather @!p0 [spmem:s2], $0x20, s0, s7, $0xb8;
	[tilespmem:$0x17000] =	vst v63  }
0xc4: {  	p0 =	sne.s32 s28, s13  }
.Ltmp1:
0xc5: {  	s31 =	sor.u32 $0x1C09, s9;
	[bflag:$0x0] =	sbarrier.arrive $0xFFFF;
	(pc) =	sbr.rel @p0 .LBB2_1-.Ltmp1, $4  }
0xc6: {  	[hbm:s12], [sflag:s31] =	dma.local [spmem:s17], $0xA00  }
0xc7: {  	_ =	swait.ge [sflag:s26], $0xA00  }
0xc8: {  	[sflag:s26] =	ssyncset.done $0x0  }
0xc9: {  	[sflag:s26] =	ssyncadd.s32 $0xFFFFF600  }
0xca: {  	_ =	sfence.sel $0x180000  }
0xcb: {  	[bflag:$0x0] =	sbarrier.arrive $0xFFFF  }
0xcc: {  	_ =	strace $0x9000004D  }
0xcd: {  	s0 =	stileid.u32;
	[bflag:$0x2] =	sbarrier.arrive $0xFFFF  }
0xce: {  	p0 =	sne.s32 s0, $0x0;
	s0 =	rddreg [dreg:$0x3]  }
0xcf: {  	s0 =	sadd.s32 @!p0 $0x100000, s0  }
0xd0: {  	[sflag:s0] =	ssyncadd.tile.s32 @!p0 $0x1;
	_ =	shalt  }
.Lfunc_end2:
_tile_overlayer_lowered:
.L_overlay_start_2:
0xd1: {  	(tag) =	ssettag $0x2  }
0xd2: {  	s0 =	rddreg [dreg:$0x0];
	s2 =	stileid.u32  }
0xd3: {  	s1 =	rddreg [dreg:$0x1];
	p0 =	sne.s32 s2, $0x0  }
0xd4: {  	s3 =	rddreg [dreg:$0x2];
	[bflag:$0x3] =	sbarrier.arrive $0xFFFF;
	s2 =	simm.s32 @!p0 $0x1C09  }
0xd5: {  	[timem:s3], [sflag:s2] =	dma.local @!p0 [hbm:s0], s1  }
0xd6: {  	s0 =	simm.s32 @!p0 $0x9  }
0xd7: {  	_ =	swait.ge @!p0 [sflag:s0], s1  }
0xd8: {  	s1 =	ssub.s32 @!p0 $0x0, s1;
	[sflag:s0] =	ssyncset.done @!p0 $0x0  }
0xd9: {  	[sflag:s0] =	ssyncadd.s32 @!p0 s1  }
0xda: {  	[bflag:$0x3] =	sbarrier.arrive $0xFFFF  }
0xdb: {  	_ =	shalt  }

// kernel: kernel.9.cloned.1.call-start
scs
__scs_entry_jumppad:
0x0: {  	(pc) =	sbr.rel $0x88, $3  }
0x1: {  	(tag) =	ssettag $0x0;
	lr =	simm.s32 $0x1  }
0x2: {  	[smem:$0x3F91] =	sst lr;
	_ =	strace $0xD0000000  }
0x3: {  	_ = 	snop  }
0x4: {  	_ = 	snop  }
0x5: {  	_ = 	snop  }
0x6: {  	_ = 	snop  }
0x7: {  	_ = 	snop  }
__scs_overlays_trampoline_lowered:
0x8: {  	[smem:$0x3FA0] =	sst s0  }
0x9: {  	[smem:$0x3FA1] =	sst s1  }
0xa: {  	[smem:$0x3FA2] =	sst s2  }
0xb: {  	[smem:$0x3FA3] =	sst s3  }
0xc: {  	[smem:$0x3FA4] =	sst s4  }
0xd: {  	[smem:$0x3FA5] =	sst s5  }
0xe: {  	[smem:$0x3FA6] =	sst s6  }
0xf: {  	[smem:$0x3FA7] =	sst s7  }
0x10: {  	[smem:$0x3FA8] =	sst s8  }
0x11: {  	[smem:$0x3FA9] =	sst s9;
	s0 =	simm.s32 @!p0 $0x0  }
0x12: {  	s1 =	sld [smem:$0x3F8F];
	s0 =	simm.s32 @p0 $0x1  }
0x13: {  	[smem:$0x3FAA] =	sst s0;
	s0 =	simm.s32 @!p1 $0x0  }
0x14: {  	s2 =	sld [smem:$0x3F8E];
	s0 =	simm.s32 @p1 $0x1  }
0x15: {  	[smem:$0x3FAB] =	sst s0;
	s0 =	simm.s32 @!p2 $0x0  }
0x16: {  	s3 =	sld [smem:$0x3FDB];
	s0 =	simm.s32 @p2 $0x1  }
0x17: {  	s4 =	simm.s32 $0x1BF5;
	[smem:$0x3FAD] =	sst s0  }
0x18: {  	s0 =	sld [smem:$0x3F90];
	_ =	swait.ge [sflag:s4], $0x0  }
0x19: {  	s7 =	sld [smem:$0x3F91]  }
0x1a: {  	s8 =	sadd.s32 $0xFFFFE003, lr  }
0x1b: {  	s9 =	sadd.s32 $0xFFFFFEF7, lr;
	s5 =	simm.s32 $0xFFFFFFFF;
	p2 =	slt.u32 s8, $0xFFFFF086  }
0x1c: {  	p1 =	slt.u32 s9, $0xF7A;
	s5 =	simm.s32 @!p2 $0x0  }
0x1d: {  	s5 =	simm.s32 @p1 $0x1;
	p0 =	seq.s32 s7, s2  }
0x1e: {  	s7 =	smul.u32 @!p0 $0xF7A, s2;
	p2 =	seq.s32 @!p0 s5, $0x0  }
0x1f: {  	s9 =	smul.u32 $0xF7A, s1;
	s8 =	simm.s32 @!p0 $0x1BF5;
	p2 =	por !p2, p0  }
0x20: {  	[sflag:s8] =	ssyncset.s32 @!p0 $0xFFFFF086;
	s6 =	sadd.s32 @!p0 s3, s7;
	s7 =	simm.s32 @!p0 $0x108  }
0x21: {  	s3 =	sadd.s32 s3, s9;
	s6 =	sadd.s32 @!p0 $0x88, s6;
	s7 =	simm.s32 @p2 $0x1082  }
0x22: {  	[simem:s7], [sflag:s8] =	dma.local @!p0 [hbm:s6], $0xF7A  }
0x23: {  	s9 =	sor.u32 $0xD0000000, s2;
	s6 =	simm.s32 $0x108;
	_ =	swait.ge @!p0 [sflag:s8], $0x0  }
0x24: {  	s3 =	sadd.s32 $0x88, s3;
	s6 =	simm.s32 @!p1 $0x1082;
	[sflag:s4] =	ssyncset.s32 $0xFFFFF086  }
0x25: {  	[simem:s6], [sflag:s4] =	dma.local [hbm:s3], $0xF7A  }
0x26: {  	[smem:$0x3F91] =	sst s1;
	(tag) =	ssettag s2;
	_ =	strace s9  }
0x27: {  	s1 =	sld [smem:$0x3FA1]  }
0x28: {  	s2 =	sld [smem:$0x3FA2]  }
0x29: {  	s4 =	sld [smem:$0x3FA4]  }
0x2a: {  	p0 =	seq.s32 s5, $0x0;
	s5 =	sld [smem:$0x3FA5]  }
0x2b: {  	s6 =	sld [smem:$0x3FA6]  }
0x2c: {  	s7 =	sld [smem:$0x3FA7]  }
0x2d: {  	s3 =	simm.s32 $0x108;
	s8 =	sld [smem:$0x3FA8]  }
0x2e: {  	s3 =	simm.s32 @!p0 $0x1082;
	s9 =	sld [smem:$0x3FA9]  }
0x2f: {  	lr =	sadd.s32 s0, s3;
	s0 =	sld [smem:$0x3FA0]  }
0x30: {  	s3 =	sld [smem:$0x3FA3]  }
0x31: {  	[smem:$0x3FAC] =	sst s10  }
0x32: {  	s10 =	sld [smem:$0x3FAA];
	_ =	sdelay $0x3  }
0x33: {  	p0 =	seq.s32 s10, $0x1;
	s10 =	sld [smem:$0x3FAC];
	_ =	sdelay $0x3  }
0x34: {  	[smem:$0x3FAC] =	sst s10  }
0x35: {  	s10 =	sld [smem:$0x3FAB];
	_ =	sdelay $0x3  }
0x36: {  	p1 =	seq.s32 s10, $0x1;
	s10 =	sld [smem:$0x3FAC];
	_ =	sdelay $0x3  }
0x37: {  	[smem:$0x3FAC] =	sst s10  }
0x38: {  	s10 =	sld [smem:$0x3FAD]  }
0x39: {  	_ = 	snop;
	(pc) =	sbr.ind lr, $3  }
0x3a: {  	_ = 	snop  }
0x3b: {  	_ = 	snop  }
0x3c: {  	p2 =	seq.s32 s10, $0x1;
	s10 =	sld [smem:$0x3FAC]  }
0x3d: {  	_ =	shalt  }
0x3e: {  	_ =	shalt  }
0x3f: {  	_ =	shalt  }
0x40: {  	_ =	shalt  }
0x41: {  	_ =	shalt  }
0x42: {  	_ =	shalt  }
0x43: {  	_ =	shalt  }
0x44: {  	_ =	shalt  }
0x45: {  	_ =	shalt  }
0x46: {  	_ =	shalt  }
0x47: {  	_ =	shalt  }
0x48: {  	_ =	shalt  }
0x49: {  	_ =	shalt  }
0x4a: {  	_ =	shalt  }
0x4b: {  	_ =	shalt  }
0x4c: {  	_ =	shalt  }
0x4d: {  	_ =	shalt  }
0x4e: {  	_ =	shalt  }
0x4f: {  	_ =	shalt  }
0x50: {  	_ =	shalt  }
0x51: {  	_ =	shalt  }
0x52: {  	_ =	shalt  }
0x53: {  	_ =	shalt  }
0x54: {  	_ =	shalt  }
0x55: {  	_ =	shalt  }
0x56: {  	_ =	shalt  }
0x57: {  	_ =	shalt  }
0x58: {  	_ =	shalt  }
0x59: {  	_ =	shalt  }
0x5a: {  	_ =	shalt  }
0x5b: {  	_ =	shalt  }
0x5c: {  	_ =	shalt  }
0x5d: {  	_ =	shalt  }
0x5e: {  	_ =	shalt  }
0x5f: {  	_ =	shalt  }
0x60: {  	_ =	shalt  }
0x61: {  	_ =	shalt  }
0x62: {  	_ =	shalt  }
0x63: {  	_ =	shalt  }
0x64: {  	_ =	shalt  }
0x65: {  	_ =	shalt  }
0x66: {  	_ =	shalt  }
0x67: {  	_ =	shalt  }
0x68: {  	_ =	shalt  }
0x69: {  	_ =	shalt  }
0x6a: {  	_ =	shalt  }
0x6b: {  	_ =	shalt  }
0x6c: {  	_ =	shalt  }
0x6d: {  	_ =	shalt  }
0x6e: {  	_ =	shalt  }
0x6f: {  	_ =	shalt  }
0x70: {  	_ =	shalt  }
0x71: {  	_ =	shalt  }
0x72: {  	_ =	shalt  }
0x73: {  	_ =	shalt  }
0x74: {  	_ =	shalt  }
0x75: {  	_ =	shalt  }
0x76: {  	_ =	shalt  }
0x77: {  	_ =	shalt  }
0x78: {  	_ =	shalt  }
0x79: {  	_ =	shalt  }
0x7a: {  	_ =	shalt  }
0x7b: {  	_ =	shalt  }
0x7c: {  	_ =	shalt  }
0x7d: {  	_ =	shalt  }
0x7e: {  	_ =	shalt  }
0x7f: {  	_ =	shalt  }
0x80: {  	_ =	shalt  }
0x81: {  	_ =	shalt  }
0x82: {  	_ =	shalt  }
0x83: {  	_ =	shalt  }
0x84: {  	_ =	shalt  }
0x85: {  	_ =	shalt  }
0x86: {  	_ =	shalt  }
0x87: {  	_ =	shalt  }
.Lfunc_end0:
.L_simem_size_0:
called_computation_lowered:
.L_overlay_start_0:
0x88: {  	s2 =	sld [smem:$0x3FD9]  }
0x89: {  	s3 =	sld [smem:$0x3FFE];
	_ =	sdelay $0x1  }
0x8a: {  	s1 =	srdreg.scid  }
0x8b: {  	s0 =	sand.u32 $0x1, s1  }
0x8c: {  	s16 =	sshll.u32 s0, $0xA;
	s2 =	sadd.s32 s3, s2  }
0x8d: {  	s2 =	sadd.s32 s2, s16  }
0x8e: {  	[smem:$0x3FB8] =	sst s2  }
0x8f: {  	_ = 	snop  }
0x90: {  	(tm) =	ssettm $0x1  }
0x91: {  	s17 =	sld [smem:$0x3FFB];
	_ =	sdelay $0x3  }
0x92: {  	_ =	strace s17  }
0x93: {  	s2 =	sld [smem:$0x3FFC];
	_ =	sdelay $0x3  }
0x94: {  	_ =	strace s2  }
0x95: {  	s2 =	sld [smem:$0x3FFD];
	_ =	sdelay $0x3  }
0x96: {  	_ =	strace s2  }
0x97: {  	_ =	strace $0x8FFFFFFF  }
0x98: {  	s18 =	sld [smem:$0x3FDB];
	_ =	sdelay $0x1  }
0x99: {  	s19 =	simm.s32 $_scs_section_size  }
0x9a: {  	s4 =	simm.s32 $_size__tile_overlayer_lowered;
	s5 =	simm.s32 $_tile_overlayer_lowered  }
0x9b: {  	s22 =	simm.s32 $0x1BFF;
	s21 =	sshll.u32 s5, $0x1;
	s2 =	sadd.s32 s19, s18  }
0x9c: {  	s6 =	simm.s32 $0x0;
	s20 =	sshll.u32 s4, $0x1;
	s4 =	sadd.s32 s21, s2  }
0x9d: {  	[timem:s6], [sflag:s22] =	dma.local [hbm:s4], s20  }
0x9e: {  	_ =	swait.ge [sflag:s22], s20  }
0x9f: {  	s3 =	ssub.s32 $0x0, s20;
	[sflag:s22] =	ssyncset.done $0x0  }
0xa0: {  	[sflag:s22] =	ssyncadd.s32 s3;
	_ =	sdelay $0x1  }
0xa1: {  	s23 =	simm.s32 $0x1B8B  }
0xa2: {  	_ =	swait.ge [sflag:s23], $0x1  }
0xa3: {  	[sflag:s23] =	ssyncset.done $0x0  }
0xa4: {  	s25 =	simm.s32 $0x1B8E;
	s24 =	sld [smem:$0x3FFE];
	[sflag:s23] =	ssyncadd.s32 $0xFFFFFFFF  }
0xa5: {  	s26 =	simm.s32 $execute0_lowered;
	[smem:$0x3FD2] =	sst s25  }
0xa6: {  	s4 =	sshll.u32 s26, $0x1;
	_ =	strace $0x80000046;
	[dreg:$0x1] =	wrdreg $0xFFFFFFFF  }
0xa7: {  	s28 =	simm.s32 $_size_execute0_lowered;
	s2 =	sadd.s32 s2, s4;
	[dreg:$0x0] =	wrdreg $0x0  }
0xa8: {  	s4 =	sshll.u32 s28, $0x1;
	[dreg:$0x2] =	wrdreg s2  }
0xa9: {  	[dreg:$0x3] =	wrdreg s4  }
0xaa: {  	[dreg:$0x4] =	wrdreg $0xC0  }
0xab: {  	_ =	task [dreg:s6], $0x5FFFF  }
0xac: {  	[dreg:$0x1] =	wrdreg $0xFFFFFFFF  }
0xad: {  	[dreg:$0x0] =	wrdreg $0x60  }
0xae: {  	[dreg:$0x2] =	wrdreg s24  }
0xaf: {  	[dreg:$0x3] =	wrdreg $0xD0000  }
0xb0: {  	[dreg:$0x4] =	wrdreg $0x120000  }
0xb1: {  	[dreg:$0x5] =	wrdreg $0x9  }
0xb2: {  	_ =	task.clear_ibuf [dreg:s6], $0x6FFFF;
	_ =	strace $0x90000046  }
0xb3: {  	s29 =	simm.s32 $0x9;
	_ =	strace $0x80000048  }
0xb4: {  	_ =	swait.ge [sflag:s29], $0x1  }
0xb5: {  	[sflag:s29] =	ssyncadd.s32 $0xFFFFFFFF  }
0xb6: {  	_ =	strace $0x90000048  }
0xb7: {  	_ =	sfence  }
0xb8: {  	s30 =	sld [smem:$0x0];
	_ =	sdelay $0x2  }
0xb9: {  	s31 =	sshll.u32 s1, $0xD;
	s1 =	sshrl.u32 s1, $0x2  }
0xba: {  	s3 =	sand.u32 $0x4000, s31;
	s1 =	sadd.s32 s1, s30  }
0xbb: {  	s0 =	sor.u32 s3, s0;
	s1 =	sshll.u32 s1, $0x11  }
0xbc: {  	s0 =	sor.u32 s1, s0  }
0xbd: {  	s0 =	sadd.s32 $0x8F2B, s0  }
0xbe: {  	[sflag:s0] =	ssyncadd.remote.s32 $0x1  }
0xbf: {  	_ =	sfence.sel $0xFFFF  }
0xc0: {  	[dreg:$0x0] =	wrdreg $0xFFFFFFFF;
	(pc) =	sbr.abs _section_cstart, $3  }
0xc1: {  	[dreg:$0x1] =	wrdreg $0xFFFFFFFF  }
0xc2: {  	_ =	task.clear_ibuf [dreg:s6], $0x2FFFF;
	_ =	strace $0x9FFFFFFF  }
0xc3: {  	(tm) =	ssettm $0x7FFFFFFF  }
tec
execute0_lowered:
.L_overlay_start_1:
0x0: {  	(tag) =	ssettag $0x1  }
0x1: {  	s5 =	rddreg [dreg:$0x0]  }
0x2: {  	s0 =	srdreg.scid;
	s2 =	rddreg [dreg:$0x1]  }
0x3: {  	s9 =	stileid.u32;
	s3 =	rddreg [dreg:$0x2];
	s4 =	simm.s32 $0x0  }
0x4: {  	s18 =	simm.s32 $0x1;
	s19 =	simm.s32 $0x2;
	s20 =	simm.s32 $0x3  }
0x5: {  	s21 =	simm.s32 $0x4;
	s28 =	simm.s32 $0x0;
	s0 =	sand.u32 $0x1, s0  }
0x6: {  	s1 =	sshll.u32 s9, $0x1;
	s11 =	smul.u32 $0x5000, s9;
	[smem:$0x7FF] =	sst s4  }
0x7: {  	s9 =	sshll.u32 s9, $0x6;
	s1 =	sor.u32 s0, s1;
	s7 =	smul.u32 $0x50000, s0  }
0x8: {  	_ =	strace $0x80000047;
	s0 =	ssub.s32 $0x2, s0;
	s31 =	sor.u32 $0x1C03, s9  }
0x9: {  	s16 =	sor.u32 $0x1C04, s9;
	s6 =	smul.u32 $0x2800, s1;
	s23 =	sshrl.u32 s11, $0x3  }
0xa: {  	s24 =	sshrl.u32 s0, $0x1;
	p0 =	seq.s32 s1, $0x1F;
	s29 =	sadd.s32 s11, s2  }
0xb: {  	[dreg:$0x7] =	wrdreg s31;
	s14 =	sadd.s32 s11, s3;
	s22 =	sadd.s32 s11, s7  }
0xc: {  	s12 =	sadd.s32 s23, s5;
	s0 =	ssub.s32 s0, s24;
	s15 =	sshrl.u32 s29, $0x3  }
0xd: {  	s17 =	sshrl.u32 s14, $0x3;
	s6 =	sshrl.u32 s6, $0x3;
	s30 =	sadd.s32 $0x18400, s12  }
0xe: {  	s11 =	sadd.s32 $0x22400, s12;
	s8 =	sadd.s32 s6, s5;
	s6 =	sshrl.u32 s22, $0x3  }
0xf: {  	[dreg:$0x6] =	wrdreg s30;
	s13 =	sadd.s32 s6, s5;
	s25 =	sadd.s32 $0x4400, s8  }
0x10: {  	s5 =	simm.s32 $0x14;
	s26 =	sadd.s32 $0xE400, s8;
	[dreg:$0x4] =	wrdreg s25  }
0x11: {  	s22 =	simm.s32 $0x80;
	s5 =	simm.s32 @!p0 $0x50;
	[dreg:$0x5] =	wrdreg s26  }
0x12: {  	s12 =	sadd.s32 $0x2C400, s13;
	s13 =	smax.u32 s0, $0x1;
	s26 =	simm.s32 $0x9  }
.LBB2_1:
0x13: {  	s0 =	rddreg [dreg:$0x4]  }
0x14: {  	s25 =	rddreg [dreg:$0x5]  }
0x15: {  	s6 =	rddreg [dreg:$0x6]  }
0x16: {  	[tilespmem:s4], [sflag:$0x1] =	stream.linear.gather [hbm4b:s0+s4], $0x2800, $0x38;
	[tilespmem:$0x17000] =	vst v63  }
0x17: {  	s1 =	simm.s32 $0x2800;
	s7 =	rddreg [dreg:$0x7]  }
0x18: {  	[tilespmem:s1], [sflag:$0x2] =	stream.linear.gather [hbm4b:s25+s4], $0x2800, $0x38;
	[tilespmem:$0x17000] =	vst v63  }
0x19: {  	[spmem:s15], [sflag:s7] =	dma.local [hbm:s6], $0xA00  }
0x1a: {  	[spmem:s17], [sflag:s16] =	dma.local [hbm:s11], $0xA00  }
0x1b: {  	_ =	swait.ge [sflag:s18], $0x2800  }
0x1c: {  	[sflag:s18] =	ssyncset.done $0x0  }
0x1d: {  	[sflag:s18] =	ssyncadd.s32 $0xFFFFD800  }
0x1e: {  	_ =	swait.ge [sflag:s19], $0x2800  }
0x1f: {  	[sflag:s19] =	ssyncset.done $0x0  }
0x20: {  	[sflag:s19] =	ssyncadd.s32 $0xFFFFD800  }
0x21: {  	_ =	swait.ge [sflag:s20], $0xA00  }
0x22: {  	[sflag:s20] =	ssyncset.done $0x0  }
0x23: {  	[sflag:s20] =	ssyncadd.s32 $0xFFFFF600  }
0x24: {  	_ =	swait.ge [sflag:s21], $0xA00  }
0x25: {  	[sflag:s21] =	ssyncset.done $0x0  }
0x26: {  	[sflag:s21] =	ssyncadd.s32 $0xFFFFF600  }
0x27: {  	s8 =	simm.s32 $0x5000;
	[bflag:$0x0] =	sbarrier.arrive $0xFFFF  }
0x28: {  	[tilespmem:s8], [sflag:$0x1] =	stream.indirect.gather [spmem:s2], $0x20, s4, s22, $0xb8;
	[tilespmem:$0x17000] =	vst v63  }
0x29: {  	s10 =	simm.s32 $0x6000  }
0x2a: {  	[tilespmem:s10], [sflag:$0x2] =	stream.indirect.gather [spmem:s2], $0x20, s22, s22, $0xb8;
	[tilespmem:$0x17000] =	vst v63  }
0x2b: {  	s14 =	simm.s32 $0x100;
	s23 =	simm.s32 $0x7000  }
0x2c: {  	[tilespmem:s23], [sflag:$0x3] =	stream.indirect.gather [spmem:s2], $0x20, s14, s22, $0xb8;
	[tilespmem:$0x17000] =	vst v63  }
0x2d: {  	s24 =	simm.s32 $0x180;
	s25 =	simm.s32 $0x8000  }
0x2e: {  	[tilespmem:s25], [sflag:$0x4] =	stream.indirect.gather [spmem:s2], $0x20, s24, s22, $0xb8;
	[tilespmem:$0x17000] =	vst v63  }
0x2f: {  	s6 =	simm.s32 $0x200;
	s7 =	simm.s32 $0x9000  }
0x30: {  	[tilespmem:s7], [sflag:$0x5] =	stream.indirect.gather [spmem:s2], $0x20, s6, s22, $0xb8;
	[tilespmem:$0x17000] =	vst v63  }
0x31: {  	s8 =	simm.s32 $0x280;
	s10 =	simm.s32 $0xA000  }
0x32: {  	[tilespmem:s10], [sflag:$0x6] =	stream.indirect.gather [spmem:s2], $0x20, s8, s22, $0xb8;
	[tilespmem:$0x17000] =	vst v63  }
0x33: {  	p0 =	sle.u32 s5, $0x0;
	s14 =	simm.s32 $0x300;
	s23 =	simm.s32 $0xB000  }
0x34: {  	[tilespmem:s23], [sflag:$0x7] =	stream.indirect.gather [spmem:s2], $0x20, s14, s22, $0xb8;
	[tilespmem:$0x17000] =	vst v63  }
0x35: {  	s1 =	simm.s32 @!p0 $0x1;
	s24 =	simm.s32 $0x380;
	s25 =	simm.s32 $0xC000  }
0x36: {  	[tilespmem:s25], [sflag:$0x8] =	stream.indirect.gather [spmem:s2], $0x20, s24, s22, $0xb8;
	[tilespmem:$0x17000] =	vst v63  }
0x37: {  	s29 =	simm.s32 @!p0 $0x9;
	_ =	swait.ge @!p0 [sflag:s1], $0x1000  }
0x38: {  	s30 =	simm.s32 @!p0 $0x2800;
	s31 =	simm.s32 @!p0 $0x5000;
	[sflag:s1] =	ssyncset.done @!p0 $0x0  }
0x39: {  	p1 =	sle.u32 @!p0 s5, $0x8;
	[sflag:s1] =	ssyncadd.s32 @!p0 $0xFFFFF000;
	s1 =	simm.s32 @!p0 $0x80  }
0x3a: {  	[spmem:s3] =	stream.indirect.scatter.add.f32 @!p0 [tilespmem:s31], [sflag:$0x9], $0x20, s30, s1, $0xb8;
	[tilespmem:$0x17000] =	vst v63  }
0x3b: {  	p2 =	por p1, p0;
	p1 =	sle.u32 s5, $0x1;
	_ =	swait.ge @!p0 [sflag:s29], $0x1000  }
0x3c: {  	s1 =	simm.s32 @!p2 $0x400;
	s30 =	simm.s32 @!p1 $0x2;
	[sflag:s29] =	ssyncset.done @!p0 $0x0  }
0x3d: {  	s31 =	simm.s32 @!p2 $0x5000;
	[sflag:s29] =	ssyncadd.s32 @!p0 $0xFFFFF000;
	s29 =	simm.s32 @!p2 $0x80  }
0x3e: {  	[tilespmem:s31], [sflag:$0x1] =	stream.indirect.gather @!p2 [spmem:s2], $0x20, s1, s29, $0xb8;
	[tilespmem:$0x17000] =	vst v63  }
0x3f: {  	s1 =	simm.s32 @!p1 $0x2880;
	_ =	swait.ge @!p1 [sflag:s30], $0x1000  }
0x40: {  	p2 =	sle.u32 @!p1 s5, $0x9;
	s29 =	simm.s32 @!p1 $0x9;
	[sflag:s30] =	ssyncset.done @!p1 $0x0  }
0x41: {  	s31 =	simm.s32 @!p1 $0x80;
	[sflag:s30] =	ssyncadd.s32 @!p1 $0xFFFFF000;
	s30 =	simm.s32 @!p1 $0x6000  }
0x42: {  	[spmem:s3] =	stream.indirect.scatter.add.f32 @!p1 [tilespmem:s30], [sflag:$0x9], $0x20, s1, s31, $0xb8;
	[tilespmem:$0x17000] =	vst v63  }
0x43: {  	p0 =	sle.u32 s5, $0x2;
	p2 =	por p2, p1;
	_ =	swait.ge @!p1 [sflag:s29], $0x1000  }
0x44: {  	s1 =	simm.s32 @!p2 $0x6000;
	s30 =	simm.s32 @!p2 $0x480;
	[sflag:s29] =	ssyncset.done @!p1 $0x0  }
0x45: {  	s31 =	simm.s32 @!p0 $0x3;
	[sflag:s29] =	ssyncadd.s32 @!p1 $0xFFFFF000;
	s29 =	simm.s32 @!p2 $0x80  }
0x46: {  	[tilespmem:s1], [sflag:$0x2] =	stream.indirect.gather @!p2 [spmem:s2], $0x20, s30, s29, $0xb8;
	[tilespmem:$0x17000] =	vst v63  }
0x47: {  	p1 =	sle.u32 @!p0 s5, $0xA;
	_ =	swait.ge @!p0 [sflag:s31], $0x1000  }
0x48: {  	s1 =	simm.s32 @!p0 $0x2900;
	s29 =	simm.s32 @!p0 $0x7000;
	[sflag:s31] =	ssyncset.done @!p0 $0x0  }
0x49: {  	s30 =	simm.s32 @!p0 $0x80;
	[sflag:s31] =	ssyncadd.s32 @!p0 $0xFFFFF000;
	s31 =	simm.s32 @!p0 $0x9  }
0x4a: {  	[spmem:s3] =	stream.indirect.scatter.add.f32 @!p0 [tilespmem:s29], [sflag:$0x9], $0x20, s1, s30, $0xb8;
	[tilespmem:$0x17000] =	vst v63  }
0x4b: {  	p2 =	por p1, p0;
	p1 =	sle.u32 s5, $0x3;
	_ =	swait.ge @!p0 [sflag:s31], $0x1000  }
0x4c: {  	s1 =	simm.s32 @!p2 $0x7000;
	s29 =	simm.s32 @!p2 $0x500;
	[sflag:s31] =	ssyncset.done @!p0 $0x0  }
0x4d: {  	s30 =	simm.s32 @!p2 $0x80;
	[sflag:s31] =	ssyncadd.s32 @!p0 $0xFFFFF000;
	s31 =	simm.s32 @!p1 $0x4  }
0x4e: {  	[tilespmem:s1], [sflag:$0x3] =	stream.indirect.gather @!p2 [spmem:s2], $0x20, s29, s30, $0xb8;
	[tilespmem:$0x17000] =	vst v63  }
0x4f: {  	p0 =	sle.u32 @!p1 s5, $0xB;
	_ =	swait.ge @!p1 [sflag:s31], $0x1000  }
0x50: {  	s1 =	simm.s32 @!p1 $0x2980;
	s29 =	simm.s32 @!p1 $0x80;
	[sflag:s31] =	ssyncset.done @!p1 $0x0  }
0x51: {  	s30 =	simm.s32 @!p1 $0x8000;
	[sflag:s31] =	ssyncadd.s32 @!p1 $0xFFFFF000;
	s31 =	simm.s32 @!p1 $0x9  }
0x52: {  	[spmem:s3] =	stream.indirect.scatter.add.f32 @!p1 [tilespmem:s30], [sflag:$0x9], $0x20, s1, s29, $0xb8;
	[tilespmem:$0x17000] =	vst v63  }
0x53: {  	p0 =	por p0, p1;
	p2 =	sle.u32 s5, $0x4;
	_ =	swait.ge @!p1 [sflag:s31], $0x1000  }
0x54: {  	s1 =	simm.s32 @!p0 $0x580;
	s29 =	simm.s32 @!p0 $0x8000;
	[sflag:s31] =	ssyncset.done @!p1 $0x0  }
0x55: {  	s30 =	simm.s32 @!p0 $0x80;
	[sflag:s31] =	ssyncadd.s32 @!p1 $0xFFFFF000;
	s31 =	simm.s32 @!p2 $0x5  }
0x56: {  	[tilespmem:s29], [sflag:$0x4] =	stream.indirect.gather @!p0 [spmem:s2], $0x20, s1, s30, $0xb8;
	[tilespmem:$0x17000] =	vst v63  }
0x57: {  	p1 =	sle.u32 @!p2 s5, $0xC;
	_ =	swait.ge @!p2 [sflag:s31], $0x1000  }
0x58: {  	s1 =	simm.s32 @!p2 $0x2A00;
	s29 =	simm.s32 @!p2 $0x9;
	[sflag:s31] =	ssyncset.done @!p2 $0x0  }
0x59: {  	s30 =	simm.s32 @!p2 $0x80;
	[sflag:s31] =	ssyncadd.s32 @!p2 $0xFFFFF000;
	s31 =	simm.s32 @!p2 $0x9000  }
0x5a: {  	[spmem:s3] =	stream.indirect.scatter.add.f32 @!p2 [tilespmem:s31], [sflag:$0x9], $0x20, s1, s30, $0xb8;
	[tilespmem:$0x17000] =	vst v63  }
0x5b: {  	p0 =	sle.u32 s5, $0x5;
	p1 =	por p1, p2;
	_ =	swait.ge @!p2 [sflag:s29], $0x1000  }
0x5c: {  	s1 =	simm.s32 @!p1 $0x9000;
	s30 =	simm.s32 @!p1 $0x600;
	[sflag:s29] =	ssyncset.done @!p2 $0x0  }
0x5d: {  	s31 =	simm.s32 @!p0 $0x6;
	[sflag:s29] =	ssyncadd.s32 @!p2 $0xFFFFF000;
	s29 =	simm.s32 @!p1 $0x80  }
0x5e: {  	[tilespmem:s1], [sflag:$0x5] =	stream.indirect.gather @!p1 [spmem:s2], $0x20, s30, s29, $0xb8;
	[tilespmem:$0x17000] =	vst v63  }
0x5f: {  	s1 =	simm.s32 @!p0 $0xA000;
	_ =	swait.ge @!p0 [sflag:s31], $0x1000  }
0x60: {  	p1 =	sle.u32 @!p0 s5, $0xD;
	s29 =	simm.s32 @!p0 $0x2A80;
	[sflag:s31] =	ssyncset.done @!p0 $0x0  }
0x61: {  	s30 =	simm.s32 @!p0 $0x80;
	[sflag:s31] =	ssyncadd.s32 @!p0 $0xFFFFF000;
	s31 =	simm.s32 @!p0 $0x9  }
0x62: {  	[spmem:s3] =	stream.indirect.scatter.add.f32 @!p0 [tilespmem:s1], [sflag:$0x9], $0x20, s29, s30, $0xb8;
	[tilespmem:$0x17000] =	vst v63  }
0x63: {  	p2 =	por p1, p0;
	p1 =	sle.u32 s5, $0x6;
	_ =	swait.ge @!p0 [sflag:s31], $0x1000  }
0x64: {  	s1 =	simm.s32 @!p2 $0xA000;
	s29 =	simm.s32 @!p2 $0x680;
	[sflag:s31] =	ssyncset.done @!p0 $0x0  }
0x65: {  	s30 =	simm.s32 @!p2 $0x80;
	[sflag:s31] =	ssyncadd.s32 @!p0 $0xFFFFF000;
	s31 =	simm.s32 @!p1 $0x7  }
0x66: {  	[tilespmem:s1], [sflag:$0x6] =	stream.indirect.gather @!p2 [spmem:s2], $0x20, s29, s30, $0xb8;
	[tilespmem:$0x17000] =	vst v63  }
0x67: {  	p0 =	sle.u32 @!p1 s5, $0xE;
	s1 =	simm.s32 @!p1 $0x2B00;
	_ =	swait.ge @!p1 [sflag:s31], $0x1000  }
0x68: {  	s29 =	simm.s32 @!p1 $0x80;
	s30 =	simm.s32 @!p1 $0xB000;
	[sflag:s31] =	ssyncset.done @!p1 $0x0  }
0x69: {  	p0 =	por p0, p1;
	[sflag:s31] =	ssyncadd.s32 @!p1 $0xFFFFF000;
	s31 =	simm.s32 @!p1 $0x9  }
0x6a: {  	[spmem:s3] =	stream.indirect.scatter.add.f32 @!p1 [tilespmem:s30], [sflag:$0x9], $0x20, s1, s29, $0xb8;
	[tilespmem:$0x17000] =	vst v63  }
0x6b: {  	s1 =	simm.s32 @!p0 $0x700;
	_ =	swait.ge @!p1 [sflag:s31], $0x1000  }
0x6c: {  	s29 =	simm.s32 @!p0 $0x80;
	s30 =	simm.s32 @!p0 $0xB000;
	[sflag:s31] =	ssyncset.done @!p1 $0x0  }
0x6d: {  	[sflag:s31] =	ssyncadd.s32 @!p1 $0xFFFFF000;
	p1 =	sle.u32 s5, $0x7;
	s31 =	simm.s32 $0x0  }
0x6e: {  	[tilespmem:s30], [sflag:$0x7] =	stream.indirect.gather @!p0 [spmem:s2], $0x20, s1, s29, $0xb8;
	[tilespmem:$0x17000] =	vst v63  }
0x6f: {  	s30 =	simm.s32 $0x8;
	s1 =	simm.s32 $0x1000;
	s29 =	simm.s32 $0x0  }
.LBB2_2:
0x70: {  	s0 =	simm.s32 @!p1 $0x8  }
0x71: {  	s14 =	sshra.s32 @!p1 s29, $0x2;
	s23 =	sadd.s32 @!p1 $0xF, s31;
	s31 =	smov.u32 s30  }
0x72: {  	s24 =	simm.s32 @!p1 $0x80;
	_ =	swait.ge @!p1 [sflag:s0], $0x1000;
	s14 =	sadd.s32 @!p1 $0x2B80, s14  }
0x73: {  	s30 =	sadd.s32 $0x8, s30;
	p0 =	sge.u32 @!p1 s23, s5;
	[sflag:s0] =	ssyncset.done @!p1 $0x0  }
0x74: {  	p3 =	por p0, p1;
	[sflag:s0] =	ssyncadd.s32 @!p1 $0xFFFFF000;
	s0 =	simm.s32 @!p1 $0xC000  }
0x75: {  	s23 =	simm.s32 @!p1 $0x9;
	s29 =	sshra.s32 @!p3 s29, $0x2;
	s25 =	simm.s32 @!p3 $0xC000  }
0x76: {  	[spmem:s3] =	stream.indirect.scatter.add.f32 @!p1 [tilespmem:s0], [sflag:$0x9], $0x20, s14, s24, $0xb8;
	[tilespmem:$0x17000] =	vst v63  }
0x77: {  	p0 =	sne.s32 s30, $0x50;
	s0 =	sadd.s32 @!p3 $0x780, s29;
	_ =	swait.ge @!p1 [sflag:s23], $0x1000  }
0x78: {  	s14 =	simm.s32 @!p3 $0x80;
	s29 =	smov.u32 s1;
	[sflag:s23] =	ssyncset.done @!p1 $0x0  }
0x79: {  	p2 =	sge.u32 s31, s5;
	s24 =	sadd.s32 $0x2, s31;
	[sflag:s23] =	ssyncadd.s32 @!p1 $0xFFFFF000  }
0x7a: {  	[tilespmem:s25], [sflag:$0x8] =	stream.indirect.gather @!p3 [spmem:s2], $0x20, s0, s14, $0xb8;
	[tilespmem:$0x17000] =	vst v63  }
0x7b: {  	s23 =	simm.s32 @!p2 $0x9;
	s0 =	simm.s32 @!p2 $0x1;
	s14 =	sshra.s32 @!p2 s1, $0x2  }
0x7c: {  	s25 =	sadd.s32 @!p2 $0x8, s31;
	s14 =	sadd.s32 @!p2 $0x2800, s14;
	_ =	swait.ge @!p2 [sflag:s0], $0x1000  }
0x7d: {  	p1 =	sge.u32 s24, s5;
	p3 =	sge.u32 @!p2 s25, s5;
	[sflag:s0] =	ssyncset.done @!p2 $0x0  }
0x7e: {  	s24 =	simm.s32 @!p2 $0x5000;
	[sflag:s0] =	ssyncadd.s32 @!p2 $0xFFFFF000;
	s0 =	simm.s32 @!p2 $0x80  }
0x7f: {  	[spmem:s3] =	stream.indirect.scatter.add.f32 @!p2 [tilespmem:s24], [sflag:$0x9], $0x20, s14, s0, $0xb8;
	[tilespmem:$0x17000] =	vst v63  }
0x80: {  	p3 =	por p3, p2;
	s0 =	sshra.s32 @!p1 s1, $0x2;
	_ =	swait.ge @!p2 [sflag:s23], $0x1000  }
0x81: {  	s14 =	sshra.s32 @!p3 s1, $0x2;
	s24 =	sadd.s32 $0x1, s31;
	[sflag:s23] =	ssyncset.done @!p2 $0x0  }
0x82: {  	s14 =	sadd.s32 @!p3 $0x400, s14;
	[sflag:s23] =	ssyncadd.s32 @!p2 $0xFFFFF000;
	p2 =	sge.u32 s24, s5  }
0x83: {  	s23 =	simm.s32 @!p3 $0x80;
	s24 =	simm.s32 @!p2 $0x2;
	s25 =	sshra.s32 @!p2 s1, $0x2  }
0x84: {  	s6 =	simm.s32 @!p3 $0x5000;
	s7 =	sadd.s32 @!p2 $0x9, s31;
	s25 =	sadd.s32 @!p2 $0x2880, s25  }
0x85: {  	s0 =	sadd.s32 @!p1 $0x2900, s0;
	p4 =	sge.u32 @!p2 s7, s5;
	s7 =	sadd.s32 @!p1 $0xA, s31  }
0x86: {  	[tilespmem:s6], [sflag:$0x1] =	stream.indirect.gather @!p3 [spmem:s2], $0x20, s14, s23, $0xb8;
	[tilespmem:$0x17000] =	vst v63  }
0x87: {  	p4 =	por p4, p2;
	s6 =	simm.s32 @!p2 $0x9;
	_ =	swait.ge @!p2 [sflag:s24], $0x1000  }
0x88: {  	s14 =	simm.s32 @!p2 $0x80;
	s23 =	simm.s32 @!p2 $0x6000;
	[sflag:s24] =	ssyncset.done @!p2 $0x0  }
0x89: {  	s8 =	simm.s32 @!p4 $0x6000;
	[sflag:s24] =	ssyncadd.s32 @!p2 $0xFFFFF000;
	s24 =	sshra.s32 @!p4 s1, $0x2  }
0x8a: {  	[spmem:s3] =	stream.indirect.scatter.add.f32 @!p2 [tilespmem:s23], [sflag:$0x9], $0x20, s25, s14, $0xb8;
	[tilespmem:$0x17000] =	vst v63  }
0x8b: {  	s14 =	sadd.s32 @!p4 $0x480, s24;
	s23 =	simm.s32 @!p1 $0x3;
	_ =	swait.ge @!p2 [sflag:s6], $0x1000  }
0x8c: {  	p3 =	sge.u32 @!p1 s7, s5;
	s24 =	simm.s32 @!p1 $0x7000;
	[sflag:s6] =	ssyncset.done @!p2 $0x0  }
0x8d: {  	p3 =	por p3, p1;
	[sflag:s6] =	ssyncadd.s32 @!p2 $0xFFFFF000;
	s6 =	simm.s32 @!p4 $0x80  }
0x8e: {  	[tilespmem:s8], [sflag:$0x2] =	stream.indirect.gather @!p4 [spmem:s2], $0x20, s14, s6, $0xb8;
	[tilespmem:$0x17000] =	vst v63  }
0x8f: {  	s7 =	simm.s32 @!p3 $0x7000;
	s6 =	simm.s32 @!p1 $0x80;
	_ =	swait.ge @!p1 [sflag:s23], $0x1000  }
0x90: {  	s8 =	simm.s32 @!p1 $0x9;
	s14 =	sshra.s32 @!p3 s1, $0x2;
	[sflag:s23] =	ssyncset.done @!p1 $0x0  }
0x91: {  	s14 =	sadd.s32 @!p3 $0x500, s14;
	[sflag:s23] =	ssyncadd.s32 @!p1 $0xFFFFF000;
	s23 =	sadd.s32 $0x3, s31  }
0x92: {  	[spmem:s3] =	stream.indirect.scatter.add.f32 @!p1 [tilespmem:s24], [sflag:$0x9], $0x20, s0, s6, $0xb8;
	[tilespmem:$0x17000] =	vst v63  }
0x93: {  	s0 =	simm.s32 @!p3 $0x80;
	p2 =	sge.u32 s23, s5;
	_ =	swait.ge @!p1 [sflag:s8], $0x1000  }
0x94: {  	s6 =	simm.s32 @!p2 $0x4;
	s23 =	sshra.s32 @!p2 s1, $0x2;
	[sflag:s8] =	ssyncset.done @!p1 $0x0  }
0x95: {  	[sflag:s8] =	ssyncadd.s32 @!p1 $0xFFFFF000;
	s8 =	sadd.s32 @!p2 $0x2980, s23;
	s23 =	sadd.s32 @!p2 $0xB, s31  }
0x96: {  	[tilespmem:s7], [sflag:$0x3] =	stream.indirect.gather @!p3 [spmem:s2], $0x20, s14, s0, $0xb8;
	[tilespmem:$0x17000] =	vst v63  }
0x97: {  	s0 =	simm.s32 @!p2 $0x80;
	s7 =	simm.s32 @!p2 $0x8000;
	_ =	swait.ge @!p2 [sflag:s6], $0x1000  }
0x98: {  	s14 =	simm.s32 @!p2 $0x9;
	p1 =	sge.u32 @!p2 s23, s5;
	[sflag:s6] =	ssyncset.done @!p2 $0x0  }
0x99: {  	p4 =	por p1, p2;
	[sflag:s6] =	ssyncadd.s32 @!p2 $0xFFFFF000;
	s6 =	sadd.s32 $0x5, s31  }
0x9a: {  	s24 =	sadd.s32 $0x4, s31;
	s23 =	sshra.s32 @!p4 s1, $0x2;
	p1 =	sge.u32 s6, s5  }
0x9b: {  	s6 =	sadd.s32 @!p4 $0x580, s23;
	s23 =	simm.s32 @!p4 $0x8000;
	s25 =	simm.s32 @!p1 $0xA000  }
0x9c: {  	[spmem:s3] =	stream.indirect.scatter.add.f32 @!p2 [tilespmem:s7], [sflag:$0x9], $0x20, s8, s0, $0xb8;
	[tilespmem:$0x17000] =	vst v63  }
0x9d: {  	p3 =	sge.u32 s24, s5;
	s0 =	simm.s32 @!p4 $0x80;
	_ =	swait.ge @!p2 [sflag:s14], $0x1000  }
0x9e: {  	s7 =	simm.s32 @!p3 $0x5;
	s8 =	sshra.s32 @!p3 s1, $0x2;
	[sflag:s14] =	ssyncset.done @!p2 $0x0  }
0x9f: {  	s8 =	sadd.s32 @!p3 $0x2A00, s8;
	[sflag:s14] =	ssyncadd.s32 @!p2 $0xFFFFF000;
	s14 =	sadd.s32 @!p3 $0xC, s31  }
0xa0: {  	s24 =	sadd.s32 @!p1 $0xD, s31;
	p2 =	sge.u32 @!p3 s14, s5;
	s14 =	sshra.s32 @!p1 s1, $0x2  }
0xa1: {  	[tilespmem:s23], [sflag:$0x4] =	stream.indirect.gather @!p4 [spmem:s2], $0x20, s6, s0, $0xb8;
	[tilespmem:$0x17000] =	vst v63  }
0xa2: {  	s0 =	simm.s32 @!p3 $0x9;
	p2 =	por p2, p3;
	_ =	swait.ge @!p3 [sflag:s7], $0x1000  }
0xa3: {  	s6 =	simm.s32 @!p3 $0x80;
	s23 =	simm.s32 @!p3 $0x9000;
	[sflag:s7] =	ssyncset.done @!p3 $0x0  }
0xa4: {  	s10 =	simm.s32 @!p2 $0x9000;
	[sflag:s7] =	ssyncadd.s32 @!p3 $0xFFFFF000;
	s7 =	sshra.s32 @!p2 s1, $0x2  }
0xa5: {  	[spmem:s3] =	stream.indirect.scatter.add.f32 @!p3 [tilespmem:s23], [sflag:$0x9], $0x20, s8, s6, $0xb8;
	[tilespmem:$0x17000] =	vst v63  }
0xa6: {  	s6 =	sadd.s32 @!p2 $0x600, s7;
	s7 =	sadd.s32 @!p1 $0x2A80, s14;
	_ =	swait.ge @!p3 [sflag:s0], $0x1000  }
0xa7: {  	p4 =	sge.u32 @!p1 s24, s5;
	s8 =	simm.s32 @!p1 $0x6;
	[sflag:s0] =	ssyncset.done @!p3 $0x0  }
0xa8: {  	[sflag:s0] =	ssyncadd.s32 @!p3 $0xFFFFF000;
	s0 =	simm.s32 @!p2 $0x80;
	p3 =	por p4, p1  }
0xa9: {  	[tilespmem:s10], [sflag:$0x5] =	stream.indirect.gather @!p2 [spmem:s2], $0x20, s6, s0, $0xb8;
	[tilespmem:$0x17000] =	vst v63  }
0xaa: {  	s0 =	simm.s32 @!p1 $0x80;
	s6 =	simm.s32 @!p3 $0xA000;
	_ =	swait.ge @!p1 [sflag:s8], $0x1000  }
0xab: {  	s10 =	simm.s32 @!p1 $0x9;
	s14 =	sshra.s32 @!p3 s1, $0x2;
	[sflag:s8] =	ssyncset.done @!p1 $0x0  }
0xac: {  	[sflag:s8] =	ssyncadd.s32 @!p1 $0xFFFFF000;
	s8 =	sadd.s32 @!p3 $0x680, s14;
	s14 =	sadd.s32 $0x6, s31  }
0xad: {  	[spmem:s3] =	stream.indirect.scatter.add.f32 @!p1 [tilespmem:s25], [sflag:$0x9], $0x20, s7, s0, $0xb8;
	[tilespmem:$0x17000] =	vst v63  }
0xae: {  	s0 =	simm.s32 @!p3 $0x80;
	p2 =	sge.u32 s14, s5;
	_ =	swait.ge @!p1 [sflag:s10], $0x1000  }
0xaf: {  	s7 =	simm.s32 @!p2 $0x7;
	s14 =	sshra.s32 @!p2 s1, $0x2;
	[sflag:s10] =	ssyncset.done @!p1 $0x0  }
0xb0: {  	[sflag:s10] =	ssyncadd.s32 @!p1 $0xFFFFF000;
	s10 =	sadd.s32 @!p2 $0x2B00, s14;
	s14 =	sadd.s32 @!p2 $0xE, s31  }
0xb1: {  	[tilespmem:s6], [sflag:$0x6] =	stream.indirect.gather @!p3 [spmem:s2], $0x20, s8, s0, $0xb8;
	[tilespmem:$0x17000] =	vst v63  }
0xb2: {  	s0 =	simm.s32 @!p2 $0x80;
	s6 =	simm.s32 @!p2 $0xB000;
	_ =	swait.ge @!p2 [sflag:s7], $0x1000  }
0xb3: {  	s8 =	simm.s32 @!p2 $0x9;
	p1 =	sge.u32 @!p2 s14, s5;
	[sflag:s7] =	ssyncset.done @!p2 $0x0  }
0xb4: {  	p1 =	por p1, p2;
	[sflag:s7] =	ssyncadd.s32 @!p2 $0xFFFFF000  }
0xb5: {  	[spmem:s3] =	stream.indirect.scatter.add.f32 @!p2 [tilespmem:s6], [sflag:$0x9], $0x20, s10, s0, $0xb8;
	[tilespmem:$0x17000] =	vst v63  }
.Ltmp0:
0xb6: {  	s0 =	sshra.s32 @!p1 s1, $0x2;
	_ =	swait.ge @!p2 [sflag:s8], $0x1000;
	(pc) =	sbr.rel @p0 .LBB2_2-.Ltmp0, $4  }
0xb7: {  	s6 =	sadd.s32 $0x7, s31;
	s0 =	sadd.s32 @!p1 $0x700, s0;
	[sflag:s8] =	ssyncset.done @!p2 $0x0  }
0xb8: {  	s7 =	simm.s32 @!p1 $0x80;
	[sflag:s8] =	ssyncadd.s32 @!p2 $0xFFFFF000;
	s8 =	simm.s32 @!p1 $0xB000  }
0xb9: {  	[tilespmem:s8], [sflag:$0x7] =	stream.indirect.gather @!p1 [spmem:s2], $0x20, s0, s7, $0xb8;
	[tilespmem:$0x17000] =	vst v63  }
0xba: {  	s1 =	sadd.s32 $0x1000, s1;
	p1 =	sge.u32 s6, s5  }
0xbb: {  	s0 =	simm.s32 @!p1 $0x8;
	s1 =	sshra.s32 @!p1 s29, $0x2  }
0xbc: {  	s6 =	sadd.s32 @!p1 $0xF, s31;
	s7 =	simm.s32 @!p1 $0x80;
	_ =	swait.ge @!p1 [sflag:s0], $0x1000  }
0xbd: {  	s1 =	sadd.s32 @!p1 $0x2B80, s1;
	p0 =	sge.u32 @!p1 s6, s5;
	[sflag:s0] =	ssyncset.done @!p1 $0x0  }
0xbe: {  	s6 =	simm.s32 @!p1 $0x9;
	[sflag:s0] =	ssyncadd.s32 @!p1 $0xFFFFF000;
	s0 =	simm.s32 @!p1 $0xC000  }
0xbf: {  	[spmem:s3] =	stream.indirect.scatter.add.f32 @!p1 [tilespmem:s0], [sflag:$0x9], $0x20, s1, s7, $0xb8;
	[tilespmem:$0x17000] =	vst v63  }
0xc0: {  	s28 =	sadd.s32 $0x1, s28;
	p0 =	por p0, p1;
	_ =	swait.ge @!p1 [sflag:s6], $0x1000  }
0xc1: {  	s0 =	sshra.s32 @!p0 s29, $0x2;
	s1 =	simm.s32 @!p0 $0xC000;
	[sflag:s6] =	ssyncset.done @!p1 $0x0  }
0xc2: {  	s7 =	simm.s32 @!p0 $0x80;
	s0 =	sadd.s32 @!p0 $0x780, s0;
	[sflag:s6] =	ssyncadd.s32 @!p1 $0xFFFFF000  }
0xc3: {  	[tilespmem:s1], [sflag:$0x8] =	stream.indirect.gather @!p0 [spmem:s2], $0x20, s0, s7, $0xb8;
	[tilespmem:$0x17000] =	vst v63  }
0xc4: {  	p0 =	sne.s32 s28, s13  }
.Ltmp1:
0xc5: {  	s31 =	sor.u32 $0x1C09, s9;
	[bflag:$0x0] =	sbarrier.arrive $0xFFFF;
	(pc) =	sbr.rel @p0 .LBB2_1-.Ltmp1, $4  }
0xc6: {  	[hbm:s12], [sflag:s31] =	dma.local [spmem:s17], $0xA00  }
0xc7: {  	_ =	swait.ge [sflag:s26], $0xA00  }
0xc8: {  	[sflag:s26] =	ssyncset.done $0x0  }
0xc9: {  	[sflag:s26] =	ssyncadd.s32 $0xFFFFF600  }
0xca: {  	_ =	sfence.sel $0x180000  }
0xcb: {  	[bflag:$0x0] =	sbarrier.arrive $0xFFFF  }
0xcc: {  	_ =	strace $0x90000047  }
0xcd: {  	s0 =	stileid.u32;
	[bflag:$0x2] =	sbarrier.arrive $0xFFFF  }
0xce: {  	p0 =	sne.s32 s0, $0x0;
	s0 =	rddreg [dreg:$0x3]  }
0xcf: {  	s0 =	sadd.s32 @!p0 $0x100000, s0  }
0xd0: {  	[sflag:s0] =	ssyncadd.tile.s32 @!p0 $0x1;
	_ =	shalt  }
.Lfunc_end2:
_tile_overlayer_lowered:
.L_overlay_start_2:
0xd1: {  	(tag) =	ssettag $0x2  }
0xd2: {  	s0 =	rddreg [dreg:$0x0];
	s2 =	stileid.u32  }
0xd3: {  	s1 =	rddreg [dreg:$0x1];
	p0 =	sne.s32 s2, $0x0  }
0xd4: {  	s3 =	rddreg [dreg:$0x2];
	[bflag:$0x3] =	sbarrier.arrive $0xFFFF;
	s2 =	simm.s32 @!p0 $0x1C09  }
0xd5: {  	[timem:s3], [sflag:s2] =	dma.local @!p0 [hbm:s0], s1  }
0xd6: {  	s0 =	simm.s32 @!p0 $0x9  }
0xd7: {  	_ =	swait.ge @!p0 [sflag:s0], s1  }
0xd8: {  	s1 =	ssub.s32 @!p0 $0x0, s1;
	[sflag:s0] =	ssyncset.done @!p0 $0x0  }
0xd9: {  	[sflag:s0] =	ssyncadd.s32 @!p0 s1  }
0xda: {  	[bflag:$0x3] =	sbarrier.arrive $0xFFFF  }
0xdb: {  	_ =	shalt  }

</sc_bundles>
